<compile_context>
chip_gen: v7x
topology: tpu7x:2x2x1
jax: 0.10.2.dev20260603
libtpu: 0.0.44.dev20260713+nightly
codegen_flags: <defaults>
</compile_context>

<pallas_src>
import functools

import jax
import jax.numpy as jnp
from jax import lax
from jax.experimental import pallas as pl
from jax.experimental.pallas import tpu as pltpu
from jax.experimental.pallas import tpu_sc as plsc

N_TOKENS = 32768
N_EXPERTS = 64
TOPK = 8
LANES = 16

NUM_CORES = 2
NUM_SUBCORES = 16
NW = NUM_CORES * NUM_SUBCORES
ROWS_PER_W = N_TOKENS // NW

EBLK = N_EXPERTS // 8
TBLK = N_TOKENS // 128
TBLK_PER_W = TBLK // NW
IN_WORDS_PER_W = ROWS_PER_W * N_EXPERTS
OUT_WORDS_PER_W = ROWS_PER_W * TOPK
EBLK_STRIDE_HBM = TBLK * 1024
EBLK_STRIDE_V = TBLK_PER_W * 1024
HALF_SEG = EBLK_STRIDE_V // 2
GROUPS = ROWS_PER_W // LANES

SORT8 = ((0, 1), (2, 3), (4, 5), (6, 7),
         (0, 2), (1, 3), (4, 6), (5, 7),
         (1, 2), (5, 6),
         (0, 4), (1, 5), (2, 6), (3, 7),
         (2, 4), (3, 5),
         (1, 2), (3, 4), (5, 6))
BITONIC8 = ((0, 4), (1, 5), (2, 6), (3, 7),
            (0, 2), (1, 3), (4, 6), (5, 7),
            (0, 1), (2, 3), (4, 5), (6, 7))

_mesh = plsc.VectorSubcoreMesh(
    core_axis_name="c", subcore_axis_name="s",
    num_cores=NUM_CORES, num_subcores=NUM_SUBCORES)


def _cx(l, i, j):
  hi = jnp.maximum(l[i], l[j])
  lo = jnp.minimum(l[i], l[j])
  l[i] = hi
  l[j] = lo


@functools.partial(
    pl.kernel,
    out_type=[
        jax.ShapeDtypeStruct((N_TOKENS * TOPK,), jnp.int32),
        jax.ShapeDtypeStruct((N_TOKENS * TOPK,), jnp.float32),
    ],
    mesh=_mesh,
    scratch_types=[
        pltpu.VMEM((IN_WORDS_PER_W,), jnp.float32),
        pltpu.VMEM((OUT_WORDS_PER_W,), jnp.int32),
        pltpu.VMEM((OUT_WORDS_PER_W,), jnp.float32),
        pltpu.SemaphoreType.DMA,
        pltpu.SemaphoreType.DMA,
        pltpu.SemaphoreType.DMA,
    ],
    compiler_params=pltpu.CompilerParams(needs_layout_passes=False),
)
def _route(logits_hbm, out_idx_hbm, out_val_hbm, logits_v, idx_v, val_v,
           sem0, sem1, osem):
  wid = lax.axis_index("s") * NUM_CORES + lax.axis_index("c")
  tb0 = wid * TBLK_PER_W
  QSEG = EBLK_STRIDE_V // 4
  quarter_copies = []
  for q in range(4):
    quarter_copies.append([
        pltpu.async_copy(
            logits_hbm.at[pl.ds(
                b * EBLK_STRIDE_HBM + tb0 * 1024 + q * QSEG, QSEG)],
            logits_v.at[pl.ds(b * EBLK_STRIDE_V + q * QSEG, QSEG)],
            sem0 if q % 2 == 0 else sem1)
        for b in range(EBLK)
    ])

  def body(g):
    t0 = g * LANES
    goff = (t0 >> 7) * 896 + t0
    denom = None
    keys = []
    for e in range(N_EXPERTS):
      eoff = (e >> 3) * EBLK_STRIDE_V + (e & 7) * 128
      x = logits_v[pl.ds(goff + eoff, LANES)]
      ex = jnp.exp(x)
      denom = ex if denom is None else denom + ex
      kb = plsc.bitcast(ex, jnp.int32)
      keys.append(plsc.bitcast((kb & -64) | (63 - e), jnp.float32))

    run = None
    for r in range(EBLK):
      grp = keys[8 * r:8 * r + 8]
      for i, j in SORT8:
        _cx(grp, i, j)
      if run is None:
        run = grp
      else:
        run = [jnp.maximum(run[j], grp[7 - j]) for j in range(TOPK)]
        for i, j in BITONIC8:
          _cx(run, i, j)

    inv = 1.0 / denom
    for k in range(TOPK):
      kb = plsc.bitcast(run[k], jnp.int32)
      o = pl.ds(goff + k * 128, LANES)
      idx_v[o] = 63 - (kb & 63)
      val_v[o] = plsc.bitcast(kb & -64, jnp.float32) * inv

  for q in range(4):
    for c in quarter_copies[q]:
      c.wait()
  plsc.parallel_loop(0, GROUPS, 1, unroll=2)(body)
  oc0 = pltpu.async_copy(idx_v,
                         out_idx_hbm.at[pl.ds(wid * OUT_WORDS_PER_W,
                                              OUT_WORDS_PER_W)],
                         osem)
  oc1 = pltpu.async_copy(val_v,
                         out_val_hbm.at[pl.ds(wid * OUT_WORDS_PER_W,
                                              OUT_WORDS_PER_W)],
                         osem)
  oc0.wait()
  oc1.wait()


def kernel(router_logits):
  x_flat = (router_logits.T
            .reshape(EBLK, 8, TBLK, 128)
            .transpose(0, 2, 1, 3)
            .reshape(-1))
  idx_flat, val_flat = _route(x_flat)
  idx = idx_flat.reshape(TBLK, TOPK, 128).transpose(0, 2, 1).reshape(
      N_TOKENS, TOPK)
  val = val_flat.reshape(TBLK, TOPK, 128).transpose(0, 2, 1).reshape(
      N_TOKENS, TOPK)
  return (idx, val)

# --- scband reference (transcript-rebuilt; emitter-appended) ---
"""Pipeline reference for scband-default-moe-routing-method-66340064854660 (READ-ONLY COPY).

The authoritative reference and input builder live on the scoring server;
editing this copy changes nothing except your own understanding.
"""

import jax, jax.numpy as jnp
import numpy as np

TOP_K = 8

def setup_inputs(seed: int = 0) -> dict:
    key = jax.random.key(seed)
    router_logits = jax.random.normal(key, (32768, 64), dtype=jnp.float32)
    return {"router_logits": router_logits}

def reference(router_logits):
    # DefaultMoeRoutingMethod.apply_pytorch:
    #   softmax(router_logits.to(output_dtype), dim=-1) -> topk(k=top_k, dim=-1)
    probs = jax.nn.softmax(router_logits.astype(jnp.float32), axis=-1)
    topk_values, topk_indices = jax.lax.top_k(probs, TOP_K)
    return (topk_indices.astype(jnp.int32), topk_values)

if __name__ == "__main__":
    import jax
    _d = setup_inputs()
    print(jax.jit(kernel)(*tuple(_d.values())))

</pallas_src>

<mosaic_0001>
#map = affine_map<(d0, d1) -> (0)>
module attributes {stable_mosaic.version = 14 : i64} {
  func.func @_route(%arg0: i32, %arg1: i32, %arg2: memref<2097152xf32, #tpu.memory_space<hbm>>, %arg3: memref<262144xi32, #tpu.memory_space<hbm>>, %arg4: memref<262144xf32, #tpu.memory_space<hbm>>, %arg5: memref<65536xf32, #tpu.memory_space<vmem>>, %arg6: memref<8192xi32, #tpu.memory_space<vmem>>, %arg7: memref<8192xf32, #tpu.memory_space<vmem>>, %arg8: memref<!tpu.dma_semaphore, #tpu.memory_space<semaphore_mem>>, %arg9: memref<!tpu.dma_semaphore, #tpu.memory_space<semaphore_mem>>, %arg10: memref<!tpu.dma_semaphore, #tpu.memory_space<semaphore_mem>>) attributes {dimension_semantics = [#tpu.dimension_semantics<core_parallel>, #tpu.dimension_semantics<subcore_parallel>], iteration_bounds = array<i64: 2, 16>, scalar_prefetch = 0 : i64, scratch_operands = 6 : i64, tpu.core_type = #tpu.core_type<sc_vector_subcore>, window_params = [{transform_indices = #map}, {transform_indices = #map}, {transform_indices = #map}]} {
    %mul3A = arith.constant 2 : i32
    %mul3A_0 = arith.muli %arg1, %mul3A : i32
    %add3A = arith.addi %mul3A_0, %arg0 : i32
    %mul3A_1 = arith.constant 8 : i32
    %mul3A_2 = arith.muli %add3A, %mul3A_1 : i32
    %mul3A_3 = arith.constant 1024 : i32
    %mul3A_4 = arith.muli %mul3A_2, %mul3A_3 : i32
    %add3A_5 = arith.constant 0 : i32
    %add3A_6 = arith.addi %add3A_5, %mul3A_4 : i32
    %add3A_7 = arith.constant 0 : i32
    %add3A_8 = arith.addi %add3A_6, %add3A_7 : i32
    %dma_start3A = arith.constant 0 : i32
    %dma_start3A_9 = tpu.memref_slice %arg5[%dma_start3A] : memref<65536xf32, #tpu.memory_space<vmem>> -> memref<2048xf32, #tpu.memory_space<vmem>>
    %dma_start3A_10 = tpu.memref_slice %arg2[%add3A_8] : memref<2097152xf32, #tpu.memory_space<hbm>> -> memref<2048xf32, #tpu.memory_space<hbm>>
    %dma_start3A_11 = arith.constant 0 : i32
    %dma_start3A_12 = tpu.memref_slice %arg5[%dma_start3A_11] : memref<65536xf32, #tpu.memory_space<vmem>> -> memref<2048xf32, #tpu.memory_space<vmem>>
    %dma_start3A_13 = tpu.memref_slice %arg2[%add3A_8] : memref<2097152xf32, #tpu.memory_space<hbm>> -> memref<2048xf32, #tpu.memory_space<hbm>>
    tpu.enqueue_dma source(%dma_start3A_13 : memref<2048xf32, #tpu.memory_space<hbm>>) target(%dma_start3A_12 : memref<2048xf32, #tpu.memory_space<vmem>>) target_semaphore(%arg8 : memref<!tpu.dma_semaphore, #tpu.memory_space<semaphore_mem>>)
    %mul3A_14 = arith.constant 1024 : i32
    %mul3A_15 = arith.muli %mul3A_2, %mul3A_14 : i32
    %add3A_16 = arith.constant 262144 : i32
    %add3A_17 = arith.addi %add3A_16, %mul3A_15 : i32
    %add3A_18 = arith.constant 0 : i32
    %add3A_19 = arith.addi %add3A_17, %add3A_18 : i32
    %dma_start3A_20 = arith.constant 8192 : i32
    %dma_start3A_21 = tpu.memref_slice %arg5[%dma_start3A_20] : memref<65536xf32, #tpu.memory_space<vmem>> -> memref<2048xf32, #tpu.memory_space<vmem>>
    %dma_start3A_22 = tpu.memref_slice %arg2[%add3A_19] : memref<2097152xf32, #tpu.memory_space<hbm>> -> memref<2048xf32, #tpu.memory_space<hbm>>
    %dma_start3A_23 = arith.constant 8192 : i32
    %dma_start3A_24 = tpu.memref_slice %arg5[%dma_start3A_23] : memref<65536xf32, #tpu.memory_space<vmem>> -> memref<2048xf32, #tpu.memory_space<vmem>>
    %dma_start3A_25 = tpu.memref_slice %arg2[%add3A_19] : memref<2097152xf32, #tpu.memory_space<hbm>> -> memref<2048xf32, #tpu.memory_space<hbm>>
    tpu.enqueue_dma source(%dma_start3A_25 : memref<2048xf32, #tpu.memory_space<hbm>>) target(%dma_start3A_24 : memref<2048xf32, #tpu.memory_space<vmem>>) target_semaphore(%arg8 : memref<!tpu.dma_semaphore, #tpu.memory_space<semaphore_mem>>)
    %mul3A_26 = arith.constant 1024 : i32
    %mul3A_27 = arith.muli %mul3A_2, %mul3A_26 : i32
    %add3A_28 = arith.constant 524288 : i32
    %add3A_29 = arith.addi %add3A_28, %mul3A_27 : i32
    %add3A_30 = arith.constant 0 : i32
    %add3A_31 = arith.addi %add3A_29, %add3A_30 : i32
    %dma_start3A_32 = arith.constant 16384 : i32
    %dma_start3A_33 = tpu.memref_slice %arg5[%dma_start3A_32] : memref<65536xf32, #tpu.memory_space<vmem>> -> memref<2048xf32, #tpu.memory_space<vmem>>
    %dma_start3A_34 = tpu.memref_slice %arg2[%add3A_31] : memref<2097152xf32, #tpu.memory_space<hbm>> -> memref<2048xf32, #tpu.memory_space<hbm>>
    %dma_start3A_35 = arith.constant 16384 : i32
    %dma_start3A_36 = tpu.memref_slice %arg5[%dma_start3A_35] : memref<65536xf32, #tpu.memory_space<vmem>> -> memref<2048xf32, #tpu.memory_space<vmem>>
    %dma_start3A_37 = tpu.memref_slice %arg2[%add3A_31] : memref<2097152xf32, #tpu.memory_space<hbm>> -> memref<2048xf32, #tpu.memory_space<hbm>>
    tpu.enqueue_dma source(%dma_start3A_37 : memref<2048xf32, #tpu.memory_space<hbm>>) target(%dma_start3A_36 : memref<2048xf32, #tpu.memory_space<vmem>>) target_semaphore(%arg8 : memref<!tpu.dma_semaphore, #tpu.memory_space<semaphore_mem>>)
    %mul3A_38 = arith.constant 1024 : i32
    %mul3A_39 = arith.muli %mul3A_2, %mul3A_38 : i32
    %add3A_40 = arith.constant 786432 : i32
    %add3A_41 = arith.addi %add3A_40, %mul3A_39 : i32
    %add3A_42 = arith.constant 0 : i32
    %add3A_43 = arith.addi %add3A_41, %add3A_42 : i32
    %dma_start3A_44 = arith.constant 24576 : i32
    %dma_start3A_45 = tpu.memref_slice %arg5[%dma_start3A_44] : memref<65536xf32, #tpu.memory_space<vmem>> -> memref<2048xf32, #tpu.memory_space<vmem>>
    %dma_start3A_46 = tpu.memref_slice %arg2[%add3A_43] : memref<2097152xf32, #tpu.memory_space<hbm>> -> memref<2048xf32, #tpu.memory_space<hbm>>
    %dma_start3A_47 = arith.constant 24576 : i32
    %dma_start3A_48 = tpu.memref_slice %arg5[%dma_start3A_47] : memref<65536xf32, #tpu.memory_space<vmem>> -> memref<2048xf32, #tpu.memory_space<vmem>>
    %dma_start3A_49 = tpu.memref_slice %arg2[%add3A_43] : memref<2097152xf32, #tpu.memory_space<hbm>> -> memref<2048xf32, #tpu.memory_space<hbm>>
    tpu.enqueue_dma source(%dma_start3A_49 : memref<2048xf32, #tpu.memory_space<hbm>>) target(%dma_start3A_48 : memref<2048xf32, #tpu.memory_space<vmem>>) target_semaphore(%arg8 : memref<!tpu.dma_semaphore, #tpu.memory_space<semaphore_mem>>)
    %mul3A_50 = arith.constant 1024 : i32
    %mul3A_51 = arith.muli %mul3A_2, %mul3A_50 : i32
    %add3A_52 = arith.constant 1048576 : i32
    %add3A_53 = arith.addi %add3A_52, %mul3A_51 : i32
    %add3A_54 = arith.constant 0 : i32
    %add3A_55 = arith.addi %add3A_53, %add3A_54 : i32
    %dma_start3A_56 = arith.constant 32768 : i32
    %dma_start3A_57 = tpu.memref_slice %arg5[%dma_start3A_56] : memref<65536xf32, #tpu.memory_space<vmem>> -> memref<2048xf32, #tpu.memory_space<vmem>>
    %dma_start3A_58 = tpu.memref_slice %arg2[%add3A_55] : memref<2097152xf32, #tpu.memory_space<hbm>> -> memref<2048xf32, #tpu.memory_space<hbm>>
    %dma_start3A_59 = arith.constant 32768 : i32
    %dma_start3A_60 = tpu.memref_slice %arg5[%dma_start3A_59] : memref<65536xf32, #tpu.memory_space<vmem>> -> memref<2048xf32, #tpu.memory_space<vmem>>
    %dma_start3A_61 = tpu.memref_slice %arg2[%add3A_55] : memref<2097152xf32, #tpu.memory_space<hbm>> -> memref<2048xf32, #tpu.memory_space<hbm>>
    tpu.enqueue_dma source(%dma_start3A_61 : memref<2048xf32, #tpu.memory_space<hbm>>) target(%dma_start3A_60 : memref<2048xf32, #tpu.memory_space<vmem>>) target_semaphore(%arg8 : memref<!tpu.dma_semaphore, #tpu.memory_space<semaphore_mem>>)
    %mul3A_62 = arith.constant 1024 : i32
    %mul3A_63 = arith.muli %mul3A_2, %mul3A_62 : i32
    %add3A_64 = arith.constant 1310720 : i32
    %add3A_65 = arith.addi %add3A_64, %mul3A_63 : i32
    %add3A_66 = arith.constant 0 : i32
    %add3A_67 = arith.addi %add3A_65, %add3A_66 : i32
    %dma_start3A_68 = arith.constant 40960 : i32
    %dma_start3A_69 = tpu.memref_slice %arg5[%dma_start3A_68] : memref<65536xf32, #tpu.memory_space<vmem>> -> memref<2048xf32, #tpu.memory_space<vmem>>
    %dma_start3A_70 = tpu.memref_slice %arg2[%add3A_67] : memref<2097152xf32, #tpu.memory_space<hbm>> -> memref<2048xf32, #tpu.memory_space<hbm>>
    %dma_start3A_71 = arith.constant 40960 : i32
    %dma_start3A_72 = tpu.memref_slice %arg5[%dma_start3A_71] : memref<65536xf32, #tpu.memory_space<vmem>> -> memref<2048xf32, #tpu.memory_space<vmem>>
    %dma_start3A_73 = tpu.memref_slice %arg2[%add3A_67] : memref<2097152xf32, #tpu.memory_space<hbm>> -> memref<2048xf32, #tpu.memory_space<hbm>>
    tpu.enqueue_dma source(%dma_start3A_73 : memref<2048xf32, #tpu.memory_space<hbm>>) target(%dma_start3A_72 : memref<2048xf32, #tpu.memory_space<vmem>>) target_semaphore(%arg8 : memref<!tpu.dma_semaphore, #tpu.memory_space<semaphore_mem>>)
    %mul3A_74 = arith.constant 1024 : i32
    %mul3A_75 = arith.muli %mul3A_2, %mul3A_74 : i32
    %add3A_76 = arith.constant 1572864 : i32
    %add3A_77 = arith.addi %add3A_76, %mul3A_75 : i32
    %add3A_78 = arith.constant 0 : i32
    %add3A_79 = arith.addi %add3A_77, %add3A_78 : i32
    %dma_start3A_80 = arith.constant 49152 : i32
    %dma_start3A_81 = tpu.memref_slice %arg5[%dma_start3A_80] : memref<65536xf32, #tpu.memory_space<vmem>> -> memref<2048xf32, #tpu.memory_space<vmem>>
    %dma_start3A_82 = tpu.memref_slice %arg2[%add3A_79] : memref<2097152xf32, #tpu.memory_space<hbm>> -> memref<2048xf32, #tpu.memory_space<hbm>>
    %dma_start3A_83 = arith.constant 49152 : i32
    %dma_start3A_84 = tpu.memref_slice %arg5[%dma_start3A_83] : memref<65536xf32, #tpu.memory_space<vmem>> -> memref<2048xf32, #tpu.memory_space<vmem>>
    %dma_start3A_85 = tpu.memref_slice %arg2[%add3A_79] : memref<2097152xf32, #tpu.memory_space<hbm>> -> memref<2048xf32, #tpu.memory_space<hbm>>
    tpu.enqueue_dma source(%dma_start3A_85 : memref<2048xf32, #tpu.memory_space<hbm>>) target(%dma_start3A_84 : memref<2048xf32, #tpu.memory_space<vmem>>) target_semaphore(%arg8 : memref<!tpu.dma_semaphore, #tpu.memory_space<semaphore_mem>>)
    %mul3A_86 = arith.constant 1024 : i32
    %mul3A_87 = arith.muli %mul3A_2, %mul3A_86 : i32
    %add3A_88 = arith.constant 1835008 : i32
    %add3A_89 = arith.addi %add3A_88, %mul3A_87 : i32
    %add3A_90 = arith.constant 0 : i32
    %add3A_91 = arith.addi %add3A_89, %add3A_90 : i32
    %dma_start3A_92 = arith.constant 57344 : i32
    %dma_start3A_93 = tpu.memref_slice %arg5[%dma_start3A_92] : memref<65536xf32, #tpu.memory_space<vmem>> -> memref<2048xf32, #tpu.memory_space<vmem>>
    %dma_start3A_94 = tpu.memref_slice %arg2[%add3A_91] : memref<2097152xf32, #tpu.memory_space<hbm>> -> memref<2048xf32, #tpu.memory_space<hbm>>
    %dma_start3A_95 = arith.constant 57344 : i32
    %dma_start3A_96 = tpu.memref_slice %arg5[%dma_start3A_95] : memref<65536xf32, #tpu.memory_space<vmem>> -> memref<2048xf32, #tpu.memory_space<vmem>>
    %dma_start3A_97 = tpu.memref_slice %arg2[%add3A_91] : memref<2097152xf32, #tpu.memory_space<hbm>> -> memref<2048xf32, #tpu.memory_space<hbm>>
    tpu.enqueue_dma source(%dma_start3A_97 : memref<2048xf32, #tpu.memory_space<hbm>>) target(%dma_start3A_96 : memref<2048xf32, #tpu.memory_space<vmem>>) target_semaphore(%arg8 : memref<!tpu.dma_semaphore, #tpu.memory_space<semaphore_mem>>)
    %mul3A_98 = arith.constant 1024 : i32
    %mul3A_99 = arith.muli %mul3A_2, %mul3A_98 : i32
    %add3A_100 = arith.constant 0 : i32
    %add3A_101 = arith.addi %add3A_100, %mul3A_99 : i32
    %add3A_102 = arith.constant 2048 : i32
    %add3A_103 = arith.addi %add3A_101, %add3A_102 : i32
    %dma_start3A_104 = arith.constant 2048 : i32
    %dma_start3A_105 = tpu.memref_slice %arg5[%dma_start3A_104] : memref<65536xf32, #tpu.memory_space<vmem>> -> memref<2048xf32, #tpu.memory_space<vmem>>
    %dma_start3A_106 = tpu.memref_slice %arg2[%add3A_103] : memref<2097152xf32, #tpu.memory_space<hbm>> -> memref<2048xf32, #tpu.memory_space<hbm>>
    %dma_start3A_107 = arith.constant 2048 : i32
    %dma_start3A_108 = tpu.memref_slice %arg5[%dma_start3A_107] : memref<65536xf32, #tpu.memory_space<vmem>> -> memref<2048xf32, #tpu.memory_space<vmem>>
    %dma_start3A_109 = tpu.memref_slice %arg2[%add3A_103] : memref<2097152xf32, #tpu.memory_space<hbm>> -> memref<2048xf32, #tpu.memory_space<hbm>>
    tpu.enqueue_dma source(%dma_start3A_109 : memref<2048xf32, #tpu.memory_space<hbm>>) target(%dma_start3A_108 : memref<2048xf32, #tpu.memory_space<vmem>>) target_semaphore(%arg9 : memref<!tpu.dma_semaphore, #tpu.memory_space<semaphore_mem>>)
    %mul3A_110 = arith.constant 1024 : i32
    %mul3A_111 = arith.muli %mul3A_2, %mul3A_110 : i32
    %add3A_112 = arith.constant 262144 : i32
    %add3A_113 = arith.addi %add3A_112, %mul3A_111 : i32
    %add3A_114 = arith.constant 2048 : i32
    %add3A_115 = arith.addi %add3A_113, %add3A_114 : i32
    %dma_start3A_116 = arith.constant 10240 : i32
    %dma_start3A_117 = tpu.memref_slice %arg5[%dma_start3A_116] : memref<65536xf32, #tpu.memory_space<vmem>> -> memref<2048xf32, #tpu.memory_space<vmem>>
    %dma_start3A_118 = tpu.memref_slice %arg2[%add3A_115] : memref<2097152xf32, #tpu.memory_space<hbm>> -> memref<2048xf32, #tpu.memory_space<hbm>>
    %dma_start3A_119 = arith.constant 10240 : i32
    %dma_start3A_120 = tpu.memref_slice %arg5[%dma_start3A_119] : memref<65536xf32, #tpu.memory_space<vmem>> -> memref<2048xf32, #tpu.memory_space<vmem>>
    %dma_start3A_121 = tpu.memref_slice %arg2[%add3A_115] : memref<2097152xf32, #tpu.memory_space<hbm>> -> memref<2048xf32, #tpu.memory_space<hbm>>
    tpu.enqueue_dma source(%dma_start3A_121 : memref<2048xf32, #tpu.memory_space<hbm>>) target(%dma_start3A_120 : memref<2048xf32, #tpu.memory_space<vmem>>) target_semaphore(%arg9 : memref<!tpu.dma_semaphore, #tpu.memory_space<semaphore_mem>>)
    %mul3A_122 = arith.constant 1024 : i32
    %mul3A_123 = arith.muli %mul3A_2, %mul3A_122 : i32
    %add3A_124 = arith.constant 524288 : i32
    %add3A_125 = arith.addi %add3A_124, %mul3A_123 : i32
    %add3A_126 = arith.constant 2048 : i32
    %add3A_127 = arith.addi %add3A_125, %add3A_126 : i32
    %dma_start3A_128 = arith.constant 18432 : i32
    %dma_start3A_129 = tpu.memref_slice %arg5[%dma_start3A_128] : memref<65536xf32, #tpu.memory_space<vmem>> -> memref<2048xf32, #tpu.memory_space<vmem>>
    %dma_start3A_130 = tpu.memref_slice %arg2[%add3A_127] : memref<2097152xf32, #tpu.memory_space<hbm>> -> memref<2048xf32, #tpu.memory_space<hbm>>
    %dma_start3A_131 = arith.constant 18432 : i32
    %dma_start3A_132 = tpu.memref_slice %arg5[%dma_start3A_131] : memref<65536xf32, #tpu.memory_space<vmem>> -> memref<2048xf32, #tpu.memory_space<vmem>>
    %dma_start3A_133 = tpu.memref_slice %arg2[%add3A_127] : memref<2097152xf32, #tpu.memory_space<hbm>> -> memref<2048xf32, #tpu.memory_space<hbm>>
    tpu.enqueue_dma source(%dma_start3A_133 : memref<2048xf32, #tpu.memory_space<hbm>>) target(%dma_start3A_132 : memref<2048xf32, #tpu.memory_space<vmem>>) target_semaphore(%arg9 : memref<!tpu.dma_semaphore, #tpu.memory_space<semaphore_mem>>)
    %mul3A_134 = arith.constant 1024 : i32
    %mul3A_135 = arith.muli %mul3A_2, %mul3A_134 : i32
    %add3A_136 = arith.constant 786432 : i32
    %add3A_137 = arith.addi %add3A_136, %mul3A_135 : i32
    %add3A_138 = arith.constant 2048 : i32
    %add3A_139 = arith.addi %add3A_137, %add3A_138 : i32
    %dma_start3A_140 = arith.constant 26624 : i32
    %dma_start3A_141 = tpu.memref_slice %arg5[%dma_start3A_140] : memref<65536xf32, #tpu.memory_space<vmem>> -> memref<2048xf32, #tpu.memory_space<vmem>>
    %dma_start3A_142 = tpu.memref_slice %arg2[%add3A_139] : memref<2097152xf32, #tpu.memory_space<hbm>> -> memref<2048xf32, #tpu.memory_space<hbm>>
    %dma_start3A_143 = arith.constant 26624 : i32
    %dma_start3A_144 = tpu.memref_slice %arg5[%dma_start3A_143] : memref<65536xf32, #tpu.memory_space<vmem>> -> memref<2048xf32, #tpu.memory_space<vmem>>
    %dma_start3A_145 = tpu.memref_slice %arg2[%add3A_139] : memref<2097152xf32, #tpu.memory_space<hbm>> -> memref<2048xf32, #tpu.memory_space<hbm>>
    tpu.enqueue_dma source(%dma_start3A_145 : memref<2048xf32, #tpu.memory_space<hbm>>) target(%dma_start3A_144 : memref<2048xf32, #tpu.memory_space<vmem>>) target_semaphore(%arg9 : memref<!tpu.dma_semaphore, #tpu.memory_space<semaphore_mem>>)
    %mul3A_146 = arith.constant 1024 : i32
    %mul3A_147 = arith.muli %mul3A_2, %mul3A_146 : i32
    %add3A_148 = arith.constant 1048576 : i32
    %add3A_149 = arith.addi %add3A_148, %mul3A_147 : i32
    %add3A_150 = arith.constant 2048 : i32
    %add3A_151 = arith.addi %add3A_149, %add3A_150 : i32
    %dma_start3A_152 = arith.constant 34816 : i32
    %dma_start3A_153 = tpu.memref_slice %arg5[%dma_start3A_152] : memref<65536xf32, #tpu.memory_space<vmem>> -> memref<2048xf32, #tpu.memory_space<vmem>>
    %dma_start3A_154 = tpu.memref_slice %arg2[%add3A_151] : memref<2097152xf32, #tpu.memory_space<hbm>> -> memref<2048xf32, #tpu.memory_space<hbm>>
    %dma_start3A_155 = arith.constant 34816 : i32
    %dma_start3A_156 = tpu.memref_slice %arg5[%dma_start3A_155] : memref<65536xf32, #tpu.memory_space<vmem>> -> memref<2048xf32, #tpu.memory_space<vmem>>
    %dma_start3A_157 = tpu.memref_slice %arg2[%add3A_151] : memref<2097152xf32, #tpu.memory_space<hbm>> -> memref<2048xf32, #tpu.memory_space<hbm>>
    tpu.enqueue_dma source(%dma_start3A_157 : memref<2048xf32, #tpu.memory_space<hbm>>) target(%dma_start3A_156 : memref<2048xf32, #tpu.memory_space<vmem>>) target_semaphore(%arg9 : memref<!tpu.dma_semaphore, #tpu.memory_space<semaphore_mem>>)
    %mul3A_158 = arith.constant 1024 : i32
    %mul3A_159 = arith.muli %mul3A_2, %mul3A_158 : i32
    %add3A_160 = arith.constant 1310720 : i32
    %add3A_161 = arith.addi %add3A_160, %mul3A_159 : i32
    %add3A_162 = arith.constant 2048 : i32
    %add3A_163 = arith.addi %add3A_161, %add3A_162 : i32
    %dma_start3A_164 = arith.constant 43008 : i32
    %dma_start3A_165 = tpu.memref_slice %arg5[%dma_start3A_164] : memref<65536xf32, #tpu.memory_space<vmem>> -> memref<2048xf32, #tpu.memory_space<vmem>>
    %dma_start3A_166 = tpu.memref_slice %arg2[%add3A_163] : memref<2097152xf32, #tpu.memory_space<hbm>> -> memref<2048xf32, #tpu.memory_space<hbm>>
    %dma_start3A_167 = arith.constant 43008 : i32
    %dma_start3A_168 = tpu.memref_slice %arg5[%dma_start3A_167] : memref<65536xf32, #tpu.memory_space<vmem>> -> memref<2048xf32, #tpu.memory_space<vmem>>
    %dma_start3A_169 = tpu.memref_slice %arg2[%add3A_163] : memref<2097152xf32, #tpu.memory_space<hbm>> -> memref<2048xf32, #tpu.memory_space<hbm>>
    tpu.enqueue_dma source(%dma_start3A_169 : memref<2048xf32, #tpu.memory_space<hbm>>) target(%dma_start3A_168 : memref<2048xf32, #tpu.memory_space<vmem>>) target_semaphore(%arg9 : memref<!tpu.dma_semaphore, #tpu.memory_space<semaphore_mem>>)
    %mul3A_170 = arith.constant 1024 : i32
    %mul3A_171 = arith.muli %mul3A_2, %mul3A_170 : i32
    %add3A_172 = arith.constant 1572864 : i32
    %add3A_173 = arith.addi %add3A_172, %mul3A_171 : i32
    %add3A_174 = arith.constant 2048 : i32
    %add3A_175 = arith.addi %add3A_173, %add3A_174 : i32
    %dma_start3A_176 = arith.constant 51200 : i32
    %dma_start3A_177 = tpu.memref_slice %arg5[%dma_start3A_176] : memref<65536xf32, #tpu.memory_space<vmem>> -> memref<2048xf32, #tpu.memory_space<vmem>>
    %dma_start3A_178 = tpu.memref_slice %arg2[%add3A_175] : memref<2097152xf32, #tpu.memory_space<hbm>> -> memref<2048xf32, #tpu.memory_space<hbm>>
    %dma_start3A_179 = arith.constant 51200 : i32
    %dma_start3A_180 = tpu.memref_slice %arg5[%dma_start3A_179] : memref<65536xf32, #tpu.memory_space<vmem>> -> memref<2048xf32, #tpu.memory_space<vmem>>
    %dma_start3A_181 = tpu.memref_slice %arg2[%add3A_175] : memref<2097152xf32, #tpu.memory_space<hbm>> -> memref<2048xf32, #tpu.memory_space<hbm>>
    tpu.enqueue_dma source(%dma_start3A_181 : memref<2048xf32, #tpu.memory_space<hbm>>) target(%dma_start3A_180 : memref<2048xf32, #tpu.memory_space<vmem>>) target_semaphore(%arg9 : memref<!tpu.dma_semaphore, #tpu.memory_space<semaphore_mem>>)
    %mul3A_182 = arith.constant 1024 : i32
    %mul3A_183 = arith.muli %mul3A_2, %mul3A_182 : i32
    %add3A_184 = arith.constant 1835008 : i32
    %add3A_185 = arith.addi %add3A_184, %mul3A_183 : i32
    %add3A_186 = arith.constant 2048 : i32
    %add3A_187 = arith.addi %add3A_185, %add3A_186 : i32
    %dma_start3A_188 = arith.constant 59392 : i32
    %dma_start3A_189 = tpu.memref_slice %arg5[%dma_start3A_188] : memref<65536xf32, #tpu.memory_space<vmem>> -> memref<2048xf32, #tpu.memory_space<vmem>>
    %dma_start3A_190 = tpu.memref_slice %arg2[%add3A_187] : memref<2097152xf32, #tpu.memory_space<hbm>> -> memref<2048xf32, #tpu.memory_space<hbm>>
    %dma_start3A_191 = arith.constant 59392 : i32
    %dma_start3A_192 = tpu.memref_slice %arg5[%dma_start3A_191] : memref<65536xf32, #tpu.memory_space<vmem>> -> memref<2048xf32, #tpu.memory_space<vmem>>
    %dma_start3A_193 = tpu.memref_slice %arg2[%add3A_187] : memref<2097152xf32, #tpu.memory_space<hbm>> -> memref<2048xf32, #tpu.memory_space<hbm>>
    tpu.enqueue_dma source(%dma_start3A_193 : memref<2048xf32, #tpu.memory_space<hbm>>) target(%dma_start3A_192 : memref<2048xf32, #tpu.memory_space<vmem>>) target_semaphore(%arg9 : memref<!tpu.dma_semaphore, #tpu.memory_space<semaphore_mem>>)
    %mul3A_194 = arith.constant 1024 : i32
    %mul3A_195 = arith.muli %mul3A_2, %mul3A_194 : i32
    %add3A_196 = arith.constant 0 : i32
    %add3A_197 = arith.addi %add3A_196, %mul3A_195 : i32
    %add3A_198 = arith.constant 4096 : i32
    %add3A_199 = arith.addi %add3A_197, %add3A_198 : i32
    %dma_start3A_200 = arith.constant 4096 : i32
    %dma_start3A_201 = tpu.memref_slice %arg5[%dma_start3A_200] : memref<65536xf32, #tpu.memory_space<vmem>> -> memref<2048xf32, #tpu.memory_space<vmem>>
    %dma_start3A_202 = tpu.memref_slice %arg2[%add3A_199] : memref<2097152xf32, #tpu.memory_space<hbm>> -> memref<2048xf32, #tpu.memory_space<hbm>>
    %dma_start3A_203 = arith.constant 4096 : i32
    %dma_start3A_204 = tpu.memref_slice %arg5[%dma_start3A_203] : memref<65536xf32, #tpu.memory_space<vmem>> -> memref<2048xf32, #tpu.memory_space<vmem>>
    %dma_start3A_205 = tpu.memref_slice %arg2[%add3A_199] : memref<2097152xf32, #tpu.memory_space<hbm>> -> memref<2048xf32, #tpu.memory_space<hbm>>
    tpu.enqueue_dma source(%dma_start3A_205 : memref<2048xf32, #tpu.memory_space<hbm>>) target(%dma_start3A_204 : memref<2048xf32, #tpu.memory_space<vmem>>) target_semaphore(%arg8 : memref<!tpu.dma_semaphore, #tpu.memory_space<semaphore_mem>>)
    %mul3A_206 = arith.constant 1024 : i32
    %mul3A_207 = arith.muli %mul3A_2, %mul3A_206 : i32
    %add3A_208 = arith.constant 262144 : i32
    %add3A_209 = arith.addi %add3A_208, %mul3A_207 : i32
    %add3A_210 = arith.constant 4096 : i32
    %add3A_211 = arith.addi %add3A_209, %add3A_210 : i32
    %dma_start3A_212 = arith.constant 12288 : i32
    %dma_start3A_213 = tpu.memref_slice %arg5[%dma_start3A_212] : memref<65536xf32, #tpu.memory_space<vmem>> -> memref<2048xf32, #tpu.memory_space<vmem>>
    %dma_start3A_214 = tpu.memref_slice %arg2[%add3A_211] : memref<2097152xf32, #tpu.memory_space<hbm>> -> memref<2048xf32, #tpu.memory_space<hbm>>
    %dma_start3A_215 = arith.constant 12288 : i32
    %dma_start3A_216 = tpu.memref_slice %arg5[%dma_start3A_215] : memref<65536xf32, #tpu.memory_space<vmem>> -> memref<2048xf32, #tpu.memory_space<vmem>>
    %dma_start3A_217 = tpu.memref_slice %arg2[%add3A_211] : memref<2097152xf32, #tpu.memory_space<hbm>> -> memref<2048xf32, #tpu.memory_space<hbm>>
    tpu.enqueue_dma source(%dma_start3A_217 : memref<2048xf32, #tpu.memory_space<hbm>>) target(%dma_start3A_216 : memref<2048xf32, #tpu.memory_space<vmem>>) target_semaphore(%arg8 : memref<!tpu.dma_semaphore, #tpu.memory_space<semaphore_mem>>)
    %mul3A_218 = arith.constant 1024 : i32
    %mul3A_219 = arith.muli %mul3A_2, %mul3A_218 : i32
    %add3A_220 = arith.constant 524288 : i32
    %add3A_221 = arith.addi %add3A_220, %mul3A_219 : i32
    %add3A_222 = arith.constant 4096 : i32
    %add3A_223 = arith.addi %add3A_221, %add3A_222 : i32
    %dma_start3A_224 = arith.constant 20480 : i32
    %dma_start3A_225 = tpu.memref_slice %arg5[%dma_start3A_224] : memref<65536xf32, #tpu.memory_space<vmem>> -> memref<2048xf32, #tpu.memory_space<vmem>>
    %dma_start3A_226 = tpu.memref_slice %arg2[%add3A_223] : memref<2097152xf32, #tpu.memory_space<hbm>> -> memref<2048xf32, #tpu.memory_space<hbm>>
    %dma_start3A_227 = arith.constant 20480 : i32
    %dma_start3A_228 = tpu.memref_slice %arg5[%dma_start3A_227] : memref<65536xf32, #tpu.memory_space<vmem>> -> memref<2048xf32, #tpu.memory_space<vmem>>
    %dma_start3A_229 = tpu.memref_slice %arg2[%add3A_223] : memref<2097152xf32, #tpu.memory_space<hbm>> -> memref<2048xf32, #tpu.memory_space<hbm>>
    tpu.enqueue_dma source(%dma_start3A_229 : memref<2048xf32, #tpu.memory_space<hbm>>) target(%dma_start3A_228 : memref<2048xf32, #tpu.memory_space<vmem>>) target_semaphore(%arg8 : memref<!tpu.dma_semaphore, #tpu.memory_space<semaphore_mem>>)
    %mul3A_230 = arith.constant 1024 : i32
    %mul3A_231 = arith.muli %mul3A_2, %mul3A_230 : i32
    %add3A_232 = arith.constant 786432 : i32
    %add3A_233 = arith.addi %add3A_232, %mul3A_231 : i32
    %add3A_234 = arith.constant 4096 : i32
    %add3A_235 = arith.addi %add3A_233, %add3A_234 : i32
    %dma_start3A_236 = arith.constant 28672 : i32
    %dma_start3A_237 = tpu.memref_slice %arg5[%dma_start3A_236] : memref<65536xf32, #tpu.memory_space<vmem>> -> memref<2048xf32, #tpu.memory_space<vmem>>
    %dma_start3A_238 = tpu.memref_slice %arg2[%add3A_235] : memref<2097152xf32, #tpu.memory_space<hbm>> -> memref<2048xf32, #tpu.memory_space<hbm>>
    %dma_start3A_239 = arith.constant 28672 : i32
    %dma_start3A_240 = tpu.memref_slice %arg5[%dma_start3A_239] : memref<65536xf32, #tpu.memory_space<vmem>> -> memref<2048xf32, #tpu.memory_space<vmem>>
    %dma_start3A_241 = tpu.memref_slice %arg2[%add3A_235] : memref<2097152xf32, #tpu.memory_space<hbm>> -> memref<2048xf32, #tpu.memory_space<hbm>>
    tpu.enqueue_dma source(%dma_start3A_241 : memref<2048xf32, #tpu.memory_space<hbm>>) target(%dma_start3A_240 : memref<2048xf32, #tpu.memory_space<vmem>>) target_semaphore(%arg8 : memref<!tpu.dma_semaphore, #tpu.memory_space<semaphore_mem>>)
    %mul3A_242 = arith.constant 1024 : i32
    %mul3A_243 = arith.muli %mul3A_2, %mul3A_242 : i32
    %add3A_244 = arith.constant 1048576 : i32
    %add3A_245 = arith.addi %add3A_244, %mul3A_243 : i32
    %add3A_246 = arith.constant 4096 : i32
    %add3A_247 = arith.addi %add3A_245, %add3A_246 : i32
    %dma_start3A_248 = arith.constant 36864 : i32
    %dma_start3A_249 = tpu.memref_slice %arg5[%dma_start3A_248] : memref<65536xf32, #tpu.memory_space<vmem>> -> memref<2048xf32, #tpu.memory_space<vmem>>
    %dma_start3A_250 = tpu.memref_slice %arg2[%add3A_247] : memref<2097152xf32, #tpu.memory_space<hbm>> -> memref<2048xf32, #tpu.memory_space<hbm>>
    %dma_start3A_251 = arith.constant 36864 : i32
    %dma_start3A_252 = tpu.memref_slice %arg5[%dma_start3A_251] : memref<65536xf32, #tpu.memory_space<vmem>> -> memref<2048xf32, #tpu.memory_space<vmem>>
    %dma_start3A_253 = tpu.memref_slice %arg2[%add3A_247] : memref<2097152xf32, #tpu.memory_space<hbm>> -> memref<2048xf32, #tpu.memory_space<hbm>>
    tpu.enqueue_dma source(%dma_start3A_253 : memref<2048xf32, #tpu.memory_space<hbm>>) target(%dma_start3A_252 : memref<2048xf32, #tpu.memory_space<vmem>>) target_semaphore(%arg8 : memref<!tpu.dma_semaphore, #tpu.memory_space<semaphore_mem>>)
    %mul3A_254 = arith.constant 1024 : i32
    %mul3A_255 = arith.muli %mul3A_2, %mul3A_254 : i32
    %add3A_256 = arith.constant 1310720 : i32
    %add3A_257 = arith.addi %add3A_256, %mul3A_255 : i32
    %add3A_258 = arith.constant 4096 : i32
    %add3A_259 = arith.addi %add3A_257, %add3A_258 : i32
    %dma_start3A_260 = arith.constant 45056 : i32
    %dma_start3A_261 = tpu.memref_slice %arg5[%dma_start3A_260] : memref<65536xf32, #tpu.memory_space<vmem>> -> memref<2048xf32, #tpu.memory_space<vmem>>
    %dma_start3A_262 = tpu.memref_slice %arg2[%add3A_259] : memref<2097152xf32, #tpu.memory_space<hbm>> -> memref<2048xf32, #tpu.memory_space<hbm>>
    %dma_start3A_263 = arith.constant 45056 : i32
    %dma_start3A_264 = tpu.memref_slice %arg5[%dma_start3A_263] : memref<65536xf32, #tpu.memory_space<vmem>> -> memref<2048xf32, #tpu.memory_space<vmem>>
    %dma_start3A_265 = tpu.memref_slice %arg2[%add3A_259] : memref<2097152xf32, #tpu.memory_space<hbm>> -> memref<2048xf32, #tpu.memory_space<hbm>>
    tpu.enqueue_dma source(%dma_start3A_265 : memref<2048xf32, #tpu.memory_space<hbm>>) target(%dma_start3A_264 : memref<2048xf32, #tpu.memory_space<vmem>>) target_semaphore(%arg8 : memref<!tpu.dma_semaphore, #tpu.memory_space<semaphore_mem>>)
    %mul3A_266 = arith.constant 1024 : i32
    %mul3A_267 = arith.muli %mul3A_2, %mul3A_266 : i32
    %add3A_268 = arith.constant 1572864 : i32
    %add3A_269 = arith.addi %add3A_268, %mul3A_267 : i32
    %add3A_270 = arith.constant 4096 : i32
    %add3A_271 = arith.addi %add3A_269, %add3A_270 : i32
    %dma_start3A_272 = arith.constant 53248 : i32
    %dma_start3A_273 = tpu.memref_slice %arg5[%dma_start3A_272] : memref<65536xf32, #tpu.memory_space<vmem>> -> memref<2048xf32, #tpu.memory_space<vmem>>
    %dma_start3A_274 = tpu.memref_slice %arg2[%add3A_271] : memref<2097152xf32, #tpu.memory_space<hbm>> -> memref<2048xf32, #tpu.memory_space<hbm>>
    %dma_start3A_275 = arith.constant 53248 : i32
    %dma_start3A_276 = tpu.memref_slice %arg5[%dma_start3A_275] : memref<65536xf32, #tpu.memory_space<vmem>> -> memref<2048xf32, #tpu.memory_space<vmem>>
    %dma_start3A_277 = tpu.memref_slice %arg2[%add3A_271] : memref<2097152xf32, #tpu.memory_space<hbm>> -> memref<2048xf32, #tpu.memory_space<hbm>>
    tpu.enqueue_dma source(%dma_start3A_277 : memref<2048xf32, #tpu.memory_space<hbm>>) target(%dma_start3A_276 : memref<2048xf32, #tpu.memory_space<vmem>>) target_semaphore(%arg8 : memref<!tpu.dma_semaphore, #tpu.memory_space<semaphore_mem>>)
    %mul3A_278 = arith.constant 1024 : i32
    %mul3A_279 = arith.muli %mul3A_2, %mul3A_278 : i32
    %add3A_280 = arith.constant 1835008 : i32
    %add3A_281 = arith.addi %add3A_280, %mul3A_279 : i32
    %add3A_282 = arith.constant 4096 : i32
    %add3A_283 = arith.addi %add3A_281, %add3A_282 : i32
    %dma_start3A_284 = arith.constant 61440 : i32
    %dma_start3A_285 = tpu.memref_slice %arg5[%dma_start3A_284] : memref<65536xf32, #tpu.memory_space<vmem>> -> memref<2048xf32, #tpu.memory_space<vmem>>
    %dma_start3A_286 = tpu.memref_slice %arg2[%add3A_283] : memref<2097152xf32, #tpu.memory_space<hbm>> -> memref<2048xf32, #tpu.memory_space<hbm>>
    %dma_start3A_287 = arith.constant 61440 : i32
    %dma_start3A_288 = tpu.memref_slice %arg5[%dma_start3A_287] : memref<65536xf32, #tpu.memory_space<vmem>> -> memref<2048xf32, #tpu.memory_space<vmem>>
    %dma_start3A_289 = tpu.memref_slice %arg2[%add3A_283] : memref<2097152xf32, #tpu.memory_space<hbm>> -> memref<2048xf32, #tpu.memory_space<hbm>>
    tpu.enqueue_dma source(%dma_start3A_289 : memref<2048xf32, #tpu.memory_space<hbm>>) target(%dma_start3A_288 : memref<2048xf32, #tpu.memory_space<vmem>>) target_semaphore(%arg8 : memref<!tpu.dma_semaphore, #tpu.memory_space<semaphore_mem>>)
    %mul3A_290 = arith.constant 1024 : i32
    %mul3A_291 = arith.muli %mul3A_2, %mul3A_290 : i32
    %add3A_292 = arith.constant 0 : i32
    %add3A_293 = arith.addi %add3A_292, %mul3A_291 : i32
    %add3A_294 = arith.constant 6144 : i32
    %add3A_295 = arith.addi %add3A_293, %add3A_294 : i32
    %dma_start3A_296 = arith.constant 6144 : i32
    %dma_start3A_297 = tpu.memref_slice %arg5[%dma_start3A_296] : memref<65536xf32, #tpu.memory_space<vmem>> -> memref<2048xf32, #tpu.memory_space<vmem>>
    %dma_start3A_298 = tpu.memref_slice %arg2[%add3A_295] : memref<2097152xf32, #tpu.memory_space<hbm>> -> memref<2048xf32, #tpu.memory_space<hbm>>
    %dma_start3A_299 = arith.constant 6144 : i32
    %dma_start3A_300 = tpu.memref_slice %arg5[%dma_start3A_299] : memref<65536xf32, #tpu.memory_space<vmem>> -> memref<2048xf32, #tpu.memory_space<vmem>>
    %dma_start3A_301 = tpu.memref_slice %arg2[%add3A_295] : memref<2097152xf32, #tpu.memory_space<hbm>> -> memref<2048xf32, #tpu.memory_space<hbm>>
    tpu.enqueue_dma source(%dma_start3A_301 : memref<2048xf32, #tpu.memory_space<hbm>>) target(%dma_start3A_300 : memref<2048xf32, #tpu.memory_space<vmem>>) target_semaphore(%arg9 : memref<!tpu.dma_semaphore, #tpu.memory_space<semaphore_mem>>)
    %mul3A_302 = arith.constant 1024 : i32
    %mul3A_303 = arith.muli %mul3A_2, %mul3A_302 : i32
    %add3A_304 = arith.constant 262144 : i32
    %add3A_305 = arith.addi %add3A_304, %mul3A_303 : i32
    %add3A_306 = arith.constant 6144 : i32
    %add3A_307 = arith.addi %add3A_305, %add3A_306 : i32
    %dma_start3A_308 = arith.constant 14336 : i32
    %dma_start3A_309 = tpu.memref_slice %arg5[%dma_start3A_308] : memref<65536xf32, #tpu.memory_space<vmem>> -> memref<2048xf32, #tpu.memory_space<vmem>>
    %dma_start3A_310 = tpu.memref_slice %arg2[%add3A_307] : memref<2097152xf32, #tpu.memory_space<hbm>> -> memref<2048xf32, #tpu.memory_space<hbm>>
    %dma_start3A_311 = arith.constant 14336 : i32
    %dma_start3A_312 = tpu.memref_slice %arg5[%dma_start3A_311] : memref<65536xf32, #tpu.memory_space<vmem>> -> memref<2048xf32, #tpu.memory_space<vmem>>
    %dma_start3A_313 = tpu.memref_slice %arg2[%add3A_307] : memref<2097152xf32, #tpu.memory_space<hbm>> -> memref<2048xf32, #tpu.memory_space<hbm>>
    tpu.enqueue_dma source(%dma_start3A_313 : memref<2048xf32, #tpu.memory_space<hbm>>) target(%dma_start3A_312 : memref<2048xf32, #tpu.memory_space<vmem>>) target_semaphore(%arg9 : memref<!tpu.dma_semaphore, #tpu.memory_space<semaphore_mem>>)
    %mul3A_314 = arith.constant 1024 : i32
    %mul3A_315 = arith.muli %mul3A_2, %mul3A_314 : i32
    %add3A_316 = arith.constant 524288 : i32
    %add3A_317 = arith.addi %add3A_316, %mul3A_315 : i32
    %add3A_318 = arith.constant 6144 : i32
    %add3A_319 = arith.addi %add3A_317, %add3A_318 : i32
    %dma_start3A_320 = arith.constant 22528 : i32
    %dma_start3A_321 = tpu.memref_slice %arg5[%dma_start3A_320] : memref<65536xf32, #tpu.memory_space<vmem>> -> memref<2048xf32, #tpu.memory_space<vmem>>
    %dma_start3A_322 = tpu.memref_slice %arg2[%add3A_319] : memref<2097152xf32, #tpu.memory_space<hbm>> -> memref<2048xf32, #tpu.memory_space<hbm>>
    %dma_start3A_323 = arith.constant 22528 : i32
    %dma_start3A_324 = tpu.memref_slice %arg5[%dma_start3A_323] : memref<65536xf32, #tpu.memory_space<vmem>> -> memref<2048xf32, #tpu.memory_space<vmem>>
    %dma_start3A_325 = tpu.memref_slice %arg2[%add3A_319] : memref<2097152xf32, #tpu.memory_space<hbm>> -> memref<2048xf32, #tpu.memory_space<hbm>>
    tpu.enqueue_dma source(%dma_start3A_325 : memref<2048xf32, #tpu.memory_space<hbm>>) target(%dma_start3A_324 : memref<2048xf32, #tpu.memory_space<vmem>>) target_semaphore(%arg9 : memref<!tpu.dma_semaphore, #tpu.memory_space<semaphore_mem>>)
    %mul3A_326 = arith.constant 1024 : i32
    %mul3A_327 = arith.muli %mul3A_2, %mul3A_326 : i32
    %add3A_328 = arith.constant 786432 : i32
    %add3A_329 = arith.addi %add3A_328, %mul3A_327 : i32
    %add3A_330 = arith.constant 6144 : i32
    %add3A_331 = arith.addi %add3A_329, %add3A_330 : i32
    %dma_start3A_332 = arith.constant 30720 : i32
    %dma_start3A_333 = tpu.memref_slice %arg5[%dma_start3A_332] : memref<65536xf32, #tpu.memory_space<vmem>> -> memref<2048xf32, #tpu.memory_space<vmem>>
    %dma_start3A_334 = tpu.memref_slice %arg2[%add3A_331] : memref<2097152xf32, #tpu.memory_space<hbm>> -> memref<2048xf32, #tpu.memory_space<hbm>>
    %dma_start3A_335 = arith.constant 30720 : i32
    %dma_start3A_336 = tpu.memref_slice %arg5[%dma_start3A_335] : memref<65536xf32, #tpu.memory_space<vmem>> -> memref<2048xf32, #tpu.memory_space<vmem>>
    %dma_start3A_337 = tpu.memref_slice %arg2[%add3A_331] : memref<2097152xf32, #tpu.memory_space<hbm>> -> memref<2048xf32, #tpu.memory_space<hbm>>
    tpu.enqueue_dma source(%dma_start3A_337 : memref<2048xf32, #tpu.memory_space<hbm>>) target(%dma_start3A_336 : memref<2048xf32, #tpu.memory_space<vmem>>) target_semaphore(%arg9 : memref<!tpu.dma_semaphore, #tpu.memory_space<semaphore_mem>>)
    %mul3A_338 = arith.constant 1024 : i32
    %mul3A_339 = arith.muli %mul3A_2, %mul3A_338 : i32
    %add3A_340 = arith.constant 1048576 : i32
    %add3A_341 = arith.addi %add3A_340, %mul3A_339 : i32
    %add3A_342 = arith.constant 6144 : i32
    %add3A_343 = arith.addi %add3A_341, %add3A_342 : i32
    %dma_start3A_344 = arith.constant 38912 : i32
    %dma_start3A_345 = tpu.memref_slice %arg5[%dma_start3A_344] : memref<65536xf32, #tpu.memory_space<vmem>> -> memref<2048xf32, #tpu.memory_space<vmem>>
    %dma_start3A_346 = tpu.memref_slice %arg2[%add3A_343] : memref<2097152xf32, #tpu.memory_space<hbm>> -> memref<2048xf32, #tpu.memory_space<hbm>>
    %dma_start3A_347 = arith.constant 38912 : i32
    %dma_start3A_348 = tpu.memref_slice %arg5[%dma_start3A_347] : memref<65536xf32, #tpu.memory_space<vmem>> -> memref<2048xf32, #tpu.memory_space<vmem>>
    %dma_start3A_349 = tpu.memref_slice %arg2[%add3A_343] : memref<2097152xf32, #tpu.memory_space<hbm>> -> memref<2048xf32, #tpu.memory_space<hbm>>
    tpu.enqueue_dma source(%dma_start3A_349 : memref<2048xf32, #tpu.memory_space<hbm>>) target(%dma_start3A_348 : memref<2048xf32, #tpu.memory_space<vmem>>) target_semaphore(%arg9 : memref<!tpu.dma_semaphore, #tpu.memory_space<semaphore_mem>>)
    %mul3A_350 = arith.constant 1024 : i32
    %mul3A_351 = arith.muli %mul3A_2, %mul3A_350 : i32
    %add3A_352 = arith.constant 1310720 : i32
    %add3A_353 = arith.addi %add3A_352, %mul3A_351 : i32
    %add3A_354 = arith.constant 6144 : i32
    %add3A_355 = arith.addi %add3A_353, %add3A_354 : i32
    %dma_start3A_356 = arith.constant 47104 : i32
    %dma_start3A_357 = tpu.memref_slice %arg5[%dma_start3A_356] : memref<65536xf32, #tpu.memory_space<vmem>> -> memref<2048xf32, #tpu.memory_space<vmem>>
    %dma_start3A_358 = tpu.memref_slice %arg2[%add3A_355] : memref<2097152xf32, #tpu.memory_space<hbm>> -> memref<2048xf32, #tpu.memory_space<hbm>>
    %dma_start3A_359 = arith.constant 47104 : i32
    %dma_start3A_360 = tpu.memref_slice %arg5[%dma_start3A_359] : memref<65536xf32, #tpu.memory_space<vmem>> -> memref<2048xf32, #tpu.memory_space<vmem>>
    %dma_start3A_361 = tpu.memref_slice %arg2[%add3A_355] : memref<2097152xf32, #tpu.memory_space<hbm>> -> memref<2048xf32, #tpu.memory_space<hbm>>
    tpu.enqueue_dma source(%dma_start3A_361 : memref<2048xf32, #tpu.memory_space<hbm>>) target(%dma_start3A_360 : memref<2048xf32, #tpu.memory_space<vmem>>) target_semaphore(%arg9 : memref<!tpu.dma_semaphore, #tpu.memory_space<semaphore_mem>>)
    %mul3A_362 = arith.constant 1024 : i32
    %mul3A_363 = arith.muli %mul3A_2, %mul3A_362 : i32
    %add3A_364 = arith.constant 1572864 : i32
    %add3A_365 = arith.addi %add3A_364, %mul3A_363 : i32
    %add3A_366 = arith.constant 6144 : i32
    %add3A_367 = arith.addi %add3A_365, %add3A_366 : i32
    %dma_start3A_368 = arith.constant 55296 : i32
    %dma_start3A_369 = tpu.memref_slice %arg5[%dma_start3A_368] : memref<65536xf32, #tpu.memory_space<vmem>> -> memref<2048xf32, #tpu.memory_space<vmem>>
    %dma_start3A_370 = tpu.memref_slice %arg2[%add3A_367] : memref<2097152xf32, #tpu.memory_space<hbm>> -> memref<2048xf32, #tpu.memory_space<hbm>>
    %dma_start3A_371 = arith.constant 55296 : i32
    %dma_start3A_372 = tpu.memref_slice %arg5[%dma_start3A_371] : memref<65536xf32, #tpu.memory_space<vmem>> -> memref<2048xf32, #tpu.memory_space<vmem>>
    %dma_start3A_373 = tpu.memref_slice %arg2[%add3A_367] : memref<2097152xf32, #tpu.memory_space<hbm>> -> memref<2048xf32, #tpu.memory_space<hbm>>
    tpu.enqueue_dma source(%dma_start3A_373 : memref<2048xf32, #tpu.memory_space<hbm>>) target(%dma_start3A_372 : memref<2048xf32, #tpu.memory_space<vmem>>) target_semaphore(%arg9 : memref<!tpu.dma_semaphore, #tpu.memory_space<semaphore_mem>>)
    %mul3A_374 = arith.constant 1024 : i32
    %mul3A_375 = arith.muli %mul3A_2, %mul3A_374 : i32
    %add3A_376 = arith.constant 1835008 : i32
    %add3A_377 = arith.addi %add3A_376, %mul3A_375 : i32
    %add3A_378 = arith.constant 6144 : i32
    %add3A_379 = arith.addi %add3A_377, %add3A_378 : i32
    %dma_start3A_380 = arith.constant 63488 : i32
    %dma_start3A_381 = tpu.memref_slice %arg5[%dma_start3A_380] : memref<65536xf32, #tpu.memory_space<vmem>> -> memref<2048xf32, #tpu.memory_space<vmem>>
    %dma_start3A_382 = tpu.memref_slice %arg2[%add3A_379] : memref<2097152xf32, #tpu.memory_space<hbm>> -> memref<2048xf32, #tpu.memory_space<hbm>>
    %dma_start3A_383 = arith.constant 63488 : i32
    %dma_start3A_384 = tpu.memref_slice %arg5[%dma_start3A_383] : memref<65536xf32, #tpu.memory_space<vmem>> -> memref<2048xf32, #tpu.memory_space<vmem>>
    %dma_start3A_385 = tpu.memref_slice %arg2[%add3A_379] : memref<2097152xf32, #tpu.memory_space<hbm>> -> memref<2048xf32, #tpu.memory_space<hbm>>
    tpu.enqueue_dma source(%dma_start3A_385 : memref<2048xf32, #tpu.memory_space<hbm>>) target(%dma_start3A_384 : memref<2048xf32, #tpu.memory_space<vmem>>) target_semaphore(%arg9 : memref<!tpu.dma_semaphore, #tpu.memory_space<semaphore_mem>>)
    %dma_wait3A = arith.constant 0 : i32
    %dma_wait3A_386 = tpu.memref_slice %arg5[%dma_wait3A] : memref<65536xf32, #tpu.memory_space<vmem>> -> memref<2048xf32, #tpu.memory_space<vmem>>
    %dma_wait3A_387 = tpu.memref_slice %arg2[%add3A_8] : memref<2097152xf32, #tpu.memory_space<hbm>> -> memref<2048xf32, #tpu.memory_space<hbm>>
    %dma_wait3A_388 = arith.constant 0 : i32
    %dma_wait3A_389 = tpu.memref_slice %arg5[%dma_wait3A_388] : memref<65536xf32, #tpu.memory_space<vmem>> -> memref<2048xf32, #tpu.memory_space<vmem>>
    %dma_wait3A_390 = tpu.memref_slice %arg2[%add3A_8] : memref<2097152xf32, #tpu.memory_space<hbm>> -> memref<2048xf32, #tpu.memory_space<hbm>>
    tpu.wait_dma2 semaphore(%arg8 : memref<!tpu.dma_semaphore, #tpu.memory_space<semaphore_mem>>) src(%dma_wait3A_390 : memref<2048xf32, #tpu.memory_space<hbm>>) dst(%dma_wait3A_389 : memref<2048xf32, #tpu.memory_space<vmem>>)
    %dma_wait3A_391 = arith.constant 8192 : i32
    %dma_wait3A_392 = tpu.memref_slice %arg5[%dma_wait3A_391] : memref<65536xf32, #tpu.memory_space<vmem>> -> memref<2048xf32, #tpu.memory_space<vmem>>
    %dma_wait3A_393 = tpu.memref_slice %arg2[%add3A_19] : memref<2097152xf32, #tpu.memory_space<hbm>> -> memref<2048xf32, #tpu.memory_space<hbm>>
    %dma_wait3A_394 = arith.constant 8192 : i32
    %dma_wait3A_395 = tpu.memref_slice %arg5[%dma_wait3A_394] : memref<65536xf32, #tpu.memory_space<vmem>> -> memref<2048xf32, #tpu.memory_space<vmem>>
    %dma_wait3A_396 = tpu.memref_slice %arg2[%add3A_19] : memref<2097152xf32, #tpu.memory_space<hbm>> -> memref<2048xf32, #tpu.memory_space<hbm>>
    tpu.wait_dma2 semaphore(%arg8 : memref<!tpu.dma_semaphore, #tpu.memory_space<semaphore_mem>>) src(%dma_wait3A_396 : memref<2048xf32, #tpu.memory_space<hbm>>) dst(%dma_wait3A_395 : memref<2048xf32, #tpu.memory_space<vmem>>)
    %dma_wait3A_397 = arith.constant 16384 : i32
    %dma_wait3A_398 = tpu.memref_slice %arg5[%dma_wait3A_397] : memref<65536xf32, #tpu.memory_space<vmem>> -> memref<2048xf32, #tpu.memory_space<vmem>>
    %dma_wait3A_399 = tpu.memref_slice %arg2[%add3A_31] : memref<2097152xf32, #tpu.memory_space<hbm>> -> memref<2048xf32, #tpu.memory_space<hbm>>
    %dma_wait3A_400 = arith.constant 16384 : i32
    %dma_wait3A_401 = tpu.memref_slice %arg5[%dma_wait3A_400] : memref<65536xf32, #tpu.memory_space<vmem>> -> memref<2048xf32, #tpu.memory_space<vmem>>
    %dma_wait3A_402 = tpu.memref_slice %arg2[%add3A_31] : memref<2097152xf32, #tpu.memory_space<hbm>> -> memref<2048xf32, #tpu.memory_space<hbm>>
    tpu.wait_dma2 semaphore(%arg8 : memref<!tpu.dma_semaphore, #tpu.memory_space<semaphore_mem>>) src(%dma_wait3A_402 : memref<2048xf32, #tpu.memory_space<hbm>>) dst(%dma_wait3A_401 : memref<2048xf32, #tpu.memory_space<vmem>>)
    %dma_wait3A_403 = arith.constant 24576 : i32
    %dma_wait3A_404 = tpu.memref_slice %arg5[%dma_wait3A_403] : memref<65536xf32, #tpu.memory_space<vmem>> -> memref<2048xf32, #tpu.memory_space<vmem>>
    %dma_wait3A_405 = tpu.memref_slice %arg2[%add3A_43] : memref<2097152xf32, #tpu.memory_space<hbm>> -> memref<2048xf32, #tpu.memory_space<hbm>>
    %dma_wait3A_406 = arith.constant 24576 : i32
    %dma_wait3A_407 = tpu.memref_slice %arg5[%dma_wait3A_406] : memref<65536xf32, #tpu.memory_space<vmem>> -> memref<2048xf32, #tpu.memory_space<vmem>>
    %dma_wait3A_408 = tpu.memref_slice %arg2[%add3A_43] : memref<2097152xf32, #tpu.memory_space<hbm>> -> memref<2048xf32, #tpu.memory_space<hbm>>
    tpu.wait_dma2 semaphore(%arg8 : memref<!tpu.dma_semaphore, #tpu.memory_space<semaphore_mem>>) src(%dma_wait3A_408 : memref<2048xf32, #tpu.memory_space<hbm>>) dst(%dma_wait3A_407 : memref<2048xf32, #tpu.memory_space<vmem>>)
    %dma_wait3A_409 = arith.constant 32768 : i32
    %dma_wait3A_410 = tpu.memref_slice %arg5[%dma_wait3A_409] : memref<65536xf32, #tpu.memory_space<vmem>> -> memref<2048xf32, #tpu.memory_space<vmem>>
    %dma_wait3A_411 = tpu.memref_slice %arg2[%add3A_55] : memref<2097152xf32, #tpu.memory_space<hbm>> -> memref<2048xf32, #tpu.memory_space<hbm>>
    %dma_wait3A_412 = arith.constant 32768 : i32
    %dma_wait3A_413 = tpu.memref_slice %arg5[%dma_wait3A_412] : memref<65536xf32, #tpu.memory_space<vmem>> -> memref<2048xf32, #tpu.memory_space<vmem>>
    %dma_wait3A_414 = tpu.memref_slice %arg2[%add3A_55] : memref<2097152xf32, #tpu.memory_space<hbm>> -> memref<2048xf32, #tpu.memory_space<hbm>>
    tpu.wait_dma2 semaphore(%arg8 : memref<!tpu.dma_semaphore, #tpu.memory_space<semaphore_mem>>) src(%dma_wait3A_414 : memref<2048xf32, #tpu.memory_space<hbm>>) dst(%dma_wait3A_413 : memref<2048xf32, #tpu.memory_space<vmem>>)
    %dma_wait3A_415 = arith.constant 40960 : i32
    %dma_wait3A_416 = tpu.memref_slice %arg5[%dma_wait3A_415] : memref<65536xf32, #tpu.memory_space<vmem>> -> memref<2048xf32, #tpu.memory_space<vmem>>
    %dma_wait3A_417 = tpu.memref_slice %arg2[%add3A_67] : memref<2097152xf32, #tpu.memory_space<hbm>> -> memref<2048xf32, #tpu.memory_space<hbm>>
    %dma_wait3A_418 = arith.constant 40960 : i32
    %dma_wait3A_419 = tpu.memref_slice %arg5[%dma_wait3A_418] : memref<65536xf32, #tpu.memory_space<vmem>> -> memref<2048xf32, #tpu.memory_space<vmem>>
    %dma_wait3A_420 = tpu.memref_slice %arg2[%add3A_67] : memref<2097152xf32, #tpu.memory_space<hbm>> -> memref<2048xf32, #tpu.memory_space<hbm>>
    tpu.wait_dma2 semaphore(%arg8 : memref<!tpu.dma_semaphore, #tpu.memory_space<semaphore_mem>>) src(%dma_wait3A_420 : memref<2048xf32, #tpu.memory_space<hbm>>) dst(%dma_wait3A_419 : memref<2048xf32, #tpu.memory_space<vmem>>)
    %dma_wait3A_421 = arith.constant 49152 : i32
    %dma_wait3A_422 = tpu.memref_slice %arg5[%dma_wait3A_421] : memref<65536xf32, #tpu.memory_space<vmem>> -> memref<2048xf32, #tpu.memory_space<vmem>>
    %dma_wait3A_423 = tpu.memref_slice %arg2[%add3A_79] : memref<2097152xf32, #tpu.memory_space<hbm>> -> memref<2048xf32, #tpu.memory_space<hbm>>
    %dma_wait3A_424 = arith.constant 49152 : i32
    %dma_wait3A_425 = tpu.memref_slice %arg5[%dma_wait3A_424] : memref<65536xf32, #tpu.memory_space<vmem>> -> memref<2048xf32, #tpu.memory_space<vmem>>
    %dma_wait3A_426 = tpu.memref_slice %arg2[%add3A_79] : memref<2097152xf32, #tpu.memory_space<hbm>> -> memref<2048xf32, #tpu.memory_space<hbm>>
    tpu.wait_dma2 semaphore(%arg8 : memref<!tpu.dma_semaphore, #tpu.memory_space<semaphore_mem>>) src(%dma_wait3A_426 : memref<2048xf32, #tpu.memory_space<hbm>>) dst(%dma_wait3A_425 : memref<2048xf32, #tpu.memory_space<vmem>>)
    %dma_wait3A_427 = arith.constant 57344 : i32
    %dma_wait3A_428 = tpu.memref_slice %arg5[%dma_wait3A_427] : memref<65536xf32, #tpu.memory_space<vmem>> -> memref<2048xf32, #tpu.memory_space<vmem>>
    %dma_wait3A_429 = tpu.memref_slice %arg2[%add3A_91] : memref<2097152xf32, #tpu.memory_space<hbm>> -> memref<2048xf32, #tpu.memory_space<hbm>>
    %dma_wait3A_430 = arith.constant 57344 : i32
    %dma_wait3A_431 = tpu.memref_slice %arg5[%dma_wait3A_430] : memref<65536xf32, #tpu.memory_space<vmem>> -> memref<2048xf32, #tpu.memory_space<vmem>>
    %dma_wait3A_432 = tpu.memref_slice %arg2[%add3A_91] : memref<2097152xf32, #tpu.memory_space<hbm>> -> memref<2048xf32, #tpu.memory_space<hbm>>
    tpu.wait_dma2 semaphore(%arg8 : memref<!tpu.dma_semaphore, #tpu.memory_space<semaphore_mem>>) src(%dma_wait3A_432 : memref<2048xf32, #tpu.memory_space<hbm>>) dst(%dma_wait3A_431 : memref<2048xf32, #tpu.memory_space<vmem>>)
    %dma_wait3A_433 = arith.constant 2048 : i32
    %dma_wait3A_434 = tpu.memref_slice %arg5[%dma_wait3A_433] : memref<65536xf32, #tpu.memory_space<vmem>> -> memref<2048xf32, #tpu.memory_space<vmem>>
    %dma_wait3A_435 = tpu.memref_slice %arg2[%add3A_103] : memref<2097152xf32, #tpu.memory_space<hbm>> -> memref<2048xf32, #tpu.memory_space<hbm>>
    %dma_wait3A_436 = arith.constant 2048 : i32
    %dma_wait3A_437 = tpu.memref_slice %arg5[%dma_wait3A_436] : memref<65536xf32, #tpu.memory_space<vmem>> -> memref<2048xf32, #tpu.memory_space<vmem>>
    %dma_wait3A_438 = tpu.memref_slice %arg2[%add3A_103] : memref<2097152xf32, #tpu.memory_space<hbm>> -> memref<2048xf32, #tpu.memory_space<hbm>>
    tpu.wait_dma2 semaphore(%arg9 : memref<!tpu.dma_semaphore, #tpu.memory_space<semaphore_mem>>) src(%dma_wait3A_438 : memref<2048xf32, #tpu.memory_space<hbm>>) dst(%dma_wait3A_437 : memref<2048xf32, #tpu.memory_space<vmem>>)
    %dma_wait3A_439 = arith.constant 10240 : i32
    %dma_wait3A_440 = tpu.memref_slice %arg5[%dma_wait3A_439] : memref<65536xf32, #tpu.memory_space<vmem>> -> memref<2048xf32, #tpu.memory_space<vmem>>
    %dma_wait3A_441 = tpu.memref_slice %arg2[%add3A_115] : memref<2097152xf32, #tpu.memory_space<hbm>> -> memref<2048xf32, #tpu.memory_space<hbm>>
    %dma_wait3A_442 = arith.constant 10240 : i32
    %dma_wait3A_443 = tpu.memref_slice %arg5[%dma_wait3A_442] : memref<65536xf32, #tpu.memory_space<vmem>> -> memref<2048xf32, #tpu.memory_space<vmem>>
    %dma_wait3A_444 = tpu.memref_slice %arg2[%add3A_115] : memref<2097152xf32, #tpu.memory_space<hbm>> -> memref<2048xf32, #tpu.memory_space<hbm>>
    tpu.wait_dma2 semaphore(%arg9 : memref<!tpu.dma_semaphore, #tpu.memory_space<semaphore_mem>>) src(%dma_wait3A_444 : memref<2048xf32, #tpu.memory_space<hbm>>) dst(%dma_wait3A_443 : memref<2048xf32, #tpu.memory_space<vmem>>)
    %dma_wait3A_445 = arith.constant 18432 : i32
    %dma_wait3A_446 = tpu.memref_slice %arg5[%dma_wait3A_445] : memref<65536xf32, #tpu.memory_space<vmem>> -> memref<2048xf32, #tpu.memory_space<vmem>>
    %dma_wait3A_447 = tpu.memref_slice %arg2[%add3A_127] : memref<2097152xf32, #tpu.memory_space<hbm>> -> memref<2048xf32, #tpu.memory_space<hbm>>
    %dma_wait3A_448 = arith.constant 18432 : i32
    %dma_wait3A_449 = tpu.memref_slice %arg5[%dma_wait3A_448] : memref<65536xf32, #tpu.memory_space<vmem>> -> memref<2048xf32, #tpu.memory_space<vmem>>
    %dma_wait3A_450 = tpu.memref_slice %arg2[%add3A_127] : memref<2097152xf32, #tpu.memory_space<hbm>> -> memref<2048xf32, #tpu.memory_space<hbm>>
    tpu.wait_dma2 semaphore(%arg9 : memref<!tpu.dma_semaphore, #tpu.memory_space<semaphore_mem>>) src(%dma_wait3A_450 : memref<2048xf32, #tpu.memory_space<hbm>>) dst(%dma_wait3A_449 : memref<2048xf32, #tpu.memory_space<vmem>>)
    %dma_wait3A_451 = arith.constant 26624 : i32
    %dma_wait3A_452 = tpu.memref_slice %arg5[%dma_wait3A_451] : memref<65536xf32, #tpu.memory_space<vmem>> -> memref<2048xf32, #tpu.memory_space<vmem>>
    %dma_wait3A_453 = tpu.memref_slice %arg2[%add3A_139] : memref<2097152xf32, #tpu.memory_space<hbm>> -> memref<2048xf32, #tpu.memory_space<hbm>>
    %dma_wait3A_454 = arith.constant 26624 : i32
    %dma_wait3A_455 = tpu.memref_slice %arg5[%dma_wait3A_454] : memref<65536xf32, #tpu.memory_space<vmem>> -> memref<2048xf32, #tpu.memory_space<vmem>>
    %dma_wait3A_456 = tpu.memref_slice %arg2[%add3A_139] : memref<2097152xf32, #tpu.memory_space<hbm>> -> memref<2048xf32, #tpu.memory_space<hbm>>
    tpu.wait_dma2 semaphore(%arg9 : memref<!tpu.dma_semaphore, #tpu.memory_space<semaphore_mem>>) src(%dma_wait3A_456 : memref<2048xf32, #tpu.memory_space<hbm>>) dst(%dma_wait3A_455 : memref<2048xf32, #tpu.memory_space<vmem>>)
    %dma_wait3A_457 = arith.constant 34816 : i32
    %dma_wait3A_458 = tpu.memref_slice %arg5[%dma_wait3A_457] : memref<65536xf32, #tpu.memory_space<vmem>> -> memref<2048xf32, #tpu.memory_space<vmem>>
    %dma_wait3A_459 = tpu.memref_slice %arg2[%add3A_151] : memref<2097152xf32, #tpu.memory_space<hbm>> -> memref<2048xf32, #tpu.memory_space<hbm>>
    %dma_wait3A_460 = arith.constant 34816 : i32
    %dma_wait3A_461 = tpu.memref_slice %arg5[%dma_wait3A_460] : memref<65536xf32, #tpu.memory_space<vmem>> -> memref<2048xf32, #tpu.memory_space<vmem>>
    %dma_wait3A_462 = tpu.memref_slice %arg2[%add3A_151] : memref<2097152xf32, #tpu.memory_space<hbm>> -> memref<2048xf32, #tpu.memory_space<hbm>>
    tpu.wait_dma2 semaphore(%arg9 : memref<!tpu.dma_semaphore, #tpu.memory_space<semaphore_mem>>) src(%dma_wait3A_462 : memref<2048xf32, #tpu.memory_space<hbm>>) dst(%dma_wait3A_461 : memref<2048xf32, #tpu.memory_space<vmem>>)
    %dma_wait3A_463 = arith.constant 43008 : i32
    %dma_wait3A_464 = tpu.memref_slice %arg5[%dma_wait3A_463] : memref<65536xf32, #tpu.memory_space<vmem>> -> memref<2048xf32, #tpu.memory_space<vmem>>
    %dma_wait3A_465 = tpu.memref_slice %arg2[%add3A_163] : memref<2097152xf32, #tpu.memory_space<hbm>> -> memref<2048xf32, #tpu.memory_space<hbm>>
    %dma_wait3A_466 = arith.constant 43008 : i32
    %dma_wait3A_467 = tpu.memref_slice %arg5[%dma_wait3A_466] : memref<65536xf32, #tpu.memory_space<vmem>> -> memref<2048xf32, #tpu.memory_space<vmem>>
    %dma_wait3A_468 = tpu.memref_slice %arg2[%add3A_163] : memref<2097152xf32, #tpu.memory_space<hbm>> -> memref<2048xf32, #tpu.memory_space<hbm>>
    tpu.wait_dma2 semaphore(%arg9 : memref<!tpu.dma_semaphore, #tpu.memory_space<semaphore_mem>>) src(%dma_wait3A_468 : memref<2048xf32, #tpu.memory_space<hbm>>) dst(%dma_wait3A_467 : memref<2048xf32, #tpu.memory_space<vmem>>)
    %dma_wait3A_469 = arith.constant 51200 : i32
    %dma_wait3A_470 = tpu.memref_slice %arg5[%dma_wait3A_469] : memref<65536xf32, #tpu.memory_space<vmem>> -> memref<2048xf32, #tpu.memory_space<vmem>>
    %dma_wait3A_471 = tpu.memref_slice %arg2[%add3A_175] : memref<2097152xf32, #tpu.memory_space<hbm>> -> memref<2048xf32, #tpu.memory_space<hbm>>
    %dma_wait3A_472 = arith.constant 51200 : i32
    %dma_wait3A_473 = tpu.memref_slice %arg5[%dma_wait3A_472] : memref<65536xf32, #tpu.memory_space<vmem>> -> memref<2048xf32, #tpu.memory_space<vmem>>
    %dma_wait3A_474 = tpu.memref_slice %arg2[%add3A_175] : memref<2097152xf32, #tpu.memory_space<hbm>> -> memref<2048xf32, #tpu.memory_space<hbm>>
    tpu.wait_dma2 semaphore(%arg9 : memref<!tpu.dma_semaphore, #tpu.memory_space<semaphore_mem>>) src(%dma_wait3A_474 : memref<2048xf32, #tpu.memory_space<hbm>>) dst(%dma_wait3A_473 : memref<2048xf32, #tpu.memory_space<vmem>>)
    %dma_wait3A_475 = arith.constant 59392 : i32
    %dma_wait3A_476 = tpu.memref_slice %arg5[%dma_wait3A_475] : memref<65536xf32, #tpu.memory_space<vmem>> -> memref<2048xf32, #tpu.memory_space<vmem>>
    %dma_wait3A_477 = tpu.memref_slice %arg2[%add3A_187] : memref<2097152xf32, #tpu.memory_space<hbm>> -> memref<2048xf32, #tpu.memory_space<hbm>>
    %dma_wait3A_478 = arith.constant 59392 : i32
    %dma_wait3A_479 = tpu.memref_slice %arg5[%dma_wait3A_478] : memref<65536xf32, #tpu.memory_space<vmem>> -> memref<2048xf32, #tpu.memory_space<vmem>>
    %dma_wait3A_480 = tpu.memref_slice %arg2[%add3A_187] : memref<2097152xf32, #tpu.memory_space<hbm>> -> memref<2048xf32, #tpu.memory_space<hbm>>
    tpu.wait_dma2 semaphore(%arg9 : memref<!tpu.dma_semaphore, #tpu.memory_space<semaphore_mem>>) src(%dma_wait3A_480 : memref<2048xf32, #tpu.memory_space<hbm>>) dst(%dma_wait3A_479 : memref<2048xf32, #tpu.memory_space<vmem>>)
    %dma_wait3A_481 = arith.constant 4096 : i32
    %dma_wait3A_482 = tpu.memref_slice %arg5[%dma_wait3A_481] : memref<65536xf32, #tpu.memory_space<vmem>> -> memref<2048xf32, #tpu.memory_space<vmem>>
    %dma_wait3A_483 = tpu.memref_slice %arg2[%add3A_199] : memref<2097152xf32, #tpu.memory_space<hbm>> -> memref<2048xf32, #tpu.memory_space<hbm>>
    %dma_wait3A_484 = arith.constant 4096 : i32
    %dma_wait3A_485 = tpu.memref_slice %arg5[%dma_wait3A_484] : memref<65536xf32, #tpu.memory_space<vmem>> -> memref<2048xf32, #tpu.memory_space<vmem>>
    %dma_wait3A_486 = tpu.memref_slice %arg2[%add3A_199] : memref<2097152xf32, #tpu.memory_space<hbm>> -> memref<2048xf32, #tpu.memory_space<hbm>>
    tpu.wait_dma2 semaphore(%arg8 : memref<!tpu.dma_semaphore, #tpu.memory_space<semaphore_mem>>) src(%dma_wait3A_486 : memref<2048xf32, #tpu.memory_space<hbm>>) dst(%dma_wait3A_485 : memref<2048xf32, #tpu.memory_space<vmem>>)
    %dma_wait3A_487 = arith.constant 12288 : i32
    %dma_wait3A_488 = tpu.memref_slice %arg5[%dma_wait3A_487] : memref<65536xf32, #tpu.memory_space<vmem>> -> memref<2048xf32, #tpu.memory_space<vmem>>
    %dma_wait3A_489 = tpu.memref_slice %arg2[%add3A_211] : memref<2097152xf32, #tpu.memory_space<hbm>> -> memref<2048xf32, #tpu.memory_space<hbm>>
    %dma_wait3A_490 = arith.constant 12288 : i32
    %dma_wait3A_491 = tpu.memref_slice %arg5[%dma_wait3A_490] : memref<65536xf32, #tpu.memory_space<vmem>> -> memref<2048xf32, #tpu.memory_space<vmem>>
    %dma_wait3A_492 = tpu.memref_slice %arg2[%add3A_211] : memref<2097152xf32, #tpu.memory_space<hbm>> -> memref<2048xf32, #tpu.memory_space<hbm>>
    tpu.wait_dma2 semaphore(%arg8 : memref<!tpu.dma_semaphore, #tpu.memory_space<semaphore_mem>>) src(%dma_wait3A_492 : memref<2048xf32, #tpu.memory_space<hbm>>) dst(%dma_wait3A_491 : memref<2048xf32, #tpu.memory_space<vmem>>)
    %dma_wait3A_493 = arith.constant 20480 : i32
    %dma_wait3A_494 = tpu.memref_slice %arg5[%dma_wait3A_493] : memref<65536xf32, #tpu.memory_space<vmem>> -> memref<2048xf32, #tpu.memory_space<vmem>>
    %dma_wait3A_495 = tpu.memref_slice %arg2[%add3A_223] : memref<2097152xf32, #tpu.memory_space<hbm>> -> memref<2048xf32, #tpu.memory_space<hbm>>
    %dma_wait3A_496 = arith.constant 20480 : i32
    %dma_wait3A_497 = tpu.memref_slice %arg5[%dma_wait3A_496] : memref<65536xf32, #tpu.memory_space<vmem>> -> memref<2048xf32, #tpu.memory_space<vmem>>
    %dma_wait3A_498 = tpu.memref_slice %arg2[%add3A_223] : memref<2097152xf32, #tpu.memory_space<hbm>> -> memref<2048xf32, #tpu.memory_space<hbm>>
    tpu.wait_dma2 semaphore(%arg8 : memref<!tpu.dma_semaphore, #tpu.memory_space<semaphore_mem>>) src(%dma_wait3A_498 : memref<2048xf32, #tpu.memory_space<hbm>>) dst(%dma_wait3A_497 : memref<2048xf32, #tpu.memory_space<vmem>>)
    %dma_wait3A_499 = arith.constant 28672 : i32
    %dma_wait3A_500 = tpu.memref_slice %arg5[%dma_wait3A_499] : memref<65536xf32, #tpu.memory_space<vmem>> -> memref<2048xf32, #tpu.memory_space<vmem>>
    %dma_wait3A_501 = tpu.memref_slice %arg2[%add3A_235] : memref<2097152xf32, #tpu.memory_space<hbm>> -> memref<2048xf32, #tpu.memory_space<hbm>>
    %dma_wait3A_502 = arith.constant 28672 : i32
    %dma_wait3A_503 = tpu.memref_slice %arg5[%dma_wait3A_502] : memref<65536xf32, #tpu.memory_space<vmem>> -> memref<2048xf32, #tpu.memory_space<vmem>>
    %dma_wait3A_504 = tpu.memref_slice %arg2[%add3A_235] : memref<2097152xf32, #tpu.memory_space<hbm>> -> memref<2048xf32, #tpu.memory_space<hbm>>
    tpu.wait_dma2 semaphore(%arg8 : memref<!tpu.dma_semaphore, #tpu.memory_space<semaphore_mem>>) src(%dma_wait3A_504 : memref<2048xf32, #tpu.memory_space<hbm>>) dst(%dma_wait3A_503 : memref<2048xf32, #tpu.memory_space<vmem>>)
    %dma_wait3A_505 = arith.constant 36864 : i32
    %dma_wait3A_506 = tpu.memref_slice %arg5[%dma_wait3A_505] : memref<65536xf32, #tpu.memory_space<vmem>> -> memref<2048xf32, #tpu.memory_space<vmem>>
    %dma_wait3A_507 = tpu.memref_slice %arg2[%add3A_247] : memref<2097152xf32, #tpu.memory_space<hbm>> -> memref<2048xf32, #tpu.memory_space<hbm>>
    %dma_wait3A_508 = arith.constant 36864 : i32
    %dma_wait3A_509 = tpu.memref_slice %arg5[%dma_wait3A_508] : memref<65536xf32, #tpu.memory_space<vmem>> -> memref<2048xf32, #tpu.memory_space<vmem>>
    %dma_wait3A_510 = tpu.memref_slice %arg2[%add3A_247] : memref<2097152xf32, #tpu.memory_space<hbm>> -> memref<2048xf32, #tpu.memory_space<hbm>>
    tpu.wait_dma2 semaphore(%arg8 : memref<!tpu.dma_semaphore, #tpu.memory_space<semaphore_mem>>) src(%dma_wait3A_510 : memref<2048xf32, #tpu.memory_space<hbm>>) dst(%dma_wait3A_509 : memref<2048xf32, #tpu.memory_space<vmem>>)
    %dma_wait3A_511 = arith.constant 45056 : i32
    %dma_wait3A_512 = tpu.memref_slice %arg5[%dma_wait3A_511] : memref<65536xf32, #tpu.memory_space<vmem>> -> memref<2048xf32, #tpu.memory_space<vmem>>
    %dma_wait3A_513 = tpu.memref_slice %arg2[%add3A_259] : memref<2097152xf32, #tpu.memory_space<hbm>> -> memref<2048xf32, #tpu.memory_space<hbm>>
    %dma_wait3A_514 = arith.constant 45056 : i32
    %dma_wait3A_515 = tpu.memref_slice %arg5[%dma_wait3A_514] : memref<65536xf32, #tpu.memory_space<vmem>> -> memref<2048xf32, #tpu.memory_space<vmem>>
    %dma_wait3A_516 = tpu.memref_slice %arg2[%add3A_259] : memref<2097152xf32, #tpu.memory_space<hbm>> -> memref<2048xf32, #tpu.memory_space<hbm>>
    tpu.wait_dma2 semaphore(%arg8 : memref<!tpu.dma_semaphore, #tpu.memory_space<semaphore_mem>>) src(%dma_wait3A_516 : memref<2048xf32, #tpu.memory_space<hbm>>) dst(%dma_wait3A_515 : memref<2048xf32, #tpu.memory_space<vmem>>)
    %dma_wait3A_517 = arith.constant 53248 : i32
    %dma_wait3A_518 = tpu.memref_slice %arg5[%dma_wait3A_517] : memref<65536xf32, #tpu.memory_space<vmem>> -> memref<2048xf32, #tpu.memory_space<vmem>>
    %dma_wait3A_519 = tpu.memref_slice %arg2[%add3A_271] : memref<2097152xf32, #tpu.memory_space<hbm>> -> memref<2048xf32, #tpu.memory_space<hbm>>
    %dma_wait3A_520 = arith.constant 53248 : i32
    %dma_wait3A_521 = tpu.memref_slice %arg5[%dma_wait3A_520] : memref<65536xf32, #tpu.memory_space<vmem>> -> memref<2048xf32, #tpu.memory_space<vmem>>
    %dma_wait3A_522 = tpu.memref_slice %arg2[%add3A_271] : memref<2097152xf32, #tpu.memory_space<hbm>> -> memref<2048xf32, #tpu.memory_space<hbm>>
    tpu.wait_dma2 semaphore(%arg8 : memref<!tpu.dma_semaphore, #tpu.memory_space<semaphore_mem>>) src(%dma_wait3A_522 : memref<2048xf32, #tpu.memory_space<hbm>>) dst(%dma_wait3A_521 : memref<2048xf32, #tpu.memory_space<vmem>>)
    %dma_wait3A_523 = arith.constant 61440 : i32
    %dma_wait3A_524 = tpu.memref_slice %arg5[%dma_wait3A_523] : memref<65536xf32, #tpu.memory_space<vmem>> -> memref<2048xf32, #tpu.memory_space<vmem>>
    %dma_wait3A_525 = tpu.memref_slice %arg2[%add3A_283] : memref<2097152xf32, #tpu.memory_space<hbm>> -> memref<2048xf32, #tpu.memory_space<hbm>>
    %dma_wait3A_526 = arith.constant 61440 : i32
    %dma_wait3A_527 = tpu.memref_slice %arg5[%dma_wait3A_526] : memref<65536xf32, #tpu.memory_space<vmem>> -> memref<2048xf32, #tpu.memory_space<vmem>>
    %dma_wait3A_528 = tpu.memref_slice %arg2[%add3A_283] : memref<2097152xf32, #tpu.memory_space<hbm>> -> memref<2048xf32, #tpu.memory_space<hbm>>
    tpu.wait_dma2 semaphore(%arg8 : memref<!tpu.dma_semaphore, #tpu.memory_space<semaphore_mem>>) src(%dma_wait3A_528 : memref<2048xf32, #tpu.memory_space<hbm>>) dst(%dma_wait3A_527 : memref<2048xf32, #tpu.memory_space<vmem>>)
    %dma_wait3A_529 = arith.constant 6144 : i32
    %dma_wait3A_530 = tpu.memref_slice %arg5[%dma_wait3A_529] : memref<65536xf32, #tpu.memory_space<vmem>> -> memref<2048xf32, #tpu.memory_space<vmem>>
    %dma_wait3A_531 = tpu.memref_slice %arg2[%add3A_295] : memref<2097152xf32, #tpu.memory_space<hbm>> -> memref<2048xf32, #tpu.memory_space<hbm>>
    %dma_wait3A_532 = arith.constant 6144 : i32
    %dma_wait3A_533 = tpu.memref_slice %arg5[%dma_wait3A_532] : memref<65536xf32, #tpu.memory_space<vmem>> -> memref<2048xf32, #tpu.memory_space<vmem>>
    %dma_wait3A_534 = tpu.memref_slice %arg2[%add3A_295] : memref<2097152xf32, #tpu.memory_space<hbm>> -> memref<2048xf32, #tpu.memory_space<hbm>>
    tpu.wait_dma2 semaphore(%arg9 : memref<!tpu.dma_semaphore, #tpu.memory_space<semaphore_mem>>) src(%dma_wait3A_534 : memref<2048xf32, #tpu.memory_space<hbm>>) dst(%dma_wait3A_533 : memref<2048xf32, #tpu.memory_space<vmem>>)
    %dma_wait3A_535 = arith.constant 14336 : i32
    %dma_wait3A_536 = tpu.memref_slice %arg5[%dma_wait3A_535] : memref<65536xf32, #tpu.memory_space<vmem>> -> memref<2048xf32, #tpu.memory_space<vmem>>
    %dma_wait3A_537 = tpu.memref_slice %arg2[%add3A_307] : memref<2097152xf32, #tpu.memory_space<hbm>> -> memref<2048xf32, #tpu.memory_space<hbm>>
    %dma_wait3A_538 = arith.constant 14336 : i32
    %dma_wait3A_539 = tpu.memref_slice %arg5[%dma_wait3A_538] : memref<65536xf32, #tpu.memory_space<vmem>> -> memref<2048xf32, #tpu.memory_space<vmem>>
    %dma_wait3A_540 = tpu.memref_slice %arg2[%add3A_307] : memref<2097152xf32, #tpu.memory_space<hbm>> -> memref<2048xf32, #tpu.memory_space<hbm>>
    tpu.wait_dma2 semaphore(%arg9 : memref<!tpu.dma_semaphore, #tpu.memory_space<semaphore_mem>>) src(%dma_wait3A_540 : memref<2048xf32, #tpu.memory_space<hbm>>) dst(%dma_wait3A_539 : memref<2048xf32, #tpu.memory_space<vmem>>)
    %dma_wait3A_541 = arith.constant 22528 : i32
    %dma_wait3A_542 = tpu.memref_slice %arg5[%dma_wait3A_541] : memref<65536xf32, #tpu.memory_space<vmem>> -> memref<2048xf32, #tpu.memory_space<vmem>>
    %dma_wait3A_543 = tpu.memref_slice %arg2[%add3A_319] : memref<2097152xf32, #tpu.memory_space<hbm>> -> memref<2048xf32, #tpu.memory_space<hbm>>
    %dma_wait3A_544 = arith.constant 22528 : i32
    %dma_wait3A_545 = tpu.memref_slice %arg5[%dma_wait3A_544] : memref<65536xf32, #tpu.memory_space<vmem>> -> memref<2048xf32, #tpu.memory_space<vmem>>
    %dma_wait3A_546 = tpu.memref_slice %arg2[%add3A_319] : memref<2097152xf32, #tpu.memory_space<hbm>> -> memref<2048xf32, #tpu.memory_space<hbm>>
    tpu.wait_dma2 semaphore(%arg9 : memref<!tpu.dma_semaphore, #tpu.memory_space<semaphore_mem>>) src(%dma_wait3A_546 : memref<2048xf32, #tpu.memory_space<hbm>>) dst(%dma_wait3A_545 : memref<2048xf32, #tpu.memory_space<vmem>>)
    %dma_wait3A_547 = arith.constant 30720 : i32
    %dma_wait3A_548 = tpu.memref_slice %arg5[%dma_wait3A_547] : memref<65536xf32, #tpu.memory_space<vmem>> -> memref<2048xf32, #tpu.memory_space<vmem>>
    %dma_wait3A_549 = tpu.memref_slice %arg2[%add3A_331] : memref<2097152xf32, #tpu.memory_space<hbm>> -> memref<2048xf32, #tpu.memory_space<hbm>>
    %dma_wait3A_550 = arith.constant 30720 : i32
    %dma_wait3A_551 = tpu.memref_slice %arg5[%dma_wait3A_550] : memref<65536xf32, #tpu.memory_space<vmem>> -> memref<2048xf32, #tpu.memory_space<vmem>>
    %dma_wait3A_552 = tpu.memref_slice %arg2[%add3A_331] : memref<2097152xf32, #tpu.memory_space<hbm>> -> memref<2048xf32, #tpu.memory_space<hbm>>
    tpu.wait_dma2 semaphore(%arg9 : memref<!tpu.dma_semaphore, #tpu.memory_space<semaphore_mem>>) src(%dma_wait3A_552 : memref<2048xf32, #tpu.memory_space<hbm>>) dst(%dma_wait3A_551 : memref<2048xf32, #tpu.memory_space<vmem>>)
    %dma_wait3A_553 = arith.constant 38912 : i32
    %dma_wait3A_554 = tpu.memref_slice %arg5[%dma_wait3A_553] : memref<65536xf32, #tpu.memory_space<vmem>> -> memref<2048xf32, #tpu.memory_space<vmem>>
    %dma_wait3A_555 = tpu.memref_slice %arg2[%add3A_343] : memref<2097152xf32, #tpu.memory_space<hbm>> -> memref<2048xf32, #tpu.memory_space<hbm>>
    %dma_wait3A_556 = arith.constant 38912 : i32
    %dma_wait3A_557 = tpu.memref_slice %arg5[%dma_wait3A_556] : memref<65536xf32, #tpu.memory_space<vmem>> -> memref<2048xf32, #tpu.memory_space<vmem>>
    %dma_wait3A_558 = tpu.memref_slice %arg2[%add3A_343] : memref<2097152xf32, #tpu.memory_space<hbm>> -> memref<2048xf32, #tpu.memory_space<hbm>>
    tpu.wait_dma2 semaphore(%arg9 : memref<!tpu.dma_semaphore, #tpu.memory_space<semaphore_mem>>) src(%dma_wait3A_558 : memref<2048xf32, #tpu.memory_space<hbm>>) dst(%dma_wait3A_557 : memref<2048xf32, #tpu.memory_space<vmem>>)
    %dma_wait3A_559 = arith.constant 47104 : i32
    %dma_wait3A_560 = tpu.memref_slice %arg5[%dma_wait3A_559] : memref<65536xf32, #tpu.memory_space<vmem>> -> memref<2048xf32, #tpu.memory_space<vmem>>
    %dma_wait3A_561 = tpu.memref_slice %arg2[%add3A_355] : memref<2097152xf32, #tpu.memory_space<hbm>> -> memref<2048xf32, #tpu.memory_space<hbm>>
    %dma_wait3A_562 = arith.constant 47104 : i32
    %dma_wait3A_563 = tpu.memref_slice %arg5[%dma_wait3A_562] : memref<65536xf32, #tpu.memory_space<vmem>> -> memref<2048xf32, #tpu.memory_space<vmem>>
    %dma_wait3A_564 = tpu.memref_slice %arg2[%add3A_355] : memref<2097152xf32, #tpu.memory_space<hbm>> -> memref<2048xf32, #tpu.memory_space<hbm>>
    tpu.wait_dma2 semaphore(%arg9 : memref<!tpu.dma_semaphore, #tpu.memory_space<semaphore_mem>>) src(%dma_wait3A_564 : memref<2048xf32, #tpu.memory_space<hbm>>) dst(%dma_wait3A_563 : memref<2048xf32, #tpu.memory_space<vmem>>)
    %dma_wait3A_565 = arith.constant 55296 : i32
    %dma_wait3A_566 = tpu.memref_slice %arg5[%dma_wait3A_565] : memref<65536xf32, #tpu.memory_space<vmem>> -> memref<2048xf32, #tpu.memory_space<vmem>>
    %dma_wait3A_567 = tpu.memref_slice %arg2[%add3A_367] : memref<2097152xf32, #tpu.memory_space<hbm>> -> memref<2048xf32, #tpu.memory_space<hbm>>
    %dma_wait3A_568 = arith.constant 55296 : i32
    %dma_wait3A_569 = tpu.memref_slice %arg5[%dma_wait3A_568] : memref<65536xf32, #tpu.memory_space<vmem>> -> memref<2048xf32, #tpu.memory_space<vmem>>
    %dma_wait3A_570 = tpu.memref_slice %arg2[%add3A_367] : memref<2097152xf32, #tpu.memory_space<hbm>> -> memref<2048xf32, #tpu.memory_space<hbm>>
    tpu.wait_dma2 semaphore(%arg9 : memref<!tpu.dma_semaphore, #tpu.memory_space<semaphore_mem>>) src(%dma_wait3A_570 : memref<2048xf32, #tpu.memory_space<hbm>>) dst(%dma_wait3A_569 : memref<2048xf32, #tpu.memory_space<vmem>>)
    %dma_wait3A_571 = arith.constant 63488 : i32
    %dma_wait3A_572 = tpu.memref_slice %arg5[%dma_wait3A_571] : memref<65536xf32, #tpu.memory_space<vmem>> -> memref<2048xf32, #tpu.memory_space<vmem>>
    %dma_wait3A_573 = tpu.memref_slice %arg2[%add3A_379] : memref<2097152xf32, #tpu.memory_space<hbm>> -> memref<2048xf32, #tpu.memory_space<hbm>>
    %dma_wait3A_574 = arith.constant 63488 : i32
    %dma_wait3A_575 = tpu.memref_slice %arg5[%dma_wait3A_574] : memref<65536xf32, #tpu.memory_space<vmem>> -> memref<2048xf32, #tpu.memory_space<vmem>>
    %dma_wait3A_576 = tpu.memref_slice %arg2[%add3A_379] : memref<2097152xf32, #tpu.memory_space<hbm>> -> memref<2048xf32, #tpu.memory_space<hbm>>
    tpu.wait_dma2 semaphore(%arg9 : memref<!tpu.dma_semaphore, #tpu.memory_space<semaphore_mem>>) src(%dma_wait3A_576 : memref<2048xf32, #tpu.memory_space<hbm>>) dst(%dma_wait3A_575 : memref<2048xf32, #tpu.memory_space<vmem>>)
    %parallel_loop3A = arith.constant 0 : i32
    %parallel_loop3A_577 = arith.constant 64 : i32
    %parallel_loop3A_578 = arith.constant 1 : i32
    scf.for %parallel_loop3A_591 = %parallel_loop3A to %parallel_loop3A_577 step %parallel_loop3A_578  : i32 {
      %parallel_loop3A_592 = arith.constant 16 : i32
      %parallel_loop3A_593 = arith.muli %parallel_loop3A_591, %parallel_loop3A_592 : i32
      %parallel_loop3A_594 = arith.constant 7 : i32
      %parallel_loop3A_595 = arith.shrsi %parallel_loop3A_593, %parallel_loop3A_594 : i32
      %parallel_loop3A_596 = arith.constant 896 : i32
      %parallel_loop3A_597 = arith.muli %parallel_loop3A_595, %parallel_loop3A_596 : i32
      %parallel_loop3A_598 = arith.addi %parallel_loop3A_597, %parallel_loop3A_593 : i32
      %parallel_loop3A_599 = arith.constant 0 : i32
      %parallel_loop3A_600 = arith.addi %parallel_loop3A_598, %parallel_loop3A_599 : i32
      %parallel_loop3A_601 = arith.index_cast %parallel_loop3A_600 : i32 to index
      %parallel_loop3A_602 = tpu.vector_load %arg5[%parallel_loop3A_601] {strides = array<i32>} : memref<65536xf32, #tpu.memory_space<vmem>>, vector<16xf32>,
      %parallel_loop3A_603 = math.exp %parallel_loop3A_602 : vector<16xf32>
      %parallel_loop3A_604 = vector.bitcast %parallel_loop3A_603 : vector<16xf32> to vector<16xi32>
      %parallel_loop3A_605 = arith.constant -64 : i32
      %parallel_loop3A_606 = vector.broadcast %parallel_loop3A_605 : i32 to vector<16xi32>
      %parallel_loop3A_607 = arith.andi %parallel_loop3A_604, %parallel_loop3A_606 : vector<16xi32>
      %parallel_loop3A_608 = arith.constant 63 : i32
      %parallel_loop3A_609 = vector.broadcast %parallel_loop3A_608 : i32 to vector<16xi32>
      %parallel_loop3A_610 = arith.ori %parallel_loop3A_607, %parallel_loop3A_609 : vector<16xi32>
      %parallel_loop3A_611 = vector.bitcast %parallel_loop3A_610 : vector<16xi32> to vector<16xf32>
      %parallel_loop3A_612 = arith.constant 128 : i32
      %parallel_loop3A_613 = arith.addi %parallel_loop3A_598, %parallel_loop3A_612 : i32
      %parallel_loop3A_614 = arith.index_cast %parallel_loop3A_613 : i32 to index
      %parallel_loop3A_615 = tpu.vector_load %arg5[%parallel_loop3A_614] {strides = array<i32>} : memref<65536xf32, #tpu.memory_space<vmem>>, vector<16xf32>,
      %parallel_loop3A_616 = math.exp %parallel_loop3A_615 : vector<16xf32>
      %parallel_loop3A_617 = arith.addf %parallel_loop3A_603, %parallel_loop3A_616 : vector<16xf32>
      %parallel_loop3A_618 = vector.bitcast %parallel_loop3A_616 : vector<16xf32> to vector<16xi32>
      %parallel_loop3A_619 = arith.constant -64 : i32
      %parallel_loop3A_620 = vector.broadcast %parallel_loop3A_619 : i32 to vector<16xi32>
      %parallel_loop3A_621 = arith.andi %parallel_loop3A_618, %parallel_loop3A_620 : vector<16xi32>
      %parallel_loop3A_622 = arith.constant 62 : i32
      %parallel_loop3A_623 = vector.broadcast %parallel_loop3A_622 : i32 to vector<16xi32>
      %parallel_loop3A_624 = arith.ori %parallel_loop3A_621, %parallel_loop3A_623 : vector<16xi32>
      %parallel_loop3A_625 = vector.bitcast %parallel_loop3A_624 : vector<16xi32> to vector<16xf32>
      %parallel_loop3A_626 = arith.constant 256 : i32
      %parallel_loop3A_627 = arith.addi %parallel_loop3A_598, %parallel_loop3A_626 : i32
      %parallel_loop3A_628 = arith.index_cast %parallel_loop3A_627 : i32 to index
      %parallel_loop3A_629 = tpu.vector_load %arg5[%parallel_loop3A_628] {strides = array<i32>} : memref<65536xf32, #tpu.memory_space<vmem>>, vector<16xf32>,
      %parallel_loop3A_630 = math.exp %parallel_loop3A_629 : vector<16xf32>
      %parallel_loop3A_631 = arith.addf %parallel_loop3A_617, %parallel_loop3A_630 : vector<16xf32>
      %parallel_loop3A_632 = vector.bitcast %parallel_loop3A_630 : vector<16xf32> to vector<16xi32>
      %parallel_loop3A_633 = arith.constant -64 : i32
      %parallel_loop3A_634 = vector.broadcast %parallel_loop3A_633 : i32 to vector<16xi32>
      %parallel_loop3A_635 = arith.andi %parallel_loop3A_632, %parallel_loop3A_634 : vector<16xi32>
      %parallel_loop3A_636 = arith.constant 61 : i32
      %parallel_loop3A_637 = vector.broadcast %parallel_loop3A_636 : i32 to vector<16xi32>
      %parallel_loop3A_638 = arith.ori %parallel_loop3A_635, %parallel_loop3A_637 : vector<16xi32>
      %parallel_loop3A_639 = vector.bitcast %parallel_loop3A_638 : vector<16xi32> to vector<16xf32>
      %parallel_loop3A_640 = arith.constant 384 : i32
      %parallel_loop3A_641 = arith.addi %parallel_loop3A_598, %parallel_loop3A_640 : i32
      %parallel_loop3A_642 = arith.index_cast %parallel_loop3A_641 : i32 to index
      %parallel_loop3A_643 = tpu.vector_load %arg5[%parallel_loop3A_642] {strides = array<i32>} : memref<65536xf32, #tpu.memory_space<vmem>>, vector<16xf32>,
      %parallel_loop3A_644 = math.exp %parallel_loop3A_643 : vector<16xf32>
      %parallel_loop3A_645 = arith.addf %parallel_loop3A_631, %parallel_loop3A_644 : vector<16xf32>
      %parallel_loop3A_646 = vector.bitcast %parallel_loop3A_644 : vector<16xf32> to vector<16xi32>
      %parallel_loop3A_647 = arith.constant -64 : i32
      %parallel_loop3A_648 = vector.broadcast %parallel_loop3A_647 : i32 to vector<16xi32>
      %parallel_loop3A_649 = arith.andi %parallel_loop3A_646, %parallel_loop3A_648 : vector<16xi32>
      %parallel_loop3A_650 = arith.constant 60 : i32
      %parallel_loop3A_651 = vector.broadcast %parallel_loop3A_650 : i32 to vector<16xi32>
      %parallel_loop3A_652 = arith.ori %parallel_loop3A_649, %parallel_loop3A_651 : vector<16xi32>
      %parallel_loop3A_653 = vector.bitcast %parallel_loop3A_652 : vector<16xi32> to vector<16xf32>
      %parallel_loop3A_654 = arith.constant 512 : i32
      %parallel_loop3A_655 = arith.addi %parallel_loop3A_598, %parallel_loop3A_654 : i32
      %parallel_loop3A_656 = arith.index_cast %parallel_loop3A_655 : i32 to index
      %parallel_loop3A_657 = tpu.vector_load %arg5[%parallel_loop3A_656] {strides = array<i32>} : memref<65536xf32, #tpu.memory_space<vmem>>, vector<16xf32>,
      %parallel_loop3A_658 = math.exp %parallel_loop3A_657 : vector<16xf32>
      %parallel_loop3A_659 = arith.addf %parallel_loop3A_645, %parallel_loop3A_658 : vector<16xf32>
      %parallel_loop3A_660 = vector.bitcast %parallel_loop3A_658 : vector<16xf32> to vector<16xi32>
      %parallel_loop3A_661 = arith.constant -64 : i32
      %parallel_loop3A_662 = vector.broadcast %parallel_loop3A_661 : i32 to vector<16xi32>
      %parallel_loop3A_663 = arith.andi %parallel_loop3A_660, %parallel_loop3A_662 : vector<16xi32>
      %parallel_loop3A_664 = arith.constant 59 : i32
      %parallel_loop3A_665 = vector.broadcast %parallel_loop3A_664 : i32 to vector<16xi32>
      %parallel_loop3A_666 = arith.ori %parallel_loop3A_663, %parallel_loop3A_665 : vector<16xi32>
      %parallel_loop3A_667 = vector.bitcast %parallel_loop3A_666 : vector<16xi32> to vector<16xf32>
      %parallel_loop3A_668 = arith.constant 640 : i32
      %parallel_loop3A_669 = arith.addi %parallel_loop3A_598, %parallel_loop3A_668 : i32
      %parallel_loop3A_670 = arith.index_cast %parallel_loop3A_669 : i32 to index
      %parallel_loop3A_671 = tpu.vector_load %arg5[%parallel_loop3A_670] {strides = array<i32>} : memref<65536xf32, #tpu.memory_space<vmem>>, vector<16xf32>,
      %parallel_loop3A_672 = math.exp %parallel_loop3A_671 : vector<16xf32>
      %parallel_loop3A_673 = arith.addf %parallel_loop3A_659, %parallel_loop3A_672 : vector<16xf32>
      %parallel_loop3A_674 = vector.bitcast %parallel_loop3A_672 : vector<16xf32> to vector<16xi32>
      %parallel_loop3A_675 = arith.constant -64 : i32
      %parallel_loop3A_676 = vector.broadcast %parallel_loop3A_675 : i32 to vector<16xi32>
      %parallel_loop3A_677 = arith.andi %parallel_loop3A_674, %parallel_loop3A_676 : vector<16xi32>
      %parallel_loop3A_678 = arith.constant 58 : i32
      %parallel_loop3A_679 = vector.broadcast %parallel_loop3A_678 : i32 to vector<16xi32>
      %parallel_loop3A_680 = arith.ori %parallel_loop3A_677, %parallel_loop3A_679 : vector<16xi32>
      %parallel_loop3A_681 = vector.bitcast %parallel_loop3A_680 : vector<16xi32> to vector<16xf32>
      %parallel_loop3A_682 = arith.constant 768 : i32
      %parallel_loop3A_683 = arith.addi %parallel_loop3A_598, %parallel_loop3A_682 : i32
      %parallel_loop3A_684 = arith.index_cast %parallel_loop3A_683 : i32 to index
      %parallel_loop3A_685 = tpu.vector_load %arg5[%parallel_loop3A_684] {strides = array<i32>} : memref<65536xf32, #tpu.memory_space<vmem>>, vector<16xf32>,
      %parallel_loop3A_686 = math.exp %parallel_loop3A_685 : vector<16xf32>
      %parallel_loop3A_687 = arith.addf %parallel_loop3A_673, %parallel_loop3A_686 : vector<16xf32>
      %parallel_loop3A_688 = vector.bitcast %parallel_loop3A_686 : vector<16xf32> to vector<16xi32>
      %parallel_loop3A_689 = arith.constant -64 : i32
      %parallel_loop3A_690 = vector.broadcast %parallel_loop3A_689 : i32 to vector<16xi32>
      %parallel_loop3A_691 = arith.andi %parallel_loop3A_688, %parallel_loop3A_690 : vector<16xi32>
      %parallel_loop3A_692 = arith.constant 57 : i32
      %parallel_loop3A_693 = vector.broadcast %parallel_loop3A_692 : i32 to vector<16xi32>
      %parallel_loop3A_694 = arith.ori %parallel_loop3A_691, %parallel_loop3A_693 : vector<16xi32>
      %parallel_loop3A_695 = vector.bitcast %parallel_loop3A_694 : vector<16xi32> to vector<16xf32>
      %parallel_loop3A_696 = arith.constant 896 : i32
      %parallel_loop3A_697 = arith.addi %parallel_loop3A_598, %parallel_loop3A_696 : i32
      %parallel_loop3A_698 = arith.index_cast %parallel_loop3A_697 : i32 to index
      %parallel_loop3A_699 = tpu.vector_load %arg5[%parallel_loop3A_698] {strides = array<i32>} : memref<65536xf32, #tpu.memory_space<vmem>>, vector<16xf32>,
      %parallel_loop3A_700 = math.exp %parallel_loop3A_699 : vector<16xf32>
      %parallel_loop3A_701 = arith.addf %parallel_loop3A_687, %parallel_loop3A_700 : vector<16xf32>
      %parallel_loop3A_702 = vector.bitcast %parallel_loop3A_700 : vector<16xf32> to vector<16xi32>
      %parallel_loop3A_703 = arith.constant -64 : i32
      %parallel_loop3A_704 = vector.broadcast %parallel_loop3A_703 : i32 to vector<16xi32>
      %parallel_loop3A_705 = arith.andi %parallel_loop3A_702, %parallel_loop3A_704 : vector<16xi32>
      %parallel_loop3A_706 = arith.constant 56 : i32
      %parallel_loop3A_707 = vector.broadcast %parallel_loop3A_706 : i32 to vector<16xi32>
      %parallel_loop3A_708 = arith.ori %parallel_loop3A_705, %parallel_loop3A_707 : vector<16xi32>
      %parallel_loop3A_709 = vector.bitcast %parallel_loop3A_708 : vector<16xi32> to vector<16xf32>
      %parallel_loop3A_710 = arith.constant 8192 : i32
      %parallel_loop3A_711 = arith.addi %parallel_loop3A_598, %parallel_loop3A_710 : i32
      %parallel_loop3A_712 = arith.index_cast %parallel_loop3A_711 : i32 to index
      %parallel_loop3A_713 = tpu.vector_load %arg5[%parallel_loop3A_712] {strides = array<i32>} : memref<65536xf32, #tpu.memory_space<vmem>>, vector<16xf32>,
      %parallel_loop3A_714 = math.exp %parallel_loop3A_713 : vector<16xf32>
      %parallel_loop3A_715 = arith.addf %parallel_loop3A_701, %parallel_loop3A_714 : vector<16xf32>
      %parallel_loop3A_716 = vector.bitcast %parallel_loop3A_714 : vector<16xf32> to vector<16xi32>
      %parallel_loop3A_717 = arith.constant -64 : i32
      %parallel_loop3A_718 = vector.broadcast %parallel_loop3A_717 : i32 to vector<16xi32>
      %parallel_loop3A_719 = arith.andi %parallel_loop3A_716, %parallel_loop3A_718 : vector<16xi32>
      %parallel_loop3A_720 = arith.constant 55 : i32
      %parallel_loop3A_721 = vector.broadcast %parallel_loop3A_720 : i32 to vector<16xi32>
      %parallel_loop3A_722 = arith.ori %parallel_loop3A_719, %parallel_loop3A_721 : vector<16xi32>
      %parallel_loop3A_723 = vector.bitcast %parallel_loop3A_722 : vector<16xi32> to vector<16xf32>
      %parallel_loop3A_724 = arith.constant 8320 : i32
      %parallel_loop3A_725 = arith.addi %parallel_loop3A_598, %parallel_loop3A_724 : i32
      %parallel_loop3A_726 = arith.index_cast %parallel_loop3A_725 : i32 to index
      %parallel_loop3A_727 = tpu.vector_load %arg5[%parallel_loop3A_726] {strides = array<i32>} : memref<65536xf32, #tpu.memory_space<vmem>>, vector<16xf32>,
      %parallel_loop3A_728 = math.exp %parallel_loop3A_727 : vector<16xf32>
      %parallel_loop3A_729 = arith.addf %parallel_loop3A_715, %parallel_loop3A_728 : vector<16xf32>
      %parallel_loop3A_730 = vector.bitcast %parallel_loop3A_728 : vector<16xf32> to vector<16xi32>
      %parallel_loop3A_731 = arith.constant -64 : i32
      %parallel_loop3A_732 = vector.broadcast %parallel_loop3A_731 : i32 to vector<16xi32>
      %parallel_loop3A_733 = arith.andi %parallel_loop3A_730, %parallel_loop3A_732 : vector<16xi32>
      %parallel_loop3A_734 = arith.constant 54 : i32
      %parallel_loop3A_735 = vector.broadcast %parallel_loop3A_734 : i32 to vector<16xi32>
      %parallel_loop3A_736 = arith.ori %parallel_loop3A_733, %parallel_loop3A_735 : vector<16xi32>
      %parallel_loop3A_737 = vector.bitcast %parallel_loop3A_736 : vector<16xi32> to vector<16xf32>
      %parallel_loop3A_738 = arith.constant 8448 : i32
      %parallel_loop3A_739 = arith.addi %parallel_loop3A_598, %parallel_loop3A_738 : i32
      %parallel_loop3A_740 = arith.index_cast %parallel_loop3A_739 : i32 to index
      %parallel_loop3A_741 = tpu.vector_load %arg5[%parallel_loop3A_740] {strides = array<i32>} : memref<65536xf32, #tpu.memory_space<vmem>>, vector<16xf32>,
      %parallel_loop3A_742 = math.exp %parallel_loop3A_741 : vector<16xf32>
      %parallel_loop3A_743 = arith.addf %parallel_loop3A_729, %parallel_loop3A_742 : vector<16xf32>
      %parallel_loop3A_744 = vector.bitcast %parallel_loop3A_742 : vector<16xf32> to vector<16xi32>
      %parallel_loop3A_745 = arith.constant -64 : i32
      %parallel_loop3A_746 = vector.broadcast %parallel_loop3A_745 : i32 to vector<16xi32>
      %parallel_loop3A_747 = arith.andi %parallel_loop3A_744, %parallel_loop3A_746 : vector<16xi32>
      %parallel_loop3A_748 = arith.constant 53 : i32
      %parallel_loop3A_749 = vector.broadcast %parallel_loop3A_748 : i32 to vector<16xi32>
      %parallel_loop3A_750 = arith.ori %parallel_loop3A_747, %parallel_loop3A_749 : vector<16xi32>
      %parallel_loop3A_751 = vector.bitcast %parallel_loop3A_750 : vector<16xi32> to vector<16xf32>
      %parallel_loop3A_752 = arith.constant 8576 : i32
      %parallel_loop3A_753 = arith.addi %parallel_loop3A_598, %parallel_loop3A_752 : i32
      %parallel_loop3A_754 = arith.index_cast %parallel_loop3A_753 : i32 to index
      %parallel_loop3A_755 = tpu.vector_load %arg5[%parallel_loop3A_754] {strides = array<i32>} : memref<65536xf32, #tpu.memory_space<vmem>>, vector<16xf32>,
      %parallel_loop3A_756 = math.exp %parallel_loop3A_755 : vector<16xf32>
      %parallel_loop3A_757 = arith.addf %parallel_loop3A_743, %parallel_loop3A_756 : vector<16xf32>
      %parallel_loop3A_758 = vector.bitcast %parallel_loop3A_756 : vector<16xf32> to vector<16xi32>
      %parallel_loop3A_759 = arith.constant -64 : i32
      %parallel_loop3A_760 = vector.broadcast %parallel_loop3A_759 : i32 to vector<16xi32>
      %parallel_loop3A_761 = arith.andi %parallel_loop3A_758, %parallel_loop3A_760 : vector<16xi32>
      %parallel_loop3A_762 = arith.constant 52 : i32
      %parallel_loop3A_763 = vector.broadcast %parallel_loop3A_762 : i32 to vector<16xi32>
      %parallel_loop3A_764 = arith.ori %parallel_loop3A_761, %parallel_loop3A_763 : vector<16xi32>
      %parallel_loop3A_765 = vector.bitcast %parallel_loop3A_764 : vector<16xi32> to vector<16xf32>
      %parallel_loop3A_766 = arith.constant 8704 : i32
      %parallel_loop3A_767 = arith.addi %parallel_loop3A_598, %parallel_loop3A_766 : i32
      %parallel_loop3A_768 = arith.index_cast %parallel_loop3A_767 : i32 to index
      %parallel_loop3A_769 = tpu.vector_load %arg5[%parallel_loop3A_768] {strides = array<i32>} : memref<65536xf32, #tpu.memory_space<vmem>>, vector<16xf32>,
      %parallel_loop3A_770 = math.exp %parallel_loop3A_769 : vector<16xf32>
      %parallel_loop3A_771 = arith.addf %parallel_loop3A_757, %parallel_loop3A_770 : vector<16xf32>
      %parallel_loop3A_772 = vector.bitcast %parallel_loop3A_770 : vector<16xf32> to vector<16xi32>
      %parallel_loop3A_773 = arith.constant -64 : i32
      %parallel_loop3A_774 = vector.broadcast %parallel_loop3A_773 : i32 to vector<16xi32>
      %parallel_loop3A_775 = arith.andi %parallel_loop3A_772, %parallel_loop3A_774 : vector<16xi32>
      %parallel_loop3A_776 = arith.constant 51 : i32
      %parallel_loop3A_777 = vector.broadcast %parallel_loop3A_776 : i32 to vector<16xi32>
      %parallel_loop3A_778 = arith.ori %parallel_loop3A_775, %parallel_loop3A_777 : vector<16xi32>
      %parallel_loop3A_779 = vector.bitcast %parallel_loop3A_778 : vector<16xi32> to vector<16xf32>
      %parallel_loop3A_780 = arith.constant 8832 : i32
      %parallel_loop3A_781 = arith.addi %parallel_loop3A_598, %parallel_loop3A_780 : i32
      %parallel_loop3A_782 = arith.index_cast %parallel_loop3A_781 : i32 to index
      %parallel_loop3A_783 = tpu.vector_load %arg5[%parallel_loop3A_782] {strides = array<i32>} : memref<65536xf32, #tpu.memory_space<vmem>>, vector<16xf32>,
      %parallel_loop3A_784 = math.exp %parallel_loop3A_783 : vector<16xf32>
      %parallel_loop3A_785 = arith.addf %parallel_loop3A_771, %parallel_loop3A_784 : vector<16xf32>
      %parallel_loop3A_786 = vector.bitcast %parallel_loop3A_784 : vector<16xf32> to vector<16xi32>
      %parallel_loop3A_787 = arith.constant -64 : i32
      %parallel_loop3A_788 = vector.broadcast %parallel_loop3A_787 : i32 to vector<16xi32>
      %parallel_loop3A_789 = arith.andi %parallel_loop3A_786, %parallel_loop3A_788 : vector<16xi32>
      %parallel_loop3A_790 = arith.constant 50 : i32
      %parallel_loop3A_791 = vector.broadcast %parallel_loop3A_790 : i32 to vector<16xi32>
      %parallel_loop3A_792 = arith.ori %parallel_loop3A_789, %parallel_loop3A_791 : vector<16xi32>
      %parallel_loop3A_793 = vector.bitcast %parallel_loop3A_792 : vector<16xi32> to vector<16xf32>
      %parallel_loop3A_794 = arith.constant 8960 : i32
      %parallel_loop3A_795 = arith.addi %parallel_loop3A_598, %parallel_loop3A_794 : i32
      %parallel_loop3A_796 = arith.index_cast %parallel_loop3A_795 : i32 to index
      %parallel_loop3A_797 = tpu.vector_load %arg5[%parallel_loop3A_796] {strides = array<i32>} : memref<65536xf32, #tpu.memory_space<vmem>>, vector<16xf32>,
      %parallel_loop3A_798 = math.exp %parallel_loop3A_797 : vector<16xf32>
      %parallel_loop3A_799 = arith.addf %parallel_loop3A_785, %parallel_loop3A_798 : vector<16xf32>
      %parallel_loop3A_800 = vector.bitcast %parallel_loop3A_798 : vector<16xf32> to vector<16xi32>
      %parallel_loop3A_801 = arith.constant -64 : i32
      %parallel_loop3A_802 = vector.broadcast %parallel_loop3A_801 : i32 to vector<16xi32>
      %parallel_loop3A_803 = arith.andi %parallel_loop3A_800, %parallel_loop3A_802 : vector<16xi32>
      %parallel_loop3A_804 = arith.constant 49 : i32
      %parallel_loop3A_805 = vector.broadcast %parallel_loop3A_804 : i32 to vector<16xi32>
      %parallel_loop3A_806 = arith.ori %parallel_loop3A_803, %parallel_loop3A_805 : vector<16xi32>
      %parallel_loop3A_807 = vector.bitcast %parallel_loop3A_806 : vector<16xi32> to vector<16xf32>
      %parallel_loop3A_808 = arith.constant 9088 : i32
      %parallel_loop3A_809 = arith.addi %parallel_loop3A_598, %parallel_loop3A_808 : i32
      %parallel_loop3A_810 = arith.index_cast %parallel_loop3A_809 : i32 to index
      %parallel_loop3A_811 = tpu.vector_load %arg5[%parallel_loop3A_810] {strides = array<i32>} : memref<65536xf32, #tpu.memory_space<vmem>>, vector<16xf32>,
      %parallel_loop3A_812 = math.exp %parallel_loop3A_811 : vector<16xf32>
      %parallel_loop3A_813 = arith.addf %parallel_loop3A_799, %parallel_loop3A_812 : vector<16xf32>
      %parallel_loop3A_814 = vector.bitcast %parallel_loop3A_812 : vector<16xf32> to vector<16xi32>
      %parallel_loop3A_815 = arith.constant -64 : i32
      %parallel_loop3A_816 = vector.broadcast %parallel_loop3A_815 : i32 to vector<16xi32>
      %parallel_loop3A_817 = arith.andi %parallel_loop3A_814, %parallel_loop3A_816 : vector<16xi32>
      %parallel_loop3A_818 = arith.constant 48 : i32
      %parallel_loop3A_819 = vector.broadcast %parallel_loop3A_818 : i32 to vector<16xi32>
      %parallel_loop3A_820 = arith.ori %parallel_loop3A_817, %parallel_loop3A_819 : vector<16xi32>
      %parallel_loop3A_821 = vector.bitcast %parallel_loop3A_820 : vector<16xi32> to vector<16xf32>
      %parallel_loop3A_822 = arith.constant 16384 : i32
      %parallel_loop3A_823 = arith.addi %parallel_loop3A_598, %parallel_loop3A_822 : i32
      %parallel_loop3A_824 = arith.index_cast %parallel_loop3A_823 : i32 to index
      %parallel_loop3A_825 = tpu.vector_load %arg5[%parallel_loop3A_824] {strides = array<i32>} : memref<65536xf32, #tpu.memory_space<vmem>>, vector<16xf32>,
      %parallel_loop3A_826 = math.exp %parallel_loop3A_825 : vector<16xf32>
      %parallel_loop3A_827 = arith.addf %parallel_loop3A_813, %parallel_loop3A_826 : vector<16xf32>
      %parallel_loop3A_828 = vector.bitcast %parallel_loop3A_826 : vector<16xf32> to vector<16xi32>
      %parallel_loop3A_829 = arith.constant -64 : i32
      %parallel_loop3A_830 = vector.broadcast %parallel_loop3A_829 : i32 to vector<16xi32>
      %parallel_loop3A_831 = arith.andi %parallel_loop3A_828, %parallel_loop3A_830 : vector<16xi32>
      %parallel_loop3A_832 = arith.constant 47 : i32
      %parallel_loop3A_833 = vector.broadcast %parallel_loop3A_832 : i32 to vector<16xi32>
      %parallel_loop3A_834 = arith.ori %parallel_loop3A_831, %parallel_loop3A_833 : vector<16xi32>
      %parallel_loop3A_835 = vector.bitcast %parallel_loop3A_834 : vector<16xi32> to vector<16xf32>
      %parallel_loop3A_836 = arith.constant 16512 : i32
      %parallel_loop3A_837 = arith.addi %parallel_loop3A_598, %parallel_loop3A_836 : i32
      %parallel_loop3A_838 = arith.index_cast %parallel_loop3A_837 : i32 to index
      %parallel_loop3A_839 = tpu.vector_load %arg5[%parallel_loop3A_838] {strides = array<i32>} : memref<65536xf32, #tpu.memory_space<vmem>>, vector<16xf32>,
      %parallel_loop3A_840 = math.exp %parallel_loop3A_839 : vector<16xf32>
      %parallel_loop3A_841 = arith.addf %parallel_loop3A_827, %parallel_loop3A_840 : vector<16xf32>
      %parallel_loop3A_842 = vector.bitcast %parallel_loop3A_840 : vector<16xf32> to vector<16xi32>
      %parallel_loop3A_843 = arith.constant -64 : i32
      %parallel_loop3A_844 = vector.broadcast %parallel_loop3A_843 : i32 to vector<16xi32>
      %parallel_loop3A_845 = arith.andi %parallel_loop3A_842, %parallel_loop3A_844 : vector<16xi32>
      %parallel_loop3A_846 = arith.constant 46 : i32
      %parallel_loop3A_847 = vector.broadcast %parallel_loop3A_846 : i32 to vector<16xi32>
      %parallel_loop3A_848 = arith.ori %parallel_loop3A_845, %parallel_loop3A_847 : vector<16xi32>
      %parallel_loop3A_849 = vector.bitcast %parallel_loop3A_848 : vector<16xi32> to vector<16xf32>
      %parallel_loop3A_850 = arith.constant 16640 : i32
      %parallel_loop3A_851 = arith.addi %parallel_loop3A_598, %parallel_loop3A_850 : i32
      %parallel_loop3A_852 = arith.index_cast %parallel_loop3A_851 : i32 to index
      %parallel_loop3A_853 = tpu.vector_load %arg5[%parallel_loop3A_852] {strides = array<i32>} : memref<65536xf32, #tpu.memory_space<vmem>>, vector<16xf32>,
      %parallel_loop3A_854 = math.exp %parallel_loop3A_853 : vector<16xf32>
      %parallel_loop3A_855 = arith.addf %parallel_loop3A_841, %parallel_loop3A_854 : vector<16xf32>
      %parallel_loop3A_856 = vector.bitcast %parallel_loop3A_854 : vector<16xf32> to vector<16xi32>
      %parallel_loop3A_857 = arith.constant -64 : i32
      %parallel_loop3A_858 = vector.broadcast %parallel_loop3A_857 : i32 to vector<16xi32>
      %parallel_loop3A_859 = arith.andi %parallel_loop3A_856, %parallel_loop3A_858 : vector<16xi32>
      %parallel_loop3A_860 = arith.constant 45 : i32
      %parallel_loop3A_861 = vector.broadcast %parallel_loop3A_860 : i32 to vector<16xi32>
      %parallel_loop3A_862 = arith.ori %parallel_loop3A_859, %parallel_loop3A_861 : vector<16xi32>
      %parallel_loop3A_863 = vector.bitcast %parallel_loop3A_862 : vector<16xi32> to vector<16xf32>
      %parallel_loop3A_864 = arith.constant 16768 : i32
      %parallel_loop3A_865 = arith.addi %parallel_loop3A_598, %parallel_loop3A_864 : i32
      %parallel_loop3A_866 = arith.index_cast %parallel_loop3A_865 : i32 to index
      %parallel_loop3A_867 = tpu.vector_load %arg5[%parallel_loop3A_866] {strides = array<i32>} : memref<65536xf32, #tpu.memory_space<vmem>>, vector<16xf32>,
      %parallel_loop3A_868 = math.exp %parallel_loop3A_867 : vector<16xf32>
      %parallel_loop3A_869 = arith.addf %parallel_loop3A_855, %parallel_loop3A_868 : vector<16xf32>
      %parallel_loop3A_870 = vector.bitcast %parallel_loop3A_868 : vector<16xf32> to vector<16xi32>
      %parallel_loop3A_871 = arith.constant -64 : i32
      %parallel_loop3A_872 = vector.broadcast %parallel_loop3A_871 : i32 to vector<16xi32>
      %parallel_loop3A_873 = arith.andi %parallel_loop3A_870, %parallel_loop3A_872 : vector<16xi32>
      %parallel_loop3A_874 = arith.constant 44 : i32
      %parallel_loop3A_875 = vector.broadcast %parallel_loop3A_874 : i32 to vector<16xi32>
      %parallel_loop3A_876 = arith.ori %parallel_loop3A_873, %parallel_loop3A_875 : vector<16xi32>
      %parallel_loop3A_877 = vector.bitcast %parallel_loop3A_876 : vector<16xi32> to vector<16xf32>
      %parallel_loop3A_878 = arith.constant 16896 : i32
      %parallel_loop3A_879 = arith.addi %parallel_loop3A_598, %parallel_loop3A_878 : i32
      %parallel_loop3A_880 = arith.index_cast %parallel_loop3A_879 : i32 to index
      %parallel_loop3A_881 = tpu.vector_load %arg5[%parallel_loop3A_880] {strides = array<i32>} : memref<65536xf32, #tpu.memory_space<vmem>>, vector<16xf32>,
      %parallel_loop3A_882 = math.exp %parallel_loop3A_881 : vector<16xf32>
      %parallel_loop3A_883 = arith.addf %parallel_loop3A_869, %parallel_loop3A_882 : vector<16xf32>
      %parallel_loop3A_884 = vector.bitcast %parallel_loop3A_882 : vector<16xf32> to vector<16xi32>
      %parallel_loop3A_885 = arith.constant -64 : i32
      %parallel_loop3A_886 = vector.broadcast %parallel_loop3A_885 : i32 to vector<16xi32>
      %parallel_loop3A_887 = arith.andi %parallel_loop3A_884, %parallel_loop3A_886 : vector<16xi32>
      %parallel_loop3A_888 = arith.constant 43 : i32
      %parallel_loop3A_889 = vector.broadcast %parallel_loop3A_888 : i32 to vector<16xi32>
      %parallel_loop3A_890 = arith.ori %parallel_loop3A_887, %parallel_loop3A_889 : vector<16xi32>
      %parallel_loop3A_891 = vector.bitcast %parallel_loop3A_890 : vector<16xi32> to vector<16xf32>
      %parallel_loop3A_892 = arith.constant 17024 : i32
      %parallel_loop3A_893 = arith.addi %parallel_loop3A_598, %parallel_loop3A_892 : i32
      %parallel_loop3A_894 = arith.index_cast %parallel_loop3A_893 : i32 to index
      %parallel_loop3A_895 = tpu.vector_load %arg5[%parallel_loop3A_894] {strides = array<i32>} : memref<65536xf32, #tpu.memory_space<vmem>>, vector<16xf32>,
      %parallel_loop3A_896 = math.exp %parallel_loop3A_895 : vector<16xf32>
      %parallel_loop3A_897 = arith.addf %parallel_loop3A_883, %parallel_loop3A_896 : vector<16xf32>
      %parallel_loop3A_898 = vector.bitcast %parallel_loop3A_896 : vector<16xf32> to vector<16xi32>
      %parallel_loop3A_899 = arith.constant -64 : i32
      %parallel_loop3A_900 = vector.broadcast %parallel_loop3A_899 : i32 to vector<16xi32>
      %parallel_loop3A_901 = arith.andi %parallel_loop3A_898, %parallel_loop3A_900 : vector<16xi32>
      %parallel_loop3A_902 = arith.constant 42 : i32
      %parallel_loop3A_903 = vector.broadcast %parallel_loop3A_902 : i32 to vector<16xi32>
      %parallel_loop3A_904 = arith.ori %parallel_loop3A_901, %parallel_loop3A_903 : vector<16xi32>
      %parallel_loop3A_905 = vector.bitcast %parallel_loop3A_904 : vector<16xi32> to vector<16xf32>
      %parallel_loop3A_906 = arith.constant 17152 : i32
      %parallel_loop3A_907 = arith.addi %parallel_loop3A_598, %parallel_loop3A_906 : i32
      %parallel_loop3A_908 = arith.index_cast %parallel_loop3A_907 : i32 to index
      %parallel_loop3A_909 = tpu.vector_load %arg5[%parallel_loop3A_908] {strides = array<i32>} : memref<65536xf32, #tpu.memory_space<vmem>>, vector<16xf32>,
      %parallel_loop3A_910 = math.exp %parallel_loop3A_909 : vector<16xf32>
      %parallel_loop3A_911 = arith.addf %parallel_loop3A_897, %parallel_loop3A_910 : vector<16xf32>
      %parallel_loop3A_912 = vector.bitcast %parallel_loop3A_910 : vector<16xf32> to vector<16xi32>
      %parallel_loop3A_913 = arith.constant -64 : i32
      %parallel_loop3A_914 = vector.broadcast %parallel_loop3A_913 : i32 to vector<16xi32>
      %parallel_loop3A_915 = arith.andi %parallel_loop3A_912, %parallel_loop3A_914 : vector<16xi32>
      %parallel_loop3A_916 = arith.constant 41 : i32
      %parallel_loop3A_917 = vector.broadcast %parallel_loop3A_916 : i32 to vector<16xi32>
      %parallel_loop3A_918 = arith.ori %parallel_loop3A_915, %parallel_loop3A_917 : vector<16xi32>
      %parallel_loop3A_919 = vector.bitcast %parallel_loop3A_918 : vector<16xi32> to vector<16xf32>
      %parallel_loop3A_920 = arith.constant 17280 : i32
      %parallel_loop3A_921 = arith.addi %parallel_loop3A_598, %parallel_loop3A_920 : i32
      %parallel_loop3A_922 = arith.index_cast %parallel_loop3A_921 : i32 to index
      %parallel_loop3A_923 = tpu.vector_load %arg5[%parallel_loop3A_922] {strides = array<i32>} : memref<65536xf32, #tpu.memory_space<vmem>>, vector<16xf32>,
      %parallel_loop3A_924 = math.exp %parallel_loop3A_923 : vector<16xf32>
      %parallel_loop3A_925 = arith.addf %parallel_loop3A_911, %parallel_loop3A_924 : vector<16xf32>
      %parallel_loop3A_926 = vector.bitcast %parallel_loop3A_924 : vector<16xf32> to vector<16xi32>
      %parallel_loop3A_927 = arith.constant -64 : i32
      %parallel_loop3A_928 = vector.broadcast %parallel_loop3A_927 : i32 to vector<16xi32>
      %parallel_loop3A_929 = arith.andi %parallel_loop3A_926, %parallel_loop3A_928 : vector<16xi32>
      %parallel_loop3A_930 = arith.constant 40 : i32
      %parallel_loop3A_931 = vector.broadcast %parallel_loop3A_930 : i32 to vector<16xi32>
      %parallel_loop3A_932 = arith.ori %parallel_loop3A_929, %parallel_loop3A_931 : vector<16xi32>
      %parallel_loop3A_933 = vector.bitcast %parallel_loop3A_932 : vector<16xi32> to vector<16xf32>
      %parallel_loop3A_934 = arith.constant 24576 : i32
      %parallel_loop3A_935 = arith.addi %parallel_loop3A_598, %parallel_loop3A_934 : i32
      %parallel_loop3A_936 = arith.index_cast %parallel_loop3A_935 : i32 to index
      %parallel_loop3A_937 = tpu.vector_load %arg5[%parallel_loop3A_936] {strides = array<i32>} : memref<65536xf32, #tpu.memory_space<vmem>>, vector<16xf32>,
      %parallel_loop3A_938 = math.exp %parallel_loop3A_937 : vector<16xf32>
      %parallel_loop3A_939 = arith.addf %parallel_loop3A_925, %parallel_loop3A_938 : vector<16xf32>
      %parallel_loop3A_940 = vector.bitcast %parallel_loop3A_938 : vector<16xf32> to vector<16xi32>
      %parallel_loop3A_941 = arith.constant -64 : i32
      %parallel_loop3A_942 = vector.broadcast %parallel_loop3A_941 : i32 to vector<16xi32>
      %parallel_loop3A_943 = arith.andi %parallel_loop3A_940, %parallel_loop3A_942 : vector<16xi32>
      %parallel_loop3A_944 = arith.constant 39 : i32
      %parallel_loop3A_945 = vector.broadcast %parallel_loop3A_944 : i32 to vector<16xi32>
      %parallel_loop3A_946 = arith.ori %parallel_loop3A_943, %parallel_loop3A_945 : vector<16xi32>
      %parallel_loop3A_947 = vector.bitcast %parallel_loop3A_946 : vector<16xi32> to vector<16xf32>
      %parallel_loop3A_948 = arith.constant 24704 : i32
      %parallel_loop3A_949 = arith.addi %parallel_loop3A_598, %parallel_loop3A_948 : i32
      %parallel_loop3A_950 = arith.index_cast %parallel_loop3A_949 : i32 to index
      %parallel_loop3A_951 = tpu.vector_load %arg5[%parallel_loop3A_950] {strides = array<i32>} : memref<65536xf32, #tpu.memory_space<vmem>>, vector<16xf32>,
      %parallel_loop3A_952 = math.exp %parallel_loop3A_951 : vector<16xf32>
      %parallel_loop3A_953 = arith.addf %parallel_loop3A_939, %parallel_loop3A_952 : vector<16xf32>
      %parallel_loop3A_954 = vector.bitcast %parallel_loop3A_952 : vector<16xf32> to vector<16xi32>
      %parallel_loop3A_955 = arith.constant -64 : i32
      %parallel_loop3A_956 = vector.broadcast %parallel_loop3A_955 : i32 to vector<16xi32>
      %parallel_loop3A_957 = arith.andi %parallel_loop3A_954, %parallel_loop3A_956 : vector<16xi32>
      %parallel_loop3A_958 = arith.constant 38 : i32
      %parallel_loop3A_959 = vector.broadcast %parallel_loop3A_958 : i32 to vector<16xi32>
      %parallel_loop3A_960 = arith.ori %parallel_loop3A_957, %parallel_loop3A_959 : vector<16xi32>
      %parallel_loop3A_961 = vector.bitcast %parallel_loop3A_960 : vector<16xi32> to vector<16xf32>
      %parallel_loop3A_962 = arith.constant 24832 : i32
      %parallel_loop3A_963 = arith.addi %parallel_loop3A_598, %parallel_loop3A_962 : i32
      %parallel_loop3A_964 = arith.index_cast %parallel_loop3A_963 : i32 to index
      %parallel_loop3A_965 = tpu.vector_load %arg5[%parallel_loop3A_964] {strides = array<i32>} : memref<65536xf32, #tpu.memory_space<vmem>>, vector<16xf32>,
      %parallel_loop3A_966 = math.exp %parallel_loop3A_965 : vector<16xf32>
      %parallel_loop3A_967 = arith.addf %parallel_loop3A_953, %parallel_loop3A_966 : vector<16xf32>
      %parallel_loop3A_968 = vector.bitcast %parallel_loop3A_966 : vector<16xf32> to vector<16xi32>
      %parallel_loop3A_969 = arith.constant -64 : i32
      %parallel_loop3A_970 = vector.broadcast %parallel_loop3A_969 : i32 to vector<16xi32>
      %parallel_loop3A_971 = arith.andi %parallel_loop3A_968, %parallel_loop3A_970 : vector<16xi32>
      %parallel_loop3A_972 = arith.constant 37 : i32
      %parallel_loop3A_973 = vector.broadcast %parallel_loop3A_972 : i32 to vector<16xi32>
      %parallel_loop3A_974 = arith.ori %parallel_loop3A_971, %parallel_loop3A_973 : vector<16xi32>
      %parallel_loop3A_975 = vector.bitcast %parallel_loop3A_974 : vector<16xi32> to vector<16xf32>
      %parallel_loop3A_976 = arith.constant 24960 : i32
      %parallel_loop3A_977 = arith.addi %parallel_loop3A_598, %parallel_loop3A_976 : i32
      %parallel_loop3A_978 = arith.index_cast %parallel_loop3A_977 : i32 to index
      %parallel_loop3A_979 = tpu.vector_load %arg5[%parallel_loop3A_978] {strides = array<i32>} : memref<65536xf32, #tpu.memory_space<vmem>>, vector<16xf32>,
      %parallel_loop3A_980 = math.exp %parallel_loop3A_979 : vector<16xf32>
      %parallel_loop3A_981 = arith.addf %parallel_loop3A_967, %parallel_loop3A_980 : vector<16xf32>
      %parallel_loop3A_982 = vector.bitcast %parallel_loop3A_980 : vector<16xf32> to vector<16xi32>
      %parallel_loop3A_983 = arith.constant -64 : i32
      %parallel_loop3A_984 = vector.broadcast %parallel_loop3A_983 : i32 to vector<16xi32>
      %parallel_loop3A_985 = arith.andi %parallel_loop3A_982, %parallel_loop3A_984 : vector<16xi32>
      %parallel_loop3A_986 = arith.constant 36 : i32
      %parallel_loop3A_987 = vector.broadcast %parallel_loop3A_986 : i32 to vector<16xi32>
      %parallel_loop3A_988 = arith.ori %parallel_loop3A_985, %parallel_loop3A_987 : vector<16xi32>
      %parallel_loop3A_989 = vector.bitcast %parallel_loop3A_988 : vector<16xi32> to vector<16xf32>
      %parallel_loop3A_990 = arith.constant 25088 : i32
      %parallel_loop3A_991 = arith.addi %parallel_loop3A_598, %parallel_loop3A_990 : i32
      %parallel_loop3A_992 = arith.index_cast %parallel_loop3A_991 : i32 to index
      %parallel_loop3A_993 = tpu.vector_load %arg5[%parallel_loop3A_992] {strides = array<i32>} : memref<65536xf32, #tpu.memory_space<vmem>>, vector<16xf32>,
      %parallel_loop3A_994 = math.exp %parallel_loop3A_993 : vector<16xf32>
      %parallel_loop3A_995 = arith.addf %parallel_loop3A_981, %parallel_loop3A_994 : vector<16xf32>
      %parallel_loop3A_996 = vector.bitcast %parallel_loop3A_994 : vector<16xf32> to vector<16xi32>
      %parallel_loop3A_997 = arith.constant -64 : i32
      %parallel_loop3A_998 = vector.broadcast %parallel_loop3A_997 : i32 to vector<16xi32>
      %parallel_loop3A_999 = arith.andi %parallel_loop3A_996, %parallel_loop3A_998 : vector<16xi32>
      %parallel_loop3A_1000 = arith.constant 35 : i32
      %parallel_loop3A_1001 = vector.broadcast %parallel_loop3A_1000 : i32 to vector<16xi32>
      %parallel_loop3A_1002 = arith.ori %parallel_loop3A_999, %parallel_loop3A_1001 : vector<16xi32>
      %parallel_loop3A_1003 = vector.bitcast %parallel_loop3A_1002 : vector<16xi32> to vector<16xf32>
      %parallel_loop3A_1004 = arith.constant 25216 : i32
      %parallel_loop3A_1005 = arith.addi %parallel_loop3A_598, %parallel_loop3A_1004 : i32
      %parallel_loop3A_1006 = arith.index_cast %parallel_loop3A_1005 : i32 to index
      %parallel_loop3A_1007 = tpu.vector_load %arg5[%parallel_loop3A_1006] {strides = array<i32>} : memref<65536xf32, #tpu.memory_space<vmem>>, vector<16xf32>,
      %parallel_loop3A_1008 = math.exp %parallel_loop3A_1007 : vector<16xf32>
      %parallel_loop3A_1009 = arith.addf %parallel_loop3A_995, %parallel_loop3A_1008 : vector<16xf32>
      %parallel_loop3A_1010 = vector.bitcast %parallel_loop3A_1008 : vector<16xf32> to vector<16xi32>
      %parallel_loop3A_1011 = arith.constant -64 : i32
      %parallel_loop3A_1012 = vector.broadcast %parallel_loop3A_1011 : i32 to vector<16xi32>
      %parallel_loop3A_1013 = arith.andi %parallel_loop3A_1010, %parallel_loop3A_1012 : vector<16xi32>
      %parallel_loop3A_1014 = arith.constant 34 : i32
      %parallel_loop3A_1015 = vector.broadcast %parallel_loop3A_1014 : i32 to vector<16xi32>
      %parallel_loop3A_1016 = arith.ori %parallel_loop3A_1013, %parallel_loop3A_1015 : vector<16xi32>
      %parallel_loop3A_1017 = vector.bitcast %parallel_loop3A_1016 : vector<16xi32> to vector<16xf32>
      %parallel_loop3A_1018 = arith.constant 25344 : i32
      %parallel_loop3A_1019 = arith.addi %parallel_loop3A_598, %parallel_loop3A_1018 : i32
      %parallel_loop3A_1020 = arith.index_cast %parallel_loop3A_1019 : i32 to index
      %parallel_loop3A_1021 = tpu.vector_load %arg5[%parallel_loop3A_1020] {strides = array<i32>} : memref<65536xf32, #tpu.memory_space<vmem>>, vector<16xf32>,
      %parallel_loop3A_1022 = math.exp %parallel_loop3A_1021 : vector<16xf32>
      %parallel_loop3A_1023 = arith.addf %parallel_loop3A_1009, %parallel_loop3A_1022 : vector<16xf32>
      %parallel_loop3A_1024 = vector.bitcast %parallel_loop3A_1022 : vector<16xf32> to vector<16xi32>
      %parallel_loop3A_1025 = arith.constant -64 : i32
      %parallel_loop3A_1026 = vector.broadcast %parallel_loop3A_1025 : i32 to vector<16xi32>
      %parallel_loop3A_1027 = arith.andi %parallel_loop3A_1024, %parallel_loop3A_1026 : vector<16xi32>
      %parallel_loop3A_1028 = arith.constant 33 : i32
      %parallel_loop3A_1029 = vector.broadcast %parallel_loop3A_1028 : i32 to vector<16xi32>
      %parallel_loop3A_1030 = arith.ori %parallel_loop3A_1027, %parallel_loop3A_1029 : vector<16xi32>
      %parallel_loop3A_1031 = vector.bitcast %parallel_loop3A_1030 : vector<16xi32> to vector<16xf32>
      %parallel_loop3A_1032 = arith.constant 25472 : i32
      %parallel_loop3A_1033 = arith.addi %parallel_loop3A_598, %parallel_loop3A_1032 : i32
      %parallel_loop3A_1034 = arith.index_cast %parallel_loop3A_1033 : i32 to index
      %parallel_loop3A_1035 = tpu.vector_load %arg5[%parallel_loop3A_1034] {strides = array<i32>} : memref<65536xf32, #tpu.memory_space<vmem>>, vector<16xf32>,
      %parallel_loop3A_1036 = math.exp %parallel_loop3A_1035 : vector<16xf32>
      %parallel_loop3A_1037 = arith.addf %parallel_loop3A_1023, %parallel_loop3A_1036 : vector<16xf32>
      %parallel_loop3A_1038 = vector.bitcast %parallel_loop3A_1036 : vector<16xf32> to vector<16xi32>
      %parallel_loop3A_1039 = arith.constant -64 : i32
      %parallel_loop3A_1040 = vector.broadcast %parallel_loop3A_1039 : i32 to vector<16xi32>
      %parallel_loop3A_1041 = arith.andi %parallel_loop3A_1038, %parallel_loop3A_1040 : vector<16xi32>
      %parallel_loop3A_1042 = arith.constant 32 : i32
      %parallel_loop3A_1043 = vector.broadcast %parallel_loop3A_1042 : i32 to vector<16xi32>
      %parallel_loop3A_1044 = arith.ori %parallel_loop3A_1041, %parallel_loop3A_1043 : vector<16xi32>
      %parallel_loop3A_1045 = vector.bitcast %parallel_loop3A_1044 : vector<16xi32> to vector<16xf32>
      %parallel_loop3A_1046 = arith.constant 32768 : i32
      %parallel_loop3A_1047 = arith.addi %parallel_loop3A_598, %parallel_loop3A_1046 : i32
      %parallel_loop3A_1048 = arith.index_cast %parallel_loop3A_1047 : i32 to index
      %parallel_loop3A_1049 = tpu.vector_load %arg5[%parallel_loop3A_1048] {strides = array<i32>} : memref<65536xf32, #tpu.memory_space<vmem>>, vector<16xf32>,
      %parallel_loop3A_1050 = math.exp %parallel_loop3A_1049 : vector<16xf32>
      %parallel_loop3A_1051 = arith.addf %parallel_loop3A_1037, %parallel_loop3A_1050 : vector<16xf32>
      %parallel_loop3A_1052 = vector.bitcast %parallel_loop3A_1050 : vector<16xf32> to vector<16xi32>
      %parallel_loop3A_1053 = arith.constant -64 : i32
      %parallel_loop3A_1054 = vector.broadcast %parallel_loop3A_1053 : i32 to vector<16xi32>
      %parallel_loop3A_1055 = arith.andi %parallel_loop3A_1052, %parallel_loop3A_1054 : vector<16xi32>
      %parallel_loop3A_1056 = arith.constant 31 : i32
      %parallel_loop3A_1057 = vector.broadcast %parallel_loop3A_1056 : i32 to vector<16xi32>
      %parallel_loop3A_1058 = arith.ori %parallel_loop3A_1055, %parallel_loop3A_1057 : vector<16xi32>
      %parallel_loop3A_1059 = vector.bitcast %parallel_loop3A_1058 : vector<16xi32> to vector<16xf32>
      %parallel_loop3A_1060 = arith.constant 32896 : i32
      %parallel_loop3A_1061 = arith.addi %parallel_loop3A_598, %parallel_loop3A_1060 : i32
      %parallel_loop3A_1062 = arith.index_cast %parallel_loop3A_1061 : i32 to index
      %parallel_loop3A_1063 = tpu.vector_load %arg5[%parallel_loop3A_1062] {strides = array<i32>} : memref<65536xf32, #tpu.memory_space<vmem>>, vector<16xf32>,
      %parallel_loop3A_1064 = math.exp %parallel_loop3A_1063 : vector<16xf32>
      %parallel_loop3A_1065 = arith.addf %parallel_loop3A_1051, %parallel_loop3A_1064 : vector<16xf32>
      %parallel_loop3A_1066 = vector.bitcast %parallel_loop3A_1064 : vector<16xf32> to vector<16xi32>
      %parallel_loop3A_1067 = arith.constant -64 : i32
      %parallel_loop3A_1068 = vector.broadcast %parallel_loop3A_1067 : i32 to vector<16xi32>
      %parallel_loop3A_1069 = arith.andi %parallel_loop3A_1066, %parallel_loop3A_1068 : vector<16xi32>
      %parallel_loop3A_1070 = arith.constant 30 : i32
      %parallel_loop3A_1071 = vector.broadcast %parallel_loop3A_1070 : i32 to vector<16xi32>
      %parallel_loop3A_1072 = arith.ori %parallel_loop3A_1069, %parallel_loop3A_1071 : vector<16xi32>
      %parallel_loop3A_1073 = vector.bitcast %parallel_loop3A_1072 : vector<16xi32> to vector<16xf32>
      %parallel_loop3A_1074 = arith.constant 33024 : i32
      %parallel_loop3A_1075 = arith.addi %parallel_loop3A_598, %parallel_loop3A_1074 : i32
      %parallel_loop3A_1076 = arith.index_cast %parallel_loop3A_1075 : i32 to index
      %parallel_loop3A_1077 = tpu.vector_load %arg5[%parallel_loop3A_1076] {strides = array<i32>} : memref<65536xf32, #tpu.memory_space<vmem>>, vector<16xf32>,
      %parallel_loop3A_1078 = math.exp %parallel_loop3A_1077 : vector<16xf32>
      %parallel_loop3A_1079 = arith.addf %parallel_loop3A_1065, %parallel_loop3A_1078 : vector<16xf32>
      %parallel_loop3A_1080 = vector.bitcast %parallel_loop3A_1078 : vector<16xf32> to vector<16xi32>
      %parallel_loop3A_1081 = arith.constant -64 : i32
      %parallel_loop3A_1082 = vector.broadcast %parallel_loop3A_1081 : i32 to vector<16xi32>
      %parallel_loop3A_1083 = arith.andi %parallel_loop3A_1080, %parallel_loop3A_1082 : vector<16xi32>
      %parallel_loop3A_1084 = arith.constant 29 : i32
      %parallel_loop3A_1085 = vector.broadcast %parallel_loop3A_1084 : i32 to vector<16xi32>
      %parallel_loop3A_1086 = arith.ori %parallel_loop3A_1083, %parallel_loop3A_1085 : vector<16xi32>
      %parallel_loop3A_1087 = vector.bitcast %parallel_loop3A_1086 : vector<16xi32> to vector<16xf32>
      %parallel_loop3A_1088 = arith.constant 33152 : i32
      %parallel_loop3A_1089 = arith.addi %parallel_loop3A_598, %parallel_loop3A_1088 : i32
      %parallel_loop3A_1090 = arith.index_cast %parallel_loop3A_1089 : i32 to index
      %parallel_loop3A_1091 = tpu.vector_load %arg5[%parallel_loop3A_1090] {strides = array<i32>} : memref<65536xf32, #tpu.memory_space<vmem>>, vector<16xf32>,
      %parallel_loop3A_1092 = math.exp %parallel_loop3A_1091 : vector<16xf32>
      %parallel_loop3A_1093 = arith.addf %parallel_loop3A_1079, %parallel_loop3A_1092 : vector<16xf32>
      %parallel_loop3A_1094 = vector.bitcast %parallel_loop3A_1092 : vector<16xf32> to vector<16xi32>
      %parallel_loop3A_1095 = arith.constant -64 : i32
      %parallel_loop3A_1096 = vector.broadcast %parallel_loop3A_1095 : i32 to vector<16xi32>
      %parallel_loop3A_1097 = arith.andi %parallel_loop3A_1094, %parallel_loop3A_1096 : vector<16xi32>
      %parallel_loop3A_1098 = arith.constant 28 : i32
      %parallel_loop3A_1099 = vector.broadcast %parallel_loop3A_1098 : i32 to vector<16xi32>
      %parallel_loop3A_1100 = arith.ori %parallel_loop3A_1097, %parallel_loop3A_1099 : vector<16xi32>
      %parallel_loop3A_1101 = vector.bitcast %parallel_loop3A_1100 : vector<16xi32> to vector<16xf32>
      %parallel_loop3A_1102 = arith.constant 33280 : i32
      %parallel_loop3A_1103 = arith.addi %parallel_loop3A_598, %parallel_loop3A_1102 : i32
      %parallel_loop3A_1104 = arith.index_cast %parallel_loop3A_1103 : i32 to index
      %parallel_loop3A_1105 = tpu.vector_load %arg5[%parallel_loop3A_1104] {strides = array<i32>} : memref<65536xf32, #tpu.memory_space<vmem>>, vector<16xf32>,
      %parallel_loop3A_1106 = math.exp %parallel_loop3A_1105 : vector<16xf32>
      %parallel_loop3A_1107 = arith.addf %parallel_loop3A_1093, %parallel_loop3A_1106 : vector<16xf32>
      %parallel_loop3A_1108 = vector.bitcast %parallel_loop3A_1106 : vector<16xf32> to vector<16xi32>
      %parallel_loop3A_1109 = arith.constant -64 : i32
      %parallel_loop3A_1110 = vector.broadcast %parallel_loop3A_1109 : i32 to vector<16xi32>
      %parallel_loop3A_1111 = arith.andi %parallel_loop3A_1108, %parallel_loop3A_1110 : vector<16xi32>
      %parallel_loop3A_1112 = arith.constant 27 : i32
      %parallel_loop3A_1113 = vector.broadcast %parallel_loop3A_1112 : i32 to vector<16xi32>
      %parallel_loop3A_1114 = arith.ori %parallel_loop3A_1111, %parallel_loop3A_1113 : vector<16xi32>
      %parallel_loop3A_1115 = vector.bitcast %parallel_loop3A_1114 : vector<16xi32> to vector<16xf32>
      %parallel_loop3A_1116 = arith.constant 33408 : i32
      %parallel_loop3A_1117 = arith.addi %parallel_loop3A_598, %parallel_loop3A_1116 : i32
      %parallel_loop3A_1118 = arith.index_cast %parallel_loop3A_1117 : i32 to index
      %parallel_loop3A_1119 = tpu.vector_load %arg5[%parallel_loop3A_1118] {strides = array<i32>} : memref<65536xf32, #tpu.memory_space<vmem>>, vector<16xf32>,
      %parallel_loop3A_1120 = math.exp %parallel_loop3A_1119 : vector<16xf32>
      %parallel_loop3A_1121 = arith.addf %parallel_loop3A_1107, %parallel_loop3A_1120 : vector<16xf32>
      %parallel_loop3A_1122 = vector.bitcast %parallel_loop3A_1120 : vector<16xf32> to vector<16xi32>
      %parallel_loop3A_1123 = arith.constant -64 : i32
      %parallel_loop3A_1124 = vector.broadcast %parallel_loop3A_1123 : i32 to vector<16xi32>
      %parallel_loop3A_1125 = arith.andi %parallel_loop3A_1122, %parallel_loop3A_1124 : vector<16xi32>
      %parallel_loop3A_1126 = arith.constant 26 : i32
      %parallel_loop3A_1127 = vector.broadcast %parallel_loop3A_1126 : i32 to vector<16xi32>
      %parallel_loop3A_1128 = arith.ori %parallel_loop3A_1125, %parallel_loop3A_1127 : vector<16xi32>
      %parallel_loop3A_1129 = vector.bitcast %parallel_loop3A_1128 : vector<16xi32> to vector<16xf32>
      %parallel_loop3A_1130 = arith.constant 33536 : i32
      %parallel_loop3A_1131 = arith.addi %parallel_loop3A_598, %parallel_loop3A_1130 : i32
      %parallel_loop3A_1132 = arith.index_cast %parallel_loop3A_1131 : i32 to index
      %parallel_loop3A_1133 = tpu.vector_load %arg5[%parallel_loop3A_1132] {strides = array<i32>} : memref<65536xf32, #tpu.memory_space<vmem>>, vector<16xf32>,
      %parallel_loop3A_1134 = math.exp %parallel_loop3A_1133 : vector<16xf32>
      %parallel_loop3A_1135 = arith.addf %parallel_loop3A_1121, %parallel_loop3A_1134 : vector<16xf32>
      %parallel_loop3A_1136 = vector.bitcast %parallel_loop3A_1134 : vector<16xf32> to vector<16xi32>
      %parallel_loop3A_1137 = arith.constant -64 : i32
      %parallel_loop3A_1138 = vector.broadcast %parallel_loop3A_1137 : i32 to vector<16xi32>
      %parallel_loop3A_1139 = arith.andi %parallel_loop3A_1136, %parallel_loop3A_1138 : vector<16xi32>
      %parallel_loop3A_1140 = arith.constant 25 : i32
      %parallel_loop3A_1141 = vector.broadcast %parallel_loop3A_1140 : i32 to vector<16xi32>
      %parallel_loop3A_1142 = arith.ori %parallel_loop3A_1139, %parallel_loop3A_1141 : vector<16xi32>
      %parallel_loop3A_1143 = vector.bitcast %parallel_loop3A_1142 : vector<16xi32> to vector<16xf32>
      %parallel_loop3A_1144 = arith.constant 33664 : i32
      %parallel_loop3A_1145 = arith.addi %parallel_loop3A_598, %parallel_loop3A_1144 : i32
      %parallel_loop3A_1146 = arith.index_cast %parallel_loop3A_1145 : i32 to index
      %parallel_loop3A_1147 = tpu.vector_load %arg5[%parallel_loop3A_1146] {strides = array<i32>} : memref<65536xf32, #tpu.memory_space<vmem>>, vector<16xf32>,
      %parallel_loop3A_1148 = math.exp %parallel_loop3A_1147 : vector<16xf32>
      %parallel_loop3A_1149 = arith.addf %parallel_loop3A_1135, %parallel_loop3A_1148 : vector<16xf32>
      %parallel_loop3A_1150 = vector.bitcast %parallel_loop3A_1148 : vector<16xf32> to vector<16xi32>
      %parallel_loop3A_1151 = arith.constant -64 : i32
      %parallel_loop3A_1152 = vector.broadcast %parallel_loop3A_1151 : i32 to vector<16xi32>
      %parallel_loop3A_1153 = arith.andi %parallel_loop3A_1150, %parallel_loop3A_1152 : vector<16xi32>
      %parallel_loop3A_1154 = arith.constant 24 : i32
      %parallel_loop3A_1155 = vector.broadcast %parallel_loop3A_1154 : i32 to vector<16xi32>
      %parallel_loop3A_1156 = arith.ori %parallel_loop3A_1153, %parallel_loop3A_1155 : vector<16xi32>
      %parallel_loop3A_1157 = vector.bitcast %parallel_loop3A_1156 : vector<16xi32> to vector<16xf32>
      %parallel_loop3A_1158 = arith.constant 40960 : i32
      %parallel_loop3A_1159 = arith.addi %parallel_loop3A_598, %parallel_loop3A_1158 : i32
      %parallel_loop3A_1160 = arith.index_cast %parallel_loop3A_1159 : i32 to index
      %parallel_loop3A_1161 = tpu.vector_load %arg5[%parallel_loop3A_1160] {strides = array<i32>} : memref<65536xf32, #tpu.memory_space<vmem>>, vector<16xf32>,
      %parallel_loop3A_1162 = math.exp %parallel_loop3A_1161 : vector<16xf32>
      %parallel_loop3A_1163 = arith.addf %parallel_loop3A_1149, %parallel_loop3A_1162 : vector<16xf32>
      %parallel_loop3A_1164 = vector.bitcast %parallel_loop3A_1162 : vector<16xf32> to vector<16xi32>
      %parallel_loop3A_1165 = arith.constant -64 : i32
      %parallel_loop3A_1166 = vector.broadcast %parallel_loop3A_1165 : i32 to vector<16xi32>
      %parallel_loop3A_1167 = arith.andi %parallel_loop3A_1164, %parallel_loop3A_1166 : vector<16xi32>
      %parallel_loop3A_1168 = arith.constant 23 : i32
      %parallel_loop3A_1169 = vector.broadcast %parallel_loop3A_1168 : i32 to vector<16xi32>
      %parallel_loop3A_1170 = arith.ori %parallel_loop3A_1167, %parallel_loop3A_1169 : vector<16xi32>
      %parallel_loop3A_1171 = vector.bitcast %parallel_loop3A_1170 : vector<16xi32> to vector<16xf32>
      %parallel_loop3A_1172 = arith.constant 41088 : i32
      %parallel_loop3A_1173 = arith.addi %parallel_loop3A_598, %parallel_loop3A_1172 : i32
      %parallel_loop3A_1174 = arith.index_cast %parallel_loop3A_1173 : i32 to index
      %parallel_loop3A_1175 = tpu.vector_load %arg5[%parallel_loop3A_1174] {strides = array<i32>} : memref<65536xf32, #tpu.memory_space<vmem>>, vector<16xf32>,
      %parallel_loop3A_1176 = math.exp %parallel_loop3A_1175 : vector<16xf32>
      %parallel_loop3A_1177 = arith.addf %parallel_loop3A_1163, %parallel_loop3A_1176 : vector<16xf32>
      %parallel_loop3A_1178 = vector.bitcast %parallel_loop3A_1176 : vector<16xf32> to vector<16xi32>
      %parallel_loop3A_1179 = arith.constant -64 : i32
      %parallel_loop3A_1180 = vector.broadcast %parallel_loop3A_1179 : i32 to vector<16xi32>
      %parallel_loop3A_1181 = arith.andi %parallel_loop3A_1178, %parallel_loop3A_1180 : vector<16xi32>
      %parallel_loop3A_1182 = arith.constant 22 : i32
      %parallel_loop3A_1183 = vector.broadcast %parallel_loop3A_1182 : i32 to vector<16xi32>
      %parallel_loop3A_1184 = arith.ori %parallel_loop3A_1181, %parallel_loop3A_1183 : vector<16xi32>
      %parallel_loop3A_1185 = vector.bitcast %parallel_loop3A_1184 : vector<16xi32> to vector<16xf32>
      %parallel_loop3A_1186 = arith.constant 41216 : i32
      %parallel_loop3A_1187 = arith.addi %parallel_loop3A_598, %parallel_loop3A_1186 : i32
      %parallel_loop3A_1188 = arith.index_cast %parallel_loop3A_1187 : i32 to index
      %parallel_loop3A_1189 = tpu.vector_load %arg5[%parallel_loop3A_1188] {strides = array<i32>} : memref<65536xf32, #tpu.memory_space<vmem>>, vector<16xf32>,
      %parallel_loop3A_1190 = math.exp %parallel_loop3A_1189 : vector<16xf32>
      %parallel_loop3A_1191 = arith.addf %parallel_loop3A_1177, %parallel_loop3A_1190 : vector<16xf32>
      %parallel_loop3A_1192 = vector.bitcast %parallel_loop3A_1190 : vector<16xf32> to vector<16xi32>
      %parallel_loop3A_1193 = arith.constant -64 : i32
      %parallel_loop3A_1194 = vector.broadcast %parallel_loop3A_1193 : i32 to vector<16xi32>
      %parallel_loop3A_1195 = arith.andi %parallel_loop3A_1192, %parallel_loop3A_1194 : vector<16xi32>
      %parallel_loop3A_1196 = arith.constant 21 : i32
      %parallel_loop3A_1197 = vector.broadcast %parallel_loop3A_1196 : i32 to vector<16xi32>
      %parallel_loop3A_1198 = arith.ori %parallel_loop3A_1195, %parallel_loop3A_1197 : vector<16xi32>
      %parallel_loop3A_1199 = vector.bitcast %parallel_loop3A_1198 : vector<16xi32> to vector<16xf32>
      %parallel_loop3A_1200 = arith.constant 41344 : i32
      %parallel_loop3A_1201 = arith.addi %parallel_loop3A_598, %parallel_loop3A_1200 : i32
      %parallel_loop3A_1202 = arith.index_cast %parallel_loop3A_1201 : i32 to index
      %parallel_loop3A_1203 = tpu.vector_load %arg5[%parallel_loop3A_1202] {strides = array<i32>} : memref<65536xf32, #tpu.memory_space<vmem>>, vector<16xf32>,
      %parallel_loop3A_1204 = math.exp %parallel_loop3A_1203 : vector<16xf32>
      %parallel_loop3A_1205 = arith.addf %parallel_loop3A_1191, %parallel_loop3A_1204 : vector<16xf32>
      %parallel_loop3A_1206 = vector.bitcast %parallel_loop3A_1204 : vector<16xf32> to vector<16xi32>
      %parallel_loop3A_1207 = arith.constant -64 : i32
      %parallel_loop3A_1208 = vector.broadcast %parallel_loop3A_1207 : i32 to vector<16xi32>
      %parallel_loop3A_1209 = arith.andi %parallel_loop3A_1206, %parallel_loop3A_1208 : vector<16xi32>
      %parallel_loop3A_1210 = arith.constant 20 : i32
      %parallel_loop3A_1211 = vector.broadcast %parallel_loop3A_1210 : i32 to vector<16xi32>
      %parallel_loop3A_1212 = arith.ori %parallel_loop3A_1209, %parallel_loop3A_1211 : vector<16xi32>
      %parallel_loop3A_1213 = vector.bitcast %parallel_loop3A_1212 : vector<16xi32> to vector<16xf32>
      %parallel_loop3A_1214 = arith.constant 41472 : i32
      %parallel_loop3A_1215 = arith.addi %parallel_loop3A_598, %parallel_loop3A_1214 : i32
      %parallel_loop3A_1216 = arith.index_cast %parallel_loop3A_1215 : i32 to index
      %parallel_loop3A_1217 = tpu.vector_load %arg5[%parallel_loop3A_1216] {strides = array<i32>} : memref<65536xf32, #tpu.memory_space<vmem>>, vector<16xf32>,
      %parallel_loop3A_1218 = math.exp %parallel_loop3A_1217 : vector<16xf32>
      %parallel_loop3A_1219 = arith.addf %parallel_loop3A_1205, %parallel_loop3A_1218 : vector<16xf32>
      %parallel_loop3A_1220 = vector.bitcast %parallel_loop3A_1218 : vector<16xf32> to vector<16xi32>
      %parallel_loop3A_1221 = arith.constant -64 : i32
      %parallel_loop3A_1222 = vector.broadcast %parallel_loop3A_1221 : i32 to vector<16xi32>
      %parallel_loop3A_1223 = arith.andi %parallel_loop3A_1220, %parallel_loop3A_1222 : vector<16xi32>
      %parallel_loop3A_1224 = arith.constant 19 : i32
      %parallel_loop3A_1225 = vector.broadcast %parallel_loop3A_1224 : i32 to vector<16xi32>
      %parallel_loop3A_1226 = arith.ori %parallel_loop3A_1223, %parallel_loop3A_1225 : vector<16xi32>
      %parallel_loop3A_1227 = vector.bitcast %parallel_loop3A_1226 : vector<16xi32> to vector<16xf32>
      %parallel_loop3A_1228 = arith.constant 41600 : i32
      %parallel_loop3A_1229 = arith.addi %parallel_loop3A_598, %parallel_loop3A_1228 : i32
      %parallel_loop3A_1230 = arith.index_cast %parallel_loop3A_1229 : i32 to index
      %parallel_loop3A_1231 = tpu.vector_load %arg5[%parallel_loop3A_1230] {strides = array<i32>} : memref<65536xf32, #tpu.memory_space<vmem>>, vector<16xf32>,
      %parallel_loop3A_1232 = math.exp %parallel_loop3A_1231 : vector<16xf32>
      %parallel_loop3A_1233 = arith.addf %parallel_loop3A_1219, %parallel_loop3A_1232 : vector<16xf32>
      %parallel_loop3A_1234 = vector.bitcast %parallel_loop3A_1232 : vector<16xf32> to vector<16xi32>
      %parallel_loop3A_1235 = arith.constant -64 : i32
      %parallel_loop3A_1236 = vector.broadcast %parallel_loop3A_1235 : i32 to vector<16xi32>
      %parallel_loop3A_1237 = arith.andi %parallel_loop3A_1234, %parallel_loop3A_1236 : vector<16xi32>
      %parallel_loop3A_1238 = arith.constant 18 : i32
      %parallel_loop3A_1239 = vector.broadcast %parallel_loop3A_1238 : i32 to vector<16xi32>
      %parallel_loop3A_1240 = arith.ori %parallel_loop3A_1237, %parallel_loop3A_1239 : vector<16xi32>
      %parallel_loop3A_1241 = vector.bitcast %parallel_loop3A_1240 : vector<16xi32> to vector<16xf32>
      %parallel_loop3A_1242 = arith.constant 41728 : i32
      %parallel_loop3A_1243 = arith.addi %parallel_loop3A_598, %parallel_loop3A_1242 : i32
      %parallel_loop3A_1244 = arith.index_cast %parallel_loop3A_1243 : i32 to index
      %parallel_loop3A_1245 = tpu.vector_load %arg5[%parallel_loop3A_1244] {strides = array<i32>} : memref<65536xf32, #tpu.memory_space<vmem>>, vector<16xf32>,
      %parallel_loop3A_1246 = math.exp %parallel_loop3A_1245 : vector<16xf32>
      %parallel_loop3A_1247 = arith.addf %parallel_loop3A_1233, %parallel_loop3A_1246 : vector<16xf32>
      %parallel_loop3A_1248 = vector.bitcast %parallel_loop3A_1246 : vector<16xf32> to vector<16xi32>
      %parallel_loop3A_1249 = arith.constant -64 : i32
      %parallel_loop3A_1250 = vector.broadcast %parallel_loop3A_1249 : i32 to vector<16xi32>
      %parallel_loop3A_1251 = arith.andi %parallel_loop3A_1248, %parallel_loop3A_1250 : vector<16xi32>
      %parallel_loop3A_1252 = arith.constant 17 : i32
      %parallel_loop3A_1253 = vector.broadcast %parallel_loop3A_1252 : i32 to vector<16xi32>
      %parallel_loop3A_1254 = arith.ori %parallel_loop3A_1251, %parallel_loop3A_1253 : vector<16xi32>
      %parallel_loop3A_1255 = vector.bitcast %parallel_loop3A_1254 : vector<16xi32> to vector<16xf32>
      %parallel_loop3A_1256 = arith.constant 41856 : i32
      %parallel_loop3A_1257 = arith.addi %parallel_loop3A_598, %parallel_loop3A_1256 : i32
      %parallel_loop3A_1258 = arith.index_cast %parallel_loop3A_1257 : i32 to index
      %parallel_loop3A_1259 = tpu.vector_load %arg5[%parallel_loop3A_1258] {strides = array<i32>} : memref<65536xf32, #tpu.memory_space<vmem>>, vector<16xf32>,
      %parallel_loop3A_1260 = math.exp %parallel_loop3A_1259 : vector<16xf32>
      %parallel_loop3A_1261 = arith.addf %parallel_loop3A_1247, %parallel_loop3A_1260 : vector<16xf32>
      %parallel_loop3A_1262 = vector.bitcast %parallel_loop3A_1260 : vector<16xf32> to vector<16xi32>
      %parallel_loop3A_1263 = arith.constant -64 : i32
      %parallel_loop3A_1264 = vector.broadcast %parallel_loop3A_1263 : i32 to vector<16xi32>
      %parallel_loop3A_1265 = arith.andi %parallel_loop3A_1262, %parallel_loop3A_1264 : vector<16xi32>
      %parallel_loop3A_1266 = arith.constant 16 : i32
      %parallel_loop3A_1267 = vector.broadcast %parallel_loop3A_1266 : i32 to vector<16xi32>
      %parallel_loop3A_1268 = arith.ori %parallel_loop3A_1265, %parallel_loop3A_1267 : vector<16xi32>
      %parallel_loop3A_1269 = vector.bitcast %parallel_loop3A_1268 : vector<16xi32> to vector<16xf32>
      %parallel_loop3A_1270 = arith.constant 49152 : i32
      %parallel_loop3A_1271 = arith.addi %parallel_loop3A_598, %parallel_loop3A_1270 : i32
      %parallel_loop3A_1272 = arith.index_cast %parallel_loop3A_1271 : i32 to index
      %parallel_loop3A_1273 = tpu.vector_load %arg5[%parallel_loop3A_1272] {strides = array<i32>} : memref<65536xf32, #tpu.memory_space<vmem>>, vector<16xf32>,
      %parallel_loop3A_1274 = math.exp %parallel_loop3A_1273 : vector<16xf32>
      %parallel_loop3A_1275 = arith.addf %parallel_loop3A_1261, %parallel_loop3A_1274 : vector<16xf32>
      %parallel_loop3A_1276 = vector.bitcast %parallel_loop3A_1274 : vector<16xf32> to vector<16xi32>
      %parallel_loop3A_1277 = arith.constant -64 : i32
      %parallel_loop3A_1278 = vector.broadcast %parallel_loop3A_1277 : i32 to vector<16xi32>
      %parallel_loop3A_1279 = arith.andi %parallel_loop3A_1276, %parallel_loop3A_1278 : vector<16xi32>
      %parallel_loop3A_1280 = arith.constant 15 : i32
      %parallel_loop3A_1281 = vector.broadcast %parallel_loop3A_1280 : i32 to vector<16xi32>
      %parallel_loop3A_1282 = arith.ori %parallel_loop3A_1279, %parallel_loop3A_1281 : vector<16xi32>
      %parallel_loop3A_1283 = vector.bitcast %parallel_loop3A_1282 : vector<16xi32> to vector<16xf32>
      %parallel_loop3A_1284 = arith.constant 49280 : i32
      %parallel_loop3A_1285 = arith.addi %parallel_loop3A_598, %parallel_loop3A_1284 : i32
      %parallel_loop3A_1286 = arith.index_cast %parallel_loop3A_1285 : i32 to index
      %parallel_loop3A_1287 = tpu.vector_load %arg5[%parallel_loop3A_1286] {strides = array<i32>} : memref<65536xf32, #tpu.memory_space<vmem>>, vector<16xf32>,
      %parallel_loop3A_1288 = math.exp %parallel_loop3A_1287 : vector<16xf32>
      %parallel_loop3A_1289 = arith.addf %parallel_loop3A_1275, %parallel_loop3A_1288 : vector<16xf32>
      %parallel_loop3A_1290 = vector.bitcast %parallel_loop3A_1288 : vector<16xf32> to vector<16xi32>
      %parallel_loop3A_1291 = arith.constant -64 : i32
      %parallel_loop3A_1292 = vector.broadcast %parallel_loop3A_1291 : i32 to vector<16xi32>
      %parallel_loop3A_1293 = arith.andi %parallel_loop3A_1290, %parallel_loop3A_1292 : vector<16xi32>
      %parallel_loop3A_1294 = arith.constant 14 : i32
      %parallel_loop3A_1295 = vector.broadcast %parallel_loop3A_1294 : i32 to vector<16xi32>
      %parallel_loop3A_1296 = arith.ori %parallel_loop3A_1293, %parallel_loop3A_1295 : vector<16xi32>
      %parallel_loop3A_1297 = vector.bitcast %parallel_loop3A_1296 : vector<16xi32> to vector<16xf32>
      %parallel_loop3A_1298 = arith.constant 49408 : i32
      %parallel_loop3A_1299 = arith.addi %parallel_loop3A_598, %parallel_loop3A_1298 : i32
      %parallel_loop3A_1300 = arith.index_cast %parallel_loop3A_1299 : i32 to index
      %parallel_loop3A_1301 = tpu.vector_load %arg5[%parallel_loop3A_1300] {strides = array<i32>} : memref<65536xf32, #tpu.memory_space<vmem>>, vector<16xf32>,
      %parallel_loop3A_1302 = math.exp %parallel_loop3A_1301 : vector<16xf32>
      %parallel_loop3A_1303 = arith.addf %parallel_loop3A_1289, %parallel_loop3A_1302 : vector<16xf32>
      %parallel_loop3A_1304 = vector.bitcast %parallel_loop3A_1302 : vector<16xf32> to vector<16xi32>
      %parallel_loop3A_1305 = arith.constant -64 : i32
      %parallel_loop3A_1306 = vector.broadcast %parallel_loop3A_1305 : i32 to vector<16xi32>
      %parallel_loop3A_1307 = arith.andi %parallel_loop3A_1304, %parallel_loop3A_1306 : vector<16xi32>
      %parallel_loop3A_1308 = arith.constant 13 : i32
      %parallel_loop3A_1309 = vector.broadcast %parallel_loop3A_1308 : i32 to vector<16xi32>
      %parallel_loop3A_1310 = arith.ori %parallel_loop3A_1307, %parallel_loop3A_1309 : vector<16xi32>
      %parallel_loop3A_1311 = vector.bitcast %parallel_loop3A_1310 : vector<16xi32> to vector<16xf32>
      %parallel_loop3A_1312 = arith.constant 49536 : i32
      %parallel_loop3A_1313 = arith.addi %parallel_loop3A_598, %parallel_loop3A_1312 : i32
      %parallel_loop3A_1314 = arith.index_cast %parallel_loop3A_1313 : i32 to index
      %parallel_loop3A_1315 = tpu.vector_load %arg5[%parallel_loop3A_1314] {strides = array<i32>} : memref<65536xf32, #tpu.memory_space<vmem>>, vector<16xf32>,
      %parallel_loop3A_1316 = math.exp %parallel_loop3A_1315 : vector<16xf32>
      %parallel_loop3A_1317 = arith.addf %parallel_loop3A_1303, %parallel_loop3A_1316 : vector<16xf32>
      %parallel_loop3A_1318 = vector.bitcast %parallel_loop3A_1316 : vector<16xf32> to vector<16xi32>
      %parallel_loop3A_1319 = arith.constant -64 : i32
      %parallel_loop3A_1320 = vector.broadcast %parallel_loop3A_1319 : i32 to vector<16xi32>
      %parallel_loop3A_1321 = arith.andi %parallel_loop3A_1318, %parallel_loop3A_1320 : vector<16xi32>
      %parallel_loop3A_1322 = arith.constant 12 : i32
      %parallel_loop3A_1323 = vector.broadcast %parallel_loop3A_1322 : i32 to vector<16xi32>
      %parallel_loop3A_1324 = arith.ori %parallel_loop3A_1321, %parallel_loop3A_1323 : vector<16xi32>
      %parallel_loop3A_1325 = vector.bitcast %parallel_loop3A_1324 : vector<16xi32> to vector<16xf32>
      %parallel_loop3A_1326 = arith.constant 49664 : i32
      %parallel_loop3A_1327 = arith.addi %parallel_loop3A_598, %parallel_loop3A_1326 : i32
      %parallel_loop3A_1328 = arith.index_cast %parallel_loop3A_1327 : i32 to index
      %parallel_loop3A_1329 = tpu.vector_load %arg5[%parallel_loop3A_1328] {strides = array<i32>} : memref<65536xf32, #tpu.memory_space<vmem>>, vector<16xf32>,
      %parallel_loop3A_1330 = math.exp %parallel_loop3A_1329 : vector<16xf32>
      %parallel_loop3A_1331 = arith.addf %parallel_loop3A_1317, %parallel_loop3A_1330 : vector<16xf32>
      %parallel_loop3A_1332 = vector.bitcast %parallel_loop3A_1330 : vector<16xf32> to vector<16xi32>
      %parallel_loop3A_1333 = arith.constant -64 : i32
      %parallel_loop3A_1334 = vector.broadcast %parallel_loop3A_1333 : i32 to vector<16xi32>
      %parallel_loop3A_1335 = arith.andi %parallel_loop3A_1332, %parallel_loop3A_1334 : vector<16xi32>
      %parallel_loop3A_1336 = arith.constant 11 : i32
      %parallel_loop3A_1337 = vector.broadcast %parallel_loop3A_1336 : i32 to vector<16xi32>
      %parallel_loop3A_1338 = arith.ori %parallel_loop3A_1335, %parallel_loop3A_1337 : vector<16xi32>
      %parallel_loop3A_1339 = vector.bitcast %parallel_loop3A_1338 : vector<16xi32> to vector<16xf32>
      %parallel_loop3A_1340 = arith.constant 49792 : i32
      %parallel_loop3A_1341 = arith.addi %parallel_loop3A_598, %parallel_loop3A_1340 : i32
      %parallel_loop3A_1342 = arith.index_cast %parallel_loop3A_1341 : i32 to index
      %parallel_loop3A_1343 = tpu.vector_load %arg5[%parallel_loop3A_1342] {strides = array<i32>} : memref<65536xf32, #tpu.memory_space<vmem>>, vector<16xf32>,
      %parallel_loop3A_1344 = math.exp %parallel_loop3A_1343 : vector<16xf32>
      %parallel_loop3A_1345 = arith.addf %parallel_loop3A_1331, %parallel_loop3A_1344 : vector<16xf32>
      %parallel_loop3A_1346 = vector.bitcast %parallel_loop3A_1344 : vector<16xf32> to vector<16xi32>
      %parallel_loop3A_1347 = arith.constant -64 : i32
      %parallel_loop3A_1348 = vector.broadcast %parallel_loop3A_1347 : i32 to vector<16xi32>
      %parallel_loop3A_1349 = arith.andi %parallel_loop3A_1346, %parallel_loop3A_1348 : vector<16xi32>
      %parallel_loop3A_1350 = arith.constant 10 : i32
      %parallel_loop3A_1351 = vector.broadcast %parallel_loop3A_1350 : i32 to vector<16xi32>
      %parallel_loop3A_1352 = arith.ori %parallel_loop3A_1349, %parallel_loop3A_1351 : vector<16xi32>
      %parallel_loop3A_1353 = vector.bitcast %parallel_loop3A_1352 : vector<16xi32> to vector<16xf32>
      %parallel_loop3A_1354 = arith.constant 49920 : i32
      %parallel_loop3A_1355 = arith.addi %parallel_loop3A_598, %parallel_loop3A_1354 : i32
      %parallel_loop3A_1356 = arith.index_cast %parallel_loop3A_1355 : i32 to index
      %parallel_loop3A_1357 = tpu.vector_load %arg5[%parallel_loop3A_1356] {strides = array<i32>} : memref<65536xf32, #tpu.memory_space<vmem>>, vector<16xf32>,
      %parallel_loop3A_1358 = math.exp %parallel_loop3A_1357 : vector<16xf32>
      %parallel_loop3A_1359 = arith.addf %parallel_loop3A_1345, %parallel_loop3A_1358 : vector<16xf32>
      %parallel_loop3A_1360 = vector.bitcast %parallel_loop3A_1358 : vector<16xf32> to vector<16xi32>
      %parallel_loop3A_1361 = arith.constant -64 : i32
      %parallel_loop3A_1362 = vector.broadcast %parallel_loop3A_1361 : i32 to vector<16xi32>
      %parallel_loop3A_1363 = arith.andi %parallel_loop3A_1360, %parallel_loop3A_1362 : vector<16xi32>
      %parallel_loop3A_1364 = arith.constant 9 : i32
      %parallel_loop3A_1365 = vector.broadcast %parallel_loop3A_1364 : i32 to vector<16xi32>
      %parallel_loop3A_1366 = arith.ori %parallel_loop3A_1363, %parallel_loop3A_1365 : vector<16xi32>
      %parallel_loop3A_1367 = vector.bitcast %parallel_loop3A_1366 : vector<16xi32> to vector<16xf32>
      %parallel_loop3A_1368 = arith.constant 50048 : i32
      %parallel_loop3A_1369 = arith.addi %parallel_loop3A_598, %parallel_loop3A_1368 : i32
      %parallel_loop3A_1370 = arith.index_cast %parallel_loop3A_1369 : i32 to index
      %parallel_loop3A_1371 = tpu.vector_load %arg5[%parallel_loop3A_1370] {strides = array<i32>} : memref<65536xf32, #tpu.memory_space<vmem>>, vector<16xf32>,
      %parallel_loop3A_1372 = math.exp %parallel_loop3A_1371 : vector<16xf32>
      %parallel_loop3A_1373 = arith.addf %parallel_loop3A_1359, %parallel_loop3A_1372 : vector<16xf32>
      %parallel_loop3A_1374 = vector.bitcast %parallel_loop3A_1372 : vector<16xf32> to vector<16xi32>
      %parallel_loop3A_1375 = arith.constant -64 : i32
      %parallel_loop3A_1376 = vector.broadcast %parallel_loop3A_1375 : i32 to vector<16xi32>
      %parallel_loop3A_1377 = arith.andi %parallel_loop3A_1374, %parallel_loop3A_1376 : vector<16xi32>
      %parallel_loop3A_1378 = arith.constant 8 : i32
      %parallel_loop3A_1379 = vector.broadcast %parallel_loop3A_1378 : i32 to vector<16xi32>
      %parallel_loop3A_1380 = arith.ori %parallel_loop3A_1377, %parallel_loop3A_1379 : vector<16xi32>
      %parallel_loop3A_1381 = vector.bitcast %parallel_loop3A_1380 : vector<16xi32> to vector<16xf32>
      %parallel_loop3A_1382 = arith.constant 57344 : i32
      %parallel_loop3A_1383 = arith.addi %parallel_loop3A_598, %parallel_loop3A_1382 : i32
      %parallel_loop3A_1384 = arith.index_cast %parallel_loop3A_1383 : i32 to index
      %parallel_loop3A_1385 = tpu.vector_load %arg5[%parallel_loop3A_1384] {strides = array<i32>} : memref<65536xf32, #tpu.memory_space<vmem>>, vector<16xf32>,
      %parallel_loop3A_1386 = math.exp %parallel_loop3A_1385 : vector<16xf32>
      %parallel_loop3A_1387 = arith.addf %parallel_loop3A_1373, %parallel_loop3A_1386 : vector<16xf32>
      %parallel_loop3A_1388 = vector.bitcast %parallel_loop3A_1386 : vector<16xf32> to vector<16xi32>
      %parallel_loop3A_1389 = arith.constant -64 : i32
      %parallel_loop3A_1390 = vector.broadcast %parallel_loop3A_1389 : i32 to vector<16xi32>
      %parallel_loop3A_1391 = arith.andi %parallel_loop3A_1388, %parallel_loop3A_1390 : vector<16xi32>
      %parallel_loop3A_1392 = arith.constant 7 : i32
      %parallel_loop3A_1393 = vector.broadcast %parallel_loop3A_1392 : i32 to vector<16xi32>
      %parallel_loop3A_1394 = arith.ori %parallel_loop3A_1391, %parallel_loop3A_1393 : vector<16xi32>
      %parallel_loop3A_1395 = vector.bitcast %parallel_loop3A_1394 : vector<16xi32> to vector<16xf32>
      %parallel_loop3A_1396 = arith.constant 57472 : i32
      %parallel_loop3A_1397 = arith.addi %parallel_loop3A_598, %parallel_loop3A_1396 : i32
      %parallel_loop3A_1398 = arith.index_cast %parallel_loop3A_1397 : i32 to index
      %parallel_loop3A_1399 = tpu.vector_load %arg5[%parallel_loop3A_1398] {strides = array<i32>} : memref<65536xf32, #tpu.memory_space<vmem>>, vector<16xf32>,
      %parallel_loop3A_1400 = math.exp %parallel_loop3A_1399 : vector<16xf32>
      %parallel_loop3A_1401 = arith.addf %parallel_loop3A_1387, %parallel_loop3A_1400 : vector<16xf32>
      %parallel_loop3A_1402 = vector.bitcast %parallel_loop3A_1400 : vector<16xf32> to vector<16xi32>
      %parallel_loop3A_1403 = arith.constant -64 : i32
      %parallel_loop3A_1404 = vector.broadcast %parallel_loop3A_1403 : i32 to vector<16xi32>
      %parallel_loop3A_1405 = arith.andi %parallel_loop3A_1402, %parallel_loop3A_1404 : vector<16xi32>
      %parallel_loop3A_1406 = arith.constant 6 : i32
      %parallel_loop3A_1407 = vector.broadcast %parallel_loop3A_1406 : i32 to vector<16xi32>
      %parallel_loop3A_1408 = arith.ori %parallel_loop3A_1405, %parallel_loop3A_1407 : vector<16xi32>
      %parallel_loop3A_1409 = vector.bitcast %parallel_loop3A_1408 : vector<16xi32> to vector<16xf32>
      %parallel_loop3A_1410 = arith.constant 57600 : i32
      %parallel_loop3A_1411 = arith.addi %parallel_loop3A_598, %parallel_loop3A_1410 : i32
      %parallel_loop3A_1412 = arith.index_cast %parallel_loop3A_1411 : i32 to index
      %parallel_loop3A_1413 = tpu.vector_load %arg5[%parallel_loop3A_1412] {strides = array<i32>} : memref<65536xf32, #tpu.memory_space<vmem>>, vector<16xf32>,
      %parallel_loop3A_1414 = math.exp %parallel_loop3A_1413 : vector<16xf32>
      %parallel_loop3A_1415 = arith.addf %parallel_loop3A_1401, %parallel_loop3A_1414 : vector<16xf32>
      %parallel_loop3A_1416 = vector.bitcast %parallel_loop3A_1414 : vector<16xf32> to vector<16xi32>
      %parallel_loop3A_1417 = arith.constant -64 : i32
      %parallel_loop3A_1418 = vector.broadcast %parallel_loop3A_1417 : i32 to vector<16xi32>
      %parallel_loop3A_1419 = arith.andi %parallel_loop3A_1416, %parallel_loop3A_1418 : vector<16xi32>
      %parallel_loop3A_1420 = arith.constant 5 : i32
      %parallel_loop3A_1421 = vector.broadcast %parallel_loop3A_1420 : i32 to vector<16xi32>
      %parallel_loop3A_1422 = arith.ori %parallel_loop3A_1419, %parallel_loop3A_1421 : vector<16xi32>
      %parallel_loop3A_1423 = vector.bitcast %parallel_loop3A_1422 : vector<16xi32> to vector<16xf32>
      %parallel_loop3A_1424 = arith.constant 57728 : i32
      %parallel_loop3A_1425 = arith.addi %parallel_loop3A_598, %parallel_loop3A_1424 : i32
      %parallel_loop3A_1426 = arith.index_cast %parallel_loop3A_1425 : i32 to index
      %parallel_loop3A_1427 = tpu.vector_load %arg5[%parallel_loop3A_1426] {strides = array<i32>} : memref<65536xf32, #tpu.memory_space<vmem>>, vector<16xf32>,
      %parallel_loop3A_1428 = math.exp %parallel_loop3A_1427 : vector<16xf32>
      %parallel_loop3A_1429 = arith.addf %parallel_loop3A_1415, %parallel_loop3A_1428 : vector<16xf32>
      %parallel_loop3A_1430 = vector.bitcast %parallel_loop3A_1428 : vector<16xf32> to vector<16xi32>
      %parallel_loop3A_1431 = arith.constant -64 : i32
      %parallel_loop3A_1432 = vector.broadcast %parallel_loop3A_1431 : i32 to vector<16xi32>
      %parallel_loop3A_1433 = arith.andi %parallel_loop3A_1430, %parallel_loop3A_1432 : vector<16xi32>
      %parallel_loop3A_1434 = arith.constant 4 : i32
      %parallel_loop3A_1435 = vector.broadcast %parallel_loop3A_1434 : i32 to vector<16xi32>
      %parallel_loop3A_1436 = arith.ori %parallel_loop3A_1433, %parallel_loop3A_1435 : vector<16xi32>
      %parallel_loop3A_1437 = vector.bitcast %parallel_loop3A_1436 : vector<16xi32> to vector<16xf32>
      %parallel_loop3A_1438 = arith.constant 57856 : i32
      %parallel_loop3A_1439 = arith.addi %parallel_loop3A_598, %parallel_loop3A_1438 : i32
      %parallel_loop3A_1440 = arith.index_cast %parallel_loop3A_1439 : i32 to index
      %parallel_loop3A_1441 = tpu.vector_load %arg5[%parallel_loop3A_1440] {strides = array<i32>} : memref<65536xf32, #tpu.memory_space<vmem>>, vector<16xf32>,
      %parallel_loop3A_1442 = math.exp %parallel_loop3A_1441 : vector<16xf32>
      %parallel_loop3A_1443 = arith.addf %parallel_loop3A_1429, %parallel_loop3A_1442 : vector<16xf32>
      %parallel_loop3A_1444 = vector.bitcast %parallel_loop3A_1442 : vector<16xf32> to vector<16xi32>
      %parallel_loop3A_1445 = arith.constant -64 : i32
      %parallel_loop3A_1446 = vector.broadcast %parallel_loop3A_1445 : i32 to vector<16xi32>
      %parallel_loop3A_1447 = arith.andi %parallel_loop3A_1444, %parallel_loop3A_1446 : vector<16xi32>
      %parallel_loop3A_1448 = arith.constant 3 : i32
      %parallel_loop3A_1449 = vector.broadcast %parallel_loop3A_1448 : i32 to vector<16xi32>
      %parallel_loop3A_1450 = arith.ori %parallel_loop3A_1447, %parallel_loop3A_1449 : vector<16xi32>
      %parallel_loop3A_1451 = vector.bitcast %parallel_loop3A_1450 : vector<16xi32> to vector<16xf32>
      %parallel_loop3A_1452 = arith.constant 57984 : i32
      %parallel_loop3A_1453 = arith.addi %parallel_loop3A_598, %parallel_loop3A_1452 : i32
      %parallel_loop3A_1454 = arith.index_cast %parallel_loop3A_1453 : i32 to index
      %parallel_loop3A_1455 = tpu.vector_load %arg5[%parallel_loop3A_1454] {strides = array<i32>} : memref<65536xf32, #tpu.memory_space<vmem>>, vector<16xf32>,
      %parallel_loop3A_1456 = math.exp %parallel_loop3A_1455 : vector<16xf32>
      %parallel_loop3A_1457 = arith.addf %parallel_loop3A_1443, %parallel_loop3A_1456 : vector<16xf32>
      %parallel_loop3A_1458 = vector.bitcast %parallel_loop3A_1456 : vector<16xf32> to vector<16xi32>
      %parallel_loop3A_1459 = arith.constant -64 : i32
      %parallel_loop3A_1460 = vector.broadcast %parallel_loop3A_1459 : i32 to vector<16xi32>
      %parallel_loop3A_1461 = arith.andi %parallel_loop3A_1458, %parallel_loop3A_1460 : vector<16xi32>
      %parallel_loop3A_1462 = arith.constant 2 : i32
      %parallel_loop3A_1463 = vector.broadcast %parallel_loop3A_1462 : i32 to vector<16xi32>
      %parallel_loop3A_1464 = arith.ori %parallel_loop3A_1461, %parallel_loop3A_1463 : vector<16xi32>
      %parallel_loop3A_1465 = vector.bitcast %parallel_loop3A_1464 : vector<16xi32> to vector<16xf32>
      %parallel_loop3A_1466 = arith.constant 58112 : i32
      %parallel_loop3A_1467 = arith.addi %parallel_loop3A_598, %parallel_loop3A_1466 : i32
      %parallel_loop3A_1468 = arith.index_cast %parallel_loop3A_1467 : i32 to index
      %parallel_loop3A_1469 = tpu.vector_load %arg5[%parallel_loop3A_1468] {strides = array<i32>} : memref<65536xf32, #tpu.memory_space<vmem>>, vector<16xf32>,
      %parallel_loop3A_1470 = math.exp %parallel_loop3A_1469 : vector<16xf32>
      %parallel_loop3A_1471 = arith.addf %parallel_loop3A_1457, %parallel_loop3A_1470 : vector<16xf32>
      %parallel_loop3A_1472 = vector.bitcast %parallel_loop3A_1470 : vector<16xf32> to vector<16xi32>
      %parallel_loop3A_1473 = arith.constant -64 : i32
      %parallel_loop3A_1474 = vector.broadcast %parallel_loop3A_1473 : i32 to vector<16xi32>
      %parallel_loop3A_1475 = arith.andi %parallel_loop3A_1472, %parallel_loop3A_1474 : vector<16xi32>
      %parallel_loop3A_1476 = arith.constant 1 : i32
      %parallel_loop3A_1477 = vector.broadcast %parallel_loop3A_1476 : i32 to vector<16xi32>
      %parallel_loop3A_1478 = arith.ori %parallel_loop3A_1475, %parallel_loop3A_1477 : vector<16xi32>
      %parallel_loop3A_1479 = vector.bitcast %parallel_loop3A_1478 : vector<16xi32> to vector<16xf32>
      %parallel_loop3A_1480 = arith.constant 58240 : i32
      %parallel_loop3A_1481 = arith.addi %parallel_loop3A_598, %parallel_loop3A_1480 : i32
      %parallel_loop3A_1482 = arith.index_cast %parallel_loop3A_1481 : i32 to index
      %parallel_loop3A_1483 = tpu.vector_load %arg5[%parallel_loop3A_1482] {strides = array<i32>} : memref<65536xf32, #tpu.memory_space<vmem>>, vector<16xf32>,
      %parallel_loop3A_1484 = math.exp %parallel_loop3A_1483 : vector<16xf32>
      %parallel_loop3A_1485 = arith.addf %parallel_loop3A_1471, %parallel_loop3A_1484 : vector<16xf32>
      %parallel_loop3A_1486 = vector.bitcast %parallel_loop3A_1484 : vector<16xf32> to vector<16xi32>
      %parallel_loop3A_1487 = arith.constant -64 : i32
      %parallel_loop3A_1488 = vector.broadcast %parallel_loop3A_1487 : i32 to vector<16xi32>
      %parallel_loop3A_1489 = arith.andi %parallel_loop3A_1486, %parallel_loop3A_1488 : vector<16xi32>
      %parallel_loop3A_1490 = arith.constant 0 : i32
      %parallel_loop3A_1491 = vector.broadcast %parallel_loop3A_1490 : i32 to vector<16xi32>
      %parallel_loop3A_1492 = arith.ori %parallel_loop3A_1489, %parallel_loop3A_1491 : vector<16xi32>
      %parallel_loop3A_1493 = vector.bitcast %parallel_loop3A_1492 : vector<16xi32> to vector<16xf32>
      %parallel_loop3A_1494 = arith.maximumf %parallel_loop3A_611, %parallel_loop3A_625 : vector<16xf32>
      %parallel_loop3A_1495 = arith.minimumf %parallel_loop3A_611, %parallel_loop3A_625 : vector<16xf32>
      %parallel_loop3A_1496 = arith.maximumf %parallel_loop3A_639, %parallel_loop3A_653 : vector<16xf32>
      %parallel_loop3A_1497 = arith.minimumf %parallel_loop3A_639, %parallel_loop3A_653 : vector<16xf32>
      %parallel_loop3A_1498 = arith.maximumf %parallel_loop3A_667, %parallel_loop3A_681 : vector<16xf32>
      %parallel_loop3A_1499 = arith.minimumf %parallel_loop3A_667, %parallel_loop3A_681 : vector<16xf32>
      %parallel_loop3A_1500 = arith.maximumf %parallel_loop3A_695, %parallel_loop3A_709 : vector<16xf32>
      %parallel_loop3A_1501 = arith.minimumf %parallel_loop3A_695, %parallel_loop3A_709 : vector<16xf32>
      %parallel_loop3A_1502 = arith.maximumf %parallel_loop3A_1494, %parallel_loop3A_1496 : vector<16xf32>
      %parallel_loop3A_1503 = arith.minimumf %parallel_loop3A_1494, %parallel_loop3A_1496 : vector<16xf32>
      %parallel_loop3A_1504 = arith.maximumf %parallel_loop3A_1495, %parallel_loop3A_1497 : vector<16xf32>
      %parallel_loop3A_1505 = arith.minimumf %parallel_loop3A_1495, %parallel_loop3A_1497 : vector<16xf32>
      %parallel_loop3A_1506 = arith.maximumf %parallel_loop3A_1498, %parallel_loop3A_1500 : vector<16xf32>
      %parallel_loop3A_1507 = arith.minimumf %parallel_loop3A_1498, %parallel_loop3A_1500 : vector<16xf32>
      %parallel_loop3A_1508 = arith.maximumf %parallel_loop3A_1499, %parallel_loop3A_1501 : vector<16xf32>
      %parallel_loop3A_1509 = arith.minimumf %parallel_loop3A_1499, %parallel_loop3A_1501 : vector<16xf32>
      %parallel_loop3A_1510 = arith.maximumf %parallel_loop3A_1504, %parallel_loop3A_1503 : vector<16xf32>
      %parallel_loop3A_1511 = arith.minimumf %parallel_loop3A_1504, %parallel_loop3A_1503 : vector<16xf32>
      %parallel_loop3A_1512 = arith.maximumf %parallel_loop3A_1508, %parallel_loop3A_1507 : vector<16xf32>
      %parallel_loop3A_1513 = arith.minimumf %parallel_loop3A_1508, %parallel_loop3A_1507 : vector<16xf32>
      %parallel_loop3A_1514 = arith.maximumf %parallel_loop3A_1502, %parallel_loop3A_1506 : vector<16xf32>
      %parallel_loop3A_1515 = arith.minimumf %parallel_loop3A_1502, %parallel_loop3A_1506 : vector<16xf32>
      %parallel_loop3A_1516 = arith.maximumf %parallel_loop3A_1510, %parallel_loop3A_1512 : vector<16xf32>
      %parallel_loop3A_1517 = arith.minimumf %parallel_loop3A_1510, %parallel_loop3A_1512 : vector<16xf32>
      %parallel_loop3A_1518 = arith.maximumf %parallel_loop3A_1511, %parallel_loop3A_1513 : vector<16xf32>
      %parallel_loop3A_1519 = arith.minimumf %parallel_loop3A_1511, %parallel_loop3A_1513 : vector<16xf32>
      %parallel_loop3A_1520 = arith.maximumf %parallel_loop3A_1505, %parallel_loop3A_1509 : vector<16xf32>
      %parallel_loop3A_1521 = arith.minimumf %parallel_loop3A_1505, %parallel_loop3A_1509 : vector<16xf32>
      %parallel_loop3A_1522 = arith.maximumf %parallel_loop3A_1518, %parallel_loop3A_1515 : vector<16xf32>
      %parallel_loop3A_1523 = arith.minimumf %parallel_loop3A_1518, %parallel_loop3A_1515 : vector<16xf32>
      %parallel_loop3A_1524 = arith.maximumf %parallel_loop3A_1520, %parallel_loop3A_1517 : vector<16xf32>
      %parallel_loop3A_1525 = arith.minimumf %parallel_loop3A_1520, %parallel_loop3A_1517 : vector<16xf32>
      %parallel_loop3A_1526 = arith.maximumf %parallel_loop3A_1516, %parallel_loop3A_1522 : vector<16xf32>
      %parallel_loop3A_1527 = arith.minimumf %parallel_loop3A_1516, %parallel_loop3A_1522 : vector<16xf32>
      %parallel_loop3A_1528 = arith.maximumf %parallel_loop3A_1524, %parallel_loop3A_1523 : vector<16xf32>
      %parallel_loop3A_1529 = arith.minimumf %parallel_loop3A_1524, %parallel_loop3A_1523 : vector<16xf32>
      %parallel_loop3A_1530 = arith.maximumf %parallel_loop3A_1525, %parallel_loop3A_1519 : vector<16xf32>
      %parallel_loop3A_1531 = arith.minimumf %parallel_loop3A_1525, %parallel_loop3A_1519 : vector<16xf32>
      %parallel_loop3A_1532 = arith.maximumf %parallel_loop3A_723, %parallel_loop3A_737 : vector<16xf32>
      %parallel_loop3A_1533 = arith.minimumf %parallel_loop3A_723, %parallel_loop3A_737 : vector<16xf32>
      %parallel_loop3A_1534 = arith.maximumf %parallel_loop3A_751, %parallel_loop3A_765 : vector<16xf32>
      %parallel_loop3A_1535 = arith.minimumf %parallel_loop3A_751, %parallel_loop3A_765 : vector<16xf32>
      %parallel_loop3A_1536 = arith.maximumf %parallel_loop3A_779, %parallel_loop3A_793 : vector<16xf32>
      %parallel_loop3A_1537 = arith.minimumf %parallel_loop3A_779, %parallel_loop3A_793 : vector<16xf32>
      %parallel_loop3A_1538 = arith.maximumf %parallel_loop3A_807, %parallel_loop3A_821 : vector<16xf32>
      %parallel_loop3A_1539 = arith.minimumf %parallel_loop3A_807, %parallel_loop3A_821 : vector<16xf32>
      %parallel_loop3A_1540 = arith.maximumf %parallel_loop3A_1532, %parallel_loop3A_1534 : vector<16xf32>
      %parallel_loop3A_1541 = arith.minimumf %parallel_loop3A_1532, %parallel_loop3A_1534 : vector<16xf32>
      %parallel_loop3A_1542 = arith.maximumf %parallel_loop3A_1533, %parallel_loop3A_1535 : vector<16xf32>
      %parallel_loop3A_1543 = arith.minimumf %parallel_loop3A_1533, %parallel_loop3A_1535 : vector<16xf32>
      %parallel_loop3A_1544 = arith.maximumf %parallel_loop3A_1536, %parallel_loop3A_1538 : vector<16xf32>
      %parallel_loop3A_1545 = arith.minimumf %parallel_loop3A_1536, %parallel_loop3A_1538 : vector<16xf32>
      %parallel_loop3A_1546 = arith.maximumf %parallel_loop3A_1537, %parallel_loop3A_1539 : vector<16xf32>
      %parallel_loop3A_1547 = arith.minimumf %parallel_loop3A_1537, %parallel_loop3A_1539 : vector<16xf32>
      %parallel_loop3A_1548 = arith.maximumf %parallel_loop3A_1542, %parallel_loop3A_1541 : vector<16xf32>
      %parallel_loop3A_1549 = arith.minimumf %parallel_loop3A_1542, %parallel_loop3A_1541 : vector<16xf32>
      %parallel_loop3A_1550 = arith.maximumf %parallel_loop3A_1546, %parallel_loop3A_1545 : vector<16xf32>
      %parallel_loop3A_1551 = arith.minimumf %parallel_loop3A_1546, %parallel_loop3A_1545 : vector<16xf32>
      %parallel_loop3A_1552 = arith.maximumf %parallel_loop3A_1540, %parallel_loop3A_1544 : vector<16xf32>
      %parallel_loop3A_1553 = arith.minimumf %parallel_loop3A_1540, %parallel_loop3A_1544 : vector<16xf32>
      %parallel_loop3A_1554 = arith.maximumf %parallel_loop3A_1548, %parallel_loop3A_1550 : vector<16xf32>
      %parallel_loop3A_1555 = arith.minimumf %parallel_loop3A_1548, %parallel_loop3A_1550 : vector<16xf32>
      %parallel_loop3A_1556 = arith.maximumf %parallel_loop3A_1549, %parallel_loop3A_1551 : vector<16xf32>
      %parallel_loop3A_1557 = arith.minimumf %parallel_loop3A_1549, %parallel_loop3A_1551 : vector<16xf32>
      %parallel_loop3A_1558 = arith.maximumf %parallel_loop3A_1543, %parallel_loop3A_1547 : vector<16xf32>
      %parallel_loop3A_1559 = arith.minimumf %parallel_loop3A_1543, %parallel_loop3A_1547 : vector<16xf32>
      %parallel_loop3A_1560 = arith.maximumf %parallel_loop3A_1556, %parallel_loop3A_1553 : vector<16xf32>
      %parallel_loop3A_1561 = arith.minimumf %parallel_loop3A_1556, %parallel_loop3A_1553 : vector<16xf32>
      %parallel_loop3A_1562 = arith.maximumf %parallel_loop3A_1558, %parallel_loop3A_1555 : vector<16xf32>
      %parallel_loop3A_1563 = arith.minimumf %parallel_loop3A_1558, %parallel_loop3A_1555 : vector<16xf32>
      %parallel_loop3A_1564 = arith.maximumf %parallel_loop3A_1554, %parallel_loop3A_1560 : vector<16xf32>
      %parallel_loop3A_1565 = arith.minimumf %parallel_loop3A_1554, %parallel_loop3A_1560 : vector<16xf32>
      %parallel_loop3A_1566 = arith.maximumf %parallel_loop3A_1562, %parallel_loop3A_1561 : vector<16xf32>
      %parallel_loop3A_1567 = arith.minimumf %parallel_loop3A_1562, %parallel_loop3A_1561 : vector<16xf32>
      %parallel_loop3A_1568 = arith.maximumf %parallel_loop3A_1563, %parallel_loop3A_1557 : vector<16xf32>
      %parallel_loop3A_1569 = arith.minimumf %parallel_loop3A_1563, %parallel_loop3A_1557 : vector<16xf32>
      %parallel_loop3A_1570 = arith.maximumf %parallel_loop3A_1514, %parallel_loop3A_1559 : vector<16xf32>
      %parallel_loop3A_1571 = arith.maximumf %parallel_loop3A_1526, %parallel_loop3A_1569 : vector<16xf32>
      %parallel_loop3A_1572 = arith.maximumf %parallel_loop3A_1527, %parallel_loop3A_1568 : vector<16xf32>
      %parallel_loop3A_1573 = arith.maximumf %parallel_loop3A_1528, %parallel_loop3A_1567 : vector<16xf32>
      %parallel_loop3A_1574 = arith.maximumf %parallel_loop3A_1529, %parallel_loop3A_1566 : vector<16xf32>
      %parallel_loop3A_1575 = arith.maximumf %parallel_loop3A_1530, %parallel_loop3A_1565 : vector<16xf32>
      %parallel_loop3A_1576 = arith.maximumf %parallel_loop3A_1531, %parallel_loop3A_1564 : vector<16xf32>
      %parallel_loop3A_1577 = arith.maximumf %parallel_loop3A_1521, %parallel_loop3A_1552 : vector<16xf32>
      %parallel_loop3A_1578 = arith.maximumf %parallel_loop3A_1570, %parallel_loop3A_1574 : vector<16xf32>
      %parallel_loop3A_1579 = arith.minimumf %parallel_loop3A_1570, %parallel_loop3A_1574 : vector<16xf32>
      %parallel_loop3A_1580 = arith.maximumf %parallel_loop3A_1571, %parallel_loop3A_1575 : vector<16xf32>
      %parallel_loop3A_1581 = arith.minimumf %parallel_loop3A_1571, %parallel_loop3A_1575 : vector<16xf32>
      %parallel_loop3A_1582 = arith.maximumf %parallel_loop3A_1572, %parallel_loop3A_1576 : vector<16xf32>
      %parallel_loop3A_1583 = arith.minimumf %parallel_loop3A_1572, %parallel_loop3A_1576 : vector<16xf32>
      %parallel_loop3A_1584 = arith.maximumf %parallel_loop3A_1573, %parallel_loop3A_1577 : vector<16xf32>
      %parallel_loop3A_1585 = arith.minimumf %parallel_loop3A_1573, %parallel_loop3A_1577 : vector<16xf32>
      %parallel_loop3A_1586 = arith.maximumf %parallel_loop3A_1578, %parallel_loop3A_1582 : vector<16xf32>
      %parallel_loop3A_1587 = arith.minimumf %parallel_loop3A_1578, %parallel_loop3A_1582 : vector<16xf32>
      %parallel_loop3A_1588 = arith.maximumf %parallel_loop3A_1580, %parallel_loop3A_1584 : vector<16xf32>
      %parallel_loop3A_1589 = arith.minimumf %parallel_loop3A_1580, %parallel_loop3A_1584 : vector<16xf32>
      %parallel_loop3A_1590 = arith.maximumf %parallel_loop3A_1579, %parallel_loop3A_1583 : vector<16xf32>
      %parallel_loop3A_1591 = arith.minimumf %parallel_loop3A_1579, %parallel_loop3A_1583 : vector<16xf32>
      %parallel_loop3A_1592 = arith.maximumf %parallel_loop3A_1581, %parallel_loop3A_1585 : vector<16xf32>
      %parallel_loop3A_1593 = arith.minimumf %parallel_loop3A_1581, %parallel_loop3A_1585 : vector<16xf32>
      %parallel_loop3A_1594 = arith.maximumf %parallel_loop3A_1586, %parallel_loop3A_1588 : vector<16xf32>
      %parallel_loop3A_1595 = arith.minimumf %parallel_loop3A_1586, %parallel_loop3A_1588 : vector<16xf32>
      %parallel_loop3A_1596 = arith.maximumf %parallel_loop3A_1587, %parallel_loop3A_1589 : vector<16xf32>
      %parallel_loop3A_1597 = arith.minimumf %parallel_loop3A_1587, %parallel_loop3A_1589 : vector<16xf32>
      %parallel_loop3A_1598 = arith.maximumf %parallel_loop3A_1590, %parallel_loop3A_1592 : vector<16xf32>
      %parallel_loop3A_1599 = arith.minimumf %parallel_loop3A_1590, %parallel_loop3A_1592 : vector<16xf32>
      %parallel_loop3A_1600 = arith.maximumf %parallel_loop3A_1591, %parallel_loop3A_1593 : vector<16xf32>
      %parallel_loop3A_1601 = arith.minimumf %parallel_loop3A_1591, %parallel_loop3A_1593 : vector<16xf32>
      %parallel_loop3A_1602 = arith.maximumf %parallel_loop3A_835, %parallel_loop3A_849 : vector<16xf32>
      %parallel_loop3A_1603 = arith.minimumf %parallel_loop3A_835, %parallel_loop3A_849 : vector<16xf32>
      %parallel_loop3A_1604 = arith.maximumf %parallel_loop3A_863, %parallel_loop3A_877 : vector<16xf32>
      %parallel_loop3A_1605 = arith.minimumf %parallel_loop3A_863, %parallel_loop3A_877 : vector<16xf32>
      %parallel_loop3A_1606 = arith.maximumf %parallel_loop3A_891, %parallel_loop3A_905 : vector<16xf32>
      %parallel_loop3A_1607 = arith.minimumf %parallel_loop3A_891, %parallel_loop3A_905 : vector<16xf32>
      %parallel_loop3A_1608 = arith.maximumf %parallel_loop3A_919, %parallel_loop3A_933 : vector<16xf32>
      %parallel_loop3A_1609 = arith.minimumf %parallel_loop3A_919, %parallel_loop3A_933 : vector<16xf32>
      %parallel_loop3A_1610 = arith.maximumf %parallel_loop3A_1602, %parallel_loop3A_1604 : vector<16xf32>
      %parallel_loop3A_1611 = arith.minimumf %parallel_loop3A_1602, %parallel_loop3A_1604 : vector<16xf32>
      %parallel_loop3A_1612 = arith.maximumf %parallel_loop3A_1603, %parallel_loop3A_1605 : vector<16xf32>
      %parallel_loop3A_1613 = arith.minimumf %parallel_loop3A_1603, %parallel_loop3A_1605 : vector<16xf32>
      %parallel_loop3A_1614 = arith.maximumf %parallel_loop3A_1606, %parallel_loop3A_1608 : vector<16xf32>
      %parallel_loop3A_1615 = arith.minimumf %parallel_loop3A_1606, %parallel_loop3A_1608 : vector<16xf32>
      %parallel_loop3A_1616 = arith.maximumf %parallel_loop3A_1607, %parallel_loop3A_1609 : vector<16xf32>
      %parallel_loop3A_1617 = arith.minimumf %parallel_loop3A_1607, %parallel_loop3A_1609 : vector<16xf32>
      %parallel_loop3A_1618 = arith.maximumf %parallel_loop3A_1612, %parallel_loop3A_1611 : vector<16xf32>
      %parallel_loop3A_1619 = arith.minimumf %parallel_loop3A_1612, %parallel_loop3A_1611 : vector<16xf32>
      %parallel_loop3A_1620 = arith.maximumf %parallel_loop3A_1616, %parallel_loop3A_1615 : vector<16xf32>
      %parallel_loop3A_1621 = arith.minimumf %parallel_loop3A_1616, %parallel_loop3A_1615 : vector<16xf32>
      %parallel_loop3A_1622 = arith.maximumf %parallel_loop3A_1610, %parallel_loop3A_1614 : vector<16xf32>
      %parallel_loop3A_1623 = arith.minimumf %parallel_loop3A_1610, %parallel_loop3A_1614 : vector<16xf32>
      %parallel_loop3A_1624 = arith.maximumf %parallel_loop3A_1618, %parallel_loop3A_1620 : vector<16xf32>
      %parallel_loop3A_1625 = arith.minimumf %parallel_loop3A_1618, %parallel_loop3A_1620 : vector<16xf32>
      %parallel_loop3A_1626 = arith.maximumf %parallel_loop3A_1619, %parallel_loop3A_1621 : vector<16xf32>
      %parallel_loop3A_1627 = arith.minimumf %parallel_loop3A_1619, %parallel_loop3A_1621 : vector<16xf32>
      %parallel_loop3A_1628 = arith.maximumf %parallel_loop3A_1613, %parallel_loop3A_1617 : vector<16xf32>
      %parallel_loop3A_1629 = arith.minimumf %parallel_loop3A_1613, %parallel_loop3A_1617 : vector<16xf32>
      %parallel_loop3A_1630 = arith.maximumf %parallel_loop3A_1626, %parallel_loop3A_1623 : vector<16xf32>
      %parallel_loop3A_1631 = arith.minimumf %parallel_loop3A_1626, %parallel_loop3A_1623 : vector<16xf32>
      %parallel_loop3A_1632 = arith.maximumf %parallel_loop3A_1628, %parallel_loop3A_1625 : vector<16xf32>
      %parallel_loop3A_1633 = arith.minimumf %parallel_loop3A_1628, %parallel_loop3A_1625 : vector<16xf32>
      %parallel_loop3A_1634 = arith.maximumf %parallel_loop3A_1624, %parallel_loop3A_1630 : vector<16xf32>
      %parallel_loop3A_1635 = arith.minimumf %parallel_loop3A_1624, %parallel_loop3A_1630 : vector<16xf32>
      %parallel_loop3A_1636 = arith.maximumf %parallel_loop3A_1632, %parallel_loop3A_1631 : vector<16xf32>
      %parallel_loop3A_1637 = arith.minimumf %parallel_loop3A_1632, %parallel_loop3A_1631 : vector<16xf32>
      %parallel_loop3A_1638 = arith.maximumf %parallel_loop3A_1633, %parallel_loop3A_1627 : vector<16xf32>
      %parallel_loop3A_1639 = arith.minimumf %parallel_loop3A_1633, %parallel_loop3A_1627 : vector<16xf32>
      %parallel_loop3A_1640 = arith.maximumf %parallel_loop3A_1594, %parallel_loop3A_1629 : vector<16xf32>
      %parallel_loop3A_1641 = arith.maximumf %parallel_loop3A_1595, %parallel_loop3A_1639 : vector<16xf32>
      %parallel_loop3A_1642 = arith.maximumf %parallel_loop3A_1596, %parallel_loop3A_1638 : vector<16xf32>
      %parallel_loop3A_1643 = arith.maximumf %parallel_loop3A_1597, %parallel_loop3A_1637 : vector<16xf32>
      %parallel_loop3A_1644 = arith.maximumf %parallel_loop3A_1598, %parallel_loop3A_1636 : vector<16xf32>
      %parallel_loop3A_1645 = arith.maximumf %parallel_loop3A_1599, %parallel_loop3A_1635 : vector<16xf32>
      %parallel_loop3A_1646 = arith.maximumf %parallel_loop3A_1600, %parallel_loop3A_1634 : vector<16xf32>
      %parallel_loop3A_1647 = arith.maximumf %parallel_loop3A_1601, %parallel_loop3A_1622 : vector<16xf32>
      %parallel_loop3A_1648 = arith.maximumf %parallel_loop3A_1640, %parallel_loop3A_1644 : vector<16xf32>
      %parallel_loop3A_1649 = arith.minimumf %parallel_loop3A_1640, %parallel_loop3A_1644 : vector<16xf32>
      %parallel_loop3A_1650 = arith.maximumf %parallel_loop3A_1641, %parallel_loop3A_1645 : vector<16xf32>
      %parallel_loop3A_1651 = arith.minimumf %parallel_loop3A_1641, %parallel_loop3A_1645 : vector<16xf32>
      %parallel_loop3A_1652 = arith.maximumf %parallel_loop3A_1642, %parallel_loop3A_1646 : vector<16xf32>
      %parallel_loop3A_1653 = arith.minimumf %parallel_loop3A_1642, %parallel_loop3A_1646 : vector<16xf32>
      %parallel_loop3A_1654 = arith.maximumf %parallel_loop3A_1643, %parallel_loop3A_1647 : vector<16xf32>
      %parallel_loop3A_1655 = arith.minimumf %parallel_loop3A_1643, %parallel_loop3A_1647 : vector<16xf32>
      %parallel_loop3A_1656 = arith.maximumf %parallel_loop3A_1648, %parallel_loop3A_1652 : vector<16xf32>
      %parallel_loop3A_1657 = arith.minimumf %parallel_loop3A_1648, %parallel_loop3A_1652 : vector<16xf32>
      %parallel_loop3A_1658 = arith.maximumf %parallel_loop3A_1650, %parallel_loop3A_1654 : vector<16xf32>
      %parallel_loop3A_1659 = arith.minimumf %parallel_loop3A_1650, %parallel_loop3A_1654 : vector<16xf32>
      %parallel_loop3A_1660 = arith.maximumf %parallel_loop3A_1649, %parallel_loop3A_1653 : vector<16xf32>
      %parallel_loop3A_1661 = arith.minimumf %parallel_loop3A_1649, %parallel_loop3A_1653 : vector<16xf32>
      %parallel_loop3A_1662 = arith.maximumf %parallel_loop3A_1651, %parallel_loop3A_1655 : vector<16xf32>
      %parallel_loop3A_1663 = arith.minimumf %parallel_loop3A_1651, %parallel_loop3A_1655 : vector<16xf32>
      %parallel_loop3A_1664 = arith.maximumf %parallel_loop3A_1656, %parallel_loop3A_1658 : vector<16xf32>
      %parallel_loop3A_1665 = arith.minimumf %parallel_loop3A_1656, %parallel_loop3A_1658 : vector<16xf32>
      %parallel_loop3A_1666 = arith.maximumf %parallel_loop3A_1657, %parallel_loop3A_1659 : vector<16xf32>
      %parallel_loop3A_1667 = arith.minimumf %parallel_loop3A_1657, %parallel_loop3A_1659 : vector<16xf32>
      %parallel_loop3A_1668 = arith.maximumf %parallel_loop3A_1660, %parallel_loop3A_1662 : vector<16xf32>
      %parallel_loop3A_1669 = arith.minimumf %parallel_loop3A_1660, %parallel_loop3A_1662 : vector<16xf32>
      %parallel_loop3A_1670 = arith.maximumf %parallel_loop3A_1661, %parallel_loop3A_1663 : vector<16xf32>
      %parallel_loop3A_1671 = arith.minimumf %parallel_loop3A_1661, %parallel_loop3A_1663 : vector<16xf32>
      %parallel_loop3A_1672 = arith.maximumf %parallel_loop3A_947, %parallel_loop3A_961 : vector<16xf32>
      %parallel_loop3A_1673 = arith.minimumf %parallel_loop3A_947, %parallel_loop3A_961 : vector<16xf32>
      %parallel_loop3A_1674 = arith.maximumf %parallel_loop3A_975, %parallel_loop3A_989 : vector<16xf32>
      %parallel_loop3A_1675 = arith.minimumf %parallel_loop3A_975, %parallel_loop3A_989 : vector<16xf32>
      %parallel_loop3A_1676 = arith.maximumf %parallel_loop3A_1003, %parallel_loop3A_1017 : vector<16xf32>
      %parallel_loop3A_1677 = arith.minimumf %parallel_loop3A_1003, %parallel_loop3A_1017 : vector<16xf32>
      %parallel_loop3A_1678 = arith.maximumf %parallel_loop3A_1031, %parallel_loop3A_1045 : vector<16xf32>
      %parallel_loop3A_1679 = arith.minimumf %parallel_loop3A_1031, %parallel_loop3A_1045 : vector<16xf32>
      %parallel_loop3A_1680 = arith.maximumf %parallel_loop3A_1672, %parallel_loop3A_1674 : vector<16xf32>
      %parallel_loop3A_1681 = arith.minimumf %parallel_loop3A_1672, %parallel_loop3A_1674 : vector<16xf32>
      %parallel_loop3A_1682 = arith.maximumf %parallel_loop3A_1673, %parallel_loop3A_1675 : vector<16xf32>
      %parallel_loop3A_1683 = arith.minimumf %parallel_loop3A_1673, %parallel_loop3A_1675 : vector<16xf32>
      %parallel_loop3A_1684 = arith.maximumf %parallel_loop3A_1676, %parallel_loop3A_1678 : vector<16xf32>
      %parallel_loop3A_1685 = arith.minimumf %parallel_loop3A_1676, %parallel_loop3A_1678 : vector<16xf32>
      %parallel_loop3A_1686 = arith.maximumf %parallel_loop3A_1677, %parallel_loop3A_1679 : vector<16xf32>
      %parallel_loop3A_1687 = arith.minimumf %parallel_loop3A_1677, %parallel_loop3A_1679 : vector<16xf32>
      %parallel_loop3A_1688 = arith.maximumf %parallel_loop3A_1682, %parallel_loop3A_1681 : vector<16xf32>
      %parallel_loop3A_1689 = arith.minimumf %parallel_loop3A_1682, %parallel_loop3A_1681 : vector<16xf32>
      %parallel_loop3A_1690 = arith.maximumf %parallel_loop3A_1686, %parallel_loop3A_1685 : vector<16xf32>
      %parallel_loop3A_1691 = arith.minimumf %parallel_loop3A_1686, %parallel_loop3A_1685 : vector<16xf32>
      %parallel_loop3A_1692 = arith.maximumf %parallel_loop3A_1680, %parallel_loop3A_1684 : vector<16xf32>
      %parallel_loop3A_1693 = arith.minimumf %parallel_loop3A_1680, %parallel_loop3A_1684 : vector<16xf32>
      %parallel_loop3A_1694 = arith.maximumf %parallel_loop3A_1688, %parallel_loop3A_1690 : vector<16xf32>
      %parallel_loop3A_1695 = arith.minimumf %parallel_loop3A_1688, %parallel_loop3A_1690 : vector<16xf32>
      %parallel_loop3A_1696 = arith.maximumf %parallel_loop3A_1689, %parallel_loop3A_1691 : vector<16xf32>
      %parallel_loop3A_1697 = arith.minimumf %parallel_loop3A_1689, %parallel_loop3A_1691 : vector<16xf32>
      %parallel_loop3A_1698 = arith.maximumf %parallel_loop3A_1683, %parallel_loop3A_1687 : vector<16xf32>
      %parallel_loop3A_1699 = arith.minimumf %parallel_loop3A_1683, %parallel_loop3A_1687 : vector<16xf32>
      %parallel_loop3A_1700 = arith.maximumf %parallel_loop3A_1696, %parallel_loop3A_1693 : vector<16xf32>
      %parallel_loop3A_1701 = arith.minimumf %parallel_loop3A_1696, %parallel_loop3A_1693 : vector<16xf32>
      %parallel_loop3A_1702 = arith.maximumf %parallel_loop3A_1698, %parallel_loop3A_1695 : vector<16xf32>
      %parallel_loop3A_1703 = arith.minimumf %parallel_loop3A_1698, %parallel_loop3A_1695 : vector<16xf32>
      %parallel_loop3A_1704 = arith.maximumf %parallel_loop3A_1694, %parallel_loop3A_1700 : vector<16xf32>
      %parallel_loop3A_1705 = arith.minimumf %parallel_loop3A_1694, %parallel_loop3A_1700 : vector<16xf32>
      %parallel_loop3A_1706 = arith.maximumf %parallel_loop3A_1702, %parallel_loop3A_1701 : vector<16xf32>
      %parallel_loop3A_1707 = arith.minimumf %parallel_loop3A_1702, %parallel_loop3A_1701 : vector<16xf32>
      %parallel_loop3A_1708 = arith.maximumf %parallel_loop3A_1703, %parallel_loop3A_1697 : vector<16xf32>
      %parallel_loop3A_1709 = arith.minimumf %parallel_loop3A_1703, %parallel_loop3A_1697 : vector<16xf32>
      %parallel_loop3A_1710 = arith.maximumf %parallel_loop3A_1664, %parallel_loop3A_1699 : vector<16xf32>
      %parallel_loop3A_1711 = arith.maximumf %parallel_loop3A_1665, %parallel_loop3A_1709 : vector<16xf32>
      %parallel_loop3A_1712 = arith.maximumf %parallel_loop3A_1666, %parallel_loop3A_1708 : vector<16xf32>
      %parallel_loop3A_1713 = arith.maximumf %parallel_loop3A_1667, %parallel_loop3A_1707 : vector<16xf32>
      %parallel_loop3A_1714 = arith.maximumf %parallel_loop3A_1668, %parallel_loop3A_1706 : vector<16xf32>
      %parallel_loop3A_1715 = arith.maximumf %parallel_loop3A_1669, %parallel_loop3A_1705 : vector<16xf32>
      %parallel_loop3A_1716 = arith.maximumf %parallel_loop3A_1670, %parallel_loop3A_1704 : vector<16xf32>
      %parallel_loop3A_1717 = arith.maximumf %parallel_loop3A_1671, %parallel_loop3A_1692 : vector<16xf32>
      %parallel_loop3A_1718 = arith.maximumf %parallel_loop3A_1710, %parallel_loop3A_1714 : vector<16xf32>
      %parallel_loop3A_1719 = arith.minimumf %parallel_loop3A_1710, %parallel_loop3A_1714 : vector<16xf32>
      %parallel_loop3A_1720 = arith.maximumf %parallel_loop3A_1711, %parallel_loop3A_1715 : vector<16xf32>
      %parallel_loop3A_1721 = arith.minimumf %parallel_loop3A_1711, %parallel_loop3A_1715 : vector<16xf32>
      %parallel_loop3A_1722 = arith.maximumf %parallel_loop3A_1712, %parallel_loop3A_1716 : vector<16xf32>
      %parallel_loop3A_1723 = arith.minimumf %parallel_loop3A_1712, %parallel_loop3A_1716 : vector<16xf32>
      %parallel_loop3A_1724 = arith.maximumf %parallel_loop3A_1713, %parallel_loop3A_1717 : vector<16xf32>
      %parallel_loop3A_1725 = arith.minimumf %parallel_loop3A_1713, %parallel_loop3A_1717 : vector<16xf32>
      %parallel_loop3A_1726 = arith.maximumf %parallel_loop3A_1718, %parallel_loop3A_1722 : vector<16xf32>
      %parallel_loop3A_1727 = arith.minimumf %parallel_loop3A_1718, %parallel_loop3A_1722 : vector<16xf32>
      %parallel_loop3A_1728 = arith.maximumf %parallel_loop3A_1720, %parallel_loop3A_1724 : vector<16xf32>
      %parallel_loop3A_1729 = arith.minimumf %parallel_loop3A_1720, %parallel_loop3A_1724 : vector<16xf32>
      %parallel_loop3A_1730 = arith.maximumf %parallel_loop3A_1719, %parallel_loop3A_1723 : vector<16xf32>
      %parallel_loop3A_1731 = arith.minimumf %parallel_loop3A_1719, %parallel_loop3A_1723 : vector<16xf32>
      %parallel_loop3A_1732 = arith.maximumf %parallel_loop3A_1721, %parallel_loop3A_1725 : vector<16xf32>
      %parallel_loop3A_1733 = arith.minimumf %parallel_loop3A_1721, %parallel_loop3A_1725 : vector<16xf32>
      %parallel_loop3A_1734 = arith.maximumf %parallel_loop3A_1726, %parallel_loop3A_1728 : vector<16xf32>
      %parallel_loop3A_1735 = arith.minimumf %parallel_loop3A_1726, %parallel_loop3A_1728 : vector<16xf32>
      %parallel_loop3A_1736 = arith.maximumf %parallel_loop3A_1727, %parallel_loop3A_1729 : vector<16xf32>
      %parallel_loop3A_1737 = arith.minimumf %parallel_loop3A_1727, %parallel_loop3A_1729 : vector<16xf32>
      %parallel_loop3A_1738 = arith.maximumf %parallel_loop3A_1730, %parallel_loop3A_1732 : vector<16xf32>
      %parallel_loop3A_1739 = arith.minimumf %parallel_loop3A_1730, %parallel_loop3A_1732 : vector<16xf32>
      %parallel_loop3A_1740 = arith.maximumf %parallel_loop3A_1731, %parallel_loop3A_1733 : vector<16xf32>
      %parallel_loop3A_1741 = arith.minimumf %parallel_loop3A_1731, %parallel_loop3A_1733 : vector<16xf32>
      %parallel_loop3A_1742 = arith.maximumf %parallel_loop3A_1059, %parallel_loop3A_1073 : vector<16xf32>
      %parallel_loop3A_1743 = arith.minimumf %parallel_loop3A_1059, %parallel_loop3A_1073 : vector<16xf32>
      %parallel_loop3A_1744 = arith.maximumf %parallel_loop3A_1087, %parallel_loop3A_1101 : vector<16xf32>
      %parallel_loop3A_1745 = arith.minimumf %parallel_loop3A_1087, %parallel_loop3A_1101 : vector<16xf32>
      %parallel_loop3A_1746 = arith.maximumf %parallel_loop3A_1115, %parallel_loop3A_1129 : vector<16xf32>
      %parallel_loop3A_1747 = arith.minimumf %parallel_loop3A_1115, %parallel_loop3A_1129 : vector<16xf32>
      %parallel_loop3A_1748 = arith.maximumf %parallel_loop3A_1143, %parallel_loop3A_1157 : vector<16xf32>
      %parallel_loop3A_1749 = arith.minimumf %parallel_loop3A_1143, %parallel_loop3A_1157 : vector<16xf32>
      %parallel_loop3A_1750 = arith.maximumf %parallel_loop3A_1742, %parallel_loop3A_1744 : vector<16xf32>
      %parallel_loop3A_1751 = arith.minimumf %parallel_loop3A_1742, %parallel_loop3A_1744 : vector<16xf32>
      %parallel_loop3A_1752 = arith.maximumf %parallel_loop3A_1743, %parallel_loop3A_1745 : vector<16xf32>
      %parallel_loop3A_1753 = arith.minimumf %parallel_loop3A_1743, %parallel_loop3A_1745 : vector<16xf32>
      %parallel_loop3A_1754 = arith.maximumf %parallel_loop3A_1746, %parallel_loop3A_1748 : vector<16xf32>
      %parallel_loop3A_1755 = arith.minimumf %parallel_loop3A_1746, %parallel_loop3A_1748 : vector<16xf32>
      %parallel_loop3A_1756 = arith.maximumf %parallel_loop3A_1747, %parallel_loop3A_1749 : vector<16xf32>
      %parallel_loop3A_1757 = arith.minimumf %parallel_loop3A_1747, %parallel_loop3A_1749 : vector<16xf32>
      %parallel_loop3A_1758 = arith.maximumf %parallel_loop3A_1752, %parallel_loop3A_1751 : vector<16xf32>
      %parallel_loop3A_1759 = arith.minimumf %parallel_loop3A_1752, %parallel_loop3A_1751 : vector<16xf32>
      %parallel_loop3A_1760 = arith.maximumf %parallel_loop3A_1756, %parallel_loop3A_1755 : vector<16xf32>
      %parallel_loop3A_1761 = arith.minimumf %parallel_loop3A_1756, %parallel_loop3A_1755 : vector<16xf32>
      %parallel_loop3A_1762 = arith.maximumf %parallel_loop3A_1750, %parallel_loop3A_1754 : vector<16xf32>
      %parallel_loop3A_1763 = arith.minimumf %parallel_loop3A_1750, %parallel_loop3A_1754 : vector<16xf32>
      %parallel_loop3A_1764 = arith.maximumf %parallel_loop3A_1758, %parallel_loop3A_1760 : vector<16xf32>
      %parallel_loop3A_1765 = arith.minimumf %parallel_loop3A_1758, %parallel_loop3A_1760 : vector<16xf32>
      %parallel_loop3A_1766 = arith.maximumf %parallel_loop3A_1759, %parallel_loop3A_1761 : vector<16xf32>
      %parallel_loop3A_1767 = arith.minimumf %parallel_loop3A_1759, %parallel_loop3A_1761 : vector<16xf32>
      %parallel_loop3A_1768 = arith.maximumf %parallel_loop3A_1753, %parallel_loop3A_1757 : vector<16xf32>
      %parallel_loop3A_1769 = arith.minimumf %parallel_loop3A_1753, %parallel_loop3A_1757 : vector<16xf32>
      %parallel_loop3A_1770 = arith.maximumf %parallel_loop3A_1766, %parallel_loop3A_1763 : vector<16xf32>
      %parallel_loop3A_1771 = arith.minimumf %parallel_loop3A_1766, %parallel_loop3A_1763 : vector<16xf32>
      %parallel_loop3A_1772 = arith.maximumf %parallel_loop3A_1768, %parallel_loop3A_1765 : vector<16xf32>
      %parallel_loop3A_1773 = arith.minimumf %parallel_loop3A_1768, %parallel_loop3A_1765 : vector<16xf32>
      %parallel_loop3A_1774 = arith.maximumf %parallel_loop3A_1764, %parallel_loop3A_1770 : vector<16xf32>
      %parallel_loop3A_1775 = arith.minimumf %parallel_loop3A_1764, %parallel_loop3A_1770 : vector<16xf32>
      %parallel_loop3A_1776 = arith.maximumf %parallel_loop3A_1772, %parallel_loop3A_1771 : vector<16xf32>
      %parallel_loop3A_1777 = arith.minimumf %parallel_loop3A_1772, %parallel_loop3A_1771 : vector<16xf32>
      %parallel_loop3A_1778 = arith.maximumf %parallel_loop3A_1773, %parallel_loop3A_1767 : vector<16xf32>
      %parallel_loop3A_1779 = arith.minimumf %parallel_loop3A_1773, %parallel_loop3A_1767 : vector<16xf32>
      %parallel_loop3A_1780 = arith.maximumf %parallel_loop3A_1734, %parallel_loop3A_1769 : vector<16xf32>
      %parallel_loop3A_1781 = arith.maximumf %parallel_loop3A_1735, %parallel_loop3A_1779 : vector<16xf32>
      %parallel_loop3A_1782 = arith.maximumf %parallel_loop3A_1736, %parallel_loop3A_1778 : vector<16xf32>
      %parallel_loop3A_1783 = arith.maximumf %parallel_loop3A_1737, %parallel_loop3A_1777 : vector<16xf32>
      %parallel_loop3A_1784 = arith.maximumf %parallel_loop3A_1738, %parallel_loop3A_1776 : vector<16xf32>
      %parallel_loop3A_1785 = arith.maximumf %parallel_loop3A_1739, %parallel_loop3A_1775 : vector<16xf32>
      %parallel_loop3A_1786 = arith.maximumf %parallel_loop3A_1740, %parallel_loop3A_1774 : vector<16xf32>
      %parallel_loop3A_1787 = arith.maximumf %parallel_loop3A_1741, %parallel_loop3A_1762 : vector<16xf32>
      %parallel_loop3A_1788 = arith.maximumf %parallel_loop3A_1780, %parallel_loop3A_1784 : vector<16xf32>
      %parallel_loop3A_1789 = arith.minimumf %parallel_loop3A_1780, %parallel_loop3A_1784 : vector<16xf32>
      %parallel_loop3A_1790 = arith.maximumf %parallel_loop3A_1781, %parallel_loop3A_1785 : vector<16xf32>
      %parallel_loop3A_1791 = arith.minimumf %parallel_loop3A_1781, %parallel_loop3A_1785 : vector<16xf32>
      %parallel_loop3A_1792 = arith.maximumf %parallel_loop3A_1782, %parallel_loop3A_1786 : vector<16xf32>
      %parallel_loop3A_1793 = arith.minimumf %parallel_loop3A_1782, %parallel_loop3A_1786 : vector<16xf32>
      %parallel_loop3A_1794 = arith.maximumf %parallel_loop3A_1783, %parallel_loop3A_1787 : vector<16xf32>
      %parallel_loop3A_1795 = arith.minimumf %parallel_loop3A_1783, %parallel_loop3A_1787 : vector<16xf32>
      %parallel_loop3A_1796 = arith.maximumf %parallel_loop3A_1788, %parallel_loop3A_1792 : vector<16xf32>
      %parallel_loop3A_1797 = arith.minimumf %parallel_loop3A_1788, %parallel_loop3A_1792 : vector<16xf32>
      %parallel_loop3A_1798 = arith.maximumf %parallel_loop3A_1790, %parallel_loop3A_1794 : vector<16xf32>
      %parallel_loop3A_1799 = arith.minimumf %parallel_loop3A_1790, %parallel_loop3A_1794 : vector<16xf32>
      %parallel_loop3A_1800 = arith.maximumf %parallel_loop3A_1789, %parallel_loop3A_1793 : vector<16xf32>
      %parallel_loop3A_1801 = arith.minimumf %parallel_loop3A_1789, %parallel_loop3A_1793 : vector<16xf32>
      %parallel_loop3A_1802 = arith.maximumf %parallel_loop3A_1791, %parallel_loop3A_1795 : vector<16xf32>
      %parallel_loop3A_1803 = arith.minimumf %parallel_loop3A_1791, %parallel_loop3A_1795 : vector<16xf32>
      %parallel_loop3A_1804 = arith.maximumf %parallel_loop3A_1796, %parallel_loop3A_1798 : vector<16xf32>
      %parallel_loop3A_1805 = arith.minimumf %parallel_loop3A_1796, %parallel_loop3A_1798 : vector<16xf32>
      %parallel_loop3A_1806 = arith.maximumf %parallel_loop3A_1797, %parallel_loop3A_1799 : vector<16xf32>
      %parallel_loop3A_1807 = arith.minimumf %parallel_loop3A_1797, %parallel_loop3A_1799 : vector<16xf32>
      %parallel_loop3A_1808 = arith.maximumf %parallel_loop3A_1800, %parallel_loop3A_1802 : vector<16xf32>
      %parallel_loop3A_1809 = arith.minimumf %parallel_loop3A_1800, %parallel_loop3A_1802 : vector<16xf32>
      %parallel_loop3A_1810 = arith.maximumf %parallel_loop3A_1801, %parallel_loop3A_1803 : vector<16xf32>
      %parallel_loop3A_1811 = arith.minimumf %parallel_loop3A_1801, %parallel_loop3A_1803 : vector<16xf32>
      %parallel_loop3A_1812 = arith.maximumf %parallel_loop3A_1171, %parallel_loop3A_1185 : vector<16xf32>
      %parallel_loop3A_1813 = arith.minimumf %parallel_loop3A_1171, %parallel_loop3A_1185 : vector<16xf32>
      %parallel_loop3A_1814 = arith.maximumf %parallel_loop3A_1199, %parallel_loop3A_1213 : vector<16xf32>
      %parallel_loop3A_1815 = arith.minimumf %parallel_loop3A_1199, %parallel_loop3A_1213 : vector<16xf32>
      %parallel_loop3A_1816 = arith.maximumf %parallel_loop3A_1227, %parallel_loop3A_1241 : vector<16xf32>
      %parallel_loop3A_1817 = arith.minimumf %parallel_loop3A_1227, %parallel_loop3A_1241 : vector<16xf32>
      %parallel_loop3A_1818 = arith.maximumf %parallel_loop3A_1255, %parallel_loop3A_1269 : vector<16xf32>
      %parallel_loop3A_1819 = arith.minimumf %parallel_loop3A_1255, %parallel_loop3A_1269 : vector<16xf32>
      %parallel_loop3A_1820 = arith.maximumf %parallel_loop3A_1812, %parallel_loop3A_1814 : vector<16xf32>
      %parallel_loop3A_1821 = arith.minimumf %parallel_loop3A_1812, %parallel_loop3A_1814 : vector<16xf32>
      %parallel_loop3A_1822 = arith.maximumf %parallel_loop3A_1813, %parallel_loop3A_1815 : vector<16xf32>
      %parallel_loop3A_1823 = arith.minimumf %parallel_loop3A_1813, %parallel_loop3A_1815 : vector<16xf32>
      %parallel_loop3A_1824 = arith.maximumf %parallel_loop3A_1816, %parallel_loop3A_1818 : vector<16xf32>
      %parallel_loop3A_1825 = arith.minimumf %parallel_loop3A_1816, %parallel_loop3A_1818 : vector<16xf32>
      %parallel_loop3A_1826 = arith.maximumf %parallel_loop3A_1817, %parallel_loop3A_1819 : vector<16xf32>
      %parallel_loop3A_1827 = arith.minimumf %parallel_loop3A_1817, %parallel_loop3A_1819 : vector<16xf32>
      %parallel_loop3A_1828 = arith.maximumf %parallel_loop3A_1822, %parallel_loop3A_1821 : vector<16xf32>
      %parallel_loop3A_1829 = arith.minimumf %parallel_loop3A_1822, %parallel_loop3A_1821 : vector<16xf32>
      %parallel_loop3A_1830 = arith.maximumf %parallel_loop3A_1826, %parallel_loop3A_1825 : vector<16xf32>
      %parallel_loop3A_1831 = arith.minimumf %parallel_loop3A_1826, %parallel_loop3A_1825 : vector<16xf32>
      %parallel_loop3A_1832 = arith.maximumf %parallel_loop3A_1820, %parallel_loop3A_1824 : vector<16xf32>
      %parallel_loop3A_1833 = arith.minimumf %parallel_loop3A_1820, %parallel_loop3A_1824 : vector<16xf32>
      %parallel_loop3A_1834 = arith.maximumf %parallel_loop3A_1828, %parallel_loop3A_1830 : vector<16xf32>
      %parallel_loop3A_1835 = arith.minimumf %parallel_loop3A_1828, %parallel_loop3A_1830 : vector<16xf32>
      %parallel_loop3A_1836 = arith.maximumf %parallel_loop3A_1829, %parallel_loop3A_1831 : vector<16xf32>
      %parallel_loop3A_1837 = arith.minimumf %parallel_loop3A_1829, %parallel_loop3A_1831 : vector<16xf32>
      %parallel_loop3A_1838 = arith.maximumf %parallel_loop3A_1823, %parallel_loop3A_1827 : vector<16xf32>
      %parallel_loop3A_1839 = arith.minimumf %parallel_loop3A_1823, %parallel_loop3A_1827 : vector<16xf32>
      %parallel_loop3A_1840 = arith.maximumf %parallel_loop3A_1836, %parallel_loop3A_1833 : vector<16xf32>
      %parallel_loop3A_1841 = arith.minimumf %parallel_loop3A_1836, %parallel_loop3A_1833 : vector<16xf32>
      %parallel_loop3A_1842 = arith.maximumf %parallel_loop3A_1838, %parallel_loop3A_1835 : vector<16xf32>
      %parallel_loop3A_1843 = arith.minimumf %parallel_loop3A_1838, %parallel_loop3A_1835 : vector<16xf32>
      %parallel_loop3A_1844 = arith.maximumf %parallel_loop3A_1834, %parallel_loop3A_1840 : vector<16xf32>
      %parallel_loop3A_1845 = arith.minimumf %parallel_loop3A_1834, %parallel_loop3A_1840 : vector<16xf32>
      %parallel_loop3A_1846 = arith.maximumf %parallel_loop3A_1842, %parallel_loop3A_1841 : vector<16xf32>
      %parallel_loop3A_1847 = arith.minimumf %parallel_loop3A_1842, %parallel_loop3A_1841 : vector<16xf32>
      %parallel_loop3A_1848 = arith.maximumf %parallel_loop3A_1843, %parallel_loop3A_1837 : vector<16xf32>
      %parallel_loop3A_1849 = arith.minimumf %parallel_loop3A_1843, %parallel_loop3A_1837 : vector<16xf32>
      %parallel_loop3A_1850 = arith.maximumf %parallel_loop3A_1804, %parallel_loop3A_1839 : vector<16xf32>
      %parallel_loop3A_1851 = arith.maximumf %parallel_loop3A_1805, %parallel_loop3A_1849 : vector<16xf32>
      %parallel_loop3A_1852 = arith.maximumf %parallel_loop3A_1806, %parallel_loop3A_1848 : vector<16xf32>
      %parallel_loop3A_1853 = arith.maximumf %parallel_loop3A_1807, %parallel_loop3A_1847 : vector<16xf32>
      %parallel_loop3A_1854 = arith.maximumf %parallel_loop3A_1808, %parallel_loop3A_1846 : vector<16xf32>
      %parallel_loop3A_1855 = arith.maximumf %parallel_loop3A_1809, %parallel_loop3A_1845 : vector<16xf32>
      %parallel_loop3A_1856 = arith.maximumf %parallel_loop3A_1810, %parallel_loop3A_1844 : vector<16xf32>
      %parallel_loop3A_1857 = arith.maximumf %parallel_loop3A_1811, %parallel_loop3A_1832 : vector<16xf32>
      %parallel_loop3A_1858 = arith.maximumf %parallel_loop3A_1850, %parallel_loop3A_1854 : vector<16xf32>
      %parallel_loop3A_1859 = arith.minimumf %parallel_loop3A_1850, %parallel_loop3A_1854 : vector<16xf32>
      %parallel_loop3A_1860 = arith.maximumf %parallel_loop3A_1851, %parallel_loop3A_1855 : vector<16xf32>
      %parallel_loop3A_1861 = arith.minimumf %parallel_loop3A_1851, %parallel_loop3A_1855 : vector<16xf32>
      %parallel_loop3A_1862 = arith.maximumf %parallel_loop3A_1852, %parallel_loop3A_1856 : vector<16xf32>
      %parallel_loop3A_1863 = arith.minimumf %parallel_loop3A_1852, %parallel_loop3A_1856 : vector<16xf32>
      %parallel_loop3A_1864 = arith.maximumf %parallel_loop3A_1853, %parallel_loop3A_1857 : vector<16xf32>
      %parallel_loop3A_1865 = arith.minimumf %parallel_loop3A_1853, %parallel_loop3A_1857 : vector<16xf32>
      %parallel_loop3A_1866 = arith.maximumf %parallel_loop3A_1858, %parallel_loop3A_1862 : vector<16xf32>
      %parallel_loop3A_1867 = arith.minimumf %parallel_loop3A_1858, %parallel_loop3A_1862 : vector<16xf32>
      %parallel_loop3A_1868 = arith.maximumf %parallel_loop3A_1860, %parallel_loop3A_1864 : vector<16xf32>
      %parallel_loop3A_1869 = arith.minimumf %parallel_loop3A_1860, %parallel_loop3A_1864 : vector<16xf32>
      %parallel_loop3A_1870 = arith.maximumf %parallel_loop3A_1859, %parallel_loop3A_1863 : vector<16xf32>
      %parallel_loop3A_1871 = arith.minimumf %parallel_loop3A_1859, %parallel_loop3A_1863 : vector<16xf32>
      %parallel_loop3A_1872 = arith.maximumf %parallel_loop3A_1861, %parallel_loop3A_1865 : vector<16xf32>
      %parallel_loop3A_1873 = arith.minimumf %parallel_loop3A_1861, %parallel_loop3A_1865 : vector<16xf32>
      %parallel_loop3A_1874 = arith.maximumf %parallel_loop3A_1866, %parallel_loop3A_1868 : vector<16xf32>
      %parallel_loop3A_1875 = arith.minimumf %parallel_loop3A_1866, %parallel_loop3A_1868 : vector<16xf32>
      %parallel_loop3A_1876 = arith.maximumf %parallel_loop3A_1867, %parallel_loop3A_1869 : vector<16xf32>
      %parallel_loop3A_1877 = arith.minimumf %parallel_loop3A_1867, %parallel_loop3A_1869 : vector<16xf32>
      %parallel_loop3A_1878 = arith.maximumf %parallel_loop3A_1870, %parallel_loop3A_1872 : vector<16xf32>
      %parallel_loop3A_1879 = arith.minimumf %parallel_loop3A_1870, %parallel_loop3A_1872 : vector<16xf32>
      %parallel_loop3A_1880 = arith.maximumf %parallel_loop3A_1871, %parallel_loop3A_1873 : vector<16xf32>
      %parallel_loop3A_1881 = arith.minimumf %parallel_loop3A_1871, %parallel_loop3A_1873 : vector<16xf32>
      %parallel_loop3A_1882 = arith.maximumf %parallel_loop3A_1283, %parallel_loop3A_1297 : vector<16xf32>
      %parallel_loop3A_1883 = arith.minimumf %parallel_loop3A_1283, %parallel_loop3A_1297 : vector<16xf32>
      %parallel_loop3A_1884 = arith.maximumf %parallel_loop3A_1311, %parallel_loop3A_1325 : vector<16xf32>
      %parallel_loop3A_1885 = arith.minimumf %parallel_loop3A_1311, %parallel_loop3A_1325 : vector<16xf32>
      %parallel_loop3A_1886 = arith.maximumf %parallel_loop3A_1339, %parallel_loop3A_1353 : vector<16xf32>
      %parallel_loop3A_1887 = arith.minimumf %parallel_loop3A_1339, %parallel_loop3A_1353 : vector<16xf32>
      %parallel_loop3A_1888 = arith.maximumf %parallel_loop3A_1367, %parallel_loop3A_1381 : vector<16xf32>
      %parallel_loop3A_1889 = arith.minimumf %parallel_loop3A_1367, %parallel_loop3A_1381 : vector<16xf32>
      %parallel_loop3A_1890 = arith.maximumf %parallel_loop3A_1882, %parallel_loop3A_1884 : vector<16xf32>
      %parallel_loop3A_1891 = arith.minimumf %parallel_loop3A_1882, %parallel_loop3A_1884 : vector<16xf32>
      %parallel_loop3A_1892 = arith.maximumf %parallel_loop3A_1883, %parallel_loop3A_1885 : vector<16xf32>
      %parallel_loop3A_1893 = arith.minimumf %parallel_loop3A_1883, %parallel_loop3A_1885 : vector<16xf32>
      %parallel_loop3A_1894 = arith.maximumf %parallel_loop3A_1886, %parallel_loop3A_1888 : vector<16xf32>
      %parallel_loop3A_1895 = arith.minimumf %parallel_loop3A_1886, %parallel_loop3A_1888 : vector<16xf32>
      %parallel_loop3A_1896 = arith.maximumf %parallel_loop3A_1887, %parallel_loop3A_1889 : vector<16xf32>
      %parallel_loop3A_1897 = arith.minimumf %parallel_loop3A_1887, %parallel_loop3A_1889 : vector<16xf32>
      %parallel_loop3A_1898 = arith.maximumf %parallel_loop3A_1892, %parallel_loop3A_1891 : vector<16xf32>
      %parallel_loop3A_1899 = arith.minimumf %parallel_loop3A_1892, %parallel_loop3A_1891 : vector<16xf32>
      %parallel_loop3A_1900 = arith.maximumf %parallel_loop3A_1896, %parallel_loop3A_1895 : vector<16xf32>
      %parallel_loop3A_1901 = arith.minimumf %parallel_loop3A_1896, %parallel_loop3A_1895 : vector<16xf32>
      %parallel_loop3A_1902 = arith.maximumf %parallel_loop3A_1890, %parallel_loop3A_1894 : vector<16xf32>
      %parallel_loop3A_1903 = arith.minimumf %parallel_loop3A_1890, %parallel_loop3A_1894 : vector<16xf32>
      %parallel_loop3A_1904 = arith.maximumf %parallel_loop3A_1898, %parallel_loop3A_1900 : vector<16xf32>
      %parallel_loop3A_1905 = arith.minimumf %parallel_loop3A_1898, %parallel_loop3A_1900 : vector<16xf32>
      %parallel_loop3A_1906 = arith.maximumf %parallel_loop3A_1899, %parallel_loop3A_1901 : vector<16xf32>
      %parallel_loop3A_1907 = arith.minimumf %parallel_loop3A_1899, %parallel_loop3A_1901 : vector<16xf32>
      %parallel_loop3A_1908 = arith.maximumf %parallel_loop3A_1893, %parallel_loop3A_1897 : vector<16xf32>
      %parallel_loop3A_1909 = arith.minimumf %parallel_loop3A_1893, %parallel_loop3A_1897 : vector<16xf32>
      %parallel_loop3A_1910 = arith.maximumf %parallel_loop3A_1906, %parallel_loop3A_1903 : vector<16xf32>
      %parallel_loop3A_1911 = arith.minimumf %parallel_loop3A_1906, %parallel_loop3A_1903 : vector<16xf32>
      %parallel_loop3A_1912 = arith.maximumf %parallel_loop3A_1908, %parallel_loop3A_1905 : vector<16xf32>
      %parallel_loop3A_1913 = arith.minimumf %parallel_loop3A_1908, %parallel_loop3A_1905 : vector<16xf32>
      %parallel_loop3A_1914 = arith.maximumf %parallel_loop3A_1904, %parallel_loop3A_1910 : vector<16xf32>
      %parallel_loop3A_1915 = arith.minimumf %parallel_loop3A_1904, %parallel_loop3A_1910 : vector<16xf32>
      %parallel_loop3A_1916 = arith.maximumf %parallel_loop3A_1912, %parallel_loop3A_1911 : vector<16xf32>
      %parallel_loop3A_1917 = arith.minimumf %parallel_loop3A_1912, %parallel_loop3A_1911 : vector<16xf32>
      %parallel_loop3A_1918 = arith.maximumf %parallel_loop3A_1913, %parallel_loop3A_1907 : vector<16xf32>
      %parallel_loop3A_1919 = arith.minimumf %parallel_loop3A_1913, %parallel_loop3A_1907 : vector<16xf32>
      %parallel_loop3A_1920 = arith.maximumf %parallel_loop3A_1874, %parallel_loop3A_1909 : vector<16xf32>
      %parallel_loop3A_1921 = arith.maximumf %parallel_loop3A_1875, %parallel_loop3A_1919 : vector<16xf32>
      %parallel_loop3A_1922 = arith.maximumf %parallel_loop3A_1876, %parallel_loop3A_1918 : vector<16xf32>
      %parallel_loop3A_1923 = arith.maximumf %parallel_loop3A_1877, %parallel_loop3A_1917 : vector<16xf32>
      %parallel_loop3A_1924 = arith.maximumf %parallel_loop3A_1878, %parallel_loop3A_1916 : vector<16xf32>
      %parallel_loop3A_1925 = arith.maximumf %parallel_loop3A_1879, %parallel_loop3A_1915 : vector<16xf32>
      %parallel_loop3A_1926 = arith.maximumf %parallel_loop3A_1880, %parallel_loop3A_1914 : vector<16xf32>
      %parallel_loop3A_1927 = arith.maximumf %parallel_loop3A_1881, %parallel_loop3A_1902 : vector<16xf32>
      %parallel_loop3A_1928 = arith.maximumf %parallel_loop3A_1920, %parallel_loop3A_1924 : vector<16xf32>
      %parallel_loop3A_1929 = arith.minimumf %parallel_loop3A_1920, %parallel_loop3A_1924 : vector<16xf32>
      %parallel_loop3A_1930 = arith.maximumf %parallel_loop3A_1921, %parallel_loop3A_1925 : vector<16xf32>
      %parallel_loop3A_1931 = arith.minimumf %parallel_loop3A_1921, %parallel_loop3A_1925 : vector<16xf32>
      %parallel_loop3A_1932 = arith.maximumf %parallel_loop3A_1922, %parallel_loop3A_1926 : vector<16xf32>
      %parallel_loop3A_1933 = arith.minimumf %parallel_loop3A_1922, %parallel_loop3A_1926 : vector<16xf32>
      %parallel_loop3A_1934 = arith.maximumf %parallel_loop3A_1923, %parallel_loop3A_1927 : vector<16xf32>
      %parallel_loop3A_1935 = arith.minimumf %parallel_loop3A_1923, %parallel_loop3A_1927 : vector<16xf32>
      %parallel_loop3A_1936 = arith.maximumf %parallel_loop3A_1928, %parallel_loop3A_1932 : vector<16xf32>
      %parallel_loop3A_1937 = arith.minimumf %parallel_loop3A_1928, %parallel_loop3A_1932 : vector<16xf32>
      %parallel_loop3A_1938 = arith.maximumf %parallel_loop3A_1930, %parallel_loop3A_1934 : vector<16xf32>
      %parallel_loop3A_1939 = arith.minimumf %parallel_loop3A_1930, %parallel_loop3A_1934 : vector<16xf32>
      %parallel_loop3A_1940 = arith.maximumf %parallel_loop3A_1929, %parallel_loop3A_1933 : vector<16xf32>
      %parallel_loop3A_1941 = arith.minimumf %parallel_loop3A_1929, %parallel_loop3A_1933 : vector<16xf32>
      %parallel_loop3A_1942 = arith.maximumf %parallel_loop3A_1931, %parallel_loop3A_1935 : vector<16xf32>
      %parallel_loop3A_1943 = arith.minimumf %parallel_loop3A_1931, %parallel_loop3A_1935 : vector<16xf32>
      %parallel_loop3A_1944 = arith.maximumf %parallel_loop3A_1936, %parallel_loop3A_1938 : vector<16xf32>
      %parallel_loop3A_1945 = arith.minimumf %parallel_loop3A_1936, %parallel_loop3A_1938 : vector<16xf32>
      %parallel_loop3A_1946 = arith.maximumf %parallel_loop3A_1937, %parallel_loop3A_1939 : vector<16xf32>
      %parallel_loop3A_1947 = arith.minimumf %parallel_loop3A_1937, %parallel_loop3A_1939 : vector<16xf32>
      %parallel_loop3A_1948 = arith.maximumf %parallel_loop3A_1940, %parallel_loop3A_1942 : vector<16xf32>
      %parallel_loop3A_1949 = arith.minimumf %parallel_loop3A_1940, %parallel_loop3A_1942 : vector<16xf32>
      %parallel_loop3A_1950 = arith.maximumf %parallel_loop3A_1941, %parallel_loop3A_1943 : vector<16xf32>
      %parallel_loop3A_1951 = arith.minimumf %parallel_loop3A_1941, %parallel_loop3A_1943 : vector<16xf32>
      %parallel_loop3A_1952 = arith.maximumf %parallel_loop3A_1395, %parallel_loop3A_1409 : vector<16xf32>
      %parallel_loop3A_1953 = arith.minimumf %parallel_loop3A_1395, %parallel_loop3A_1409 : vector<16xf32>
      %parallel_loop3A_1954 = arith.maximumf %parallel_loop3A_1423, %parallel_loop3A_1437 : vector<16xf32>
      %parallel_loop3A_1955 = arith.minimumf %parallel_loop3A_1423, %parallel_loop3A_1437 : vector<16xf32>
      %parallel_loop3A_1956 = arith.maximumf %parallel_loop3A_1451, %parallel_loop3A_1465 : vector<16xf32>
      %parallel_loop3A_1957 = arith.minimumf %parallel_loop3A_1451, %parallel_loop3A_1465 : vector<16xf32>
      %parallel_loop3A_1958 = arith.maximumf %parallel_loop3A_1479, %parallel_loop3A_1493 : vector<16xf32>
      %parallel_loop3A_1959 = arith.minimumf %parallel_loop3A_1479, %parallel_loop3A_1493 : vector<16xf32>
      %parallel_loop3A_1960 = arith.maximumf %parallel_loop3A_1952, %parallel_loop3A_1954 : vector<16xf32>
      %parallel_loop3A_1961 = arith.minimumf %parallel_loop3A_1952, %parallel_loop3A_1954 : vector<16xf32>
      %parallel_loop3A_1962 = arith.maximumf %parallel_loop3A_1953, %parallel_loop3A_1955 : vector<16xf32>
      %parallel_loop3A_1963 = arith.minimumf %parallel_loop3A_1953, %parallel_loop3A_1955 : vector<16xf32>
      %parallel_loop3A_1964 = arith.maximumf %parallel_loop3A_1956, %parallel_loop3A_1958 : vector<16xf32>
      %parallel_loop3A_1965 = arith.minimumf %parallel_loop3A_1956, %parallel_loop3A_1958 : vector<16xf32>
      %parallel_loop3A_1966 = arith.maximumf %parallel_loop3A_1957, %parallel_loop3A_1959 : vector<16xf32>
      %parallel_loop3A_1967 = arith.minimumf %parallel_loop3A_1957, %parallel_loop3A_1959 : vector<16xf32>
      %parallel_loop3A_1968 = arith.maximumf %parallel_loop3A_1962, %parallel_loop3A_1961 : vector<16xf32>
      %parallel_loop3A_1969 = arith.minimumf %parallel_loop3A_1962, %parallel_loop3A_1961 : vector<16xf32>
      %parallel_loop3A_1970 = arith.maximumf %parallel_loop3A_1966, %parallel_loop3A_1965 : vector<16xf32>
      %parallel_loop3A_1971 = arith.minimumf %parallel_loop3A_1966, %parallel_loop3A_1965 : vector<16xf32>
      %parallel_loop3A_1972 = arith.maximumf %parallel_loop3A_1960, %parallel_loop3A_1964 : vector<16xf32>
      %parallel_loop3A_1973 = arith.minimumf %parallel_loop3A_1960, %parallel_loop3A_1964 : vector<16xf32>
      %parallel_loop3A_1974 = arith.maximumf %parallel_loop3A_1968, %parallel_loop3A_1970 : vector<16xf32>
      %parallel_loop3A_1975 = arith.minimumf %parallel_loop3A_1968, %parallel_loop3A_1970 : vector<16xf32>
      %parallel_loop3A_1976 = arith.maximumf %parallel_loop3A_1969, %parallel_loop3A_1971 : vector<16xf32>
      %parallel_loop3A_1977 = arith.minimumf %parallel_loop3A_1969, %parallel_loop3A_1971 : vector<16xf32>
      %parallel_loop3A_1978 = arith.maximumf %parallel_loop3A_1963, %parallel_loop3A_1967 : vector<16xf32>
      %parallel_loop3A_1979 = arith.minimumf %parallel_loop3A_1963, %parallel_loop3A_1967 : vector<16xf32>
      %parallel_loop3A_1980 = arith.maximumf %parallel_loop3A_1976, %parallel_loop3A_1973 : vector<16xf32>
      %parallel_loop3A_1981 = arith.minimumf %parallel_loop3A_1976, %parallel_loop3A_1973 : vector<16xf32>
      %parallel_loop3A_1982 = arith.maximumf %parallel_loop3A_1978, %parallel_loop3A_1975 : vector<16xf32>
      %parallel_loop3A_1983 = arith.minimumf %parallel_loop3A_1978, %parallel_loop3A_1975 : vector<16xf32>
      %parallel_loop3A_1984 = arith.maximumf %parallel_loop3A_1974, %parallel_loop3A_1980 : vector<16xf32>
      %parallel_loop3A_1985 = arith.minimumf %parallel_loop3A_1974, %parallel_loop3A_1980 : vector<16xf32>
      %parallel_loop3A_1986 = arith.maximumf %parallel_loop3A_1982, %parallel_loop3A_1981 : vector<16xf32>
      %parallel_loop3A_1987 = arith.minimumf %parallel_loop3A_1982, %parallel_loop3A_1981 : vector<16xf32>
      %parallel_loop3A_1988 = arith.maximumf %parallel_loop3A_1983, %parallel_loop3A_1977 : vector<16xf32>
      %parallel_loop3A_1989 = arith.minimumf %parallel_loop3A_1983, %parallel_loop3A_1977 : vector<16xf32>
      %parallel_loop3A_1990 = arith.maximumf %parallel_loop3A_1944, %parallel_loop3A_1979 : vector<16xf32>
      %parallel_loop3A_1991 = arith.maximumf %parallel_loop3A_1945, %parallel_loop3A_1989 : vector<16xf32>
      %parallel_loop3A_1992 = arith.maximumf %parallel_loop3A_1946, %parallel_loop3A_1988 : vector<16xf32>
      %parallel_loop3A_1993 = arith.maximumf %parallel_loop3A_1947, %parallel_loop3A_1987 : vector<16xf32>
      %parallel_loop3A_1994 = arith.maximumf %parallel_loop3A_1948, %parallel_loop3A_1986 : vector<16xf32>
      %parallel_loop3A_1995 = arith.maximumf %parallel_loop3A_1949, %parallel_loop3A_1985 : vector<16xf32>
      %parallel_loop3A_1996 = arith.maximumf %parallel_loop3A_1950, %parallel_loop3A_1984 : vector<16xf32>
      %parallel_loop3A_1997 = arith.maximumf %parallel_loop3A_1951, %parallel_loop3A_1972 : vector<16xf32>
      %parallel_loop3A_1998 = arith.maximumf %parallel_loop3A_1990, %parallel_loop3A_1994 : vector<16xf32>
      %parallel_loop3A_1999 = arith.minimumf %parallel_loop3A_1990, %parallel_loop3A_1994 : vector<16xf32>
      %parallel_loop3A_2000 = arith.maximumf %parallel_loop3A_1991, %parallel_loop3A_1995 : vector<16xf32>
      %parallel_loop3A_2001 = arith.minimumf %parallel_loop3A_1991, %parallel_loop3A_1995 : vector<16xf32>
      %parallel_loop3A_2002 = arith.maximumf %parallel_loop3A_1992, %parallel_loop3A_1996 : vector<16xf32>
      %parallel_loop3A_2003 = arith.minimumf %parallel_loop3A_1992, %parallel_loop3A_1996 : vector<16xf32>
      %parallel_loop3A_2004 = arith.maximumf %parallel_loop3A_1993, %parallel_loop3A_1997 : vector<16xf32>
      %parallel_loop3A_2005 = arith.minimumf %parallel_loop3A_1993, %parallel_loop3A_1997 : vector<16xf32>
      %parallel_loop3A_2006 = arith.maximumf %parallel_loop3A_1998, %parallel_loop3A_2002 : vector<16xf32>
      %parallel_loop3A_2007 = arith.minimumf %parallel_loop3A_1998, %parallel_loop3A_2002 : vector<16xf32>
      %parallel_loop3A_2008 = arith.maximumf %parallel_loop3A_2000, %parallel_loop3A_2004 : vector<16xf32>
      %parallel_loop3A_2009 = arith.minimumf %parallel_loop3A_2000, %parallel_loop3A_2004 : vector<16xf32>
      %parallel_loop3A_2010 = arith.maximumf %parallel_loop3A_1999, %parallel_loop3A_2003 : vector<16xf32>
      %parallel_loop3A_2011 = arith.minimumf %parallel_loop3A_1999, %parallel_loop3A_2003 : vector<16xf32>
      %parallel_loop3A_2012 = arith.maximumf %parallel_loop3A_2001, %parallel_loop3A_2005 : vector<16xf32>
      %parallel_loop3A_2013 = arith.minimumf %parallel_loop3A_2001, %parallel_loop3A_2005 : vector<16xf32>
      %parallel_loop3A_2014 = arith.maximumf %parallel_loop3A_2006, %parallel_loop3A_2008 : vector<16xf32>
      %parallel_loop3A_2015 = arith.minimumf %parallel_loop3A_2006, %parallel_loop3A_2008 : vector<16xf32>
      %parallel_loop3A_2016 = arith.maximumf %parallel_loop3A_2007, %parallel_loop3A_2009 : vector<16xf32>
      %parallel_loop3A_2017 = arith.minimumf %parallel_loop3A_2007, %parallel_loop3A_2009 : vector<16xf32>
      %parallel_loop3A_2018 = arith.maximumf %parallel_loop3A_2010, %parallel_loop3A_2012 : vector<16xf32>
      %parallel_loop3A_2019 = arith.minimumf %parallel_loop3A_2010, %parallel_loop3A_2012 : vector<16xf32>
      %parallel_loop3A_2020 = arith.maximumf %parallel_loop3A_2011, %parallel_loop3A_2013 : vector<16xf32>
      %parallel_loop3A_2021 = arith.minimumf %parallel_loop3A_2011, %parallel_loop3A_2013 : vector<16xf32>
      %parallel_loop3A_2022 = arith.constant 1.000000e+00 : f32
      %parallel_loop3A_2023 = vector.broadcast %parallel_loop3A_2022 : f32 to vector<16xf32>
      %parallel_loop3A_2024 = arith.divf %parallel_loop3A_2023, %parallel_loop3A_1485 : vector<16xf32>
      %parallel_loop3A_2025 = vector.bitcast %parallel_loop3A_2014 : vector<16xf32> to vector<16xi32>
      %parallel_loop3A_2026 = arith.constant 0 : i32
      %parallel_loop3A_2027 = arith.addi %parallel_loop3A_598, %parallel_loop3A_2026 : i32
      %parallel_loop3A_2028 = arith.constant 63 : i32
      %parallel_loop3A_2029 = vector.broadcast %parallel_loop3A_2028 : i32 to vector<16xi32>
      %parallel_loop3A_2030 = arith.andi %parallel_loop3A_2025, %parallel_loop3A_2029 : vector<16xi32>
      %parallel_loop3A_2031 = arith.constant 63 : i32
      %parallel_loop3A_2032 = vector.broadcast %parallel_loop3A_2031 : i32 to vector<16xi32>
      %parallel_loop3A_2033 = arith.subi %parallel_loop3A_2032, %parallel_loop3A_2030 : vector<16xi32>
      %parallel_loop3A_2034 = arith.index_cast %parallel_loop3A_2027 : i32 to index
      %parallel_loop3A_2035 = tpu.vector_load %arg6[%parallel_loop3A_2034] {strides = array<i32>} : memref<8192xi32, #tpu.memory_space<vmem>>, vector<16xi32>,
      tpu.vector_store %arg6[%parallel_loop3A_2034], %parallel_loop3A_2033 {strides = array<i32>} : memref<8192xi32, #tpu.memory_space<vmem>>, vector<16xi32>,
      %parallel_loop3A_2036 = arith.constant -64 : i32
      %parallel_loop3A_2037 = vector.broadcast %parallel_loop3A_2036 : i32 to vector<16xi32>
      %parallel_loop3A_2038 = arith.andi %parallel_loop3A_2025, %parallel_loop3A_2037 : vector<16xi32>
      %parallel_loop3A_2039 = vector.bitcast %parallel_loop3A_2038 : vector<16xi32> to vector<16xf32>
      %parallel_loop3A_2040 = arith.mulf %parallel_loop3A_2039, %parallel_loop3A_2024 : vector<16xf32>
      %parallel_loop3A_2041 = arith.index_cast %parallel_loop3A_2027 : i32 to index
      %parallel_loop3A_2042 = tpu.vector_load %arg7[%parallel_loop3A_2041] {strides = array<i32>} : memref<8192xf32, #tpu.memory_space<vmem>>, vector<16xf32>,
      tpu.vector_store %arg7[%parallel_loop3A_2041], %parallel_loop3A_2040 {strides = array<i32>} : memref<8192xf32, #tpu.memory_space<vmem>>, vector<16xf32>,
      %parallel_loop3A_2043 = vector.bitcast %parallel_loop3A_2015 : vector<16xf32> to vector<16xi32>
      %parallel_loop3A_2044 = arith.constant 128 : i32
      %parallel_loop3A_2045 = arith.addi %parallel_loop3A_598, %parallel_loop3A_2044 : i32
      %parallel_loop3A_2046 = arith.constant 63 : i32
      %parallel_loop3A_2047 = vector.broadcast %parallel_loop3A_2046 : i32 to vector<16xi32>
      %parallel_loop3A_2048 = arith.andi %parallel_loop3A_2043, %parallel_loop3A_2047 : vector<16xi32>
      %parallel_loop3A_2049 = arith.constant 63 : i32
      %parallel_loop3A_2050 = vector.broadcast %parallel_loop3A_2049 : i32 to vector<16xi32>
      %parallel_loop3A_2051 = arith.subi %parallel_loop3A_2050, %parallel_loop3A_2048 : vector<16xi32>
      %parallel_loop3A_2052 = arith.index_cast %parallel_loop3A_2045 : i32 to index
      %parallel_loop3A_2053 = tpu.vector_load %arg6[%parallel_loop3A_2052] {strides = array<i32>} : memref<8192xi32, #tpu.memory_space<vmem>>, vector<16xi32>,
      tpu.vector_store %arg6[%parallel_loop3A_2052], %parallel_loop3A_2051 {strides = array<i32>} : memref<8192xi32, #tpu.memory_space<vmem>>, vector<16xi32>,
      %parallel_loop3A_2054 = arith.constant -64 : i32
      %parallel_loop3A_2055 = vector.broadcast %parallel_loop3A_2054 : i32 to vector<16xi32>
      %parallel_loop3A_2056 = arith.andi %parallel_loop3A_2043, %parallel_loop3A_2055 : vector<16xi32>
      %parallel_loop3A_2057 = vector.bitcast %parallel_loop3A_2056 : vector<16xi32> to vector<16xf32>
      %parallel_loop3A_2058 = arith.mulf %parallel_loop3A_2057, %parallel_loop3A_2024 : vector<16xf32>
      %parallel_loop3A_2059 = arith.index_cast %parallel_loop3A_2045 : i32 to index
      %parallel_loop3A_2060 = tpu.vector_load %arg7[%parallel_loop3A_2059] {strides = array<i32>} : memref<8192xf32, #tpu.memory_space<vmem>>, vector<16xf32>,
      tpu.vector_store %arg7[%parallel_loop3A_2059], %parallel_loop3A_2058 {strides = array<i32>} : memref<8192xf32, #tpu.memory_space<vmem>>, vector<16xf32>,
      %parallel_loop3A_2061 = vector.bitcast %parallel_loop3A_2016 : vector<16xf32> to vector<16xi32>
      %parallel_loop3A_2062 = arith.constant 256 : i32
      %parallel_loop3A_2063 = arith.addi %parallel_loop3A_598, %parallel_loop3A_2062 : i32
      %parallel_loop3A_2064 = arith.constant 63 : i32
      %parallel_loop3A_2065 = vector.broadcast %parallel_loop3A_2064 : i32 to vector<16xi32>
      %parallel_loop3A_2066 = arith.andi %parallel_loop3A_2061, %parallel_loop3A_2065 : vector<16xi32>
      %parallel_loop3A_2067 = arith.constant 63 : i32
      %parallel_loop3A_2068 = vector.broadcast %parallel_loop3A_2067 : i32 to vector<16xi32>
      %parallel_loop3A_2069 = arith.subi %parallel_loop3A_2068, %parallel_loop3A_2066 : vector<16xi32>
      %parallel_loop3A_2070 = arith.index_cast %parallel_loop3A_2063 : i32 to index
      %parallel_loop3A_2071 = tpu.vector_load %arg6[%parallel_loop3A_2070] {strides = array<i32>} : memref<8192xi32, #tpu.memory_space<vmem>>, vector<16xi32>,
      tpu.vector_store %arg6[%parallel_loop3A_2070], %parallel_loop3A_2069 {strides = array<i32>} : memref<8192xi32, #tpu.memory_space<vmem>>, vector<16xi32>,
      %parallel_loop3A_2072 = arith.constant -64 : i32
      %parallel_loop3A_2073 = vector.broadcast %parallel_loop3A_2072 : i32 to vector<16xi32>
      %parallel_loop3A_2074 = arith.andi %parallel_loop3A_2061, %parallel_loop3A_2073 : vector<16xi32>
      %parallel_loop3A_2075 = vector.bitcast %parallel_loop3A_2074 : vector<16xi32> to vector<16xf32>
      %parallel_loop3A_2076 = arith.mulf %parallel_loop3A_2075, %parallel_loop3A_2024 : vector<16xf32>
      %parallel_loop3A_2077 = arith.index_cast %parallel_loop3A_2063 : i32 to index
      %parallel_loop3A_2078 = tpu.vector_load %arg7[%parallel_loop3A_2077] {strides = array<i32>} : memref<8192xf32, #tpu.memory_space<vmem>>, vector<16xf32>,
      tpu.vector_store %arg7[%parallel_loop3A_2077], %parallel_loop3A_2076 {strides = array<i32>} : memref<8192xf32, #tpu.memory_space<vmem>>, vector<16xf32>,
      %parallel_loop3A_2079 = vector.bitcast %parallel_loop3A_2017 : vector<16xf32> to vector<16xi32>
      %parallel_loop3A_2080 = arith.constant 384 : i32
      %parallel_loop3A_2081 = arith.addi %parallel_loop3A_598, %parallel_loop3A_2080 : i32
      %parallel_loop3A_2082 = arith.constant 63 : i32
      %parallel_loop3A_2083 = vector.broadcast %parallel_loop3A_2082 : i32 to vector<16xi32>
      %parallel_loop3A_2084 = arith.andi %parallel_loop3A_2079, %parallel_loop3A_2083 : vector<16xi32>
      %parallel_loop3A_2085 = arith.constant 63 : i32
      %parallel_loop3A_2086 = vector.broadcast %parallel_loop3A_2085 : i32 to vector<16xi32>
      %parallel_loop3A_2087 = arith.subi %parallel_loop3A_2086, %parallel_loop3A_2084 : vector<16xi32>
      %parallel_loop3A_2088 = arith.index_cast %parallel_loop3A_2081 : i32 to index
      %parallel_loop3A_2089 = tpu.vector_load %arg6[%parallel_loop3A_2088] {strides = array<i32>} : memref<8192xi32, #tpu.memory_space<vmem>>, vector<16xi32>,
      tpu.vector_store %arg6[%parallel_loop3A_2088], %parallel_loop3A_2087 {strides = array<i32>} : memref<8192xi32, #tpu.memory_space<vmem>>, vector<16xi32>,
      %parallel_loop3A_2090 = arith.constant -64 : i32
      %parallel_loop3A_2091 = vector.broadcast %parallel_loop3A_2090 : i32 to vector<16xi32>
      %parallel_loop3A_2092 = arith.andi %parallel_loop3A_2079, %parallel_loop3A_2091 : vector<16xi32>
      %parallel_loop3A_2093 = vector.bitcast %parallel_loop3A_2092 : vector<16xi32> to vector<16xf32>
      %parallel_loop3A_2094 = arith.mulf %parallel_loop3A_2093, %parallel_loop3A_2024 : vector<16xf32>
      %parallel_loop3A_2095 = arith.index_cast %parallel_loop3A_2081 : i32 to index
      %parallel_loop3A_2096 = tpu.vector_load %arg7[%parallel_loop3A_2095] {strides = array<i32>} : memref<8192xf32, #tpu.memory_space<vmem>>, vector<16xf32>,
      tpu.vector_store %arg7[%parallel_loop3A_2095], %parallel_loop3A_2094 {strides = array<i32>} : memref<8192xf32, #tpu.memory_space<vmem>>, vector<16xf32>,
      %parallel_loop3A_2097 = vector.bitcast %parallel_loop3A_2018 : vector<16xf32> to vector<16xi32>
      %parallel_loop3A_2098 = arith.constant 512 : i32
      %parallel_loop3A_2099 = arith.addi %parallel_loop3A_598, %parallel_loop3A_2098 : i32
      %parallel_loop3A_2100 = arith.constant 63 : i32
      %parallel_loop3A_2101 = vector.broadcast %parallel_loop3A_2100 : i32 to vector<16xi32>
      %parallel_loop3A_2102 = arith.andi %parallel_loop3A_2097, %parallel_loop3A_2101 : vector<16xi32>
      %parallel_loop3A_2103 = arith.constant 63 : i32
      %parallel_loop3A_2104 = vector.broadcast %parallel_loop3A_2103 : i32 to vector<16xi32>
      %parallel_loop3A_2105 = arith.subi %parallel_loop3A_2104, %parallel_loop3A_2102 : vector<16xi32>
      %parallel_loop3A_2106 = arith.index_cast %parallel_loop3A_2099 : i32 to index
      %parallel_loop3A_2107 = tpu.vector_load %arg6[%parallel_loop3A_2106] {strides = array<i32>} : memref<8192xi32, #tpu.memory_space<vmem>>, vector<16xi32>,
      tpu.vector_store %arg6[%parallel_loop3A_2106], %parallel_loop3A_2105 {strides = array<i32>} : memref<8192xi32, #tpu.memory_space<vmem>>, vector<16xi32>,
      %parallel_loop3A_2108 = arith.constant -64 : i32
      %parallel_loop3A_2109 = vector.broadcast %parallel_loop3A_2108 : i32 to vector<16xi32>
      %parallel_loop3A_2110 = arith.andi %parallel_loop3A_2097, %parallel_loop3A_2109 : vector<16xi32>
      %parallel_loop3A_2111 = vector.bitcast %parallel_loop3A_2110 : vector<16xi32> to vector<16xf32>
      %parallel_loop3A_2112 = arith.mulf %parallel_loop3A_2111, %parallel_loop3A_2024 : vector<16xf32>
      %parallel_loop3A_2113 = arith.index_cast %parallel_loop3A_2099 : i32 to index
      %parallel_loop3A_2114 = tpu.vector_load %arg7[%parallel_loop3A_2113] {strides = array<i32>} : memref<8192xf32, #tpu.memory_space<vmem>>, vector<16xf32>,
      tpu.vector_store %arg7[%parallel_loop3A_2113], %parallel_loop3A_2112 {strides = array<i32>} : memref<8192xf32, #tpu.memory_space<vmem>>, vector<16xf32>,
      %parallel_loop3A_2115 = vector.bitcast %parallel_loop3A_2019 : vector<16xf32> to vector<16xi32>
      %parallel_loop3A_2116 = arith.constant 640 : i32
      %parallel_loop3A_2117 = arith.addi %parallel_loop3A_598, %parallel_loop3A_2116 : i32
      %parallel_loop3A_2118 = arith.constant 63 : i32
      %parallel_loop3A_2119 = vector.broadcast %parallel_loop3A_2118 : i32 to vector<16xi32>
      %parallel_loop3A_2120 = arith.andi %parallel_loop3A_2115, %parallel_loop3A_2119 : vector<16xi32>
      %parallel_loop3A_2121 = arith.constant 63 : i32
      %parallel_loop3A_2122 = vector.broadcast %parallel_loop3A_2121 : i32 to vector<16xi32>
      %parallel_loop3A_2123 = arith.subi %parallel_loop3A_2122, %parallel_loop3A_2120 : vector<16xi32>
      %parallel_loop3A_2124 = arith.index_cast %parallel_loop3A_2117 : i32 to index
      %parallel_loop3A_2125 = tpu.vector_load %arg6[%parallel_loop3A_2124] {strides = array<i32>} : memref<8192xi32, #tpu.memory_space<vmem>>, vector<16xi32>,
      tpu.vector_store %arg6[%parallel_loop3A_2124], %parallel_loop3A_2123 {strides = array<i32>} : memref<8192xi32, #tpu.memory_space<vmem>>, vector<16xi32>,
      %parallel_loop3A_2126 = arith.constant -64 : i32
      %parallel_loop3A_2127 = vector.broadcast %parallel_loop3A_2126 : i32 to vector<16xi32>
      %parallel_loop3A_2128 = arith.andi %parallel_loop3A_2115, %parallel_loop3A_2127 : vector<16xi32>
      %parallel_loop3A_2129 = vector.bitcast %parallel_loop3A_2128 : vector<16xi32> to vector<16xf32>
      %parallel_loop3A_2130 = arith.mulf %parallel_loop3A_2129, %parallel_loop3A_2024 : vector<16xf32>
      %parallel_loop3A_2131 = arith.index_cast %parallel_loop3A_2117 : i32 to index
      %parallel_loop3A_2132 = tpu.vector_load %arg7[%parallel_loop3A_2131] {strides = array<i32>} : memref<8192xf32, #tpu.memory_space<vmem>>, vector<16xf32>,
      tpu.vector_store %arg7[%parallel_loop3A_2131], %parallel_loop3A_2130 {strides = array<i32>} : memref<8192xf32, #tpu.memory_space<vmem>>, vector<16xf32>,
      %parallel_loop3A_2133 = vector.bitcast %parallel_loop3A_2020 : vector<16xf32> to vector<16xi32>
      %parallel_loop3A_2134 = arith.constant 768 : i32
      %parallel_loop3A_2135 = arith.addi %parallel_loop3A_598, %parallel_loop3A_2134 : i32
      %parallel_loop3A_2136 = arith.constant 63 : i32
      %parallel_loop3A_2137 = vector.broadcast %parallel_loop3A_2136 : i32 to vector<16xi32>
      %parallel_loop3A_2138 = arith.andi %parallel_loop3A_2133, %parallel_loop3A_2137 : vector<16xi32>
      %parallel_loop3A_2139 = arith.constant 63 : i32
      %parallel_loop3A_2140 = vector.broadcast %parallel_loop3A_2139 : i32 to vector<16xi32>
      %parallel_loop3A_2141 = arith.subi %parallel_loop3A_2140, %parallel_loop3A_2138 : vector<16xi32>
      %parallel_loop3A_2142 = arith.index_cast %parallel_loop3A_2135 : i32 to index
      %parallel_loop3A_2143 = tpu.vector_load %arg6[%parallel_loop3A_2142] {strides = array<i32>} : memref<8192xi32, #tpu.memory_space<vmem>>, vector<16xi32>,
      tpu.vector_store %arg6[%parallel_loop3A_2142], %parallel_loop3A_2141 {strides = array<i32>} : memref<8192xi32, #tpu.memory_space<vmem>>, vector<16xi32>,
      %parallel_loop3A_2144 = arith.constant -64 : i32
      %parallel_loop3A_2145 = vector.broadcast %parallel_loop3A_2144 : i32 to vector<16xi32>
      %parallel_loop3A_2146 = arith.andi %parallel_loop3A_2133, %parallel_loop3A_2145 : vector<16xi32>
      %parallel_loop3A_2147 = vector.bitcast %parallel_loop3A_2146 : vector<16xi32> to vector<16xf32>
      %parallel_loop3A_2148 = arith.mulf %parallel_loop3A_2147, %parallel_loop3A_2024 : vector<16xf32>
      %parallel_loop3A_2149 = arith.index_cast %parallel_loop3A_2135 : i32 to index
      %parallel_loop3A_2150 = tpu.vector_load %arg7[%parallel_loop3A_2149] {strides = array<i32>} : memref<8192xf32, #tpu.memory_space<vmem>>, vector<16xf32>,
      tpu.vector_store %arg7[%parallel_loop3A_2149], %parallel_loop3A_2148 {strides = array<i32>} : memref<8192xf32, #tpu.memory_space<vmem>>, vector<16xf32>,
      %parallel_loop3A_2151 = vector.bitcast %parallel_loop3A_2021 : vector<16xf32> to vector<16xi32>
      %parallel_loop3A_2152 = arith.constant 896 : i32
      %parallel_loop3A_2153 = arith.addi %parallel_loop3A_598, %parallel_loop3A_2152 : i32
      %parallel_loop3A_2154 = arith.constant 63 : i32
      %parallel_loop3A_2155 = vector.broadcast %parallel_loop3A_2154 : i32 to vector<16xi32>
      %parallel_loop3A_2156 = arith.andi %parallel_loop3A_2151, %parallel_loop3A_2155 : vector<16xi32>
      %parallel_loop3A_2157 = arith.constant 63 : i32
      %parallel_loop3A_2158 = vector.broadcast %parallel_loop3A_2157 : i32 to vector<16xi32>
      %parallel_loop3A_2159 = arith.subi %parallel_loop3A_2158, %parallel_loop3A_2156 : vector<16xi32>
      %parallel_loop3A_2160 = arith.index_cast %parallel_loop3A_2153 : i32 to index
      %parallel_loop3A_2161 = tpu.vector_load %arg6[%parallel_loop3A_2160] {strides = array<i32>} : memref<8192xi32, #tpu.memory_space<vmem>>, vector<16xi32>,
      tpu.vector_store %arg6[%parallel_loop3A_2160], %parallel_loop3A_2159 {strides = array<i32>} : memref<8192xi32, #tpu.memory_space<vmem>>, vector<16xi32>,
      %parallel_loop3A_2162 = arith.constant -64 : i32
      %parallel_loop3A_2163 = vector.broadcast %parallel_loop3A_2162 : i32 to vector<16xi32>
      %parallel_loop3A_2164 = arith.andi %parallel_loop3A_2151, %parallel_loop3A_2163 : vector<16xi32>
      %parallel_loop3A_2165 = vector.bitcast %parallel_loop3A_2164 : vector<16xi32> to vector<16xf32>
      %parallel_loop3A_2166 = arith.mulf %parallel_loop3A_2165, %parallel_loop3A_2024 : vector<16xf32>
      %parallel_loop3A_2167 = arith.index_cast %parallel_loop3A_2153 : i32 to index
      %parallel_loop3A_2168 = tpu.vector_load %arg7[%parallel_loop3A_2167] {strides = array<i32>} : memref<8192xf32, #tpu.memory_space<vmem>>, vector<16xf32>,
      tpu.vector_store %arg7[%parallel_loop3A_2167], %parallel_loop3A_2166 {strides = array<i32>} : memref<8192xf32, #tpu.memory_space<vmem>>, vector<16xf32>,
    } {sc.loop_unroll_factor = 2 : i64, sc.parallel_access}
    %mul3A_579 = arith.constant 8192 : i32
    %mul3A_580 = arith.muli %add3A, %mul3A_579 : i32
    %dma_start3A_581 = tpu.memref_slice %arg3[%mul3A_580] : memref<262144xi32, #tpu.memory_space<hbm>> -> memref<8192xi32, #tpu.memory_space<hbm>>
    %dma_start3A_582 = tpu.memref_slice %arg3[%mul3A_580] : memref<262144xi32, #tpu.memory_space<hbm>> -> memref<8192xi32, #tpu.memory_space<hbm>>
    tpu.enqueue_dma source(%arg6 : memref<8192xi32, #tpu.memory_space<vmem>>) target(%dma_start3A_582 : memref<8192xi32, #tpu.memory_space<hbm>>) target_semaphore(%arg10 : memref<!tpu.dma_semaphore, #tpu.memory_space<semaphore_mem>>)
    %mul3A_583 = arith.constant 8192 : i32
    %mul3A_584 = arith.muli %add3A, %mul3A_583 : i32
    %dma_start3A_585 = tpu.memref_slice %arg4[%mul3A_584] : memref<262144xf32, #tpu.memory_space<hbm>> -> memref<8192xf32, #tpu.memory_space<hbm>>
    %dma_start3A_586 = tpu.memref_slice %arg4[%mul3A_584] : memref<262144xf32, #tpu.memory_space<hbm>> -> memref<8192xf32, #tpu.memory_space<hbm>>
    tpu.enqueue_dma source(%arg7 : memref<8192xf32, #tpu.memory_space<vmem>>) target(%dma_start3A_586 : memref<8192xf32, #tpu.memory_space<hbm>>) target_semaphore(%arg10 : memref<!tpu.dma_semaphore, #tpu.memory_space<semaphore_mem>>)
    %dma_wait3A_587 = tpu.memref_slice %arg3[%mul3A_580] : memref<262144xi32, #tpu.memory_space<hbm>> -> memref<8192xi32, #tpu.memory_space<hbm>>
    %dma_wait3A_588 = tpu.memref_slice %arg3[%mul3A_580] : memref<262144xi32, #tpu.memory_space<hbm>> -> memref<8192xi32, #tpu.memory_space<hbm>>
    tpu.wait_dma2 semaphore(%arg10 : memref<!tpu.dma_semaphore, #tpu.memory_space<semaphore_mem>>) src(%arg6 : memref<8192xi32, #tpu.memory_space<vmem>>) dst(%dma_wait3A_588 : memref<8192xi32, #tpu.memory_space<hbm>>)
    %dma_wait3A_589 = tpu.memref_slice %arg4[%mul3A_584] : memref<262144xf32, #tpu.memory_space<hbm>> -> memref<8192xf32, #tpu.memory_space<hbm>>
    %dma_wait3A_590 = tpu.memref_slice %arg4[%mul3A_584] : memref<262144xf32, #tpu.memory_space<hbm>> -> memref<8192xf32, #tpu.memory_space<hbm>>
    tpu.wait_dma2 semaphore(%arg10 : memref<!tpu.dma_semaphore, #tpu.memory_space<semaphore_mem>>) src(%arg7 : memref<8192xf32, #tpu.memory_space<vmem>>) dst(%dma_wait3A_590 : memref<8192xf32, #tpu.memory_space<hbm>>)
    return
  }
}

</mosaic_0001>

<sc_bundles>
// kernel: kernel.3.cloned.1.call-start
scs
__scs_entry_jumppad:
0x0: {  	(pc) =	sbr.rel $0x88, $3  }
0x1: {  	(tag) =	ssettag $0x0;
	lr =	simm.s32 $0x1  }
0x2: {  	[smem:$0x3FA0] =	sst lr;
	_ =	strace $0xD0000000  }
0x3: {  	_ = 	snop  }
0x4: {  	_ = 	snop  }
0x5: {  	_ = 	snop  }
0x6: {  	_ = 	snop  }
0x7: {  	_ = 	snop  }
__scs_overlays_trampoline_lowered:
0x8: {  	[smem:$0x3FAF] =	sst s0  }
0x9: {  	[smem:$0x3FB0] =	sst s1  }
0xa: {  	[smem:$0x3FB1] =	sst s2  }
0xb: {  	[smem:$0x3FB2] =	sst s3  }
0xc: {  	[smem:$0x3FB3] =	sst s4  }
0xd: {  	[smem:$0x3FB4] =	sst s5  }
0xe: {  	[smem:$0x3FB5] =	sst s6  }
0xf: {  	[smem:$0x3FB6] =	sst s7  }
0x10: {  	[smem:$0x3FB7] =	sst s8  }
0x11: {  	[smem:$0x3FB8] =	sst s9;
	s0 =	simm.s32 @!p0 $0x0  }
0x12: {  	s1 =	sld [smem:$0x3F9E];
	s0 =	simm.s32 @p0 $0x1  }
0x13: {  	[smem:$0x3FB9] =	sst s0;
	s0 =	simm.s32 @!p1 $0x0  }
0x14: {  	s2 =	sld [smem:$0x3F9D];
	s0 =	simm.s32 @p1 $0x1  }
0x15: {  	[smem:$0x3FBA] =	sst s0;
	s0 =	simm.s32 @!p2 $0x0  }
0x16: {  	s3 =	sld [smem:$0x3FDB];
	s0 =	simm.s32 @p2 $0x1  }
0x17: {  	s4 =	simm.s32 $0x1BF5;
	[smem:$0x3FBC] =	sst s0  }
0x18: {  	s0 =	sld [smem:$0x3F9F];
	_ =	swait.ge [sflag:s4], $0x0  }
0x19: {  	s7 =	sld [smem:$0x3FA0]  }
0x1a: {  	s8 =	sadd.s32 $0xFFFFE003, lr  }
0x1b: {  	s9 =	sadd.s32 $0xFFFFFEF7, lr;
	s5 =	simm.s32 $0xFFFFFFFF;
	p2 =	slt.u32 s8, $0xFFFFF086  }
0x1c: {  	p1 =	slt.u32 s9, $0xF7A;
	s5 =	simm.s32 @!p2 $0x0  }
0x1d: {  	s5 =	simm.s32 @p1 $0x1;
	p0 =	seq.s32 s7, s2  }
0x1e: {  	s7 =	smul.u32 @!p0 $0xF7A, s2;
	p2 =	seq.s32 @!p0 s5, $0x0  }
0x1f: {  	s9 =	smul.u32 $0xF7A, s1;
	s8 =	simm.s32 @!p0 $0x1BF5;
	p2 =	por !p2, p0  }
0x20: {  	[sflag:s8] =	ssyncset.s32 @!p0 $0xFFFFF086;
	s6 =	sadd.s32 @!p0 s3, s7;
	s7 =	simm.s32 @!p0 $0x108  }
0x21: {  	s3 =	sadd.s32 s3, s9;
	s6 =	sadd.s32 @!p0 $0x88, s6;
	s7 =	simm.s32 @p2 $0x1082  }
0x22: {  	[simem:s7], [sflag:s8] =	dma.local @!p0 [hbm:s6], $0xF7A  }
0x23: {  	s9 =	sor.u32 $0xD0000000, s2;
	s6 =	simm.s32 $0x108;
	_ =	swait.ge @!p0 [sflag:s8], $0x0  }
0x24: {  	s3 =	sadd.s32 $0x88, s3;
	s6 =	simm.s32 @!p1 $0x1082;
	[sflag:s4] =	ssyncset.s32 $0xFFFFF086  }
0x25: {  	[simem:s6], [sflag:s4] =	dma.local [hbm:s3], $0xF7A  }
0x26: {  	[smem:$0x3FA0] =	sst s1;
	(tag) =	ssettag s2;
	_ =	strace s9  }
0x27: {  	s1 =	sld [smem:$0x3FB0]  }
0x28: {  	s2 =	sld [smem:$0x3FB1]  }
0x29: {  	s4 =	sld [smem:$0x3FB3]  }
0x2a: {  	p0 =	seq.s32 s5, $0x0;
	s5 =	sld [smem:$0x3FB4]  }
0x2b: {  	s6 =	sld [smem:$0x3FB5]  }
0x2c: {  	s7 =	sld [smem:$0x3FB6]  }
0x2d: {  	s3 =	simm.s32 $0x108;
	s8 =	sld [smem:$0x3FB7]  }
0x2e: {  	s3 =	simm.s32 @!p0 $0x1082;
	s9 =	sld [smem:$0x3FB8]  }
0x2f: {  	lr =	sadd.s32 s0, s3;
	s0 =	sld [smem:$0x3FAF]  }
0x30: {  	s3 =	sld [smem:$0x3FB2]  }
0x31: {  	[smem:$0x3FBB] =	sst s10  }
0x32: {  	s10 =	sld [smem:$0x3FB9];
	_ =	sdelay $0x3  }
0x33: {  	p0 =	seq.s32 s10, $0x1;
	s10 =	sld [smem:$0x3FBB];
	_ =	sdelay $0x3  }
0x34: {  	[smem:$0x3FBB] =	sst s10  }
0x35: {  	s10 =	sld [smem:$0x3FBA];
	_ =	sdelay $0x3  }
0x36: {  	p1 =	seq.s32 s10, $0x1;
	s10 =	sld [smem:$0x3FBB];
	_ =	sdelay $0x3  }
0x37: {  	[smem:$0x3FBB] =	sst s10  }
0x38: {  	s10 =	sld [smem:$0x3FBC]  }
0x39: {  	_ = 	snop;
	(pc) =	sbr.ind lr, $3  }
0x3a: {  	_ = 	snop  }
0x3b: {  	_ = 	snop  }
0x3c: {  	p2 =	seq.s32 s10, $0x1;
	s10 =	sld [smem:$0x3FBB]  }
0x3d: {  	_ =	shalt  }
0x3e: {  	_ =	shalt  }
0x3f: {  	_ =	shalt  }
0x40: {  	_ =	shalt  }
0x41: {  	_ =	shalt  }
0x42: {  	_ =	shalt  }
0x43: {  	_ =	shalt  }
0x44: {  	_ =	shalt  }
0x45: {  	_ =	shalt  }
0x46: {  	_ =	shalt  }
0x47: {  	_ =	shalt  }
0x48: {  	_ =	shalt  }
0x49: {  	_ =	shalt  }
0x4a: {  	_ =	shalt  }
0x4b: {  	_ =	shalt  }
0x4c: {  	_ =	shalt  }
0x4d: {  	_ =	shalt  }
0x4e: {  	_ =	shalt  }
0x4f: {  	_ =	shalt  }
0x50: {  	_ =	shalt  }
0x51: {  	_ =	shalt  }
0x52: {  	_ =	shalt  }
0x53: {  	_ =	shalt  }
0x54: {  	_ =	shalt  }
0x55: {  	_ =	shalt  }
0x56: {  	_ =	shalt  }
0x57: {  	_ =	shalt  }
0x58: {  	_ =	shalt  }
0x59: {  	_ =	shalt  }
0x5a: {  	_ =	shalt  }
0x5b: {  	_ =	shalt  }
0x5c: {  	_ =	shalt  }
0x5d: {  	_ =	shalt  }
0x5e: {  	_ =	shalt  }
0x5f: {  	_ =	shalt  }
0x60: {  	_ =	shalt  }
0x61: {  	_ =	shalt  }
0x62: {  	_ =	shalt  }
0x63: {  	_ =	shalt  }
0x64: {  	_ =	shalt  }
0x65: {  	_ =	shalt  }
0x66: {  	_ =	shalt  }
0x67: {  	_ =	shalt  }
0x68: {  	_ =	shalt  }
0x69: {  	_ =	shalt  }
0x6a: {  	_ =	shalt  }
0x6b: {  	_ =	shalt  }
0x6c: {  	_ =	shalt  }
0x6d: {  	_ =	shalt  }
0x6e: {  	_ =	shalt  }
0x6f: {  	_ =	shalt  }
0x70: {  	_ =	shalt  }
0x71: {  	_ =	shalt  }
0x72: {  	_ =	shalt  }
0x73: {  	_ =	shalt  }
0x74: {  	_ =	shalt  }
0x75: {  	_ =	shalt  }
0x76: {  	_ =	shalt  }
0x77: {  	_ =	shalt  }
0x78: {  	_ =	shalt  }
0x79: {  	_ =	shalt  }
0x7a: {  	_ =	shalt  }
0x7b: {  	_ =	shalt  }
0x7c: {  	_ =	shalt  }
0x7d: {  	_ =	shalt  }
0x7e: {  	_ =	shalt  }
0x7f: {  	_ =	shalt  }
0x80: {  	_ =	shalt  }
0x81: {  	_ =	shalt  }
0x82: {  	_ =	shalt  }
0x83: {  	_ =	shalt  }
0x84: {  	_ =	shalt  }
0x85: {  	_ =	shalt  }
0x86: {  	_ =	shalt  }
0x87: {  	_ =	shalt  }
.Lfunc_end0:
.L_simem_size_0:
called_computation_lowered:
.L_overlay_start_0:
0x88: {  	s2 =	sld [smem:$0x3FD9]  }
0x89: {  	s3 =	sld [smem:$0x3FFE];
	_ =	sdelay $0x1  }
0x8a: {  	s1 =	srdreg.scid  }
0x8b: {  	s0 =	sand.u32 $0x1, s1  }
0x8c: {  	s15 =	sshll.u32 s0, $0xA;
	s2 =	sadd.s32 s3, s2  }
0x8d: {  	s2 =	sadd.s32 s2, s15  }
0x8e: {  	[smem:$0x3FC7] =	sst s2  }
0x8f: {  	_ = 	snop  }
0x90: {  	s2 =	sld [smem:$0x3FD0];
	_ =	sdelay $0x2  }
0x91: {  	s4 =	simm.s32 $0xA;
	s5 =	simm.s32 $0x10;
	s16 =	sld [smem:$0x3FC9]  }
0x92: {  	[smem:s5], [sflag:s4] =	dma.local [hbm:s2], $0x1  }
0x93: {  	_ =	swait.eq [sflag:s4], $0x1  }
0x94: {  	[sflag:s4] =	ssyncset.done $0x0  }
0x95: {  	s17 =	sld [smem:$0x10];
	[sflag:s4] =	ssyncadd.s32 $0xFFFFFFFF  }
0x96: {  	s18 =	sld [smem:$0x11];
	(tm) =	ssettm $0x1  }
0x97: {  	s19 =	sld [smem:$0x3FFB];
	_ =	sdelay $0x3  }
0x98: {  	_ =	strace s19  }
0x99: {  	s5 =	sld [smem:$0x3FFC];
	_ =	sdelay $0x3  }
0x9a: {  	_ =	strace s5  }
0x9b: {  	s5 =	sld [smem:$0x3FFD];
	_ =	sdelay $0x3  }
0x9c: {  	_ =	strace s5  }
0x9d: {  	_ =	strace $0x8FFFFFFF  }
0x9e: {  	s20 =	sld [smem:$0x3FDB];
	_ =	sdelay $0x1  }
0x9f: {  	s6 =	simm.s32 $_scs_section_size  }
0xa0: {  	s7 =	simm.s32 $_size__tile_overlayer_lowered;
	s8 =	simm.s32 $_tile_overlayer_lowered  }
0xa1: {  	s23 =	simm.s32 $0x1BFF;
	s22 =	sshll.u32 s8, $0x1;
	s5 =	sadd.s32 s6, s20  }
0xa2: {  	s9 =	simm.s32 $0x0;
	s21 =	sshll.u32 s7, $0x1;
	s7 =	sadd.s32 s22, s5  }
0xa3: {  	[timem:s9], [sflag:s23] =	dma.local [hbm:s7], s21  }
0xa4: {  	_ =	swait.ge [sflag:s23], s21  }
0xa5: {  	s6 =	ssub.s32 $0x0, s21;
	[sflag:s23] =	ssyncset.done $0x0  }
0xa6: {  	[sflag:s23] =	ssyncadd.s32 s6;
	_ =	sdelay $0x1  }
0xa7: {  	s24 =	simm.s32 $0x1B8B  }
0xa8: {  	_ =	swait.ge [sflag:s24], $0x1  }
0xa9: {  	[sflag:s24] =	ssyncset.done $0x0  }
0xaa: {  	s25 =	simm.s32 $0x1B8E;
	[sflag:s24] =	ssyncadd.s32 $0xFFFFFFFF  }
0xab: {  	s26 =	simm.s32 $execute0_lowered;
	[smem:$0x3FD2] =	sst s25  }
0xac: {  	s6 =	sshll.u32 s26, $0x1;
	_ =	strace $0x80000046;
	[dreg:$0x1] =	wrdreg $0xFFFFFFFF  }
0xad: {  	s28 =	simm.s32 $_size_execute0_lowered;
	s5 =	sadd.s32 s5, s6;
	[dreg:$0x0] =	wrdreg $0x0  }
0xae: {  	s6 =	sshll.u32 s28, $0x1;
	[dreg:$0x2] =	wrdreg s5  }
0xaf: {  	[dreg:$0x3] =	wrdreg s6  }
0xb0: {  	[dreg:$0x4] =	wrdreg $0xC0  }
0xb1: {  	_ =	task [dreg:s9], $0x5FFFF  }
0xb2: {  	[dreg:$0x1] =	wrdreg $0xFFFFFFFF  }
0xb3: {  	[dreg:$0x0] =	wrdreg $0x60  }
0xb4: {  	[dreg:$0x2] =	wrdreg s16  }
0xb5: {  	[dreg:$0x3] =	wrdreg s17  }
0xb6: {  	[dreg:$0x4] =	wrdreg s18  }
0xb7: {  	[dreg:$0x5] =	wrdreg $0x9  }
0xb8: {  	_ =	task.clear_ibuf [dreg:s9], $0x6FFFF;
	_ =	strace $0x90000046  }
0xb9: {  	s29 =	simm.s32 $0x9;
	_ =	strace $0x80000048  }
0xba: {  	_ =	swait.ge [sflag:s29], $0x1  }
0xbb: {  	[sflag:s29] =	ssyncadd.s32 $0xFFFFFFFF  }
0xbc: {  	_ =	strace $0x90000048  }
0xbd: {  	_ =	sfence  }
0xbe: {  	s30 =	sld [smem:$0x0];
	_ =	sdelay $0x2  }
0xbf: {  	s31 =	sshll.u32 s1, $0xD;
	s1 =	sshrl.u32 s1, $0x2  }
0xc0: {  	s3 =	sand.u32 $0x4000, s31;
	s1 =	sadd.s32 s1, s30  }
0xc1: {  	s0 =	sor.u32 s3, s0;
	s1 =	sshll.u32 s1, $0x11  }
0xc2: {  	s0 =	sor.u32 s1, s0  }
0xc3: {  	s0 =	sadd.s32 $0x8F2B, s0  }
0xc4: {  	[sflag:s0] =	ssyncadd.remote.s32 $0x1  }
0xc5: {  	_ =	sfence.sel $0xFFFF  }
0xc6: {  	[dreg:$0x0] =	wrdreg $0xFFFFFFFF;
	(pc) =	sbr.abs _section_cstart, $3  }
0xc7: {  	[dreg:$0x1] =	wrdreg $0xFFFFFFFF  }
0xc8: {  	_ =	task.clear_ibuf [dreg:s9], $0x2FFFF;
	_ =	strace $0x9FFFFFFF  }
0xc9: {  	(tm) =	ssettm $0x7FFFFFFF  }
tec
execute0_lowered:
.L_overlay_start_1:
0x0: {  	(tag) =	ssettag $0x1  }
0x1: {  	s2 =	srdreg.scid  }
0x2: {  	s0 =	rddreg [dreg:$0x0];
	s5 =	stileid.u32;
	s3 =	sand.u32 $0x1, s2  }
0x3: {  	s1 =	rddreg [dreg:$0x1];
	s5 =	sshll.u32 s5, $0xB;
	s6 =	sshll.u32 s3, $0xA  }
0x4: {  	s4 =	rddreg [dreg:$0x2];
	s5 =	sor.u32 s6, s5  }
0x5: {  	s2 =	simm.s32 $0x0;
	s7 =	ssub.s32 $0x2, s3;
	s3 =	sadd.s32 s0, s5  }
0x6: {  	[smem:$0x7FF] =	sst s2;
	s12 =	sadd.s32 $0x8000, s3  }
0x7: {  	_ =	strace $0x80000047;
	s13 =	sadd.s32 $0x10000, s3;
	[dreg:$0x4] =	wrdreg s12  }
0x8: {  	s14 =	sadd.s32 $0x18000, s3;
	[dreg:$0x5] =	wrdreg s13  }
0x9: {  	s15 =	sadd.s32 $0x20000, s3;
	[dreg:$0x6] =	wrdreg s14  }
0xa: {  	s9 =	simm.s32 $0x1;
	s16 =	sadd.s32 $0x28000, s3;
	[dreg:$0x7] =	wrdreg s15  }
0xb: {  	s10 =	sshrl.u32 s7, $0x1;
	s17 =	sadd.s32 $0x30000, s3;
	[dreg:$0x8] =	wrdreg s16  }
0xc: {  	s11 =	ssub.s32 s7, s10;
	s18 =	sadd.s32 $0x38000, s3;
	[dreg:$0x9] =	wrdreg s17  }
0xd: {  	s10 =	simm.s32 $0x2;
	s19 =	sadd.s32 $0x100, s3;
	[dreg:$0xa] =	wrdreg s18  }
0xe: {  	s20 =	sadd.s32 $0x8100, s3;
	s21 =	sadd.s32 $0x10100, s3;
	[dreg:$0xb] =	wrdreg s19  }
0xf: {  	s22 =	sadd.s32 $0x18100, s3;
	s23 =	sadd.s32 $0x20100, s3;
	[dreg:$0xc] =	wrdreg s20  }
0x10: {  	s24 =	sadd.s32 $0x28100, s3;
	s25 =	sadd.s32 $0x30100, s3;
	[dreg:$0xd] =	wrdreg s21  }
0x11: {  	s26 =	sadd.s32 $0x38100, s3;
	s28 =	sadd.s32 $0x28200, s3;
	[dreg:$0xe] =	wrdreg s22  }
0x12: {  	s29 =	sadd.s32 $0x30200, s3;
	s30 =	sadd.s32 $0x38200, s3;
	[dreg:$0xf] =	wrdreg s23  }
0x13: {  	s31 =	sadd.s32 $0x300, s3;
	s0 =	sadd.s32 $0x8300, s3;
	[dreg:$0x10] =	wrdreg s24  }
0x14: {  	s6 =	sadd.s32 $0x28300, s3;
	s7 =	sadd.s32 $0x30300, s3;
	[dreg:$0x11] =	wrdreg s25  }
0x15: {  	s8 =	sadd.s32 $0x38300, s3;
	[dreg:$0x12] =	wrdreg s26;
	s19 =	sadd.s32 $0x200, s3  }
0x16: {  	s20 =	sadd.s32 $0x8200, s3;
	s21 =	sadd.s32 $0x10200, s3;
	s22 =	sadd.s32 s1, s5  }
0x17: {  	s23 =	sadd.s32 s4, s5;
	s24 =	sadd.s32 $0x18200, s3;
	s25 =	smax.u32 s11, $0x1  }
0x18: {  	s26 =	sadd.s32 $0x20200, s3;
	s1 =	sadd.s32 $0x10300, s3;
	s4 =	sadd.s32 $0x18300, s3  }
0x19: {  	s5 =	sadd.s32 $0x20300, s3;
	s11 =	simm.s32 $0x3;
	s12 =	simm.s32 $0x0  }
.LBB2_1:
0x1a: {  	[tilespmem:s2], [sflag:$0x1] =	stream.linear.gather [hbm4b:s3+s2], $0x800, $0x38;
	[tilespmem:$0x14000] =	vst v63  }
0x1b: {  	s13 =	rddreg [dreg:$0x4];
	s14 =	simm.s32 $0x2000  }
0x1c: {  	[tilespmem:s14], [sflag:$0x1] =	stream.linear.gather [hbm4b:s13+s2], $0x800, $0x38;
	[tilespmem:$0x14000] =	vst v63  }
0x1d: {  	s15 =	rddreg [dreg:$0x5];
	s16 =	simm.s32 $0x4000  }
0x1e: {  	[tilespmem:s16], [sflag:$0x1] =	stream.linear.gather [hbm4b:s15+s2], $0x800, $0x38;
	[tilespmem:$0x14000] =	vst v63  }
0x1f: {  	s17 =	rddreg [dreg:$0x6];
	s18 =	simm.s32 $0x6000  }
0x20: {  	[tilespmem:s18], [sflag:$0x1] =	stream.linear.gather [hbm4b:s17+s2], $0x800, $0x38;
	[tilespmem:$0x14000] =	vst v63  }
0x21: {  	s15 =	rddreg [dreg:$0x7];
	s16 =	simm.s32 $0x8000  }
0x22: {  	[tilespmem:s16], [sflag:$0x1] =	stream.linear.gather [hbm4b:s15+s2], $0x800, $0x38;
	[tilespmem:$0x14000] =	vst v63  }
0x23: {  	s17 =	rddreg [dreg:$0x8];
	s18 =	simm.s32 $0xA000  }
0x24: {  	[tilespmem:s18], [sflag:$0x1] =	stream.linear.gather [hbm4b:s17+s2], $0x800, $0x38;
	[tilespmem:$0x14000] =	vst v63  }
0x25: {  	s15 =	rddreg [dreg:$0x9];
	s16 =	simm.s32 $0xC000  }
0x26: {  	[tilespmem:s16], [sflag:$0x1] =	stream.linear.gather [hbm4b:s15+s2], $0x800, $0x38;
	[tilespmem:$0x14000] =	vst v63  }
0x27: {  	s17 =	rddreg [dreg:$0xa];
	s18 =	simm.s32 $0xE000  }
0x28: {  	[tilespmem:s18], [sflag:$0x1] =	stream.linear.gather [hbm4b:s17+s2], $0x800, $0x38;
	[tilespmem:$0x14000] =	vst v63  }
0x29: {  	s15 =	rddreg [dreg:$0xb];
	s16 =	simm.s32 $0x800  }
0x2a: {  	[tilespmem:s16], [sflag:$0x2] =	stream.linear.gather [hbm4b:s15+s2], $0x800, $0x38;
	[tilespmem:$0x14000] =	vst v63  }
0x2b: {  	s17 =	rddreg [dreg:$0xc];
	s18 =	simm.s32 $0x2800  }
0x2c: {  	[tilespmem:s18], [sflag:$0x2] =	stream.linear.gather [hbm4b:s17+s2], $0x800, $0x38;
	[tilespmem:$0x14000] =	vst v63  }
0x2d: {  	s15 =	rddreg [dreg:$0xd];
	s16 =	simm.s32 $0x4800  }
0x2e: {  	[tilespmem:s16], [sflag:$0x2] =	stream.linear.gather [hbm4b:s15+s2], $0x800, $0x38;
	[tilespmem:$0x14000] =	vst v63  }
0x2f: {  	s17 =	rddreg [dreg:$0xe];
	s18 =	simm.s32 $0x6800  }
0x30: {  	[tilespmem:s18], [sflag:$0x2] =	stream.linear.gather [hbm4b:s17+s2], $0x800, $0x38;
	[tilespmem:$0x14000] =	vst v63  }
0x31: {  	s15 =	rddreg [dreg:$0xf];
	s16 =	simm.s32 $0x8800  }
0x32: {  	[tilespmem:s16], [sflag:$0x2] =	stream.linear.gather [hbm4b:s15+s2], $0x800, $0x38;
	[tilespmem:$0x14000] =	vst v63  }
0x33: {  	s17 =	rddreg [dreg:$0x10];
	s18 =	simm.s32 $0xA800  }
0x34: {  	[tilespmem:s18], [sflag:$0x2] =	stream.linear.gather [hbm4b:s17+s2], $0x800, $0x38;
	[tilespmem:$0x14000] =	vst v63  }
0x35: {  	s14 =	rddreg [dreg:$0x11];
	s15 =	simm.s32 $0xC800  }
0x36: {  	[tilespmem:s15], [sflag:$0x2] =	stream.linear.gather [hbm4b:s14+s2], $0x800, $0x38;
	[tilespmem:$0x14000] =	vst v63  }
0x37: {  	s16 =	rddreg [dreg:$0x12];
	s17 =	simm.s32 $0xE800  }
0x38: {  	[tilespmem:s17], [sflag:$0x2] =	stream.linear.gather [hbm4b:s16+s2], $0x800, $0x38;
	[tilespmem:$0x14000] =	vst v63  }
0x39: {  	s18 =	simm.s32 $0x1000  }
0x3a: {  	[tilespmem:s18], [sflag:$0x1] =	stream.linear.gather [hbm4b:s19+s2], $0x800, $0x38;
	[tilespmem:$0x14000] =	vst v63  }
0x3b: {  	s14 =	simm.s32 $0x3000  }
0x3c: {  	[tilespmem:s14], [sflag:$0x1] =	stream.linear.gather [hbm4b:s20+s2], $0x800, $0x38;
	[tilespmem:$0x14000] =	vst v63  }
0x3d: {  	s15 =	simm.s32 $0x5000  }
0x3e: {  	[tilespmem:s15], [sflag:$0x1] =	stream.linear.gather [hbm4b:s21+s2], $0x800, $0x38;
	[tilespmem:$0x14000] =	vst v63  }
0x3f: {  	s16 =	simm.s32 $0x7000  }
0x40: {  	[tilespmem:s16], [sflag:$0x1] =	stream.linear.gather [hbm4b:s24+s2], $0x800, $0x38;
	[tilespmem:$0x14000] =	vst v63  }
0x41: {  	s17 =	simm.s32 $0x9000  }
0x42: {  	[tilespmem:s17], [sflag:$0x1] =	stream.linear.gather [hbm4b:s26+s2], $0x800, $0x38;
	[tilespmem:$0x14000] =	vst v63  }
0x43: {  	s18 =	simm.s32 $0xB000  }
0x44: {  	[tilespmem:s18], [sflag:$0x1] =	stream.linear.gather [hbm4b:s28+s2], $0x800, $0x38;
	[tilespmem:$0x14000] =	vst v63  }
0x45: {  	s14 =	simm.s32 $0xD000  }
0x46: {  	[tilespmem:s14], [sflag:$0x1] =	stream.linear.gather [hbm4b:s29+s2], $0x800, $0x38;
	[tilespmem:$0x14000] =	vst v63  }
0x47: {  	s15 =	simm.s32 $0xF000  }
0x48: {  	[tilespmem:s15], [sflag:$0x1] =	stream.linear.gather [hbm4b:s30+s2], $0x800, $0x38;
	[tilespmem:$0x14000] =	vst v63  }
0x49: {  	s16 =	simm.s32 $0x1800  }
0x4a: {  	[tilespmem:s16], [sflag:$0x2] =	stream.linear.gather [hbm4b:s31+s2], $0x800, $0x38;
	[tilespmem:$0x14000] =	vst v63  }
0x4b: {  	s17 =	simm.s32 $0x3800  }
0x4c: {  	[tilespmem:s17], [sflag:$0x2] =	stream.linear.gather [hbm4b:s0+s2], $0x800, $0x38;
	[tilespmem:$0x14000] =	vst v63  }
0x4d: {  	s18 =	simm.s32 $0x5800  }
0x4e: {  	[tilespmem:s18], [sflag:$0x2] =	stream.linear.gather [hbm4b:s1+s2], $0x800, $0x38;
	[tilespmem:$0x14000] =	vst v63  }
0x4f: {  	s14 =	simm.s32 $0x7800  }
0x50: {  	[tilespmem:s14], [sflag:$0x2] =	stream.linear.gather [hbm4b:s4+s2], $0x800, $0x38;
	[tilespmem:$0x14000] =	vst v63  }
0x51: {  	s15 =	simm.s32 $0x9800  }
0x52: {  	[tilespmem:s15], [sflag:$0x2] =	stream.linear.gather [hbm4b:s5+s2], $0x800, $0x38;
	[tilespmem:$0x14000] =	vst v63  }
0x53: {  	s16 =	simm.s32 $0xB800  }
0x54: {  	[tilespmem:s16], [sflag:$0x2] =	stream.linear.gather [hbm4b:s6+s2], $0x800, $0x38;
	[tilespmem:$0x14000] =	vst v63  }
0x55: {  	s17 =	simm.s32 $0xD800  }
0x56: {  	[tilespmem:s17], [sflag:$0x2] =	stream.linear.gather [hbm4b:s7+s2], $0x800, $0x38;
	[tilespmem:$0x14000] =	vst v63  }
0x57: {  	s18 =	simm.s32 $0xF800  }
0x58: {  	[tilespmem:s18], [sflag:$0x2] =	stream.linear.gather [hbm4b:s8+s2], $0x800, $0x38;
	[tilespmem:$0x14000] =	vst v63  }
0x59: {  	_ =	swait.ge [sflag:s9], $0x800  }
0x5a: {  	[sflag:s9] =	ssyncset.done $0x0  }
0x5b: {  	[sflag:s9] =	ssyncadd.s32 $0xFFFFF800  }
0x5c: {  	_ =	swait.ge [sflag:s9], $0x800  }
0x5d: {  	[sflag:s9] =	ssyncset.done $0x0  }
0x5e: {  	[sflag:s9] =	ssyncadd.s32 $0xFFFFF800  }
0x5f: {  	_ =	swait.ge [sflag:s9], $0x800  }
0x60: {  	[sflag:s9] =	ssyncset.done $0x0  }
0x61: {  	[sflag:s9] =	ssyncadd.s32 $0xFFFFF800  }
0x62: {  	_ =	swait.ge [sflag:s9], $0x800  }
0x63: {  	[sflag:s9] =	ssyncset.done $0x0  }
0x64: {  	[sflag:s9] =	ssyncadd.s32 $0xFFFFF800  }
0x65: {  	_ =	swait.ge [sflag:s9], $0x800  }
0x66: {  	[sflag:s9] =	ssyncset.done $0x0  }
0x67: {  	[sflag:s9] =	ssyncadd.s32 $0xFFFFF800  }
0x68: {  	_ =	swait.ge [sflag:s9], $0x800  }
0x69: {  	[sflag:s9] =	ssyncset.done $0x0  }
0x6a: {  	[sflag:s9] =	ssyncadd.s32 $0xFFFFF800  }
0x6b: {  	_ =	swait.ge [sflag:s9], $0x800  }
0x6c: {  	[sflag:s9] =	ssyncset.done $0x0  }
0x6d: {  	[sflag:s9] =	ssyncadd.s32 $0xFFFFF800  }
0x6e: {  	_ =	swait.ge [sflag:s9], $0x800  }
0x6f: {  	[sflag:s9] =	ssyncset.done $0x0  }
0x70: {  	[sflag:s9] =	ssyncadd.s32 $0xFFFFF800  }
0x71: {  	_ =	swait.ge [sflag:s10], $0x800  }
0x72: {  	[sflag:s10] =	ssyncset.done $0x0  }
0x73: {  	[sflag:s10] =	ssyncadd.s32 $0xFFFFF800  }
0x74: {  	_ =	swait.ge [sflag:s10], $0x800  }
0x75: {  	[sflag:s10] =	ssyncset.done $0x0  }
0x76: {  	[sflag:s10] =	ssyncadd.s32 $0xFFFFF800  }
0x77: {  	_ =	swait.ge [sflag:s10], $0x800  }
0x78: {  	[sflag:s10] =	ssyncset.done $0x0  }
0x79: {  	[sflag:s10] =	ssyncadd.s32 $0xFFFFF800  }
0x7a: {  	_ =	swait.ge [sflag:s10], $0x800  }
0x7b: {  	[sflag:s10] =	ssyncset.done $0x0  }
0x7c: {  	[sflag:s10] =	ssyncadd.s32 $0xFFFFF800  }
0x7d: {  	_ =	swait.ge [sflag:s10], $0x800  }
0x7e: {  	[sflag:s10] =	ssyncset.done $0x0  }
0x7f: {  	[sflag:s10] =	ssyncadd.s32 $0xFFFFF800  }
0x80: {  	_ =	swait.ge [sflag:s10], $0x800  }
0x81: {  	[sflag:s10] =	ssyncset.done $0x0  }
0x82: {  	[sflag:s10] =	ssyncadd.s32 $0xFFFFF800  }
0x83: {  	_ =	swait.ge [sflag:s10], $0x800  }
0x84: {  	[sflag:s10] =	ssyncset.done $0x0  }
0x85: {  	[sflag:s10] =	ssyncadd.s32 $0xFFFFF800  }
0x86: {  	_ =	swait.ge [sflag:s10], $0x800  }
0x87: {  	[sflag:s10] =	ssyncset.done $0x0  }
0x88: {  	[sflag:s10] =	ssyncadd.s32 $0xFFFFF800  }
0x89: {  	_ =	swait.ge [sflag:s9], $0x800  }
0x8a: {  	[sflag:s9] =	ssyncset.done $0x0  }
0x8b: {  	[sflag:s9] =	ssyncadd.s32 $0xFFFFF800  }
0x8c: {  	_ =	swait.ge [sflag:s9], $0x800  }
0x8d: {  	[sflag:s9] =	ssyncset.done $0x0  }
0x8e: {  	[sflag:s9] =	ssyncadd.s32 $0xFFFFF800  }
0x8f: {  	_ =	swait.ge [sflag:s9], $0x800  }
0x90: {  	[sflag:s9] =	ssyncset.done $0x0  }
0x91: {  	[sflag:s9] =	ssyncadd.s32 $0xFFFFF800  }
0x92: {  	_ =	swait.ge [sflag:s9], $0x800  }
0x93: {  	[sflag:s9] =	ssyncset.done $0x0  }
0x94: {  	[sflag:s9] =	ssyncadd.s32 $0xFFFFF800  }
0x95: {  	_ =	swait.ge [sflag:s9], $0x800  }
0x96: {  	[sflag:s9] =	ssyncset.done $0x0  }
0x97: {  	[sflag:s9] =	ssyncadd.s32 $0xFFFFF800  }
0x98: {  	_ =	swait.ge [sflag:s9], $0x800  }
0x99: {  	[sflag:s9] =	ssyncset.done $0x0  }
0x9a: {  	[sflag:s9] =	ssyncadd.s32 $0xFFFFF800  }
0x9b: {  	_ =	swait.ge [sflag:s9], $0x800  }
0x9c: {  	[sflag:s9] =	ssyncset.done $0x0  }
0x9d: {  	[sflag:s9] =	ssyncadd.s32 $0xFFFFF800  }
0x9e: {  	_ =	swait.ge [sflag:s9], $0x800  }
0x9f: {  	[sflag:s9] =	ssyncset.done $0x0  }
0xa0: {  	[sflag:s9] =	ssyncadd.s32 $0xFFFFF800  }
0xa1: {  	_ =	swait.ge [sflag:s10], $0x800  }
0xa2: {  	[sflag:s10] =	ssyncset.done $0x0  }
0xa3: {  	[sflag:s10] =	ssyncadd.s32 $0xFFFFF800  }
0xa4: {  	_ =	swait.ge [sflag:s10], $0x800  }
0xa5: {  	[sflag:s10] =	ssyncset.done $0x0  }
0xa6: {  	[sflag:s10] =	ssyncadd.s32 $0xFFFFF800  }
0xa7: {  	_ =	swait.ge [sflag:s10], $0x800  }
0xa8: {  	[sflag:s10] =	ssyncset.done $0x0  }
0xa9: {  	[sflag:s10] =	ssyncadd.s32 $0xFFFFF800  }
0xaa: {  	_ =	swait.ge [sflag:s10], $0x800  }
0xab: {  	[sflag:s10] =	ssyncset.done $0x0  }
0xac: {  	[sflag:s10] =	ssyncadd.s32 $0xFFFFF800  }
0xad: {  	_ =	swait.ge [sflag:s10], $0x800  }
0xae: {  	[sflag:s10] =	ssyncset.done $0x0  }
0xaf: {  	[sflag:s10] =	ssyncadd.s32 $0xFFFFF800  }
0xb0: {  	_ =	swait.ge [sflag:s10], $0x800  }
0xb1: {  	[sflag:s10] =	ssyncset.done $0x0  }
0xb2: {  	[sflag:s10] =	ssyncadd.s32 $0xFFFFF800  }
0xb3: {  	_ =	swait.ge [sflag:s10], $0x800  }
0xb4: {  	[sflag:s10] =	ssyncset.done $0x0  }
0xb5: {  	[sflag:s10] =	ssyncadd.s32 $0xFFFFF800  }
0xb6: {  	_ =	swait.ge [sflag:s10], $0x800  }
0xb7: {  	s13 =	simm.s32 $0xFFFFFFFE;
	[sflag:s10] =	ssyncset.done $0x0  }
0xb8: {  	s14 =	simm.s32 $0x10;
	s15 =	simm.s32 $0x0;
	[sflag:s10] =	ssyncadd.s32 $0xFFFFF800  }
.LBB2_2:
0xb9: {  	s16 =	sshrl.u32 s15, $0x3  }
0xba: {  	s16 =	smul.u32 $0x380, s16;
	_ =	sdelay $0x1  }
0xbb: {  	s17 =	sadd.s32 s16, s14  }
0xbc: {  	s16 =	sadd.s32 $0xFFFFFFF0, s14;
	s18 =	sadd.s32 $0xFFFFFFF0, s17  }
0xbd: {  	s16 =	sand.u32 $0x60, s16;
	s18 =	sand.u32 $0x3F80, s18  }
0xbe: {  	s16 =	sor.u32 s16, s18  }
0xbf: {  	v0 =	vld [tilespmem:s16+$0x0]  }
0xc0: {  	v1 =	vld [tilespmem:s16+$0x80];
	_ =	sdelay $0x1  }
0xc1: {  	v2 =	vld [tilespmem:s16+$0x100];
	_ =	sdelay $0x1  }
0xc2: {  	v3 =	vld [tilespmem:s16+$0x180];
	v0 =	vmul.f32 $1.442695020e+00, v0  }
0xc3: {  	v1 =	vmul.f32 $1.442695020e+00, v1  }
0xc4: {  	v27 =	vld [tilespmem:s16+$0x200];
	(erf) = vpow2.f32 v0  }
0xc5: {  	v28 =	vmul.f32 $1.442695020e+00, v2;
	(erf) = vpow2.f32 v1  }
0xc6: {  	v29 =	vld [tilespmem:s16+$0x280]  }
0xc7: {  	v30 =	vmul.f32 $1.442695020e+00, v3;
	(erf) = vpow2.f32 v28  }
0xc8: {  	v31 =	vld [tilespmem:s16+$0x300]  }
0xc9: {  	v0 =	vmul.f32 $1.442695020e+00, v27;
	(erf) = vpow2.f32 v30  }
0xca: {  	v32 =	vld [tilespmem:s16+$0x380]  }
0xcb: {  	v33 =	vmul.f32 $1.442695020e+00, v29;
	(erf) = vpow2.f32 v0  }
0xcc: {  	v34 =	vld [tilespmem:s16+$0x2000]  }
0xcd: {  	v35 =	vmul.f32 $1.442695020e+00, v31;
	(erf) = vpow2.f32 v33;
	v4 =	vpop (erf)  }
0xce: {  	v5 =	vld [tilespmem:s16+$0x2080];
	v3 =	vpop (erf)  }
0xcf: {  	v36 =	vmul.f32 $1.442695020e+00, v32;
	(erf) = vpow2.f32 v35;
	v6 =	vadd.f32 v3, v4  }
0xd0: {  	v7 =	vld [tilespmem:s16+$0x2100];
	v1 =	vpop (erf)  }
0xd1: {  	v37 =	vmul.f32 $1.442695020e+00, v34;
	(erf) = vpow2.f32 v36;
	v6 =	vadd.f32 v1, v6  }
0xd2: {  	v8 =	vld [tilespmem:s16+$0x2180];
	v2 =	vpop (erf)  }
0xd3: {  	v38 =	vmul.f32 $1.442695020e+00, v5;
	(erf) = vpow2.f32 v37;
	v6 =	vadd.f32 v2, v6  }
0xd4: {  	v9 =	vld [tilespmem:s16+$0x2200];
	v5 =	vpop (erf)  }
0xd5: {  	v39 =	vmul.f32 $1.442695020e+00, v7;
	(erf) = vpow2.f32 v38;
	v6 =	vadd.f32 v5, v6  }
0xd6: {  	v40 =	vld [tilespmem:s16+$0x2280];
	v10 =	vpop (erf)  }
0xd7: {  	v41 =	vmul.f32 $1.442695020e+00, v8;
	(erf) = vpow2.f32 v39;
	v6 =	vadd.f32 v10, v6  }
0xd8: {  	v11 =	vld [tilespmem:s16+$0x2300];
	v8 =	vpop (erf)  }
0xd9: {  	v42 =	vmul.f32 $1.442695020e+00, v9;
	(erf) = vpow2.f32 v41;
	v6 =	vadd.f32 v8, v6  }
0xda: {  	v12 =	vld [tilespmem:s16+$0x2380];
	v9 =	vpop (erf)  }
0xdb: {  	v43 =	vmul.f32 $1.442695020e+00, v40;
	(erf) = vpow2.f32 v42;
	v6 =	vadd.f32 v9, v6  }
0xdc: {  	v44 =	vld [tilespmem:s16+$0x4000];
	v13 =	vpop (erf)  }
0xdd: {  	v45 =	vmul.f32 $1.442695020e+00, v11;
	(erf) = vpow2.f32 v43;
	v6 =	vadd.f32 v13, v6  }
0xde: {  	v14 =	vld [tilespmem:s16+$0x4080];
	v11 =	vpop (erf)  }
0xdf: {  	v46 =	vmul.f32 $1.442695020e+00, v12;
	(erf) = vpow2.f32 v45;
	v6 =	vadd.f32 v11, v6  }
0xe0: {  	v15 =	vld [tilespmem:s16+$0x4100];
	v12 =	vpop (erf)  }
0xe1: {  	v47 =	vmul.f32 $1.442695020e+00, v44;
	(erf) = vpow2.f32 v46;
	v6 =	vadd.f32 v12, v6  }
0xe2: {  	v48 =	vld [tilespmem:s16+$0x4180];
	v16 =	vpop (erf)  }
0xe3: {  	v49 =	vmul.f32 $1.442695020e+00, v14;
	(erf) = vpow2.f32 v47;
	v6 =	vadd.f32 v16, v6  }
0xe4: {  	v50 =	vld [tilespmem:s16+$0x4200];
	v19 =	vpop (erf)  }
0xe5: {  	v51 =	vmul.f32 $1.442695020e+00, v15;
	(erf) = vpow2.f32 v49;
	v6 =	vadd.f32 v19, v6  }
0xe6: {  	v17 =	vld [tilespmem:s16+$0x4280];
	v15 =	vpop (erf)  }
0xe7: {  	v52 =	vmul.f32 $1.442695020e+00, v48;
	(erf) = vpow2.f32 v51;
	v6 =	vadd.f32 v15, v6  }
0xe8: {  	v53 =	vld [tilespmem:s16+$0x4300];
	v23 =	vpop (erf)  }
0xe9: {  	v54 =	vmul.f32 $1.442695020e+00, v50;
	(erf) = vpow2.f32 v52;
	v6 =	vadd.f32 v23, v6  }
0xea: {  	v55 =	vld [tilespmem:s16+$0x4380];
	v24 =	vpop (erf)  }
0xeb: {  	v56 =	vmul.f32 $1.442695020e+00, v17;
	(erf) = vpow2.f32 v54;
	v6 =	vadd.f32 v24, v6  }
0xec: {  	v57 =	vld [tilespmem:s16+$0x6000];
	v25 =	vpop (erf)  }
0xed: {  	v58 =	vmul.f32 $1.442695020e+00, v53;
	(erf) = vpow2.f32 v56;
	v6 =	vadd.f32 v25, v6  }
0xee: {  	v59 =	vld [tilespmem:s16+$0x6080];
	v26 =	vpop (erf)  }
0xef: {  	v61 =	vld [tilespmem:s16+$0x6100];
	v60 =	vmul.f32 $1.442695020e+00, v55;
	(erf) = vpow2.f32 v58;
	v6 =	vadd.f32 v26, v6  }
0xf0: {  	v63 =	vld [tilespmem:s16+$0x6180];
	v27 =	vpop (erf)  }
0xf1: {  	v20 =	vld [tilespmem:s16+$0x6200];
	v62 =	vmul.f32 $1.442695020e+00, v57;
	(erf) = vpow2.f32 v60;
	v6 =	vadd.f32 v27, v6  }
0xf2: {  	v22 =	vld [tilespmem:s16+$0x6280];
	v28 =	vpop (erf)  }
0xf3: {  	v18 =	vmul.f32 $1.442695020e+00, v59;
	v48 =	vld [tilespmem:s16+$0x8180];
	(erf) = vpow2.f32 v62;
	v6 =	vadd.f32 v28, v6  }
0xf4: {  	v29 =	vpop (erf)  }
0xf5: {  	v21 =	vmul.f32 $1.442695020e+00, v61;
	v36 =	vld [tilespmem:s16+$0x6300];
	(erf) = vpow2.f32 v18;
	v6 =	vadd.f32 v29, v6  }
0xf6: {  	v35 =	vmul.f32 $1.442695020e+00, v63;
	v30 =	vpop (erf)  }
0xf7: {  	v37 =	vmul.f32 $1.442695020e+00, v20;
	(erf) = vpow2.f32 v21;
	v6 =	vadd.f32 v30, v6  }
0xf8: {  	v38 =	vmul.f32 $1.442695020e+00, v22;
	v22 =	vmul.f32 $1.442695020e+00, v48;
	v7 =	vor.u32 $0x3F, v4;
	v31 =	vpop (erf)  }
0xf9: {  	v3 =	vand.u32 $0xFFFFFFC0, v3;
	v41 =	vld [tilespmem:s16+$0x8080];
	(erf) = vpow2.f32 v35;
	v6 =	vadd.f32 v31, v6  }
0xfa: {  	v39 =	vmul.f32 $1.442695020e+00, v36;
	v17 =	vor.u32 $0x3E, v3;
	v1 =	vand.u32 $0xFFFFFFC0, v1;
	v18 =	vld [tilespmem:s16+$0x6380];
	v32 =	vpop (erf)  }
0xfb: {  	v40 =	vand.u32 $0xFFFFFFC0, v2;
	(erf) = vpow2.f32 v37;
	v6 =	vadd.f32 v32, v6  }
0xfc: {  	v14 =	vor.u32 $0x3D, v1;
	v20 =	vor.u32 $0x3C, v40;
	v43 =	vand.u32 $0xFFFFFFC0, v5;
	v21 =	vld [tilespmem:s16+$0x8000];
	v4 =	vpop (erf)  }
0xfd: {  	v45 =	vld [tilespmem:s16+$0x8100];
	v44 =	vand.u32 $0xFFFFFFC0, v10;
	(erf) = vpow2.f32 v38;
	v6 =	vadd.f32 v4, v6  }
0xfe: {  	v50 =	vor.u32 $0x3A, v44;
	v47 =	vand.u32 $0xFFFFFFC0, v8;
	v57 =	vmul.f32 $1.442695020e+00, v41;
	v2 =	vpop (erf)  }
0xff: {  	(erf) = vpow2.f32 v39;
	v42 =	vmul.f32 $1.442695020e+00, v18;
	v6 =	vadd.f32 v2, v6  }
0x100: {  	v49 =	vor.u32 $0x3B, v43;
	v59 =	vand.u32 $0xFFFFFFC0, v13;
	v52 =	vor.u32 $0x39, v47;
	v10 =	vpop (erf)  }
0x101: {  	v46 =	vmul.f32 $1.442695020e+00, v21;
	(erf) = vpow2.f32 v42;
	v6 =	vadd.f32 v10, v6  }
0x102: {  	v61 =	vmul.f32 $1.442695020e+00, v45;
	v33 =	vand.u32 $0xFFFFFFC0, v12;
	v34 =	vand.u32 $0xFFFFFFC0, v16;
	v5 =	vpop (erf)  }
0x103: {  	v58 =	vand.u32 $0xFFFFFFC0, v9;
	(erf) = vpow2.f32 v46;
	v6 =	vadd.f32 v5, v6  }
0x104: {  	v60 =	vld [tilespmem:s16+$0x8200];
	v55 =	vor.u32 $0x38, v58;
	v40 =	vand.u32 $0xFFFFFFC0, v15;
	v62 =	vand.u32 $0xFFFFFFC0, v11;
	v9 =	vpop (erf)  }
0x105: {  	v41 =	vand.u32 $0xFFFFFFC0, v23;
	(erf) = vpow2.f32 v57;
	v6 =	vadd.f32 v9, v6  }
0x106: {  	v63 =	vld [tilespmem:s16+$0x8280];
	v54 =	vor.u32 $0x32, v40;
	v13 =	vor.u32 $0x37, v59;
	v53 =	vor.u32 $0x31, v41;
	v3 =	vpop (erf)  }
0x107: {  	v44 =	vand.u32 $0xFFFFFFC0, v24;
	(erf) = vpow2.f32 v61;
	v6 =	vadd.f32 v3, v6  }
0x108: {  	v56 =	vor.u32 $0x30, v44;
	v47 =	vand.u32 $0xFFFFFFC0, v25;
	v35 =	vld [tilespmem:s16+$0x8300];
	v48 =	vand.u32 $0xFFFFFFC0, v26;
	v12 =	vpop (erf)  }
0x109: {  	v36 =	vmul.f32 $1.442695020e+00, v60;
	(erf) = vpow2.f32 v22;
	v6 =	vadd.f32 v12, v6  }
0x10a: {  	v40 =	vor.u32 $0x2F, v47;
	v37 =	vand.u32 $0xFFFFFFC0, v19;
	v41 =	vor.u32 $0x2E, v48;
	v38 =	vld [tilespmem:s16+$0x8380];
	v8 =	vpop (erf)  }
0x10b: {  	v60 =	vld [tilespmem:s16+$0xA180];
	v39 =	vmul.f32 $1.442695020e+00, v63;
	(erf) = vpow2.f32 v36;
	v6 =	vadd.f32 v8, v6  }
0x10c: {  	v59 =	vand.u32 $0xFFFFFFC0, v27;
	v51 =	vor.u32 $0x33, v37;
	v18 =	vor.u32 $0x36, v62;
	v42 =	vld [tilespmem:s16+$0xA000];
	v15 =	vpop (erf)  }
0x10d: {  	v45 =	vld [tilespmem:s16+$0xA080];
	v43 =	vmul.f32 $1.442695020e+00, v35;
	(erf) = vpow2.f32 v39;
	v6 =	vadd.f32 v15, v6  }
0x10e: {  	v62 =	vand.u32 $0xFFFFFFC0, v28;
	v63 =	vand.u32 $0xFFFFFFC0, v29;
	v21 =	vor.u32 $0x35, v33;
	v11 =	vpop (erf)  }
0x10f: {  	v46 =	vmul.f32 $1.442695020e+00, v38;
	(erf) = vpow2.f32 v43;
	v6 =	vadd.f32 v11, v6  }
0x110: {  	v44 =	vor.u32 $0x2B, v63;
	v35 =	vand.u32 $0xFFFFFFC0, v30;
	v37 =	vmul.f32 $1.442695020e+00, v60;
	v57 =	vld [tilespmem:s16+$0xA100];
	v24 =	vpop (erf)  }
0x111: {  	v33 =	vld [tilespmem:s16+$0xA200];
	v58 =	vmul.f32 $1.442695020e+00, v42;
	(erf) = vpow2.f32 v46;
	v6 =	vadd.f32 v24, v6  }
0x112: {  	v38 =	vand.u32 $0xFFFFFFC0, v31;
	v61 =	vmul.f32 $1.442695020e+00, v45;
	v45 =	vor.u32 $0x2C, v62;
	v19 =	vpop (erf)  }
0x113: {  	v47 =	vor.u32 $0x29, v38;
	v36 =	vld [tilespmem:s16+$0xA280];
	(erf) = vpow2.f32 v58;
	v6 =	vadd.f32 v19, v6  }
0x114: {  	v22 =	vor.u32 $0x34, v34;
	v39 =	vand.u32 $0xFFFFFFC0, v32;
	v43 =	vor.u32 $0x2D, v59;
	v29 =	vpop (erf)  }
0x115: {  	v34 =	vmul.f32 $1.442695020e+00, v57;
	v59 =	vld [tilespmem:s16+$0xA380];
	(erf) = vpow2.f32 v61;
	v6 =	vadd.f32 v29, v6  }
0x116: {  	v62 =	vand.u32 $0xFFFFFFC0, v10;
	v57 =	vmul.f32 $1.442695020e+00, v33;
	v48 =	vor.u32 $0x28, v39;
	v16 =	vpop (erf)  }
0x117: {  	v42 =	vld [tilespmem:s16+$0xA300];
	v39 =	vand.u32 $0xFFFFFFC0, v9;
	(erf) = vpow2.f32 v34;
	v6 =	vadd.f32 v16, v6  }
0x118: {  	v46 =	vor.u32 $0x2A, v35;
	v58 =	vand.u32 $0xFFFFFFC0, v4;
	v60 =	vmul.f32 $1.442695020e+00, v36;
	v30 =	vpop (erf)  }
0x119: {  	v63 =	vld [tilespmem:s16+$0xC000];
	v61 =	vand.u32 $0xFFFFFFC0, v2;
	(erf) = vpow2.f32 v37;
	v6 =	vadd.f32 v30, v6  }
0x11a: {  	v35 =	vor.u32 $0x26, v61;
	v34 =	vor.u32 $0x25, v62;
	v33 =	vmul.f32 $1.442695020e+00, v59;
	v59 =	vld [tilespmem:s16+$0xC180];
	v4 =	vpop (erf)  }
0x11b: {  	v61 =	vand.u32 $0xFFFFFFC0, v8;
	(erf) = vpow2.f32 v57;
	v31 =	vld [tilespmem:s16+$0xC080];
	v6 =	vadd.f32 v4, v6  }
0x11c: {  	v62 =	vand.u32 $0xFFFFFFC0, v15;
	v37 =	vor.u32 $0x23, v39;
	v27 =	vmul.f32 $1.442695020e+00, v42;
	v42 =	vld [tilespmem:s16+$0xC100];
	v10 =	vpop (erf)  }
0x11d: {  	v23 =	vor.u32 $0x1F, v62;
	(erf) = vpow2.f32 v60;
	v6 =	vadd.f32 v10, v6  }
0x11e: {  	v57 =	vmul.f32 $1.442695020e+00, v63;
	v63 =	vld [tilespmem:s16+$0xC200];
	v28 =	vand.u32 $0xFFFFFFC0, v5;
	(erf) = vpow2.f32 v27;
	v2 =	vpop (erf)  }
0x11f: {  	(erf) = vpow2.f32 v33;
	v3 =	vand.u32 $0xFFFFFFC0, v3;
	v6 =	vadd.f32 v2, v6  }
0x120: {  	v36 =	vor.u32 $0x24, v28;
	(erf) = vpow2.f32 v57;
	v60 =	vmul.f32 $1.442695020e+00, v31;
	v9 =	vpop (erf)  }
0x121: {  	v57 =	vmul.f32 $1.442695020e+00, v59;
	v28 =	vmul.f32 $1.442695020e+00, v42;
	v6 =	vadd.f32 v9, v6  }
0x122: {  	v59 =	vand.u32 $0xFFFFFFC0, v19;
	(erf) = vpow2.f32 v60;
	v38 =	vor.u32 $0x22, v3;
	v3 =	vpop (erf)  }
0x123: {  	v33 =	vld [tilespmem:s16+$0xC280];
	v60 =	vmul.f32 $1.442695020e+00, v63;
	(erf) = vpow2.f32 v28;
	v6 =	vadd.f32 v3, v6  }
0x124: {  	v42 =	vor.u32 $0x20, v61;
	v32 =	vor.u32 $0x27, v58;
	(erf) = vpow2.f32 v57;
	v8 =	vpop (erf)  }
0x125: {  	v58 =	vand.u32 $0xFFFFFFC0, v12;
	(erf) = vpow2.f32 v60;
	v60 =	vld [tilespmem:s16+$0xE080];
	v6 =	vadd.f32 v8, v6  }
0x126: {  	v61 =	vand.u32 $0xFFFFFFC0, v29;
	v39 =	vor.u32 $0x21, v58;
	v58 =	vand.u32 $0xFFFFFFC0, v24;
	v5 =	vpop (erf);
	v15 =	vld [tilespmem:s16+$0xE000]  }
0x127: {  	v27 =	vor.u32 $0x1D, v58;
	v31 =	vand.u32 $0xFFFFFFC0, v11;
	v19 =	vld [tilespmem:s16+$0xC300];
	v6 =	vadd.f32 v5, v6  }
0x128: {  	v62 =	vld [tilespmem:s16+$0xC380];
	v26 =	vor.u32 $0x1E, v31;
	v31 =	vand.u32 $0xFFFFFFC0, v16;
	v63 =	vmul.f32 $1.442695020e+00, v33;
	v24 =	vpop (erf)  }
0x129: {  	v33 =	vand.u32 $0xFFFFFFC0, v30;
	v28 =	vor.u32 $0x1C, v59;
	v6 =	vadd.f32 v24, v6  }
0x12a: {  	v59 =	vand.u32 $0xFFFFFFC0, v4;
	(erf) = vpow2.f32 v63;
	v60 =	vmul.f32 $1.442695020e+00, v60;
	v25 =	vpop (erf)  }
0x12b: {  	v63 =	vld [tilespmem:s16+$0xE100];
	v15 =	vmul.f32 $1.442695020e+00, v15;
	v2 =	vand.u32 $0xFFFFFFC0, v2;
	v6 =	vadd.f32 v25, v6  }
0x12c: {  	v57 =	vpop (erf);
	v29 =	vor.u32 $0x1B, v61;
	v58 =	vmul.f32 $1.442695020e+00, v19;
	v11 =	vor.u32 $0x16, v2;
	v2 =	vld [tilespmem:s16+$0xE180]  }
0x12d: {  	v61 =	vmul.f32 $1.442695020e+00, v62;
	v30 =	vor.u32 $0x19, v33;
	v6 =	vadd.f32 v57, v6  }
0x12e: {  	v33 =	vor.u32 $0x18, v59;
	v59 =	vand.u32 $0xFFFFFFC0, v9;
	(erf) = vpow2.f32 v58;
	v4 =	vpop (erf)  }
0x12f: {  	v12 =	vor.u32 $0x15, v59;
	v59 =	vld [tilespmem:s16+$0xE200];
	(erf) = vpow2.f32 v61;
	v6 =	vadd.f32 v4, v6  }
0x130: {  	v63 =	vmul.f32 $1.442695020e+00, v63;
	v62 =	vand.u32 $0xFFFFFFC0, v10;
	v58 =	vpop (erf);
	(erf) = vpow2.f32 v15  }
0x131: {  	(erf) = vpow2.f32 v60;
	v0 =	vmul.f32 $1.442695020e+00, v2;
	v6 =	vadd.f32 v58, v6  }
0x132: {  	v31 =	vor.u32 $0x1A, v31;
	v10 =	vor.u32 $0x17, v62;
	(erf) = vpow2.f32 v63;
	v9 =	vpop (erf)  }
0x133: {  	v62 =	vand.u32 $0xFFFFFFC0, v8;
	(erf) = vpow2.f32 v0;
	v0 =	vld [tilespmem:s16+$0xE280];
	v6 =	vadd.f32 v9, v6  }
0x134: {  	v15 =	vor.u32 $0x13, v62;
	v62 =	vmul.f32 $1.442695020e+00, v59;
	v59 =	vand.u32 $0xFFFFFFC0, v4;
	v8 =	vpop (erf)  }
0x135: {  	v19 =	vand.u32 $0xFFFFFFC0, v5;
	v2 =	vor.u32 $0xE, v59;
	v59 =	vld [tilespmem:s16+$0xE300];
	v6 =	vadd.f32 v8, v6  }
0x136: {  	v19 =	vor.u32 $0x12, v19;
	v61 =	vand.u32 $0xFFFFFFC0, v3;
	v63 =	vand.u32 $0xFFFFFFC0, v57;
	v5 =	vpop (erf)  }
0x137: {  	v16 =	vor.u32 $0x14, v61;
	v1 =	vor.u32 $0xF, v63;
	v3 =	vadd.f32 v5, v6  }
0x138: {  	v63 =	vand.u32 $0xFFFFFFC0, v9;
	v60 =	vpop (erf);
	(erf) = vpow2.f32 v62;
	v0 =	vmul.f32 $1.442695020e+00, v0  }
0x139: {  	v62 =	vand.u32 $0xFFFFFFC0, v58;
	v24 =	vand.u32 $0xFFFFFFC0, v24;
	v3 =	vadd.f32 v60, v3  }
0x13a: {  	v24 =	vor.u32 $0x11, v24;
	v59 =	vmul.f32 $1.442695020e+00, v59;
	v57 =	vpop (erf);
	(erf) = vpow2.f32 v0  }
0x13b: {  	v4 =	vor.u32 $0xC, v63;
	v6 =	vand.u32 $0xFFFFFFC0, v25;
	v61 =	vadd.f32 v57, v3  }
0x13c: {  	v25 =	vor.u32 $0x10, v6;
	v6 =	vand.u32 $0xFFFFFFC0, v8;
	v3 =	vor.u32 $0xD, v62;
	v62 =	vld [tilespmem:s16+$0xE380]  }
0x13d: {  	(erf) = vpow2.f32 v59;
	v58 =	vpop (erf);
	v8 =	vand.u32 $0xFFFFFFC0, v5;
	v5 =	vor.u32 $0xB, v6  }
0x13e: {  	v6 =	vor.u32 $0xA, v8;
	v8 =	vand.u32 $0xFFFFFFC0, v60;
	v9 =	vadd.f32 v58, v61  }
0x13f: {  	v60 =	vand.u32 $0xFFFFFFC0, v57;
	v8 =	vor.u32 $0x9, v8;
	v58 =	vand.u32 $0xFFFFFFC0, v58;
	v61 =	vpop (erf)  }
0x140: {  	v58 =	vor.u32 $0x7, v58;
	v63 =	vadd.f32 v61, v9;
	v9 =	vor.u32 $0x8, v60  }
0x141: {  	v0 =	vmul.f32 $1.442695020e+00, v62;
	v61 =	vand.u32 $0xFFFFFFC0, v61;
	v62 =	vmax.f32 v14, v20  }
0x142: {  	v57 =	vpop (erf);
	v14 =	vmin.f32 v14, v20;
	v20 =	vmax.f32 v49, v50;
	v49 =	vmin.f32 v49, v50  }
0x143: {  	v50 =	vmax.f32 v52, v55;
	v52 =	vmin.f32 v52, v55;
	v60 =	vadd.f32 v57, v63  }
0x144: {  	v57 =	vand.u32 $0xFFFFFFC0, v57;
	(erf) = vpow2.f32 v0;
	v0 =	vmax.f32 v7, v17  }
0x145: {  	v7 =	vmin.f32 v7, v17;
	v55 =	vmax.f32 v0, v62;
	v17 =	vmin.f32 v0, v62  }
0x146: {  	v0 =	vmax.f32 v7, v14;
	v7 =	vmin.f32 v7, v14;
	v14 =	vmax.f32 v20, v50  }
0x147: {  	v20 =	vmin.f32 v20, v50;
	v50 =	vmax.f32 v49, v52;
	v49 =	vmin.f32 v49, v52  }
0x148: {  	v57 =	vor.u32 $0x5, v57;
	v52 =	vmax.f32 v0, v17;
	v17 =	vmin.f32 v0, v17  }
0x149: {  	v63 =	vpop (erf);
	v0 =	vmax.f32 v50, v20;
	v20 =	vmin.f32 v50, v20;
	v50 =	vmax.f32 v55, v14  }
0x14a: {  	[tilespmem:$0x1FFF0] =	vst v58;
	v14 =	vmin.f32 v55, v14;
	v58 =	vadd.f32 v63, v60;
	v55 =	vmax.f32 v52, v0  }
0x14b: {  	v52 =	vmin.f32 v52, v0;
	v0 =	vmax.f32 v17, v20;
	v17 =	vmin.f32 v17, v20  }
0x14c: {  	v20 =	vmax.f32 v7, v49;
	v49 =	vmin.f32 v7, v49;
	v7 =	vmax.f32 v0, v14  }
0x14d: {  	v59 =	vpop (erf);
	v14 =	vmin.f32 v0, v14;
	v0 =	vmax.f32 v20, v52;
	v20 =	vmin.f32 v20, v52  }
0x14e: {  	v58 =	vadd.f32 v59, v58;
	v52 =	vmax.f32 v55, v7;
	v55 =	vmin.f32 v55, v7  }
0x14f: {  	v62 =	vmax.f32 v0, v14;
	v60 =	vmin.f32 v0, v14;
	v7 =	vmax.f32 v20, v17  }
0x150: {  	v0 =	vmin.f32 v20, v17;
	v14 =	vmax.f32 v13, v18;
	v13 =	vmin.f32 v13, v18  }
0x151: {  	v17 =	vmax.f32 v21, v22;
	v18 =	vmin.f32 v21, v22;
	v20 =	vmax.f32 v51, v54  }
0x152: {  	v21 =	vmin.f32 v51, v54;
	v22 =	vmax.f32 v53, v56;
	v51 =	vmin.f32 v53, v56  }
0x153: {  	v59 =	vand.u32 $0xFFFFFFC0, v59;
	v53 =	vmax.f32 v14, v17;
	v14 =	vmin.f32 v14, v17  }
0x154: {  	v56 =	vmax.f32 v13, v18;
	v13 =	vmin.f32 v13, v18;
	v18 =	vmax.f32 v20, v22  }
0x155: {  	v20 =	vmin.f32 v20, v22;
	v54 =	vmax.f32 v21, v51;
	v21 =	vmin.f32 v21, v51  }
0x156: {  	v51 =	vmax.f32 v56, v14;
	v14 =	vmin.f32 v56, v14;
	v17 =	vmax.f32 v54, v20  }
0x157: {  	v20 =	vmin.f32 v54, v20;
	v54 =	vmax.f32 v53, v18;
	v18 =	vmin.f32 v53, v18  }
0x158: {  	v22 =	vmax.f32 v51, v17;
	v17 =	vmin.f32 v51, v17;
	v51 =	vmax.f32 v14, v20  }
0x159: {  	v14 =	vmin.f32 v14, v20;
	v20 =	vmax.f32 v13, v21;
	v21 =	vmin.f32 v13, v21  }
0x15a: {  	v49 =	vmax.f32 v49, v54;
	v56 =	vmax.f32 v51, v18;
	v18 =	vmin.f32 v51, v18  }
0x15b: {  	v51 =	vmax.f32 v20, v17;
	v17 =	vmin.f32 v20, v17;
	v53 =	vmax.f32 v22, v56  }
0x15c: {  	v56 =	vmin.f32 v22, v56;
	v13 =	vmax.f32 v51, v18;
	v51 =	vmin.f32 v51, v18  }
0x15d: {  	v18 =	vmax.f32 v17, v14;
	v20 =	vmin.f32 v17, v14;
	v14 =	vor.u32 $0x6, v61  }
0x15e: {  	v17 =	vand.u32 $0xFFFFFFC0, v63;
	v63 =	vmax.f32 v50, v21;
	v52 =	vmax.f32 v52, v20  }
0x15f: {  	v22 =	vpop (erf);
	v18 =	vmax.f32 v55, v18;
	v51 =	vmax.f32 v62, v51;
	v13 =	vmax.f32 v60, v13  }
0x160: {  	v7 =	vmax.f32 v7, v56;
	v0 =	vmax.f32 v0, v53;
	v61 =	vadd.f32 v22, v58  }
0x161: {  	v58 =	vor.u32 $0x4, v17;
	v17 =	vor.u32 $0x3, v59;
	v22 =	vand.u32 $0xFFFFFFC0, v22  }
0x162: {  	v62 =	vmax.f32 v63, v13;
	v13 =	vmin.f32 v63, v13;
	v63 =	vmax.f32 v52, v7  }
0x163: {  	v21 =	vpop (erf);
	v7 =	vmin.f32 v52, v7;
	v56 =	vmax.f32 v18, v0;
	v0 =	vmin.f32 v18, v0  }
0x164: {  	v59 =	vand.u32 $0xFFFFFFC0, v21;
	v60 =	vmax.f32 v62, v56;
	v52 =	vmin.f32 v62, v56  }
0x165: {  	v62 =	vmax.f32 v13, v0;
	v0 =	vmin.f32 v13, v0;
	v56 =	vmax.f32 v40, v41  }
0x166: {  	v40 =	vmin.f32 v40, v41;
	v20 =	vor.u32 $0x1, v59;
	v59 =	vmax.f32 v51, v49  }
0x167: {  	v50 =	vadd.f32 v21, v61;
	v21 =	vor.u32 $0x2, v22;
	v18 =	vmin.f32 v63, v59  }
0x168: {  	v49 =	vmin.f32 v51, v49;
	v61 =	vpop (erf);
	v53 =	vmax.f32 v52, v18;
	v18 =	vmin.f32 v52, v18  }
0x169: {  	v50 =	vadd.f32 v61, v50;
	v22 =	vand.u32 $0xFFFFFFC0, v61;
	v61 =	vmax.f32 v63, v59  }
0x16a: {  	v63 =	vmax.f32 v7, v49;
	v7 =	vmin.f32 v7, v49;
	v59 =	vmax.f32 v43, v45  }
0x16b: {  	v43 =	vmin.f32 v43, v45;
	v49 =	vmax.f32 v60, v61;
	v51 =	vmin.f32 v60, v61  }
0x16c: {  	v52 =	vmax.f32 v62, v63;
	v13 =	vmin.f32 v62, v63;
	v54 =	vmax.f32 v0, v7  }
0x16d: {  	v0 =	vmin.f32 v0, v7;
	v60 =	vmax.f32 v44, v46;
	v44 =	vmin.f32 v44, v46  }
0x16e: {  	v61 =	vmax.f32 v47, v48;
	v47 =	vmin.f32 v47, v48;
	v62 =	vmax.f32 v56, v59  }
0x16f: {  	v7 =	vmin.f32 v56, v59;
	v63 =	vmax.f32 v40, v43;
	v40 =	vmin.f32 v40, v43  }
0x170: {  	v55 =	vmax.f32 v60, v61;
	v45 =	vmin.f32 v60, v61;
	v56 =	vmax.f32 v44, v47  }
0x171: {  	v44 =	vmin.f32 v44, v47;
	v59 =	vmax.f32 v63, v7;
	v7 =	vmin.f32 v63, v7  }
0x172: {  	(erf) = vrcp.f32 v50;
	v60 =	vmax.f32 v56, v45;
	v45 =	vmin.f32 v56, v45  }
0x173: {  	v46 =	vmax.f32 v62, v55;
	v43 =	vmin.f32 v62, v55;
	v63 =	vmax.f32 v40, v44  }
0x174: {  	v40 =	vmin.f32 v40, v44;
	v61 =	vmax.f32 v59, v60;
	v41 =	vmin.f32 v59, v60  }
0x175: {  	v62 =	vmax.f32 v7, v45;
	v7 =	vmin.f32 v7, v45;
	v40 =	vmax.f32 v49, v40  }
0x176: {  	v0 =	vmax.f32 v0, v46;
	v55 =	vmax.f32 v62, v43;
	v43 =	vmin.f32 v62, v43  }
0x177: {  	v56 =	vmax.f32 v63, v41;
	v41 =	vmin.f32 v63, v41;
	v59 =	vmax.f32 v61, v55  }
0x178: {  	v44 =	vmin.f32 v61, v55;
	v61 =	vmax.f32 v41, v7;
	v7 =	vmin.f32 v41, v7  }
0x179: {  	v60 =	vmax.f32 v56, v43;
	v43 =	vmin.f32 v56, v43;
	v7 =	vmax.f32 v51, v7  }
0x17a: {  	v62 =	vmax.f32 v53, v61;
	v18 =	vmax.f32 v18, v43;
	v63 =	vmax.f32 v52, v60  }
0x17b: {  	v13 =	vmax.f32 v13, v44;
	v48 =	vmax.f32 v54, v59;
	v60 =	vmax.f32 v32, v35  }
0x17c: {  	v32 =	vmin.f32 v32, v35;
	v61 =	vmax.f32 v34, v36;
	v34 =	vmin.f32 v34, v36  }
0x17d: {  	v49 =	vmax.f32 v40, v63;
	v40 =	vmin.f32 v40, v63;
	v51 =	vmax.f32 v7, v13  }
0x17e: {  	v7 =	vmin.f32 v7, v13;
	v52 =	vmax.f32 v62, v48;
	v41 =	vmin.f32 v62, v48  }
0x17f: {  	v53 =	vmax.f32 v18, v0;
	v0 =	vmin.f32 v18, v0;
	v62 =	vmax.f32 v37, v38  }
0x180: {  	v37 =	vmin.f32 v37, v38;
	v63 =	vmax.f32 v39, v42;
	v39 =	vmin.f32 v39, v42  }
0x181: {  	v46 =	vmax.f32 v60, v61;
	v35 =	vmin.f32 v60, v61;
	v47 =	vmax.f32 v32, v34  }
0x182: {  	v32 =	vmin.f32 v32, v34;
	v38 =	vmax.f32 v29, v31;
	v29 =	vmin.f32 v29, v31  }
0x183: {  	v54 =	vmax.f32 v49, v52;
	v13 =	vmin.f32 v49, v52;
	v55 =	vmax.f32 v51, v53  }
0x184: {  	v43 =	vmin.f32 v51, v53;
	v56 =	vmax.f32 v40, v41;
	v40 =	vmin.f32 v40, v41  }
0x185: {  	v59 =	vmax.f32 v7, v0;
	v0 =	vmin.f32 v7, v0;
	v48 =	vmax.f32 v62, v63  }
0x186: {  	v36 =	vmin.f32 v62, v63;
	v49 =	vmax.f32 v37, v39;
	v37 =	vmin.f32 v37, v39  }
0x187: {  	v51 =	vmax.f32 v47, v35;
	v35 =	vmin.f32 v47, v35;
	v7 =	vmax.f32 v54, v55  }
0x188: {  	v18 =	vmin.f32 v54, v55;
	v45 =	vmax.f32 v13, v43;
	v13 =	vmin.f32 v13, v43  }
0x189: {  	v43 =	vmax.f32 v56, v59;
	v41 =	vmin.f32 v56, v59;
	v44 =	vmax.f32 v40, v0  }
0x18a: {  	v0 =	vmin.f32 v40, v0;
	v52 =	vmax.f32 v49, v36;
	v36 =	vmin.f32 v49, v36  }
0x18b: {  	v53 =	vmax.f32 v46, v48;
	v34 =	vmin.f32 v46, v48;
	v56 =	vmax.f32 v32, v37  }
0x18c: {  	v32 =	vmin.f32 v32, v37;
	v54 =	vmax.f32 v51, v52;
	v39 =	vmin.f32 v51, v52  }
0x18d: {  	v55 =	vmax.f32 v35, v36;
	v35 =	vmin.f32 v35, v36;
	v7 =	vmax.f32 v7, v32  }
0x18e: {  	v0 =	vmax.f32 v0, v53;
	v59 =	vmax.f32 v55, v34;
	v34 =	vmin.f32 v55, v34  }
0x18f: {  	v60 =	vmax.f32 v56, v39;
	v36 =	vmin.f32 v56, v39;
	v39 =	vmax.f32 v30, v33  }
0x190: {  	v30 =	vmin.f32 v30, v33;
	v61 =	vmax.f32 v54, v59;
	v37 =	vmin.f32 v54, v59  }
0x191: {  	v62 =	vmax.f32 v60, v34;
	v34 =	vmin.f32 v60, v34;
	v63 =	vmin.f32 v36, v35  }
0x192: {  	v35 =	vmax.f32 v36, v35;
	v42 =	vmax.f32 v38, v39;
	v18 =	vmax.f32 v18, v63  }
0x193: {  	v40 =	vmax.f32 v45, v35;
	v13 =	vmax.f32 v13, v34;
	v45 =	vmax.f32 v43, v62  }
0x194: {  	v46 =	vmax.f32 v41, v37;
	v47 =	vmax.f32 v44, v61;
	v62 =	vmax.f32 v23, v26  }
0x195: {  	v23 =	vmin.f32 v23, v26;
	v63 =	vmax.f32 v27, v28;
	v27 =	vmin.f32 v27, v28  }
0x196: {  	v28 =	vmin.f32 v38, v39;
	v43 =	vmax.f32 v29, v30;
	v29 =	vmin.f32 v29, v30  }
0x197: {  	v48 =	vmax.f32 v7, v45;
	v7 =	vmin.f32 v7, v45;
	v49 =	vmax.f32 v18, v46  }
0x198: {  	v18 =	vmin.f32 v18, v46;
	v51 =	vmax.f32 v40, v47;
	v32 =	vmin.f32 v40, v47  }
0x199: {  	v52 =	vmax.f32 v13, v0;
	v0 =	vmin.f32 v13, v0;
	v40 =	vmax.f32 v62, v63  }
0x19a: {  	v41 =	vmax.f32 v23, v27;
	v23 =	vmin.f32 v23, v27;
	v45 =	vmax.f32 v43, v28  }
0x19b: {  	v28 =	vmin.f32 v43, v28;
	v43 =	vmax.f32 v12, v16;
	v12 =	vmin.f32 v12, v16  }
0x19c: {  	v53 =	vmax.f32 v48, v51;
	v35 =	vmin.f32 v48, v51;
	v54 =	vmax.f32 v49, v52  }
0x19d: {  	v34 =	vmin.f32 v49, v52;
	v55 =	vmax.f32 v7, v32;
	v7 =	vmin.f32 v7, v32  }
0x19e: {  	v56 =	vmax.f32 v18, v0;
	v0 =	vmin.f32 v18, v0;
	v46 =	vmax.f32 v40, v42  }
0x19f: {  	v27 =	vmin.f32 v40, v42;
	v49 =	vmax.f32 v23, v29;
	v23 =	vmin.f32 v23, v29  }
0x1a0: {  	v42 =	vmax.f32 v10, v11;
	v10 =	vmin.f32 v10, v11;
	v59 =	vmax.f32 v53, v54  }
0x1a1: {  	v13 =	vmin.f32 v53, v54;
	v60 =	vmax.f32 v35, v34;
	v34 =	vmin.f32 v35, v34  }
0x1a2: {  	v61 =	vmax.f32 v55, v56;
	v32 =	vmin.f32 v55, v56;
	v36 =	vmax.f32 v7, v0  }
0x1a3: {  	v0 =	vmin.f32 v7, v0;
	v7 =	vmin.f32 v62, v63;
	v11 =	vmin.f32 v42, v43  }
0x1a4: {  	v44 =	vmax.f32 v41, v7;
	v7 =	vmin.f32 v41, v7;
	v18 =	vmax.f32 v59, v23  }
0x1a5: {  	v0 =	vmax.f32 v0, v46;
	v46 =	vmax.f32 v42, v43;
	v42 =	vmax.f32 v1, v2  }
0x1a6: {  	v1 =	vmin.f32 v1, v2;
	v43 =	vmax.f32 v3, v4;
	v3 =	vmin.f32 v3, v4  }
0x1a7: {  	v47 =	vmax.f32 v44, v45;
	v26 =	vmin.f32 v44, v45;
	v48 =	vmax.f32 v7, v28  }
0x1a8: {  	v7 =	vmin.f32 v7, v28;
	v44 =	vmax.f32 v15, v19;
	v15 =	vmin.f32 v15, v19  }
0x1a9: {  	v45 =	vmax.f32 v24, v25;
	v24 =	vmin.f32 v24, v25;
	v2 =	vmin.f32 v42, v43  }
0x1aa: {  	v51 =	vmax.f32 v48, v27;
	v27 =	vmin.f32 v48, v27;
	v52 =	vmax.f32 v49, v26  }
0x1ab: {  	v26 =	vmin.f32 v49, v26;
	v48 =	vmax.f32 v44, v45;
	v16 =	vmin.f32 v44, v45  }
0x1ac: {  	v49 =	vmax.f32 v15, v24;
	v15 =	vmin.f32 v15, v24;
	v44 =	vmax.f32 v5, v6  }
0x1ad: {  	v5 =	vmin.f32 v5, v6;
	v45 =	vmax.f32 v8, v9;
	v8 =	vmin.f32 v8, v9  }
0x1ae: {  	v53 =	vmax.f32 v47, v51;
	v29 =	vmin.f32 v47, v51;
	v54 =	vmax.f32 v52, v27  }
0x1af: {  	v27 =	vmin.f32 v52, v27;
	v55 =	vmax.f32 v26, v7;
	v7 =	vmin.f32 v26, v7  }
0x1b0: {  	v47 =	vmax.f32 v10, v12;
	v10 =	vmin.f32 v10, v12;
	v52 =	vmax.f32 v49, v16  }
0x1b1: {  	v16 =	vmin.f32 v49, v16;
	v12 =	vmin.f32 v46, v48;
	v4 =	vmin.f32 v44, v45  }
0x1b2: {  	v49 =	vmax.f32 v5, v8;
	v5 =	vmin.f32 v5, v8;
	v7 =	vmax.f32 v13, v7  }
0x1b3: {  	v56 =	vmax.f32 v60, v55;
	v59 =	vmax.f32 v34, v27;
	v60 =	vmax.f32 v61, v54  }
0x1b4: {  	v61 =	vmax.f32 v32, v29;
	v28 =	vmax.f32 v36, v53;
	v51 =	vmax.f32 v47, v11  }
0x1b5: {  	v11 =	vmin.f32 v47, v11;
	v53 =	vmax.f32 v46, v48;
	v46 =	vmax.f32 v42, v43  }
0x1b6: {  	v47 =	vmax.f32 v1, v3;
	v1 =	vmin.f32 v1, v3;
	v48 =	vmax.f32 v44, v45  }
0x1b7: {  	v42 =	vmax.f32 v20, v22;
	v43 =	vmin.f32 v20, v22;
	v62 =	vmax.f32 v18, v60  }
0x1b8: {  	v18 =	vmin.f32 v18, v60;
	v63 =	vmax.f32 v7, v61;
	v7 =	vmin.f32 v7, v61  }
0x1b9: {  	v32 =	vmax.f32 v56, v28;
	v13 =	vmin.f32 v56, v28;
	v33 =	vmax.f32 v59, v0  }
0x1ba: {  	v0 =	vmin.f32 v59, v0;
	v54 =	vmax.f32 v51, v52;
	v55 =	vmax.f32 v11, v16  }
0x1bb: {  	v11 =	vmin.f32 v11, v16;
	v56 =	vmax.f32 v10, v15;
	v10 =	vmin.f32 v10, v15  }
0x1bc: {  	v3 =	vmin.f32 v46, v48;
	v34 =	vmax.f32 v62, v32;
	v27 =	vmin.f32 v62, v32  }
0x1bd: {  	v35 =	vmax.f32 v63, v33;
	v26 =	vmin.f32 v63, v33;
	v36 =	vmax.f32 v18, v13  }
0x1be: {  	v13 =	vmin.f32 v18, v13;
	v37 =	vmax.f32 v7, v0;
	v0 =	vmin.f32 v7, v0  }
0x1bf: {  	v59 =	vmax.f32 v55, v12;
	v12 =	vmin.f32 v55, v12;
	v38 =	vmax.f32 v34, v35  }
0x1c0: {  	v23 =	vmin.f32 v34, v35;
	v39 =	vmax.f32 v27, v26;
	v26 =	vmin.f32 v27, v26  }
0x1c1: {  	v40 =	vmax.f32 v36, v37;
	v18 =	vmin.f32 v36, v37;
	v41 =	vmax.f32 v13, v0  }
0x1c2: {  	v0 =	vmin.f32 v13, v0;
	v13 =	vmin.f32 v51, v52;
	v61 =	vmax.f32 v54, v59  }
0x1c3: {  	s17 =	sand.u32 $0x3F80, s17;
	s18 =	sand.u32 $0x70, s14;
	v15 =	vmin.f32 v54, v59;
	v51 =	vmax.f32 v47, v2;
	v2 =	vmin.f32 v47, v2  }
0x1c4: {  	s17 =	sor.u32 s18, s17;
	v52 =	vmax.f32 v49, v4;
	v4 =	vmin.f32 v49, v4;
	v60 =	vmax.f32 v56, v13  }
0x1c5: {  	v22 =	vld [tilespmem:s17+$0x200];
	v13 =	vmin.f32 v56, v13;
	v7 =	vmax.f32 v38, v10;
	v15 =	vmax.f32 v18, v15  }
0x1c6: {  	v16 =	vmax.f32 v41, v61;
	v0 =	vmax.f32 v0, v53;
	v53 =	vmax.f32 v46, v48  }
0x1c7: {  	v54 =	vmax.f32 v51, v52;
	v55 =	vmax.f32 v2, v4;
	v2 =	vmin.f32 v2, v4  }
0x1c8: {  	v56 =	vmax.f32 v1, v5;
	v1 =	vmin.f32 v1, v5;
	v62 =	vmax.f32 v60, v12  }
0x1c9: {  	v12 =	vmin.f32 v60, v12;
	v63 =	vmax.f32 v13, v11;
	v11 =	vmin.f32 v13, v11  }
0x1ca: {  	v59 =	vmax.f32 v55, v3;
	v3 =	vmin.f32 v55, v3;
	v6 =	vmul.f32 $1.442695020e+00, v22  }
0x1cb: {  	v23 =	vmax.f32 v23, v11;
	v24 =	vmax.f32 v39, v63;
	v12 =	vmax.f32 v26, v12  }
0x1cc: {  	v29 =	vmax.f32 v40, v62;
	v61 =	vmax.f32 v54, v59;
	v5 =	vmin.f32 v54, v59  }
0x1cd: {  	v30 =	vmax.f32 v7, v29;
	v7 =	vmin.f32 v7, v29;
	v31 =	vmax.f32 v23, v15  }
0x1ce: {  	v10 =	vmin.f32 v23, v15;
	v32 =	vmax.f32 v24, v16;
	v11 =	vmin.f32 v24, v16  }
0x1cf: {  	v33 =	vmax.f32 v12, v0;
	v0 =	vmin.f32 v12, v0;
	v34 =	vmax.f32 v30, v32  }
0x1d0: {  	v15 =	vmin.f32 v30, v32;
	v35 =	vmax.f32 v31, v33;
	v13 =	vmin.f32 v31, v33  }
0x1d1: {  	v36 =	vmax.f32 v7, v11;
	v7 =	vmin.f32 v7, v11;
	v37 =	vmax.f32 v10, v0  }
0x1d2: {  	v0 =	vmin.f32 v10, v0;
	v38 =	vmax.f32 v34, v35;
	v12 =	vmin.f32 v34, v35  }
0x1d3: {  	v39 =	vmax.f32 v15, v13;
	v13 =	vmin.f32 v15, v13;
	v40 =	vmax.f32 v36, v37  }
0x1d4: {  	v41 =	vmax.f32 v7, v0;
	v0 =	vmin.f32 v7, v0;
	v7 =	vmin.f32 v51, v52  }
0x1d5: {  	v11 =	vmin.f32 v36, v37;
	v60 =	vmax.f32 v56, v7;
	v4 =	vmin.f32 v56, v7  }
0x1d6: {  	v1 =	vmax.f32 v38, v1;
	v5 =	vmax.f32 v11, v5;
	v7 =	vmax.f32 v41, v61  }
0x1d7: {  	v0 =	vmax.f32 v0, v53;
	v38 =	vmax.f32 v57, v58;
	v41 =	vmin.f32 v17, v21  }
0x1d8: {  	v62 =	vmax.f32 v60, v3;
	v3 =	vmin.f32 v60, v3;
	v63 =	vmin.f32 v4, v2  }
0x1d9: {  	v2 =	vmax.f32 v4, v2;
	v47 =	vmax.f32 v41, v43;
	v19 =	vmax.f32 v12, v63  }
0x1da: {  	v55 =	vld [tilespmem:s17+$0x0];
	v2 =	vmax.f32 v39, v2;
	v3 =	vmax.f32 v13, v3;
	v23 =	vmax.f32 v40, v62  }
0x1db: {  	v39 =	vmin.f32 v57, v58;
	v40 =	vmax.f32 v17, v21;
	v13 =	vmin.f32 v41, v43  }
0x1dc: {  	v24 =	vmax.f32 v1, v23;
	v1 =	vmin.f32 v1, v23;
	v25 =	vmax.f32 v19, v5  }
0x1dd: {  	v36 =	vld [tilespmem:$0x1FFF0];
	v4 =	vmin.f32 v19, v5;
	v26 =	vmax.f32 v2, v7;
	v2 =	vmin.f32 v2, v7  }
0x1de: {  	v27 =	vmax.f32 v3, v0;
	v0 =	vmin.f32 v3, v0;
	v46 =	vmax.f32 v40, v42  }
0x1df: {  	v12 =	vmin.f32 v40, v42;
	v19 =	vmul.f32 $1.442695020e+00, v55;
	v28 =	vmax.f32 v24, v26  }
0x1e0: {  	v5 =	vmin.f32 v24, v26;
	v29 =	vmax.f32 v25, v27;
	v7 =	vmin.f32 v25, v27  }
0x1e1: {  	v30 =	vmax.f32 v1, v2;
	v1 =	vmin.f32 v1, v2;
	v31 =	vmax.f32 v4, v0  }
0x1e2: {  	v0 =	vmin.f32 v4, v0;
	v37 =	vmax.f32 v36, v14;
	v9 =	vmin.f32 v36, v14  }
0x1e3: {  	v61 =	vld [tilespmem:s17+$0x100];
	v49 =	vmax.f32 v47, v12;
	v12 =	vmin.f32 v47, v12;
	v32 =	vmax.f32 v28, v29  }
0x1e4: {  	v3 =	vmin.f32 v28, v29;
	v33 =	vmax.f32 v5, v7;
	v5 =	vmin.f32 v5, v7  }
0x1e5: {  	v34 =	vmax.f32 v30, v31;
	v2 =	vmin.f32 v30, v31;
	v35 =	vmax.f32 v1, v0  }
0x1e6: {  	v20 =	vld [tilespmem:s17+$0x180];
	v0 =	vmin.f32 v1, v0;
	v44 =	vmax.f32 v37, v38;
	v1 =	vmin.f32 v37, v38  }
0x1e7: {  	v57 =	vld [tilespmem:s17+$0x80];
	v45 =	vmax.f32 v9, v39;
	v9 =	vmin.f32 v9, v39;
	(erf) = vpow2.f32 v19  }
0x1e8: {  	v41 =	vld [tilespmem:s17+$0x2080];
	v23 =	vmul.f32 $1.442695020e+00, v61;
	v48 =	vmax.f32 v45, v1;
	v1 =	vmin.f32 v45, v1  }
0x1e9: {  	v43 =	vld [tilespmem:s17+$0x2100];
	v51 =	vmax.f32 v44, v46;
	v11 =	vmin.f32 v44, v46;
	v54 =	vmax.f32 v9, v13  }
0x1ea: {  	v9 =	vmin.f32 v9, v13;
	v52 =	vmax.f32 v48, v49;
	v10 =	vmin.f32 v48, v49  }
0x1eb: {  	v55 =	vld [tilespmem:s17+$0x2380];
	v53 =	vmax.f32 v1, v12;
	v1 =	vmin.f32 v1, v12;
	v4 =	vmax.f32 v32, v9  }
0x1ec: {  	v36 =	vld [tilespmem:s17+$0x2000];
	v21 =	vmul.f32 $1.442695020e+00, v57;
	v0 =	vmax.f32 v0, v51;
	v9 =	vmul.f32 $1.442695020e+00, v20  }
0x1ed: {  	v25 =	vld [tilespmem:s17+$0x280];
	v51 =	vmul.f32 $1.442695020e+00, v41;
	v56 =	vmax.f32 v53, v11;
	v11 =	vmin.f32 v53, v11  }
0x1ee: {  	v28 =	vld [tilespmem:s17+$0x300];
	v58 =	vmax.f32 v54, v10;
	v10 =	vmin.f32 v54, v10;
	v54 =	vmul.f32 $1.442695020e+00, v43  }
0x1ef: {  	v31 =	vld [tilespmem:s17+$0x380];
	v59 =	vmax.f32 v52, v56;
	v13 =	vmin.f32 v52, v56;
	v60 =	vmax.f32 v58, v11  }
0x1f0: {  	v47 =	vld [tilespmem:s17+$0x2200];
	v11 =	vmin.f32 v58, v11;
	v62 =	vmax.f32 v10, v1;
	v1 =	vmin.f32 v10, v1  }
0x1f1: {  	(erf) = vpow2.f32 v21;
	v46 =	vmul.f32 $1.442695020e+00, v36;
	v1 =	vmax.f32 v3, v1  }
0x1f2: {  	v63 =	vmax.f32 v33, v62;
	v5 =	vmax.f32 v5, v11;
	v7 =	vmax.f32 v34, v60  }
0x1f3: {  	v45 =	vld [tilespmem:s17+$0x2180];
	v2 =	vmax.f32 v2, v13;
	(erf) = vpow2.f32 v23;
	v33 =	vmul.f32 $1.442695020e+00, v25  }
0x1f4: {  	v8 =	vmax.f32 v35, v59;
	v39 =	vmul.f32 $1.442695020e+00, v28;
	v11 =	vmul.f32 $1.442695020e+00, v31  }
0x1f5: {  	v49 =	vld [tilespmem:s17+$0x2280];
	v59 =	vmul.f32 $1.442695020e+00, v47;
	v25 =	vmul.f32 $1.442695020e+00, v55;
	v24 =	vmax.f32 v4, v7  }
0x1f6: {  	v57 =	vld [tilespmem:s17+$0x4000];
	v4 =	vmin.f32 v4, v7;
	v26 =	vmax.f32 v1, v2;
	v1 =	vmin.f32 v1, v2  }
0x1f7: {  	v43 =	vld [tilespmem:s17+$0x6180];
	v27 =	vmax.f32 v63, v8;
	v3 =	vmin.f32 v63, v8;
	v29 =	vmax.f32 v5, v0  }
0x1f8: {  	v52 =	vld [tilespmem:s17+$0x2300];
	(erf) = vpow2.f32 v9;
	v5 =	vmin.f32 v5, v0;
	v56 =	vmul.f32 $1.442695020e+00, v45  }
0x1f9: {  	v60 =	vld [tilespmem:s17+$0x4080];
	v30 =	vmax.f32 v24, v27;
	v2 =	vmin.f32 v24, v27;
	v32 =	vmax.f32 v26, v29  }
0x1fa: {  	v62 =	vld [tilespmem:s17+$0x4100];
	(erf) = vpow2.f32 v6;
	v10 =	vmin.f32 v26, v29;
	v34 =	vmax.f32 v4, v3  }
0x1fb: {  	v55 =	vld [tilespmem:s17+$0x8000];
	v35 =	vmin.f32 v4, v3;
	v37 =	vmax.f32 v1, v5;
	v61 =	vmul.f32 $1.442695020e+00, v49  }
0x1fc: {  	v1 =	vmin.f32 v1, v5;
	v24 =	vld [tilespmem:s17+$0x4180];
	v27 =	vmul.f32 $1.442695020e+00, v57;
	(erf) = vpow2.f32 v33  }
0x1fd: {  	v26 =	vld [tilespmem:s17+$0x4200];
	v8 =	vmax.f32 v30, v32;
	v7 =	vmin.f32 v30, v32;
	v6 =	vmax.f32 v2, v10  }
0x1fe: {  	v57 =	vld [tilespmem:s17+$0x8080];
	v5 =	vmin.f32 v2, v10;
	v3 =	vmax.f32 v34, v37;
	v19 =	vmul.f32 $1.442695020e+00, v43  }
0x1ff: {  	v4 =	vmin.f32 v34, v37;
	v32 =	vld [tilespmem:s17+$0x4380];
	(erf) = vpow2.f32 v39;
	v13 =	vmul.f32 $1.442695020e+00, v52  }
0x200: {  	v28 =	vld [tilespmem:s17+$0x4280];
	v0 =	vpop (erf);
	v2 =	vmax.f32 v35, v1;
	(erf) = vpow2.f32 v11;
	v29 =	vmul.f32 $1.442695020e+00, v60  }
0x201: {  	v1 =	vmin.f32 v35, v1;
	v38 =	vpop (erf);
	v31 =	vmul.f32 $1.442695020e+00, v62;
	(erf) = vpow2.f32 v46  }
0x202: {  	v37 =	vor.u32 $0x3F, v38;
	v62 =	vmul.f32 $1.442695020e+00, v55;
	(erf) = vpow2.f32 v51;
	v40 =	vpop (erf)  }
0x203: {  	v30 =	vld [tilespmem:s17+$0x4300];
	v33 =	vmul.f32 $1.442695020e+00, v24;
	v35 =	vmul.f32 $1.442695020e+00, v26;
	v42 =	vadd.f32 v40, v38  }
0x204: {  	v14 =	vmul.f32 $1.442695020e+00, v32;
	v32 =	vmul.f32 $1.442695020e+00, v57;
	v44 =	vpop (erf);
	v9 =	vand.u32 $0xFFFFFFC0, v40  }
0x205: {  	(erf) = vpow2.f32 v54;
	v38 =	vmul.f32 $1.442695020e+00, v28;
	v17 =	vadd.f32 v44, v42  }
0x206: {  	v34 =	vld [tilespmem:s17+$0x6000];
	v48 =	vpop (erf);
	v39 =	vor.u32 $0x3E, v9;
	(erf) = vpow2.f32 v56;
	v10 =	vand.u32 $0xFFFFFFC0, v44  }
0x207: {  	v36 =	vld [tilespmem:s17+$0x6080];
	(erf) = vpow2.f32 v59;
	v47 =	vor.u32 $0x3D, v10;
	v50 =	vadd.f32 v48, v17  }
0x208: {  	v54 =	vld [tilespmem:s17+$0x6380];
	v53 =	vpop (erf);
	v12 =	vand.u32 $0xFFFFFFC0, v48;
	v42 =	vmul.f32 $1.442695020e+00, v30;
	(erf) = vpow2.f32 v61  }
0x209: {  	v28 =	vld [tilespmem:s17+$0xA300];
	v41 =	vand.u32 $0xFFFFFFC0, v53;
	(erf) = vpow2.f32 v13;
	v15 =	vadd.f32 v53, v50  }
0x20a: {  	v40 =	vld [tilespmem:s17+$0x6100];
	v58 =	vpop (erf);
	v48 =	vor.u32 $0x3C, v12;
	v49 =	vor.u32 $0x3B, v41;
	(erf) = vpow2.f32 v25  }
0x20b: {  	v44 =	vld [tilespmem:s17+$0x6200];
	v17 =	vmul.f32 $1.442695020e+00, v34;
	(erf) = vpow2.f32 v27;
	v15 =	vadd.f32 v58, v15  }
0x20c: {  	v59 =	vld [tilespmem:s17+$0x8100];
	v63 =	vpop (erf);
	v12 =	vmul.f32 $1.442695020e+00, v36;
	v52 =	vand.u32 $0xFFFFFFC0, v58;
	(erf) = vpow2.f32 v29  }
0x20d: {  	v45 =	vld [tilespmem:s17+$0x6280];
	v22 =	vpop (erf);
	v18 =	vmul.f32 $1.442695020e+00, v54;
	(erf) = vpow2.f32 v31;
	v15 =	vadd.f32 v63, v15  }
0x20e: {  	v61 =	vld [tilespmem:s17+$0x8200];
	v21 =	vand.u32 $0xFFFFFFC0, v63;
	v28 =	vmul.f32 $1.442695020e+00, v28;
	v20 =	vpop (erf);
	(erf) = vpow2.f32 v33  }
0x20f: {  	v46 =	vld [tilespmem:s17+$0x6300];
	v53 =	vmul.f32 $1.442695020e+00, v40;
	v23 =	vpop (erf);
	(erf) = vpow2.f32 v35;
	v15 =	vadd.f32 v22, v15  }
0x210: {  	v60 =	vld [tilespmem:s17+$0x8180];
	v50 =	vor.u32 $0x3A, v52;
	v56 =	vmul.f32 $1.442695020e+00, v44;
	v16 =	vpop (erf);
	(erf) = vpow2.f32 v38  }
0x211: {  	v34 =	vmul.f32 $1.442695020e+00, v59;
	v33 =	vld [tilespmem:s17+$0x8300];
	v13 =	vpop (erf);
	(erf) = vpow2.f32 v42;
	v15 =	vadd.f32 v20, v15  }
0x212: {  	v51 =	vor.u32 $0x39, v21;
	v58 =	vmul.f32 $1.442695020e+00, v45;
	v63 =	vld [tilespmem:s17+$0x8280];
	v11 =	vpop (erf);
	(erf) = vpow2.f32 v14  }
0x213: {  	v55 =	vmul.f32 $1.442695020e+00, v61;
	v35 =	vld [tilespmem:s17+$0x8380];
	v10 =	vpop (erf);
	(erf) = vpow2.f32 v17;
	v15 =	vadd.f32 v23, v15  }
0x214: {  	v22 =	vand.u32 $0xFFFFFFC0, v22;
	v9 =	vpop (erf);
	v14 =	vmul.f32 $1.442695020e+00, v46;
	(erf) = vpow2.f32 v12  }
0x215: {  	v17 =	vmul.f32 $1.442695020e+00, v60;
	v60 =	vld [tilespmem:s17+$0xA180];
	v12 =	vpop (erf);
	(erf) = vpow2.f32 v53;
	v15 =	vadd.f32 v16, v15  }
0x216: {  	v20 =	vand.u32 $0xFFFFFFC0, v20;
	v59 =	vmul.f32 $1.442695020e+00, v33;
	v38 =	vpop (erf);
	(erf) = vpow2.f32 v19  }
0x217: {  	v36 =	vld [tilespmem:s17+$0xA000];
	v57 =	vmul.f32 $1.442695020e+00, v63;
	v40 =	vpop (erf);
	(erf) = vpow2.f32 v56;
	v15 =	vadd.f32 v13, v15  }
0x218: {  	v61 =	vmul.f32 $1.442695020e+00, v35;
	v52 =	vor.u32 $0x37, v20;
	v41 =	vpop (erf);
	v56 =	vld [tilespmem:s17+$0xA080];
	(erf) = vpow2.f32 v58  }
0x219: {  	v53 =	vor.u32 $0x38, v22;
	v42 =	vpop (erf);
	v58 =	vld [tilespmem:s17+$0xA100];
	(erf) = vpow2.f32 v14;
	v15 =	vadd.f32 v11, v15  }
0x21a: {  	v16 =	vand.u32 $0xFFFFFFC0, v16;
	v60 =	vmul.f32 $1.442695020e+00, v60;
	v43 =	vpop (erf);
	(erf) = vpow2.f32 v18  }
0x21b: {  	v13 =	vand.u32 $0xFFFFFFC0, v13;
	v44 =	vpop (erf);
	v18 =	vld [tilespmem:s17+$0xA280];
	(erf) = vpow2.f32 v62;
	v15 =	vadd.f32 v10, v15  }
0x21c: {  	v45 =	vpop (erf);
	v62 =	vmul.f32 $1.442695020e+00, v36;
	v11 =	vand.u32 $0xFFFFFFC0, v11;
	(erf) = vpow2.f32 v32  }
0x21d: {  	v63 =	vmul.f32 $1.442695020e+00, v56;
	v56 =	vor.u32 $0x35, v16;
	v15 =	vadd.f32 v9, v15  }
0x21e: {  	v46 =	vpop (erf);
	v16 =	vld [tilespmem:s17+$0xC280];
	(erf) = vpow2.f32 v34;
	v58 =	vmul.f32 $1.442695020e+00, v58;
	v10 =	vand.u32 $0xFFFFFFC0, v10  }
0x21f: {  	v24 =	vld [tilespmem:s17+$0xA200];
	v29 =	vpop (erf);
	(erf) = vpow2.f32 v17;
	v10 =	vor.u32 $0x32, v10;
	v15 =	vadd.f32 v12, v15  }
0x220: {  	v30 =	vpop (erf);
	(erf) = vpow2.f32 v55;
	v27 =	vmul.f32 $1.442695020e+00, v18;
	v9 =	vand.u32 $0xFFFFFFC0, v9  }
0x221: {  	v31 =	vpop (erf);
	v55 =	vld [tilespmem:s17+$0xC200];
	(erf) = vpow2.f32 v57;
	v57 =	vand.u32 $0xFFFFFFC0, v23;
	v15 =	vadd.f32 v38, v15  }
0x222: {  	v32 =	vpop (erf);
	v9 =	vor.u32 $0x31, v9;
	(erf) = vpow2.f32 v59;
	v54 =	vor.u32 $0x36, v57  }
0x223: {  	v33 =	vpop (erf);
	v59 =	vld [tilespmem:s17+$0xA380];
	v16 =	vmul.f32 $1.442695020e+00, v16;
	(erf) = vpow2.f32 v61;
	v15 =	vadd.f32 v40, v15  }
0x224: {  	v57 =	vor.u32 $0x34, v13;
	v34 =	vpop (erf);
	(erf) = vpow2.f32 v62;
	v62 =	vmul.f32 $1.442695020e+00, v24  }
0x225: {  	v61 =	vld [tilespmem:s17+$0xC000];
	v35 =	vpop (erf);
	v38 =	vand.u32 $0xFFFFFFC0, v38;
	(erf) = vpow2.f32 v63;
	v15 =	vadd.f32 v41, v15  }
0x226: {  	v36 =	vpop (erf);
	v63 =	vld [tilespmem:s17+$0xC080];
	v55 =	vmul.f32 $1.442695020e+00, v55;
	v38 =	vor.u32 $0x2F, v38;
	(erf) = vpow2.f32 v58  }
0x227: {  	v18 =	vld [tilespmem:s17+$0xC100];
	v21 =	vpop (erf);
	v40 =	vand.u32 $0xFFFFFFC0, v40;
	(erf) = vpow2.f32 v60;
	v15 =	vadd.f32 v42, v15  }
0x228: {  	v19 =	vld [tilespmem:s17+$0xC180];
	v22 =	vpop (erf);
	v60 =	vmul.f32 $1.442695020e+00, v59;
	v40 =	vor.u32 $0x2E, v40;
	(erf) = vpow2.f32 v62  }
0x229: {  	v23 =	vpop (erf);
	v41 =	vand.u32 $0xFFFFFFC0, v41;
	(erf) = vpow2.f32 v27;
	v15 =	vadd.f32 v43, v15  }
0x22a: {  	v61 =	vmul.f32 $1.442695020e+00, v61;
	v24 =	vpop (erf);
	v41 =	vor.u32 $0x2D, v41;
	(erf) = vpow2.f32 v28  }
0x22b: {  	v25 =	vpop (erf);
	v62 =	vmul.f32 $1.442695020e+00, v63;
	v63 =	vld [tilespmem:s17+$0xC300];
	(erf) = vpow2.f32 v60;
	v15 =	vadd.f32 v44, v15  }
0x22c: {  	v42 =	vand.u32 $0xFFFFFFC0, v42;
	v26 =	vpop (erf);
	v60 =	vmul.f32 $1.442695020e+00, v18;
	(erf) = vpow2.f32 v61;
	v61 =	vld [tilespmem:s17+$0xC380]  }
0x22d: {  	v27 =	vpop (erf);
	(erf) = vpow2.f32 v62;
	v62 =	vmul.f32 $1.442695020e+00, v19;
	v19 =	vld [tilespmem:s17+$0xE000];
	v15 =	vadd.f32 v45, v15  }
0x22e: {  	v42 =	vor.u32 $0x2C, v42;
	v43 =	vand.u32 $0xFFFFFFC0, v43;
	v28 =	vpop (erf);
	(erf) = vpow2.f32 v60;
	v60 =	vld [tilespmem:s17+$0xE200]  }
0x22f: {  	v13 =	vpop (erf);
	v44 =	vand.u32 $0xFFFFFFC0, v44;
	(erf) = vpow2.f32 v62;
	v62 =	vld [tilespmem:s17+$0xE280];
	v15 =	vadd.f32 v46, v15  }
0x230: {  	v43 =	vor.u32 $0x2B, v43;
	v17 =	vmul.f32 $1.442695020e+00, v63;
	v44 =	vor.u32 $0x2A, v44  }
0x231: {  	v14 =	vpop (erf);
	(erf) = vpow2.f32 v55;
	v45 =	vand.u32 $0xFFFFFFC0, v45;
	v15 =	vadd.f32 v29, v15  }
0x232: {  	v18 =	vmul.f32 $1.442695020e+00, v61;
	v61 =	vor.u32 $0x33, v11;
	v45 =	vor.u32 $0x29, v45  }
0x233: {  	v58 =	vld [tilespmem:s17+$0xE080];
	v11 =	vmul.f32 $1.442695020e+00, v19;
	v46 =	vand.u32 $0xFFFFFFC0, v46;
	v15 =	vadd.f32 v30, v15  }
0x234: {  	v60 =	vmul.f32 $1.442695020e+00, v60;
	v46 =	vor.u32 $0x28, v46;
	v62 =	vmul.f32 $1.442695020e+00, v62  }
0x235: {  	v59 =	vld [tilespmem:s17+$0xE100];
	v29 =	vand.u32 $0xFFFFFFC0, v29;
	v30 =	vand.u32 $0xFFFFFFC0, v30;
	v55 =	vadd.f32 v31, v15  }
0x236: {  	v20 =	vld [tilespmem:s17+$0xE180];
	v29 =	vor.u32 $0x27, v29;
	v30 =	vor.u32 $0x26, v30;
	v31 =	vand.u32 $0xFFFFFFC0, v31  }
0x237: {  	v31 =	vor.u32 $0x25, v31;
	v15 =	vpop (erf);
	(erf) = vpow2.f32 v16;
	v63 =	vadd.f32 v32, v55  }
0x238: {  	v55 =	vmul.f32 $1.442695020e+00, v58;
	v32 =	vand.u32 $0xFFFFFFC0, v32;
	(erf) = vpow2.f32 v17  }
0x239: {  	v58 =	vld [tilespmem:s17+$0xE300];
	v16 =	vpop (erf);
	v32 =	vor.u32 $0x24, v32;
	(erf) = vpow2.f32 v18;
	v63 =	vadd.f32 v33, v63  }
0x23a: {  	v17 =	vpop (erf);
	v33 =	vand.u32 $0xFFFFFFC0, v33;
	(erf) = vpow2.f32 v11;
	v11 =	vmul.f32 $1.442695020e+00, v59  }
0x23b: {  	v18 =	vpop (erf);
	v59 =	vld [tilespmem:s17+$0xE380];
	(erf) = vpow2.f32 v55;
	v55 =	vmul.f32 $1.442695020e+00, v20;
	v63 =	vadd.f32 v34, v63  }
0x23c: {  	v33 =	vor.u32 $0x23, v33;
	v19 =	vpop (erf);
	v34 =	vand.u32 $0xFFFFFFC0, v34;
	(erf) = vpow2.f32 v11  }
0x23d: {  	v20 =	vpop (erf);
	v34 =	vor.u32 $0x22, v34;
	(erf) = vpow2.f32 v55;
	v63 =	vadd.f32 v35, v63  }
0x23e: {  	v35 =	vand.u32 $0xFFFFFFC0, v35;
	v11 =	vpop (erf);
	(erf) = vpow2.f32 v60;
	v60 =	vmul.f32 $1.442695020e+00, v58  }
0x23f: {  	v35 =	vor.u32 $0x21, v35;
	v55 =	vpop (erf);
	(erf) = vpow2.f32 v62;
	v62 =	vand.u32 $0xFFFFFFC0, v12  }
0x240: {  	v59 =	vmul.f32 $1.442695020e+00, v59;
	v58 =	vpop (erf);
	(erf) = vpow2.f32 v60;
	v60 =	vor.u32 $0x30, v62  }
0x241: {  	v62 =	vadd.f32 v36, v63;
	v63 =	vmax.f32 v47, v48;
	v47 =	vmin.f32 v47, v48  }
0x242: {  	v48 =	vmax.f32 v49, v50;
	v49 =	vmin.f32 v49, v50;
	v50 =	vmax.f32 v51, v53  }
0x243: {  	v51 =	vmin.f32 v51, v53;
	v36 =	vand.u32 $0xFFFFFFC0, v36;
	v12 =	vpop (erf);
	(erf) = vpow2.f32 v59  }
0x244: {  	v59 =	vmax.f32 v37, v39;
	v37 =	vmin.f32 v37, v39;
	v36 =	vor.u32 $0x20, v36  }
0x245: {  	v53 =	vmax.f32 v59, v63;
	v39 =	vmin.f32 v59, v63;
	v63 =	vmax.f32 v37, v47  }
0x246: {  	v37 =	vmin.f32 v37, v47;
	v47 =	vmax.f32 v48, v50;
	v48 =	vmin.f32 v48, v50  }
0x247: {  	v50 =	vmax.f32 v49, v51;
	v49 =	vmin.f32 v49, v51;
	v51 =	vmax.f32 v63, v39  }
0x248: {  	v39 =	vmin.f32 v63, v39;
	v63 =	vmax.f32 v50, v48;
	v48 =	vmin.f32 v50, v48  }
0x249: {  	v50 =	vmax.f32 v53, v47;
	v47 =	vmin.f32 v53, v47;
	v53 =	vmax.f32 v51, v63  }
0x24a: {  	v51 =	vmin.f32 v51, v63;
	v63 =	vmax.f32 v39, v48;
	v39 =	vmin.f32 v39, v48  }
0x24b: {  	v48 =	vmax.f32 v37, v49;
	v37 =	vmin.f32 v37, v49;
	v49 =	vmax.f32 v63, v47  }
0x24c: {  	v47 =	vmin.f32 v63, v47;
	v63 =	vmax.f32 v48, v51;
	v48 =	vmin.f32 v48, v51  }
0x24d: {  	v51 =	vmax.f32 v53, v49;
	v49 =	vmin.f32 v53, v49;
	v53 =	vmax.f32 v63, v47  }
0x24e: {  	v47 =	vmin.f32 v63, v47;
	v59 =	vmax.f32 v48, v39;
	v39 =	vmin.f32 v48, v39  }
0x24f: {  	v48 =	vmax.f32 v52, v54;
	v52 =	vmin.f32 v52, v54;
	v54 =	vmax.f32 v56, v57  }
0x250: {  	v56 =	vmin.f32 v56, v57;
	v57 =	vmax.f32 v61, v10;
	v10 =	vmin.f32 v61, v10  }
0x251: {  	v61 =	vmax.f32 v9, v60;
	v9 =	vmin.f32 v9, v60;
	v60 =	vmax.f32 v48, v54  }
0x252: {  	v48 =	vmin.f32 v48, v54;
	v54 =	vmax.f32 v52, v56;
	v52 =	vmin.f32 v52, v56  }
0x253: {  	v56 =	vmax.f32 v57, v61;
	v57 =	vmin.f32 v57, v61;
	v61 =	vmax.f32 v10, v9  }
0x254: {  	v9 =	vmin.f32 v10, v9;
	v10 =	vmax.f32 v54, v48;
	v48 =	vmin.f32 v54, v48  }
0x255: {  	v54 =	vmax.f32 v61, v57;
	v57 =	vmin.f32 v61, v57;
	v61 =	vmax.f32 v60, v56  }
0x256: {  	v56 =	vmin.f32 v60, v56;
	v60 =	vmax.f32 v10, v54;
	v10 =	vmin.f32 v10, v54  }
0x257: {  	v54 =	vmax.f32 v48, v57;
	v48 =	vmin.f32 v48, v57;
	v57 =	vmax.f32 v52, v9  }
0x258: {  	v9 =	vmin.f32 v52, v9;
	v37 =	vmax.f32 v37, v61;
	v63 =	vmax.f32 v54, v56  }
0x259: {  	v54 =	vmin.f32 v54, v56;
	v56 =	vmax.f32 v57, v10;
	v10 =	vmin.f32 v57, v10  }
0x25a: {  	v9 =	vmax.f32 v50, v9;
	v57 =	vmax.f32 v60, v63;
	v52 =	vmin.f32 v60, v63  }
0x25b: {  	v60 =	vmax.f32 v56, v54;
	v54 =	vmin.f32 v56, v54;
	v63 =	vmin.f32 v10, v48  }
0x25c: {  	v10 =	vmax.f32 v10, v48;
	v56 =	vadd.f32 v21, v62;
	v21 =	vand.u32 $0xFFFFFFC0, v21  }
0x25d: {  	v48 =	vmax.f32 v51, v63;
	v10 =	vmax.f32 v49, v10;
	v49 =	vmax.f32 v53, v54  }
0x25e: {  	v47 =	vmax.f32 v47, v60;
	v60 =	vmax.f32 v59, v52;
	v39 =	vmax.f32 v39, v57  }
0x25f: {  	v53 =	vmax.f32 v41, v42;
	v41 =	vmin.f32 v41, v42;
	v54 =	vmax.f32 v43, v44  }
0x260: {  	v43 =	vmin.f32 v43, v44;
	v21 =	vor.u32 $0x1F, v21;
	v50 =	vadd.f32 v22, v56  }
0x261: {  	v62 =	vmax.f32 v9, v47;
	v9 =	vmin.f32 v9, v47;
	v63 =	vmax.f32 v48, v60  }
0x262: {  	v48 =	vmin.f32 v48, v60;
	v56 =	vmax.f32 v10, v39;
	v10 =	vmin.f32 v10, v39  }
0x263: {  	v57 =	vmax.f32 v49, v37;
	v37 =	vmin.f32 v49, v37;
	v22 =	vand.u32 $0xFFFFFFC0, v22  }
0x264: {  	v59 =	vmax.f32 v62, v56;
	v51 =	vmin.f32 v62, v56;
	v60 =	vmax.f32 v63, v57  }
0x265: {  	v39 =	vmin.f32 v63, v57;
	v61 =	vmax.f32 v9, v10;
	v9 =	vmin.f32 v9, v10  }
0x266: {  	v62 =	vmax.f32 v48, v37;
	v37 =	vmin.f32 v48, v37;
	v63 =	vmax.f32 v38, v40  }
0x267: {  	v38 =	vmin.f32 v38, v40;
	v56 =	vmax.f32 v45, v46;
	v45 =	vmin.f32 v45, v46  }
0x268: {  	v22 =	vor.u32 $0x1E, v22;
	v50 =	vadd.f32 v23, v50;
	v48 =	vmax.f32 v59, v60  }
0x269: {  	v49 =	vmin.f32 v59, v60;
	v52 =	vmax.f32 v51, v39;
	v39 =	vmin.f32 v51, v39  }
0x26a: {  	v51 =	vmax.f32 v61, v62;
	v10 =	vmin.f32 v61, v62;
	v47 =	vmax.f32 v9, v37  }
0x26b: {  	v9 =	vmin.f32 v9, v37;
	v57 =	vmax.f32 v63, v53;
	v37 =	vmin.f32 v63, v53  }
0x26c: {  	v59 =	vmax.f32 v38, v41;
	v38 =	vmin.f32 v38, v41;
	v60 =	vmax.f32 v54, v56  }
0x26d: {  	v42 =	vmin.f32 v54, v56;
	v61 =	vmax.f32 v43, v45;
	v43 =	vmin.f32 v43, v45  }
0x26e: {  	v23 =	vand.u32 $0xFFFFFFC0, v23;
	v62 =	vmax.f32 v59, v37;
	v37 =	vmin.f32 v59, v37  }
0x26f: {  	v63 =	vmax.f32 v61, v42;
	v42 =	vmin.f32 v61, v42;
	v53 =	vmax.f32 v57, v60  }
0x270: {  	v41 =	vmin.f32 v57, v60;
	v57 =	vmax.f32 v38, v43;
	v38 =	vmin.f32 v38, v43  }
0x271: {  	v23 =	vor.u32 $0x1D, v23;
	v50 =	vadd.f32 v24, v50;
	v54 =	vmax.f32 v62, v63  }
0x272: {  	v40 =	vmin.f32 v62, v63;
	v56 =	vmax.f32 v37, v42;
	v37 =	vmin.f32 v37, v42  }
0x273: {  	v38 =	vmax.f32 v48, v38;
	v9 =	vmax.f32 v9, v53;
	v24 =	vand.u32 $0xFFFFFFC0, v24  }
0x274: {  	v59 =	vmax.f32 v56, v41;
	v41 =	vmin.f32 v56, v41;
	v60 =	vmax.f32 v57, v40  }
0x275: {  	v40 =	vmin.f32 v57, v40;
	v24 =	vor.u32 $0x1C, v24;
	v50 =	vadd.f32 v25, v50  }
0x276: {  	v61 =	vmax.f32 v54, v59;
	v43 =	vmin.f32 v54, v59;
	v62 =	vmax.f32 v60, v41  }
0x277: {  	v41 =	vmin.f32 v60, v41;
	v63 =	vmax.f32 v40, v37;
	v37 =	vmin.f32 v40, v37  }
0x278: {  	v25 =	vand.u32 $0xFFFFFFC0, v25;
	v37 =	vmax.f32 v49, v37;
	v45 =	vmax.f32 v52, v63  }
0x279: {  	v39 =	vmax.f32 v39, v41;
	v51 =	vmax.f32 v51, v62;
	v10 =	vmax.f32 v10, v43  }
0x27a: {  	v42 =	vmax.f32 v47, v61;
	v61 =	vmax.f32 v29, v30;
	v29 =	vmin.f32 v29, v30  }
0x27b: {  	v62 =	vmax.f32 v31, v32;
	v31 =	vmin.f32 v31, v32;
	v63 =	vmax.f32 v33, v34  }
0x27c: {  	v33 =	vmin.f32 v33, v34;
	v25 =	vor.u32 $0x1B, v25;
	v50 =	vadd.f32 v26, v50  }
0x27d: {  	v52 =	vmax.f32 v38, v51;
	v38 =	vmin.f32 v38, v51;
	v53 =	vmax.f32 v37, v10  }
0x27e: {  	v10 =	vmin.f32 v37, v10;
	v54 =	vmax.f32 v45, v42;
	v42 =	vmin.f32 v45, v42  }
0x27f: {  	v44 =	vmax.f32 v39, v9;
	v9 =	vmin.f32 v39, v9;
	v45 =	vmax.f32 v35, v36  }
0x280: {  	v35 =	vmin.f32 v35, v36;
	v46 =	vmax.f32 v61, v62;
	v30 =	vmin.f32 v61, v62  }
0x281: {  	v47 =	vmax.f32 v29, v31;
	v29 =	vmin.f32 v29, v31;
	v26 =	vand.u32 $0xFFFFFFC0, v26  }
0x282: {  	v56 =	vmax.f32 v52, v54;
	v37 =	vmin.f32 v52, v54;
	v57 =	vmax.f32 v53, v44  }
0x283: {  	v41 =	vmin.f32 v53, v44;
	v59 =	vmax.f32 v38, v42;
	v38 =	vmin.f32 v38, v42  }
0x284: {  	v60 =	vmax.f32 v10, v9;
	v9 =	vmin.f32 v10, v9;
	v48 =	vmax.f32 v63, v45  }
0x285: {  	v32 =	vmin.f32 v63, v45;
	v49 =	vmax.f32 v33, v35;
	v33 =	vmin.f32 v33, v35  }
0x286: {  	v26 =	vor.u32 $0x1A, v26;
	v40 =	vadd.f32 v27, v50;
	v10 =	vmax.f32 v56, v57  }
0x287: {  	v39 =	vmin.f32 v56, v57;
	v43 =	vmax.f32 v37, v41;
	v37 =	vmin.f32 v37, v41  }
0x288: {  	v41 =	vmax.f32 v59, v60;
	v42 =	vmin.f32 v59, v60;
	v44 =	vmax.f32 v38, v9  }
0x289: {  	v9 =	vmin.f32 v38, v9;
	v50 =	vmax.f32 v47, v30;
	v30 =	vmin.f32 v47, v30  }
0x28a: {  	v51 =	vmax.f32 v49, v32;
	v32 =	vmin.f32 v49, v32;
	v52 =	vmax.f32 v46, v48  }
0x28b: {  	v31 =	vmin.f32 v46, v48;
	v56 =	vmax.f32 v29, v33;
	v29 =	vmin.f32 v29, v33  }
0x28c: {  	v27 =	vand.u32 $0xFFFFFFC0, v27;
	v53 =	vmax.f32 v50, v51;
	v35 =	vmin.f32 v50, v51  }
0x28d: {  	v54 =	vmax.f32 v30, v32;
	v30 =	vmin.f32 v30, v32;
	v10 =	vmax.f32 v10, v29  }
0x28e: {  	v27 =	vor.u32 $0x19, v27;
	v9 =	vmax.f32 v9, v52;
	v40 =	vadd.f32 v28, v40  }
0x28f: {  	v57 =	vmax.f32 v54, v31;
	v31 =	vmin.f32 v54, v31;
	v59 =	vmax.f32 v56, v35  }
0x290: {  	v32 =	vmin.f32 v56, v35;
	v28 =	vand.u32 $0xFFFFFFC0, v28;
	v54 =	vmax.f32 v23, v24  }
0x291: {  	v23 =	vmin.f32 v23, v24;
	v56 =	vmax.f32 v25, v26;
	v25 =	vmin.f32 v25, v26  }
0x292: {  	v60 =	vmax.f32 v53, v57;
	v33 =	vmin.f32 v53, v57;
	v61 =	vmax.f32 v59, v31  }
0x293: {  	v31 =	vmin.f32 v59, v31;
	v62 =	vmin.f32 v32, v30;
	v30 =	vmax.f32 v32, v30  }
0x294: {  	v28 =	vor.u32 $0x18, v28;
	v53 =	vmax.f32 v21, v22;
	v21 =	vmin.f32 v21, v22  }
0x295: {  	v40 =	vadd.f32 v13, v40;
	v63 =	vmax.f32 v39, v62;
	v30 =	vmax.f32 v43, v30  }
0x296: {  	v31 =	vmax.f32 v37, v31;
	v36 =	vmax.f32 v41, v61;
	v33 =	vmax.f32 v42, v33  }
0x297: {  	v35 =	vmax.f32 v44, v60;
	v57 =	vmax.f32 v27, v28;
	v27 =	vmin.f32 v27, v28  }
0x298: {  	v59 =	vmax.f32 v53, v54;
	v60 =	vmax.f32 v21, v23;
	v21 =	vmin.f32 v21, v23  }
0x299: {  	v13 =	vand.u32 $0xFFFFFFC0, v13;
	v41 =	vmax.f32 v10, v36;
	v10 =	vmin.f32 v10, v36  }
0x29a: {  	v42 =	vmax.f32 v63, v33;
	v29 =	vmin.f32 v63, v33;
	v43 =	vmax.f32 v30, v35  }
0x29b: {  	v30 =	vmin.f32 v30, v35;
	v44 =	vmax.f32 v31, v9;
	v9 =	vmin.f32 v31, v9  }
0x29c: {  	v61 =	vmax.f32 v56, v57;
	v24 =	vmin.f32 v56, v57;
	v62 =	vmax.f32 v25, v27  }
0x29d: {  	v25 =	vmin.f32 v25, v27;
	v13 =	vor.u32 $0x17, v13;
	v40 =	vadd.f32 v14, v40  }
0x29e: {  	v45 =	vmax.f32 v41, v43;
	v33 =	vmin.f32 v41, v43;
	v46 =	vmax.f32 v42, v44  }
0x29f: {  	v35 =	vmin.f32 v42, v44;
	v47 =	vmax.f32 v10, v30;
	v10 =	vmin.f32 v10, v30  }
0x2a0: {  	v48 =	vmax.f32 v29, v9;
	v9 =	vmin.f32 v29, v9;
	v37 =	vmax.f32 v62, v24  }
0x2a1: {  	v24 =	vmin.f32 v62, v24;
	v38 =	vmax.f32 v59, v61;
	v23 =	vmin.f32 v59, v61  }
0x2a2: {  	v41 =	vmax.f32 v21, v25;
	v21 =	vmin.f32 v21, v25;
	v14 =	vand.u32 $0xFFFFFFC0, v14  }
0x2a3: {  	v49 =	vmax.f32 v45, v46;
	v31 =	vmin.f32 v45, v46;
	v50 =	vmax.f32 v33, v35  }
0x2a4: {  	v33 =	vmin.f32 v33, v35;
	v51 =	vmax.f32 v47, v48;
	v30 =	vmin.f32 v47, v48  }
0x2a5: {  	v52 =	vmax.f32 v10, v9;
	v9 =	vmin.f32 v10, v9;
	v10 =	vmin.f32 v53, v54  }
0x2a6: {  	v14 =	vor.u32 $0x16, v14;
	v40 =	vadd.f32 v15, v40;
	v63 =	vmax.f32 v60, v10  }
0x2a7: {  	v10 =	vmin.f32 v60, v10;
	v21 =	vmax.f32 v49, v21;
	v15 =	vand.u32 $0xFFFFFFC0, v15  }
0x2a8: {  	v9 =	vmax.f32 v9, v38;
	v39 =	vmax.f32 v63, v37;
	v22 =	vmin.f32 v63, v37  }
0x2a9: {  	v15 =	vor.u32 $0x15, v15;
	v63 =	vmax.f32 v13, v14;
	v40 =	vadd.f32 v16, v40  }
0x2aa: {  	v13 =	vmin.f32 v13, v14;
	v43 =	vmax.f32 v41, v22;
	v16 =	vand.u32 $0xFFFFFFC0, v16  }
0x2ab: {  	v22 =	vmin.f32 v41, v22;
	v16 =	vor.u32 $0x14, v16;
	v32 =	vadd.f32 v17, v40  }
0x2ac: {  	v40 =	vmax.f32 v10, v24;
	v10 =	vmin.f32 v10, v24;
	v17 =	vand.u32 $0xFFFFFFC0, v17  }
0x2ad: {  	v42 =	vmax.f32 v40, v23;
	v23 =	vmin.f32 v40, v23;
	v46 =	vmax.f32 v22, v10  }
0x2ae: {  	v10 =	vmin.f32 v22, v10;
	v17 =	vor.u32 $0x13, v17;
	v32 =	vadd.f32 v18, v32  }
0x2af: {  	v44 =	vmax.f32 v39, v42;
	v25 =	vmin.f32 v39, v42;
	v45 =	vmax.f32 v43, v23  }
0x2b0: {  	v23 =	vmin.f32 v43, v23;
	v10 =	vmax.f32 v31, v10;
	v47 =	vmax.f32 v50, v46  }
0x2b1: {  	v18 =	vand.u32 $0xFFFFFFC0, v18;
	v23 =	vmax.f32 v33, v23;
	v28 =	vmax.f32 v51, v45  }
0x2b2: {  	v25 =	vmax.f32 v30, v25;
	v24 =	vmax.f32 v52, v44;
	v18 =	vor.u32 $0x12, v18  }
0x2b3: {  	v30 =	vmax.f32 v15, v16;
	v15 =	vmin.f32 v15, v16;
	v32 =	vadd.f32 v19, v32  }
0x2b4: {  	v19 =	vand.u32 $0xFFFFFFC0, v19;
	v49 =	vmax.f32 v21, v28;
	v21 =	vmin.f32 v21, v28  }
0x2b5: {  	v50 =	vmax.f32 v10, v25;
	v10 =	vmin.f32 v10, v25;
	v51 =	vmax.f32 v47, v24  }
0x2b6: {  	v22 =	vmin.f32 v47, v24;
	v52 =	vmax.f32 v23, v9;
	v9 =	vmin.f32 v23, v9  }
0x2b7: {  	v31 =	vmax.f32 v17, v18;
	v17 =	vmin.f32 v17, v18;
	v33 =	vmax.f32 v63, v30  }
0x2b8: {  	v14 =	vmin.f32 v63, v30;
	v34 =	vmax.f32 v13, v15;
	v13 =	vmin.f32 v13, v15  }
0x2b9: {  	v28 =	vandn.u32 $0x3F, v2;
	v2 =	vand.u32 $0xFFFFFFC0, v2;
	v19 =	vor.u32 $0x11, v19  }
0x2ba: {  	v53 =	vmax.f32 v49, v51;
	v25 =	vmin.f32 v49, v51;
	v54 =	vmax.f32 v50, v52  }
0x2bb: {  	v24 =	vmin.f32 v50, v52;
	v56 =	vmax.f32 v21, v22;
	v21 =	vmin.f32 v21, v22  }
0x2bc: {  	v57 =	vmax.f32 v10, v9;
	v9 =	vmin.f32 v10, v9;
	v37 =	vmax.f32 v34, v14  }
0x2bd: {  	v14 =	vmin.f32 v34, v14;
	v51 =	vand.u32 $0xFFFFFFC0, v55;
	v2 =	vmul.f32 v2, v0  }
0x2be: {  	v32 =	vadd.f32 v20, v32;
	v20 =	vand.u32 $0xFFFFFFC0, v20;
	v59 =	vmax.f32 v53, v54  }
0x2bf: {  	v23 =	vmin.f32 v53, v54;
	v60 =	vmax.f32 v25, v24;
	v24 =	vmin.f32 v25, v24  }
0x2c0: {  	v61 =	vmax.f32 v56, v57;
	v22 =	vmin.f32 v56, v57;
	v62 =	vmax.f32 v21, v9  }
0x2c1: {  	v9 =	vmin.f32 v21, v9;
	v26 =	vor.u32 $0xE, v51;
	v20 =	vor.u32 $0x10, v20  }
0x2c2: {  	v53 =	vand.u32 $0xFFFFFFC0, v58;
	v48 =	vadd.f32 v11, v32;
	v32 =	vmax.f32 v19, v20  }
0x2c3: {  	v19 =	vmin.f32 v19, v20;
	v11 =	vand.u32 $0xFFFFFFC0, v11;
	v35 =	vmax.f32 v31, v32  }
0x2c4: {  	v16 =	vmin.f32 v31, v32;
	v36 =	vmax.f32 v17, v19;
	v17 =	vmin.f32 v17, v19  }
0x2c5: {  	v11 =	vor.u32 $0xF, v11;
	v27 =	vadd.f32 v55, v48;
	v38 =	vmax.f32 v36, v16  }
0x2c6: {  	v16 =	vmin.f32 v36, v16;
	v39 =	vmax.f32 v33, v35;
	v15 =	vmin.f32 v33, v35  }
0x2c7: {  	v42 =	vmax.f32 v13, v17;
	v13 =	vmin.f32 v13, v17;
	v34 =	vmax.f32 v11, v26  }
0x2c8: {  	v11 =	vmin.f32 v11, v26;
	v40 =	vmax.f32 v37, v38;
	v19 =	vmin.f32 v37, v38  }
0x2c9: {  	v41 =	vmax.f32 v14, v16;
	v14 =	vmin.f32 v14, v16;
	v10 =	vmax.f32 v59, v13  }
0x2ca: {  	v9 =	vmax.f32 v9, v39;
	v27 =	vadd.f32 v58, v27;
	v43 =	vmax.f32 v41, v15  }
0x2cb: {  	v15 =	vmin.f32 v41, v15;
	v44 =	vmax.f32 v42, v19;
	v16 =	vmin.f32 v42, v19  }
0x2cc: {  	v29 =	vpop (erf);
	v45 =	vmax.f32 v40, v43;
	v17 =	vmin.f32 v40, v43;
	v46 =	vmax.f32 v44, v15  }
0x2cd: {  	v48 =	vpop (erf);
	v15 =	vmin.f32 v44, v15;
	v47 =	vmax.f32 v16, v14;
	v14 =	vmin.f32 v16, v14  }
0x2ce: {  	v16 =	vand.u32 $0xFFFFFFC0, v48;
	v27 =	vadd.f32 v12, v27;
	v14 =	vmax.f32 v23, v14  }
0x2cf: {  	v21 =	vmax.f32 v60, v47;
	v15 =	vmax.f32 v24, v15;
	v12 =	vand.u32 $0xFFFFFFC0, v12  }
0x2d0: {  	v50 =	vpop (erf);
	v20 =	vmax.f32 v61, v46;
	v17 =	vmax.f32 v22, v17;
	v16 =	vor.u32 $0xA, v16  }
0x2d1: {  	v52 =	vpop (erf);
	v23 =	vand.u32 $0xFFFFFFC0, v50;
	v19 =	vmax.f32 v62, v45;
	v12 =	vor.u32 $0xC, v12  }
0x2d2: {  	v24 =	vand.u32 $0xFFFFFFC0, v52;
	v23 =	vor.u32 $0x9, v23;
	v54 =	vmax.f32 v10, v20  }
0x2d3: {  	v10 =	vmin.f32 v10, v20;
	v55 =	vmax.f32 v14, v17;
	v14 =	vmin.f32 v14, v17  }
0x2d4: {  	v56 =	vmax.f32 v21, v19;
	v19 =	vmin.f32 v21, v19;
	v57 =	vmax.f32 v15, v9  }
0x2d5: {  	v9 =	vmin.f32 v15, v9;
	v27 =	vadd.f32 v29, v27;
	v29 =	vand.u32 $0xFFFFFFC0, v29  }
0x2d6: {  	v24 =	vor.u32 $0x8, v24;
	v58 =	vmax.f32 v54, v56;
	v17 =	vmin.f32 v54, v56  }
0x2d7: {  	v59 =	vmax.f32 v55, v57;
	v20 =	vmin.f32 v55, v57;
	v60 =	vmax.f32 v10, v19  }
0x2d8: {  	v25 =	vpop (erf);
	v10 =	vmin.f32 v10, v19;
	v61 =	vmax.f32 v14, v9;
	v9 =	vmin.f32 v14, v9  }
0x2d9: {  	v56 =	vand.u32 $0xFFFFFFC0, v8;
	v57 =	vand.u32 $0xFFFFFFC0, v25;
	v8 =	vandn.u32 $0x3F, v8  }
0x2da: {  	v29 =	vor.u32 $0xB, v29;
	v62 =	vmax.f32 v58, v59;
	v15 =	vmin.f32 v58, v59  }
0x2db: {  	v63 =	vmax.f32 v17, v20;
	v17 =	vmin.f32 v17, v20;
	v32 =	vmax.f32 v60, v61  }
0x2dc: {  	v19 =	vmin.f32 v60, v61;
	v33 =	vmax.f32 v10, v9;
	v9 =	vmin.f32 v10, v9  }
0x2dd: {  	v22 =	vpop (erf);
	v37 =	vmax.f32 v23, v24;
	v23 =	vmin.f32 v23, v24;
	v18 =	vmul.f32 v56, v0  }
0x2de: {  	v51 =	vpop (erf);
	v49 =	vadd.f32 v48, v27;
	v27 =	vor.u32 $0xD, v53;
	v36 =	vmax.f32 v29, v16  }
0x2df: {  	v16 =	vmin.f32 v29, v16;
	v24 =	vand.u32 $0xFFFFFFC0, v51;
	v35 =	vmax.f32 v27, v12  }
0x2e0: {  	v54 =	vpop (erf);
	v12 =	vmin.f32 v27, v12;
	v40 =	vmax.f32 v36, v37;
	v27 =	vmin.f32 v36, v37  }
0x2e1: {  	v41 =	vmax.f32 v16, v23;
	v16 =	vmin.f32 v16, v23;
	v14 =	vand.u32 $0xFFFFFFC0, v54  }
0x2e2: {  	v24 =	vor.u32 $0x5, v24;
	v13 =	vadd.f32 v50, v49;
	v38 =	vmax.f32 v34, v35  }
0x2e3: {  	v10 =	vmin.f32 v34, v35;
	v39 =	vmax.f32 v11, v12;
	v11 =	vmin.f32 v11, v12  }
0x2e4: {  	v43 =	vmax.f32 v41, v27;
	v27 =	vmin.f32 v41, v27;
	v14 =	vor.u32 $0x4, v14  }
0x2e5: {  	v42 =	vmax.f32 v39, v10;
	v10 =	vmin.f32 v39, v10;
	v44 =	vmax.f32 v38, v40  }
0x2e6: {  	v12 =	vmin.f32 v38, v40;
	v47 =	vmax.f32 v11, v16;
	v11 =	vmin.f32 v11, v16  }
0x2e7: {  	v58 =	vpop (erf);
	v40 =	vmax.f32 v24, v14;
	v14 =	vmin.f32 v24, v14;
	v13 =	vadd.f32 v52, v13  }
0x2e8: {  	v59 =	vpop (erf);
	v45 =	vmax.f32 v42, v43;
	v23 =	vmin.f32 v42, v43;
	v46 =	vmax.f32 v10, v27  }
0x2e9: {  	v60 =	vpop (erf);
	v10 =	vmin.f32 v10, v27;
	v11 =	vmax.f32 v62, v11;
	v9 =	vmax.f32 v9, v44  }
0x2ea: {  	v61 =	vpop (erf);
	v48 =	vmax.f32 v46, v12;
	v12 =	vmin.f32 v46, v12;
	v49 =	vmax.f32 v47, v23  }
0x2eb: {  	v23 =	vmin.f32 v47, v23;
	v26 =	vand.u32 $0xFFFFFFC0, v61;
	v13 =	vadd.f32 v25, v13  }
0x2ec: {  	v50 =	vmax.f32 v45, v48;
	v16 =	vmin.f32 v45, v48;
	v52 =	vmax.f32 v49, v12  }
0x2ed: {  	v12 =	vmin.f32 v49, v12;
	v53 =	vmax.f32 v23, v10;
	v10 =	vmin.f32 v23, v10  }
0x2ee: {  	v23 =	vor.u32 $0x7, v57;
	v25 =	vand.u32 $0xFFFFFFC0, v59;
	v10 =	vmax.f32 v15, v10  }
0x2ef: {  	v55 =	vmax.f32 v63, v53;
	v12 =	vmax.f32 v17, v12;
	v20 =	vmax.f32 v32, v52  }
0x2f0: {  	v17 =	vand.u32 $0xFFFFFFC0, v58;
	v16 =	vmax.f32 v19, v16;
	v19 =	vand.u32 $0xFFFFFFC0, v60  }
0x2f1: {  	v25 =	vor.u32 $0x2, v25;
	v21 =	vmax.f32 v33, v50;
	v13 =	vadd.f32 v22, v13  }
0x2f2: {  	v22 =	vand.u32 $0xFFFFFFC0, v22;
	v17 =	vor.u32 $0x3, v17;
	v19 =	vor.u32 $0x1, v19  }
0x2f3: {  	v62 =	vmax.f32 v11, v20;
	v11 =	vmin.f32 v11, v20;
	v63 =	vmax.f32 v10, v16  }
0x2f4: {  	v10 =	vmin.f32 v10, v16;
	v29 =	vmax.f32 v55, v21;
	v15 =	vmin.f32 v55, v21  }
0x2f5: {  	v30 =	vmax.f32 v12, v9;
	v9 =	vmin.f32 v12, v9;
	v55 =	vand.u32 $0xFFFFFFC0, v7  }
0x2f6: {  	v7 =	vandn.u32 $0x3F, v7;
	v22 =	vor.u32 $0x6, v22;
	v31 =	vmax.f32 v62, v29  }
0x2f7: {  	v16 =	vmin.f32 v62, v29;
	v32 =	vmax.f32 v63, v30;
	v20 =	vmin.f32 v63, v30  }
0x2f8: {  	v33 =	vmax.f32 v11, v15;
	v11 =	vmin.f32 v11, v15;
	v34 =	vmax.f32 v10, v9  }
0x2f9: {  	v9 =	vmin.f32 v10, v9;
	v41 =	vmax.f32 v17, v25;
	v17 =	vmin.f32 v17, v25  }
0x2fa: {  	v42 =	vmax.f32 v19, v26;
	v19 =	vmin.f32 v19, v26;
	v13 =	vadd.f32 v51, v13  }
0x2fb: {  	v35 =	vmax.f32 v31, v32;
	v12 =	vmin.f32 v31, v32;
	v36 =	vmax.f32 v16, v20  }
0x2fc: {  	v16 =	vmin.f32 v16, v20;
	v37 =	vmax.f32 v33, v34;
	v15 =	vmin.f32 v33, v34  }
0x2fd: {  	v38 =	vmax.f32 v11, v9;
	v9 =	vmin.f32 v11, v9;
	v39 =	vmax.f32 v23, v22  }
0x2fe: {  	v22 =	vmin.f32 v23, v22;
	v45 =	vmax.f32 v41, v42;
	v24 =	vmin.f32 v41, v42  }
0x2ff: {  	v46 =	vmax.f32 v17, v19;
	v17 =	vmin.f32 v17, v19;
	v23 =	vand.u32 $0xFFFFFFC0, v4  }
0x300: {  	v4 =	vandn.u32 $0x3F, v4;
	v43 =	vmax.f32 v39, v40;
	v11 =	vmin.f32 v39, v40  }
0x301: {  	v44 =	vmax.f32 v22, v14;
	v14 =	vmin.f32 v22, v14;
	v48 =	vmax.f32 v46, v24  }
0x302: {  	v24 =	vmin.f32 v46, v24;
	v13 =	vadd.f32 v54, v13;
	v47 =	vmax.f32 v44, v11  }
0x303: {  	v11 =	vmin.f32 v44, v11;
	v49 =	vmax.f32 v43, v45;
	v22 =	vmin.f32 v43, v45  }
0x304: {  	v52 =	vmax.f32 v14, v17;
	v14 =	vmin.f32 v14, v17;
	v50 =	vmax.f32 v47, v48  }
0x305: {  	v19 =	vmin.f32 v47, v48;
	v51 =	vmax.f32 v11, v24;
	v11 =	vmin.f32 v11, v24  }
0x306: {  	v10 =	vmax.f32 v35, v14;
	v24 =	vmul.f32 v23, v0;
	v32 =	vmax.f32 v9, v49  }
0x307: {  	v13 =	vadd.f32 v58, v13;
	v53 =	vmax.f32 v51, v22;
	v22 =	vmin.f32 v51, v22  }
0x308: {  	[tilespmem:s16+$0x10300] =	vst v28;
	v54 =	vmax.f32 v52, v19;
	v19 =	vmin.f32 v52, v19;
	v56 =	vmax.f32 v50, v53  }
0x309: {  	[tilespmem:s16+$0x12300] =	vst v2;
	v17 =	vmin.f32 v50, v53;
	v57 =	vmax.f32 v54, v22;
	v58 =	vmin.f32 v54, v22  }
0x30a: {  	[tilespmem:s16+$0x10000] =	vst v8;
	v22 =	vandn.u32 $0x3F, v3;
	v3 =	vand.u32 $0xFFFFFFC0, v3;
	v13 =	vadd.f32 v59, v13  }
0x30b: {  	[tilespmem:s16+$0x12000] =	vst v18;
	v59 =	vmul.f32 v55, v0;
	v3 =	vmul.f32 v3, v0;
	v27 =	vmax.f32 v16, v58  }
0x30c: {  	[tilespmem:s16+$0x10080] =	vst v7;
	v29 =	vmax.f32 v37, v57;
	v30 =	vmax.f32 v15, v17;
	v31 =	vmax.f32 v38, v56  }
0x30d: {  	[tilespmem:s16+$0x10280] =	vst v4;
	v37 =	vand.u32 $0xFFFFFFC0, v1;
	v1 =	vandn.u32 $0x3F, v1;
	v33 =	vmax.f32 v10, v29  }
0x30e: {  	[tilespmem:s16+$0x12280] =	vst v24;
	v41 =	vmin.f32 v10, v29;
	v13 =	vadd.f32 v60, v13;
	v60 =	vmax.f32 v19, v11  }
0x30f: {  	[tilespmem:s16+$0x10200] =	vst v22;
	v11 =	vmin.f32 v19, v11;
	v19 =	vandn.u32 $0x3F, v5;
	v5 =	vand.u32 $0xFFFFFFC0, v5  }
0x310: {  	[tilespmem:s16+$0x10380] =	vst v1;
	v48 =	vmin.f32 v27, v32;
	v63 =	vmax.f32 v12, v11;
	v5 =	vmul.f32 v5, v0  }
0x311: {  	[tilespmem:s16+$0x12080] =	vst v59;
	v7 =	vmax.f32 v36, v60;
	v36 =	vmax.f32 v27, v32;
	v13 =	vadd.f32 v61, v13  }
0x312: {  	[tilespmem:s16+$0x12200] =	vst v3;
	v61 =	vand.u32 $0xFFFFFFC0, v6;
	v6 =	vandn.u32 $0x3F, v6;
	v34 =	vmax.f32 v63, v30  }
0x313: {  	[tilespmem:s16+$0x10180] =	vst v19;
	v35 =	vmax.f32 v7, v31;
	v42 =	vmin.f32 v63, v30;
	(erf) = vrcp.f32 v13  }
0x314: {  	v4 =	vmin.f32 v7, v31;
	v62 =	vmul.f32 v61, v0;
	[tilespmem:s16+$0x10100] =	vst v6;
	v38 =	vmax.f32 v33, v35  }
0x315: {  	[tilespmem:s16+$0x12180] =	vst v5;
	v39 =	vmax.f32 v34, v36;
	v0 =	vmul.f32 v37, v0;
	v9 =	vmin.f32 v33, v35  }
0x316: {  	v5 =	vmin.f32 v34, v36;
	v51 =	vmax.f32 v41, v4;
	v40 =	vmax.f32 v38, v39;
	[tilespmem:s16+$0x12100] =	vst v62  }
0x317: {  	v52 =	vmax.f32 v42, v48;
	v45 =	vmin.f32 v38, v39;
	[tilespmem:s16+$0x12380] =	vst v0;
	v2 =	vandn.u32 $0x3F, v40  }
0x318: {  	v1 =	vmin.f32 v41, v4;
	v47 =	vmax.f32 v9, v5;
	v0 =	vandn.u32 $0x3F, v45;
	[tilespmem:s17+$0x10000] =	vst v2  }
0x319: {  	v3 =	vmin.f32 v42, v48;
	v5 =	vmin.f32 v9, v5;
	v50 =	vandn.u32 $0x3F, v47;
	[tilespmem:s17+$0x10080] =	vst v0  }
0x31a: {  	v8 =	vmin.f32 v51, v52;
	v53 =	vand.u32 $0xFFFFFFC0, v5;
	v5 =	vandn.u32 $0x3F, v5;
	[tilespmem:s17+$0x10100] =	vst v50  }
0x31b: {  	v58 =	vmax.f32 v1, v3;
	v1 =	vmin.f32 v1, v3;
	v59 =	vandn.u32 $0x3F, v8;
	[tilespmem:s17+$0x10180] =	vst v5  }
0x31c: {  	v44 =	vand.u32 $0xFFFFFFC0, v40;
	v46 =	vand.u32 $0xFFFFFFC0, v45;
	v61 =	vandn.u32 $0x3F, v58;
	[tilespmem:s17+$0x10280] =	vst v59;
	v43 =	vpop (erf)  }
0x31d: {  	v63 =	vand.u32 $0xFFFFFFC0, v1;
	v1 =	vandn.u32 $0x3F, v1;
	[tilespmem:s17+$0x10300] =	vst v61;
	v10 =	vmul.f32 v44, v43  }
0x31e: {  	v54 =	vmax.f32 v51, v52;
	v49 =	vand.u32 $0xFFFFFFC0, v47;
	[tilespmem:s17+$0x10380] =	vst v1;
	v2 =	vmul.f32 v46, v43  }
0x31f: {  	v55 =	vand.u32 $0xFFFFFFC0, v54;
	v0 =	vmul.f32 v49, v43;
	[tilespmem:s17+$0x12000] =	vst v10  }
0x320: {  	v56 =	vmul.f32 v55, v43;
	[tilespmem:s17+$0x12080] =	vst v2  }
0x321: {  	s13 =	sadd.s32 $0x2, s13;
	v60 =	vand.u32 $0xFFFFFFC0, v58;
	[tilespmem:s17+$0x12100] =	vst v0  }
0x322: {  	p0 =	slt.u32 s13, $0x3E;
	v57 =	vand.u32 $0xFFFFFFC0, v8;
	v62 =	vmul.f32 v60, v43;
	v0 =	vandn.u32 $0x3F, v54;
	[tilespmem:s17+$0x12200] =	vst v56  }
.Ltmp0:
0x323: {  	[tilespmem:s17+$0x10200] =	vst v0;
	v0 =	vmul.f32 v57, v43;
	(pc) =	sbr.rel @p0 .LBB2_2-.Ltmp0, $4  }
0x324: {  	v2 =	vmul.f32 v53, v43;
	[tilespmem:s17+$0x12300] =	vst v62  }
0x325: {  	[tilespmem:s17+$0x12280] =	vst v0;
	v0 =	vmul.f32 v63, v43  }
0x326: {  	[tilespmem:s17+$0x12180] =	vst v2  }
0x327: {  	s15 =	sadd.s32 $0x2, s15;
	s14 =	sadd.s32 $0x20, s14;
	[tilespmem:s17+$0x12380] =	vst v0  }
0x328: {  	s13 =	simm.s32 $0x10000  }
0x329: {  	[hbm4b:s22+s2] =	stream.linear.scatter [tilespmem:s13], [sflag:$0x3], $0x2000, $0x38;
	[tilespmem:$0x14000] =	vst v63  }
0x32a: {  	s18 =	simm.s32 $0x12000;
	s12 =	sadd.s32 $0x1, s12  }
0x32b: {  	[hbm4b:s23+s2] =	stream.linear.scatter [tilespmem:s18], [sflag:$0x3], $0x2000, $0x38;
	[tilespmem:$0x14000] =	vst v63  }
0x32c: {  	p0 =	sne.s32 s12, s25;
	_ =	swait.ge [sflag:s11], $0x2000  }
.Ltmp1:
0x32d: {  	[sflag:s11] =	ssyncset.done $0x0;
	(pc) =	sbr.rel @p0 .LBB2_1-.Ltmp1, $4  }
0x32e: {  	[sflag:s11] =	ssyncadd.s32 $0xFFFFE000  }
0x32f: {  	_ =	swait.ge [sflag:s11], $0x2000  }
0x330: {  	[sflag:s11] =	ssyncset.done $0x0  }
0x331: {  	[sflag:s11] =	ssyncadd.s32 $0xFFFFE000  }
0x332: {  	_ =	sfence.sel $0x180000  }
0x333: {  	[bflag:$0x0] =	sbarrier.arrive $0xFFFF  }
0x334: {  	_ =	strace $0x90000047  }
0x335: {  	s0 =	stileid.u32;
	[bflag:$0x2] =	sbarrier.arrive $0xFFFF  }
0x336: {  	p0 =	sne.s32 s0, $0x0;
	s0 =	rddreg [dreg:$0x3]  }
0x337: {  	s0 =	sadd.s32 @!p0 $0x100000, s0  }
0x338: {  	[sflag:s0] =	ssyncadd.tile.s32 @!p0 $0x1;
	_ =	shalt  }
.Lfunc_end2:
_tile_overlayer_lowered:
.L_overlay_start_2:
0x339: {  	(tag) =	ssettag $0x2  }
0x33a: {  	s0 =	rddreg [dreg:$0x0];
	s2 =	stileid.u32  }
0x33b: {  	s1 =	rddreg [dreg:$0x1];
	p0 =	sne.s32 s2, $0x0  }
0x33c: {  	s3 =	rddreg [dreg:$0x2];
	[bflag:$0x3] =	sbarrier.arrive $0xFFFF;
	s2 =	simm.s32 @!p0 $0x1C04  }
0x33d: {  	[timem:s3], [sflag:s2] =	dma.local @!p0 [hbm:s0], s1  }
0x33e: {  	s0 =	simm.s32 @!p0 $0x4  }
0x33f: {  	_ =	swait.ge @!p0 [sflag:s0], s1  }
0x340: {  	s1 =	ssub.s32 @!p0 $0x0, s1;
	[sflag:s0] =	ssyncset.done @!p0 $0x0  }
0x341: {  	[sflag:s0] =	ssyncadd.s32 @!p0 s1  }
0x342: {  	[bflag:$0x3] =	sbarrier.arrive $0xFFFF  }
0x343: {  	_ =	shalt  }

</sc_bundles>
